<compile_context>
chip_gen: v7x
topology: tpu7x:2x2x1
jax: 0.10.2.dev20260603
libtpu: 0.0.44.dev20260713+nightly
codegen_flags: <defaults>
</compile_context>

<pallas_src>
import functools

import jax
import jax.numpy as jnp
from jax import lax
from jax.experimental import pallas as pl
from jax.experimental.pallas import tpu as pltpu
from jax.experimental.pallas import tpu_sc as plsc

N = 10000
NP = 10240
D = 128
NC = 2
NS = 16
L = 16
NW = NC * NS
CHUNK = 128
CPW = 80
RPT = NP // NS
EPW = CPW * CHUNK
E_PAD = NW * EPW


def _make_spmm():
    mesh = plsc.VectorSubcoreMesh(core_axis_name="c", subcore_axis_name="s")

    @functools.partial(
        pl.kernel,
        out_type=jax.ShapeDtypeStruct((NC, NP, D), jnp.float32),
        mesh=mesh,
        scratch_types=[
            pltpu.VMEM((CHUNK,), jnp.int32),
            pltpu.VMEM((CHUNK,), jnp.int32),
            pltpu.VMEM((CHUNK,), jnp.int32),
            pltpu.VMEM((CHUNK,), jnp.int32),
            pltpu.VMEM((CHUNK,), jnp.float32),
            pltpu.VMEM((CHUNK,), jnp.float32),
            pltpu.VMEM((1, CHUNK), jnp.int32),
            pltpu.VMEM((CHUNK, D), jnp.float32),
            pltpu.VMEM((CHUNK, D), jnp.float32),
            pltpu.VMEM_SHARED((NP, D), jnp.float32),
            pltpu.SemaphoreType.DMA,
            pltpu.SemaphoreType.DMA,
            pltpu.SemaphoreType.DMA,
            pltpu.SemaphoreType.DMA,
        ],
    )
    def spmm(x_hbm, col_hbm, row_hbm, val_hbm, out_hbm,
             cb0, cb1, rb0, rb1, vb0, vb1, ridx, buf0, buf1, acc,
             gsem0, gsem1, msem0, msem1):
        c = lax.axis_index("c")
        s = lax.axis_index("s")
        wid = s * NC + c
        e0 = wid * EPW

        zero16 = jnp.zeros((L,), jnp.float32)

        def zero_row(i, _):
            for j in range(D // L):
                buf0[i, pl.ds(j * L, L)] = zero16
            return 0

        lax.fori_loop(0, CHUNK, zero_row, 0)
        r0 = s * RPT
        for k in range(RPT // CHUNK):
            pltpu.sync_copy(buf0, acc.at[pl.ds(r0 + k * CHUNK, CHUNK), :])
        plsc.subcore_barrier()

        splat_idx = [jnp.full((L,), i, jnp.int32) for i in range(L)]
        cbs = (cb0, cb1)
        rbs = (rb0, rb1)
        vbs = (vb0, vb1)
        bufs = (buf0, buf1)
        gsems = (gsem0, gsem1)
        msems = (msem0, msem1)

        def scale(buf, vb):
            def scale_grp(g, _):
                vals16 = vb[pl.ds(g * L, L)]
                for e16 in range(L):
                    sv = vals16.at[splat_idx[e16]].get(
                        mode="promise_in_bounds")
                    e = g * L + e16
                    for j in range(D // L):
                        sl = pl.ds(j * L, L)
                        buf[e, sl] = buf[e, sl] * sv
                return 0

            lax.fori_loop(0, CHUNK // L, scale_grp, 0)

        for b in range(2):
            esl = pl.ds(e0 + b * CHUNK, CHUNK)
            pltpu.sync_copy(col_hbm.at[esl], cbs[b])
            pltpu.sync_copy(row_hbm.at[esl], rbs[b])
            pltpu.sync_copy(val_hbm.at[esl], vbs[b])
            pltpu.async_copy(x_hbm.at[cbs[b]], bufs[b], gsems[b])

        last = CPW - 1

        def pair_body(i2, _):
            j = 2 * i2
            for b in range(2):
                cj = j + b
                nsl = pl.ds(e0 + jnp.minimum(cj + 2, last) * CHUNK, CHUNK)
                for k in range(CHUNK // L):
                    ridx[0, pl.ds(k * L, L)] = rbs[b][pl.ds(k * L, L)]
                pltpu.async_copy(row_hbm.at[nsl], rbs[b], msems[b])
                pltpu.make_async_copy(x_hbm.at[cbs[b]],
                                      bufs[b], gsems[b]).wait()
                pltpu.async_copy(col_hbm.at[nsl], cbs[b], msems[b])
                scale(bufs[b], vbs[b])
                pltpu.async_copy(val_hbm.at[nsl], vbs[b], msems[b])
                pltpu.sync_copy(bufs[b], acc.at[ridx.at[0]], add=True)
                pltpu.make_async_copy(row_hbm.at[nsl], rbs[b],
                                      msems[b]).wait()
                pltpu.make_async_copy(col_hbm.at[nsl], cbs[b],
                                      msems[b]).wait()
                pltpu.make_async_copy(val_hbm.at[nsl], vbs[b],
                                      msems[b]).wait()
                pltpu.async_copy(x_hbm.at[cbs[b]], bufs[b], gsems[b])
            return 0

        lax.fori_loop(0, CPW // 2, pair_body, 0)
        for b in range(2):
            pltpu.make_async_copy(x_hbm.at[cbs[b]], bufs[b],
                                  gsems[b]).wait()

        plsc.subcore_barrier()
        pltpu.sync_copy(acc.at[pl.ds(r0, RPT), :],
                        out_hbm.at[c, pl.ds(r0, RPT), :])

    return spmm


_SPMM = None


def _spmm_fn():
    global _SPMM
    if _SPMM is None:
        _SPMM = _make_spmm()
    return _SPMM


def _tc_combine(partials, W, bias2d):
    grid = 10
    rows = N // grid

    def body(p_ref, w_ref, b_ref, o_ref):
        ps = p_ref[0] + p_ref[1]
        o_ref[...] = jnp.dot(ps, w_ref[...],
                             preferred_element_type=jnp.float32) + b_ref[...]

    return pl.pallas_call(
        body,
        grid=(grid,),
        in_specs=[
            pl.BlockSpec((NC, rows, D), lambda i: (0, i, 0)),
            pl.BlockSpec((D, D), lambda i: (0, 0)),
            pl.BlockSpec((1, D), lambda i: (0, 0)),
        ],
        out_specs=pl.BlockSpec((rows, D), lambda i: (i, 0)),
        out_shape=jax.ShapeDtypeStruct((N, D), jnp.float32),
    )(partials, W, bias2d)


def kernel(x, edge_index, adj_values, W, bias):
    e = edge_index.shape[1]
    row = edge_index[0].astype(jnp.int32)
    col = edge_index[1].astype(jnp.int32)
    vals = adj_values.astype(jnp.float32)
    pad = E_PAD - e
    if pad > 0:
        row = jnp.concatenate([row, jnp.zeros((pad,), jnp.int32)])
        col = jnp.concatenate([col, jnp.zeros((pad,), jnp.int32)])
        vals = jnp.concatenate([vals, jnp.zeros((pad,), jnp.float32)])
    partials = _spmm_fn()(x, col, row, vals)
    return _tc_combine(partials, W, bias.reshape(1, D))

# --- scband reference (transcript-rebuilt; emitter-appended) ---
"""Pipeline reference for scband-graph-convolutional-layer-21672404976273 (READ-ONLY COPY).

The authoritative reference and input builder live on the scoring server;
editing this copy changes nothing except your own understanding.
"""

import jax, jax.numpy as jnp
import numpy as np

N = 10000
E = 320000
D_IN = 128
D_OUT = 128

def setup_inputs(seed: int = 0) -> dict:
    key = jax.random.key(seed)
    k_x, k_ei, k_val, k_w, k_b = jax.random.split(key, 5)
    x = jax.random.normal(k_x, (N, D_IN), dtype=jnp.float32)
    edge_index = jax.random.randint(k_ei, (2, E), 0, N, dtype=jnp.int64)
    adj_values = jax.random.uniform(k_val, (E,), dtype=jnp.float32)
    # xavier_uniform with relu gain ~ sqrt(2) * sqrt(6/(fan_in+fan_out))
    gain = np.sqrt(2.0)
    bound_w = gain * np.sqrt(6.0 / (D_IN + D_OUT))
    W = jax.random.uniform(k_w, (D_IN, D_OUT), dtype=jnp.float32, minval=-bound_w, maxval=bound_w)
    std = 1.0 / np.sqrt(D_OUT)
    bias = jax.random.uniform(k_b, (D_OUT,), dtype=jnp.float32, minval=-std, maxval=std)
    return {"x": x, "edge_index": edge_index, "adj_values": adj_values, "W": W, "bias": bias}

def reference(x, edge_index, adj_values, W, bias):
    # h = x @ W  (dense matmul)
    h = jnp.dot(x, W)
    # h = spmm(adj, h): adj given in COO form (row=dst, col=src, values)
    row = edge_index[0]
    col = edge_index[1]
    gathered = adj_values[:, None] * jnp.take(h, col, axis=0)
    out = jnp.zeros((N, D_OUT), dtype=h.dtype).at[row].add(gathered)
    return out + bias

if __name__ == "__main__":
    import jax
    _d = setup_inputs()
    print(jax.jit(kernel)(*tuple(_d.values())))

</pallas_src>

<mosaic_0001>
#map = affine_map<(d0, d1) -> (0, 0)>
#map1 = affine_map<(d0, d1) -> (0)>
#map2 = affine_map<(d0, d1) -> (0, 0, 0)>
module attributes {stable_mosaic.version = 14 : i64} {
  func.func @spmm(%arg0: i32, %arg1: i32, %arg2: memref<10000x128xf32, #tpu.memory_space<hbm>>, %arg3: memref<327680xi32, #tpu.memory_space<hbm>>, %arg4: memref<327680xi32, #tpu.memory_space<hbm>>, %arg5: memref<327680xf32, #tpu.memory_space<hbm>>, %arg6: memref<2x10240x128xf32, #tpu.memory_space<hbm>>, %arg7: memref<128xi32, #tpu.memory_space<vmem>>, %arg8: memref<128xi32, #tpu.memory_space<vmem>>, %arg9: memref<128xi32, #tpu.memory_space<vmem>>, %arg10: memref<128xi32, #tpu.memory_space<vmem>>, %arg11: memref<128xf32, #tpu.memory_space<vmem>>, %arg12: memref<128xf32, #tpu.memory_space<vmem>>, %arg13: memref<1x128xi32, #tpu.memory_space<vmem>>, %arg14: memref<128x128xf32, #tpu.memory_space<vmem>>, %arg15: memref<128x128xf32, #tpu.memory_space<vmem>>, %arg16: memref<10240x128xf32, #tpu.memory_space<vmem_shared>>, %arg17: memref<!tpu.dma_semaphore, #tpu.memory_space<semaphore_mem>>, %arg18: memref<!tpu.dma_semaphore, #tpu.memory_space<semaphore_mem>>, %arg19: memref<!tpu.dma_semaphore, #tpu.memory_space<semaphore_mem>>, %arg20: memref<!tpu.dma_semaphore, #tpu.memory_space<semaphore_mem>>) attributes {dimension_semantics = [#tpu.dimension_semantics<core_parallel>, #tpu.dimension_semantics<subcore_parallel>], iteration_bounds = array<i64: 2, 16>, scalar_prefetch = 0 : i64, scratch_operands = 14 : i64, tpu.core_type = #tpu.core_type<sc_vector_subcore>, window_params = [{transform_indices = #map}, {transform_indices = #map1}, {transform_indices = #map1}, {transform_indices = #map1}, {transform_indices = #map2}]} {
    %mul3A = arith.constant 2 : i32
    %mul3A_0 = arith.muli %arg1, %mul3A : i32
    %add3A = arith.addi %mul3A_0, %arg0 : i32
    %mul3A_1 = arith.constant 10240 : i32
    %mul3A_2 = arith.muli %add3A, %mul3A_1 : i32
    %broadcast_in_dim3A = arith.constant 0.000000e+00 : f32
    %broadcast_in_dim3A_3 = vector.broadcast %broadcast_in_dim3A : f32 to vector<16xf32>
    %scan3A = arith.constant 0 : i32
    %scan3A_4 = arith.constant 0 : i32
    %scan3A_5 = arith.constant 128 : i32
    %scan3A_6 = arith.addi %scan3A_4, %scan3A_5 : i32
    %scan3A_7 = arith.constant 1 : i32
    %scan3A_8 = scf.for %scan3A_76 = %scan3A_4 to %scan3A_6 step %scan3A_7 iter_args(%scan3A_77 = %scan3A) -> (i32)  : i32 {
      %swap3A = arith.index_cast %scan3A_76 : i32 to index
      %swap3A_78 = arith.constant 0 : index
      %swap3A_79 = tpu.vector_load %arg14[%swap3A, %swap3A_78] {strides = array<i32>} : memref<128x128xf32, #tpu.memory_space<vmem>>, vector<1x16xf32>,
      %swap3A_80 = vector.shape_cast %swap3A_79 : vector<1x16xf32> to vector<16xf32>
      %swap3A_81 = vector.shape_cast %broadcast_in_dim3A_3 : vector<16xf32> to vector<1x16xf32>
      tpu.vector_store %arg14[%swap3A, %swap3A_78], %swap3A_81 {strides = array<i32>} : memref<128x128xf32, #tpu.memory_space<vmem>>, vector<1x16xf32>,
      %swap3A_82 = arith.index_cast %scan3A_76 : i32 to index
      %swap3A_83 = arith.constant 16 : index
      %swap3A_84 = tpu.vector_load %arg14[%swap3A_82, %swap3A_83] {strides = array<i32>} : memref<128x128xf32, #tpu.memory_space<vmem>>, vector<1x16xf32>,
      %swap3A_85 = vector.shape_cast %swap3A_84 : vector<1x16xf32> to vector<16xf32>
      %swap3A_86 = vector.shape_cast %broadcast_in_dim3A_3 : vector<16xf32> to vector<1x16xf32>
      tpu.vector_store %arg14[%swap3A_82, %swap3A_83], %swap3A_86 {strides = array<i32>} : memref<128x128xf32, #tpu.memory_space<vmem>>, vector<1x16xf32>,
      %swap3A_87 = arith.index_cast %scan3A_76 : i32 to index
      %swap3A_88 = arith.constant 32 : index
      %swap3A_89 = tpu.vector_load %arg14[%swap3A_87, %swap3A_88] {strides = array<i32>} : memref<128x128xf32, #tpu.memory_space<vmem>>, vector<1x16xf32>,
      %swap3A_90 = vector.shape_cast %swap3A_89 : vector<1x16xf32> to vector<16xf32>
      %swap3A_91 = vector.shape_cast %broadcast_in_dim3A_3 : vector<16xf32> to vector<1x16xf32>
      tpu.vector_store %arg14[%swap3A_87, %swap3A_88], %swap3A_91 {strides = array<i32>} : memref<128x128xf32, #tpu.memory_space<vmem>>, vector<1x16xf32>,
      %swap3A_92 = arith.index_cast %scan3A_76 : i32 to index
      %swap3A_93 = arith.constant 48 : index
      %swap3A_94 = tpu.vector_load %arg14[%swap3A_92, %swap3A_93] {strides = array<i32>} : memref<128x128xf32, #tpu.memory_space<vmem>>, vector<1x16xf32>,
      %swap3A_95 = vector.shape_cast %swap3A_94 : vector<1x16xf32> to vector<16xf32>
      %swap3A_96 = vector.shape_cast %broadcast_in_dim3A_3 : vector<16xf32> to vector<1x16xf32>
      tpu.vector_store %arg14[%swap3A_92, %swap3A_93], %swap3A_96 {strides = array<i32>} : memref<128x128xf32, #tpu.memory_space<vmem>>, vector<1x16xf32>,
      %swap3A_97 = arith.index_cast %scan3A_76 : i32 to index
      %swap3A_98 = arith.constant 64 : index
      %swap3A_99 = tpu.vector_load %arg14[%swap3A_97, %swap3A_98] {strides = array<i32>} : memref<128x128xf32, #tpu.memory_space<vmem>>, vector<1x16xf32>,
      %swap3A_100 = vector.shape_cast %swap3A_99 : vector<1x16xf32> to vector<16xf32>
      %swap3A_101 = vector.shape_cast %broadcast_in_dim3A_3 : vector<16xf32> to vector<1x16xf32>
      tpu.vector_store %arg14[%swap3A_97, %swap3A_98], %swap3A_101 {strides = array<i32>} : memref<128x128xf32, #tpu.memory_space<vmem>>, vector<1x16xf32>,
      %swap3A_102 = arith.index_cast %scan3A_76 : i32 to index
      %swap3A_103 = arith.constant 80 : index
      %swap3A_104 = tpu.vector_load %arg14[%swap3A_102, %swap3A_103] {strides = array<i32>} : memref<128x128xf32, #tpu.memory_space<vmem>>, vector<1x16xf32>,
      %swap3A_105 = vector.shape_cast %swap3A_104 : vector<1x16xf32> to vector<16xf32>
      %swap3A_106 = vector.shape_cast %broadcast_in_dim3A_3 : vector<16xf32> to vector<1x16xf32>
      tpu.vector_store %arg14[%swap3A_102, %swap3A_103], %swap3A_106 {strides = array<i32>} : memref<128x128xf32, #tpu.memory_space<vmem>>, vector<1x16xf32>,
      %swap3A_107 = arith.index_cast %scan3A_76 : i32 to index
      %swap3A_108 = arith.constant 96 : index
      %swap3A_109 = tpu.vector_load %arg14[%swap3A_107, %swap3A_108] {strides = array<i32>} : memref<128x128xf32, #tpu.memory_space<vmem>>, vector<1x16xf32>,
      %swap3A_110 = vector.shape_cast %swap3A_109 : vector<1x16xf32> to vector<16xf32>
      %swap3A_111 = vector.shape_cast %broadcast_in_dim3A_3 : vector<16xf32> to vector<1x16xf32>
      tpu.vector_store %arg14[%swap3A_107, %swap3A_108], %swap3A_111 {strides = array<i32>} : memref<128x128xf32, #tpu.memory_space<vmem>>, vector<1x16xf32>,
      %swap3A_112 = arith.index_cast %scan3A_76 : i32 to index
      %swap3A_113 = arith.constant 112 : index
      %swap3A_114 = tpu.vector_load %arg14[%swap3A_112, %swap3A_113] {strides = array<i32>} : memref<128x128xf32, #tpu.memory_space<vmem>>, vector<1x16xf32>,
      %swap3A_115 = vector.shape_cast %swap3A_114 : vector<1x16xf32> to vector<16xf32>
      %swap3A_116 = vector.shape_cast %broadcast_in_dim3A_3 : vector<16xf32> to vector<1x16xf32>
      tpu.vector_store %arg14[%swap3A_112, %swap3A_113], %swap3A_116 {strides = array<i32>} : memref<128x128xf32, #tpu.memory_space<vmem>>, vector<1x16xf32>,
      %scan3A_117 = arith.constant 0 : i32
      scf.yield %scan3A_117 : i32
    }
    %scan3A_9 = arith.constant 128 : i32
    %mul3A_10 = arith.constant 640 : i32
    %mul3A_11 = arith.muli %arg1, %mul3A_10 : i32
    %add3A_12 = arith.constant 0 : i32
    %add3A_13 = arith.addi %mul3A_11, %add3A_12 : i32
    "tpu.region"() ({
      %run_scoped3A = tpu.sem_alloc : memref<!tpu.dma_semaphore, #tpu.memory_space<semaphore_mem>>
      %dma_start3A_76 = arith.constant 0 : i32
      %dma_start3A_77 = tpu.memref_slice %arg16[%add3A_13, %dma_start3A_76] : memref<10240x128xf32, #tpu.memory_space<vmem_shared>> -> memref<128x128xf32, #tpu.memory_space<vmem_shared>>
      %dma_start3A_78 = arith.constant 0 : i32
      %dma_start3A_79 = tpu.memref_slice %arg16[%add3A_13, %dma_start3A_78] : memref<10240x128xf32, #tpu.memory_space<vmem_shared>> -> memref<128x128xf32, #tpu.memory_space<vmem_shared>>
      tpu.enqueue_dma source(%arg14 : memref<128x128xf32, #tpu.memory_space<vmem>>) target(%dma_start3A_79 : memref<128x128xf32, #tpu.memory_space<vmem_shared>>) target_semaphore(%run_scoped3A : memref<!tpu.dma_semaphore, #tpu.memory_space<semaphore_mem>>)
      %dma_wait3A_80 = arith.constant 0 : i32
      %dma_wait3A_81 = tpu.memref_slice %arg16[%add3A_13, %dma_wait3A_80] : memref<10240x128xf32, #tpu.memory_space<vmem_shared>> -> memref<128x128xf32, #tpu.memory_space<vmem_shared>>
      %dma_wait3A_82 = arith.constant 0 : i32
      %dma_wait3A_83 = tpu.memref_slice %arg16[%add3A_13, %dma_wait3A_82] : memref<10240x128xf32, #tpu.memory_space<vmem_shared>> -> memref<128x128xf32, #tpu.memory_space<vmem_shared>>
      tpu.wait_dma2 semaphore(%run_scoped3A : memref<!tpu.dma_semaphore, #tpu.memory_space<semaphore_mem>>) src(%arg14 : memref<128x128xf32, #tpu.memory_space<vmem>>) dst(%dma_wait3A_83 : memref<128x128xf32, #tpu.memory_space<vmem_shared>>)
      tpu.yield
    }) : () -> ()
    %add3A_14 = arith.constant 128 : i32
    %add3A_15 = arith.addi %mul3A_11, %add3A_14 : i32
    "tpu.region"() ({
      %run_scoped3A = tpu.sem_alloc : memref<!tpu.dma_semaphore, #tpu.memory_space<semaphore_mem>>
      %dma_start3A_76 = arith.constant 0 : i32
      %dma_start3A_77 = tpu.memref_slice %arg16[%add3A_15, %dma_start3A_76] : memref<10240x128xf32, #tpu.memory_space<vmem_shared>> -> memref<128x128xf32, #tpu.memory_space<vmem_shared>>
      %dma_start3A_78 = arith.constant 0 : i32
      %dma_start3A_79 = tpu.memref_slice %arg16[%add3A_15, %dma_start3A_78] : memref<10240x128xf32, #tpu.memory_space<vmem_shared>> -> memref<128x128xf32, #tpu.memory_space<vmem_shared>>
      tpu.enqueue_dma source(%arg14 : memref<128x128xf32, #tpu.memory_space<vmem>>) target(%dma_start3A_79 : memref<128x128xf32, #tpu.memory_space<vmem_shared>>) target_semaphore(%run_scoped3A : memref<!tpu.dma_semaphore, #tpu.memory_space<semaphore_mem>>)
      %dma_wait3A_80 = arith.constant 0 : i32
      %dma_wait3A_81 = tpu.memref_slice %arg16[%add3A_15, %dma_wait3A_80] : memref<10240x128xf32, #tpu.memory_space<vmem_shared>> -> memref<128x128xf32, #tpu.memory_space<vmem_shared>>
      %dma_wait3A_82 = arith.constant 0 : i32
      %dma_wait3A_83 = tpu.memref_slice %arg16[%add3A_15, %dma_wait3A_82] : memref<10240x128xf32, #tpu.memory_space<vmem_shared>> -> memref<128x128xf32, #tpu.memory_space<vmem_shared>>
      tpu.wait_dma2 semaphore(%run_scoped3A : memref<!tpu.dma_semaphore, #tpu.memory_space<semaphore_mem>>) src(%arg14 : memref<128x128xf32, #tpu.memory_space<vmem>>) dst(%dma_wait3A_83 : memref<128x128xf32, #tpu.memory_space<vmem_shared>>)
      tpu.yield
    }) : () -> ()
    %add3A_16 = arith.constant 256 : i32
    %add3A_17 = arith.addi %mul3A_11, %add3A_16 : i32
    "tpu.region"() ({
      %run_scoped3A = tpu.sem_alloc : memref<!tpu.dma_semaphore, #tpu.memory_space<semaphore_mem>>
      %dma_start3A_76 = arith.constant 0 : i32
      %dma_start3A_77 = tpu.memref_slice %arg16[%add3A_17, %dma_start3A_76] : memref<10240x128xf32, #tpu.memory_space<vmem_shared>> -> memref<128x128xf32, #tpu.memory_space<vmem_shared>>
      %dma_start3A_78 = arith.constant 0 : i32
      %dma_start3A_79 = tpu.memref_slice %arg16[%add3A_17, %dma_start3A_78] : memref<10240x128xf32, #tpu.memory_space<vmem_shared>> -> memref<128x128xf32, #tpu.memory_space<vmem_shared>>
      tpu.enqueue_dma source(%arg14 : memref<128x128xf32, #tpu.memory_space<vmem>>) target(%dma_start3A_79 : memref<128x128xf32, #tpu.memory_space<vmem_shared>>) target_semaphore(%run_scoped3A : memref<!tpu.dma_semaphore, #tpu.memory_space<semaphore_mem>>)
      %dma_wait3A_80 = arith.constant 0 : i32
      %dma_wait3A_81 = tpu.memref_slice %arg16[%add3A_17, %dma_wait3A_80] : memref<10240x128xf32, #tpu.memory_space<vmem_shared>> -> memref<128x128xf32, #tpu.memory_space<vmem_shared>>
      %dma_wait3A_82 = arith.constant 0 : i32
      %dma_wait3A_83 = tpu.memref_slice %arg16[%add3A_17, %dma_wait3A_82] : memref<10240x128xf32, #tpu.memory_space<vmem_shared>> -> memref<128x128xf32, #tpu.memory_space<vmem_shared>>
      tpu.wait_dma2 semaphore(%run_scoped3A : memref<!tpu.dma_semaphore, #tpu.memory_space<semaphore_mem>>) src(%arg14 : memref<128x128xf32, #tpu.memory_space<vmem>>) dst(%dma_wait3A_83 : memref<128x128xf32, #tpu.memory_space<vmem_shared>>)
      tpu.yield
    }) : () -> ()
    %add3A_18 = arith.constant 384 : i32
    %add3A_19 = arith.addi %mul3A_11, %add3A_18 : i32
    "tpu.region"() ({
      %run_scoped3A = tpu.sem_alloc : memref<!tpu.dma_semaphore, #tpu.memory_space<semaphore_mem>>
      %dma_start3A_76 = arith.constant 0 : i32
      %dma_start3A_77 = tpu.memref_slice %arg16[%add3A_19, %dma_start3A_76] : memref<10240x128xf32, #tpu.memory_space<vmem_shared>> -> memref<128x128xf32, #tpu.memory_space<vmem_shared>>
      %dma_start3A_78 = arith.constant 0 : i32
      %dma_start3A_79 = tpu.memref_slice %arg16[%add3A_19, %dma_start3A_78] : memref<10240x128xf32, #tpu.memory_space<vmem_shared>> -> memref<128x128xf32, #tpu.memory_space<vmem_shared>>
      tpu.enqueue_dma source(%arg14 : memref<128x128xf32, #tpu.memory_space<vmem>>) target(%dma_start3A_79 : memref<128x128xf32, #tpu.memory_space<vmem_shared>>) target_semaphore(%run_scoped3A : memref<!tpu.dma_semaphore, #tpu.memory_space<semaphore_mem>>)
      %dma_wait3A_80 = arith.constant 0 : i32
      %dma_wait3A_81 = tpu.memref_slice %arg16[%add3A_19, %dma_wait3A_80] : memref<10240x128xf32, #tpu.memory_space<vmem_shared>> -> memref<128x128xf32, #tpu.memory_space<vmem_shared>>
      %dma_wait3A_82 = arith.constant 0 : i32
      %dma_wait3A_83 = tpu.memref_slice %arg16[%add3A_19, %dma_wait3A_82] : memref<10240x128xf32, #tpu.memory_space<vmem_shared>> -> memref<128x128xf32, #tpu.memory_space<vmem_shared>>
      tpu.wait_dma2 semaphore(%run_scoped3A : memref<!tpu.dma_semaphore, #tpu.memory_space<semaphore_mem>>) src(%arg14 : memref<128x128xf32, #tpu.memory_space<vmem>>) dst(%dma_wait3A_83 : memref<128x128xf32, #tpu.memory_space<vmem_shared>>)
      tpu.yield
    }) : () -> ()
    %add3A_20 = arith.constant 512 : i32
    %add3A_21 = arith.addi %mul3A_11, %add3A_20 : i32
    "tpu.region"() ({
      %run_scoped3A = tpu.sem_alloc : memref<!tpu.dma_semaphore, #tpu.memory_space<semaphore_mem>>
      %dma_start3A_76 = arith.constant 0 : i32
      %dma_start3A_77 = tpu.memref_slice %arg16[%add3A_21, %dma_start3A_76] : memref<10240x128xf32, #tpu.memory_space<vmem_shared>> -> memref<128x128xf32, #tpu.memory_space<vmem_shared>>
      %dma_start3A_78 = arith.constant 0 : i32
      %dma_start3A_79 = tpu.memref_slice %arg16[%add3A_21, %dma_start3A_78] : memref<10240x128xf32, #tpu.memory_space<vmem_shared>> -> memref<128x128xf32, #tpu.memory_space<vmem_shared>>
      tpu.enqueue_dma source(%arg14 : memref<128x128xf32, #tpu.memory_space<vmem>>) target(%dma_start3A_79 : memref<128x128xf32, #tpu.memory_space<vmem_shared>>) target_semaphore(%run_scoped3A : memref<!tpu.dma_semaphore, #tpu.memory_space<semaphore_mem>>)
      %dma_wait3A_80 = arith.constant 0 : i32
      %dma_wait3A_81 = tpu.memref_slice %arg16[%add3A_21, %dma_wait3A_80] : memref<10240x128xf32, #tpu.memory_space<vmem_shared>> -> memref<128x128xf32, #tpu.memory_space<vmem_shared>>
      %dma_wait3A_82 = arith.constant 0 : i32
      %dma_wait3A_83 = tpu.memref_slice %arg16[%add3A_21, %dma_wait3A_82] : memref<10240x128xf32, #tpu.memory_space<vmem_shared>> -> memref<128x128xf32, #tpu.memory_space<vmem_shared>>
      tpu.wait_dma2 semaphore(%run_scoped3A : memref<!tpu.dma_semaphore, #tpu.memory_space<semaphore_mem>>) src(%arg14 : memref<128x128xf32, #tpu.memory_space<vmem>>) dst(%dma_wait3A_83 : memref<128x128xf32, #tpu.memory_space<vmem_shared>>)
      tpu.yield
    }) : () -> ()
    %barrier3A = arith.constant 0 : index
    tpu.barrier barrier_id(%barrier3A)
    %broadcast_in_dim3A_22 = arith.constant 0 : i32
    %broadcast_in_dim3A_23 = vector.broadcast %broadcast_in_dim3A_22 : i32 to vector<16xi32>
    %broadcast_in_dim3A_24 = arith.constant 1 : i32
    %broadcast_in_dim3A_25 = vector.broadcast %broadcast_in_dim3A_24 : i32 to vector<16xi32>
    %broadcast_in_dim3A_26 = arith.constant 2 : i32
    %broadcast_in_dim3A_27 = vector.broadcast %broadcast_in_dim3A_26 : i32 to vector<16xi32>
    %broadcast_in_dim3A_28 = arith.constant 3 : i32
    %broadcast_in_dim3A_29 = vector.broadcast %broadcast_in_dim3A_28 : i32 to vector<16xi32>
    %broadcast_in_dim3A_30 = arith.constant 4 : i32
    %broadcast_in_dim3A_31 = vector.broadcast %broadcast_in_dim3A_30 : i32 to vector<16xi32>
    %broadcast_in_dim3A_32 = arith.constant 5 : i32
    %broadcast_in_dim3A_33 = vector.broadcast %broadcast_in_dim3A_32 : i32 to vector<16xi32>
    %broadcast_in_dim3A_34 = arith.constant 6 : i32
    %broadcast_in_dim3A_35 = vector.broadcast %broadcast_in_dim3A_34 : i32 to vector<16xi32>
    %broadcast_in_dim3A_36 = arith.constant 7 : i32
    %broadcast_in_dim3A_37 = vector.broadcast %broadcast_in_dim3A_36 : i32 to vector<16xi32>
    %broadcast_in_dim3A_38 = arith.constant 8 : i32
    %broadcast_in_dim3A_39 = vector.broadcast %broadcast_in_dim3A_38 : i32 to vector<16xi32>
    %broadcast_in_dim3A_40 = arith.constant 9 : i32
    %broadcast_in_dim3A_41 = vector.broadcast %broadcast_in_dim3A_40 : i32 to vector<16xi32>
    %broadcast_in_dim3A_42 = arith.constant 10 : i32
    %broadcast_in_dim3A_43 = vector.broadcast %broadcast_in_dim3A_42 : i32 to vector<16xi32>
    %broadcast_in_dim3A_44 = arith.constant 11 : i32
    %broadcast_in_dim3A_45 = vector.broadcast %broadcast_in_dim3A_44 : i32 to vector<16xi32>
    %broadcast_in_dim3A_46 = arith.constant 12 : i32
    %broadcast_in_dim3A_47 = vector.broadcast %broadcast_in_dim3A_46 : i32 to vector<16xi32>
    %broadcast_in_dim3A_48 = arith.constant 13 : i32
    %broadcast_in_dim3A_49 = vector.broadcast %broadcast_in_dim3A_48 : i32 to vector<16xi32>
    %broadcast_in_dim3A_50 = arith.constant 14 : i32
    %broadcast_in_dim3A_51 = vector.broadcast %broadcast_in_dim3A_50 : i32 to vector<16xi32>
    %broadcast_in_dim3A_52 = arith.constant 15 : i32
    %broadcast_in_dim3A_53 = vector.broadcast %broadcast_in_dim3A_52 : i32 to vector<16xi32>
    %add3A_54 = arith.constant 0 : i32
    %add3A_55 = arith.addi %mul3A_2, %add3A_54 : i32
    "tpu.region"() ({
      %run_scoped3A = tpu.sem_alloc : memref<!tpu.dma_semaphore, #tpu.memory_space<semaphore_mem>>
      %dma_start3A_76 = tpu.memref_slice %arg3[%add3A_55] : memref<327680xi32, #tpu.memory_space<hbm>> -> memref<128xi32, #tpu.memory_space<hbm>>
      %dma_start3A_77 = tpu.memref_slice %arg3[%add3A_55] : memref<327680xi32, #tpu.memory_space<hbm>> -> memref<128xi32, #tpu.memory_space<hbm>>
      tpu.enqueue_dma source(%dma_start3A_77 : memref<128xi32, #tpu.memory_space<hbm>>) target(%arg7 : memref<128xi32, #tpu.memory_space<vmem>>) target_semaphore(%run_scoped3A : memref<!tpu.dma_semaphore, #tpu.memory_space<semaphore_mem>>)
      %dma_wait3A_78 = tpu.memref_slice %arg3[%add3A_55] : memref<327680xi32, #tpu.memory_space<hbm>> -> memref<128xi32, #tpu.memory_space<hbm>>
      %dma_wait3A_79 = tpu.memref_slice %arg3[%add3A_55] : memref<327680xi32, #tpu.memory_space<hbm>> -> memref<128xi32, #tpu.memory_space<hbm>>
      tpu.wait_dma2 semaphore(%run_scoped3A : memref<!tpu.dma_semaphore, #tpu.memory_space<semaphore_mem>>) src(%dma_wait3A_79 : memref<128xi32, #tpu.memory_space<hbm>>) dst(%arg7 : memref<128xi32, #tpu.memory_space<vmem>>)
      tpu.yield
    }) : () -> ()
    "tpu.region"() ({
      %run_scoped3A = tpu.sem_alloc : memref<!tpu.dma_semaphore, #tpu.memory_space<semaphore_mem>>
      %dma_start3A_76 = tpu.memref_slice %arg4[%add3A_55] : memref<327680xi32, #tpu.memory_space<hbm>> -> memref<128xi32, #tpu.memory_space<hbm>>
      %dma_start3A_77 = tpu.memref_slice %arg4[%add3A_55] : memref<327680xi32, #tpu.memory_space<hbm>> -> memref<128xi32, #tpu.memory_space<hbm>>
      tpu.enqueue_dma source(%dma_start3A_77 : memref<128xi32, #tpu.memory_space<hbm>>) target(%arg9 : memref<128xi32, #tpu.memory_space<vmem>>) target_semaphore(%run_scoped3A : memref<!tpu.dma_semaphore, #tpu.memory_space<semaphore_mem>>)
      %dma_wait3A_78 = tpu.memref_slice %arg4[%add3A_55] : memref<327680xi32, #tpu.memory_space<hbm>> -> memref<128xi32, #tpu.memory_space<hbm>>
      %dma_wait3A_79 = tpu.memref_slice %arg4[%add3A_55] : memref<327680xi32, #tpu.memory_space<hbm>> -> memref<128xi32, #tpu.memory_space<hbm>>
      tpu.wait_dma2 semaphore(%run_scoped3A : memref<!tpu.dma_semaphore, #tpu.memory_space<semaphore_mem>>) src(%dma_wait3A_79 : memref<128xi32, #tpu.memory_space<hbm>>) dst(%arg9 : memref<128xi32, #tpu.memory_space<vmem>>)
      tpu.yield
    }) : () -> ()
    "tpu.region"() ({
      %run_scoped3A = tpu.sem_alloc : memref<!tpu.dma_semaphore, #tpu.memory_space<semaphore_mem>>
      %dma_start3A_76 = tpu.memref_slice %arg5[%add3A_55] : memref<327680xf32, #tpu.memory_space<hbm>> -> memref<128xf32, #tpu.memory_space<hbm>>
      %dma_start3A_77 = tpu.memref_slice %arg5[%add3A_55] : memref<327680xf32, #tpu.memory_space<hbm>> -> memref<128xf32, #tpu.memory_space<hbm>>
      tpu.enqueue_dma source(%dma_start3A_77 : memref<128xf32, #tpu.memory_space<hbm>>) target(%arg11 : memref<128xf32, #tpu.memory_space<vmem>>) target_semaphore(%run_scoped3A : memref<!tpu.dma_semaphore, #tpu.memory_space<semaphore_mem>>)
      %dma_wait3A_78 = tpu.memref_slice %arg5[%add3A_55] : memref<327680xf32, #tpu.memory_space<hbm>> -> memref<128xf32, #tpu.memory_space<hbm>>
      %dma_wait3A_79 = tpu.memref_slice %arg5[%add3A_55] : memref<327680xf32, #tpu.memory_space<hbm>> -> memref<128xf32, #tpu.memory_space<hbm>>
      tpu.wait_dma2 semaphore(%run_scoped3A : memref<!tpu.dma_semaphore, #tpu.memory_space<semaphore_mem>>) src(%dma_wait3A_79 : memref<128xf32, #tpu.memory_space<hbm>>) dst(%arg11 : memref<128xf32, #tpu.memory_space<vmem>>)
      tpu.yield
    }) : () -> ()
    %dma_start3A = arith.constant 0 : i32
    %dma_start3A_56 = arith.constant 0 : i32
    %dma_start3A_57 = tpu.memref_slice %arg2[%dma_start3A, %dma_start3A_56] : memref<10000x128xf32, #tpu.memory_space<hbm>> -> memref<10000x128xf32, #tpu.memory_space<hbm>>
    tpu.enqueue_indirect_dma source(%dma_start3A_57 : memref<10000x128xf32, #tpu.memory_space<hbm>>) target(%arg14 : memref<128x128xf32, #tpu.memory_space<vmem>>) offsets(%arg7 : memref<128xi32, #tpu.memory_space<vmem>>) semaphore(%arg17 : memref<!tpu.dma_semaphore, #tpu.memory_space<semaphore_mem>>)
    %add3A_58 = arith.constant 128 : i32
    %add3A_59 = arith.addi %mul3A_2, %add3A_58 : i32
    "tpu.region"() ({
      %run_scoped3A = tpu.sem_alloc : memref<!tpu.dma_semaphore, #tpu.memory_space<semaphore_mem>>
      %dma_start3A_76 = tpu.memref_slice %arg3[%add3A_59] : memref<327680xi32, #tpu.memory_space<hbm>> -> memref<128xi32, #tpu.memory_space<hbm>>
      %dma_start3A_77 = tpu.memref_slice %arg3[%add3A_59] : memref<327680xi32, #tpu.memory_space<hbm>> -> memref<128xi32, #tpu.memory_space<hbm>>
      tpu.enqueue_dma source(%dma_start3A_77 : memref<128xi32, #tpu.memory_space<hbm>>) target(%arg8 : memref<128xi32, #tpu.memory_space<vmem>>) target_semaphore(%run_scoped3A : memref<!tpu.dma_semaphore, #tpu.memory_space<semaphore_mem>>)
      %dma_wait3A_78 = tpu.memref_slice %arg3[%add3A_59] : memref<327680xi32, #tpu.memory_space<hbm>> -> memref<128xi32, #tpu.memory_space<hbm>>
      %dma_wait3A_79 = tpu.memref_slice %arg3[%add3A_59] : memref<327680xi32, #tpu.memory_space<hbm>> -> memref<128xi32, #tpu.memory_space<hbm>>
      tpu.wait_dma2 semaphore(%run_scoped3A : memref<!tpu.dma_semaphore, #tpu.memory_space<semaphore_mem>>) src(%dma_wait3A_79 : memref<128xi32, #tpu.memory_space<hbm>>) dst(%arg8 : memref<128xi32, #tpu.memory_space<vmem>>)
      tpu.yield
    }) : () -> ()
    "tpu.region"() ({
      %run_scoped3A = tpu.sem_alloc : memref<!tpu.dma_semaphore, #tpu.memory_space<semaphore_mem>>
      %dma_start3A_76 = tpu.memref_slice %arg4[%add3A_59] : memref<327680xi32, #tpu.memory_space<hbm>> -> memref<128xi32, #tpu.memory_space<hbm>>
      %dma_start3A_77 = tpu.memref_slice %arg4[%add3A_59] : memref<327680xi32, #tpu.memory_space<hbm>> -> memref<128xi32, #tpu.memory_space<hbm>>
      tpu.enqueue_dma source(%dma_start3A_77 : memref<128xi32, #tpu.memory_space<hbm>>) target(%arg10 : memref<128xi32, #tpu.memory_space<vmem>>) target_semaphore(%run_scoped3A : memref<!tpu.dma_semaphore, #tpu.memory_space<semaphore_mem>>)
      %dma_wait3A_78 = tpu.memref_slice %arg4[%add3A_59] : memref<327680xi32, #tpu.memory_space<hbm>> -> memref<128xi32, #tpu.memory_space<hbm>>
      %dma_wait3A_79 = tpu.memref_slice %arg4[%add3A_59] : memref<327680xi32, #tpu.memory_space<hbm>> -> memref<128xi32, #tpu.memory_space<hbm>>
      tpu.wait_dma2 semaphore(%run_scoped3A : memref<!tpu.dma_semaphore, #tpu.memory_space<semaphore_mem>>) src(%dma_wait3A_79 : memref<128xi32, #tpu.memory_space<hbm>>) dst(%arg10 : memref<128xi32, #tpu.memory_space<vmem>>)
      tpu.yield
    }) : () -> ()
    "tpu.region"() ({
      %run_scoped3A = tpu.sem_alloc : memref<!tpu.dma_semaphore, #tpu.memory_space<semaphore_mem>>
      %dma_start3A_76 = tpu.memref_slice %arg5[%add3A_59] : memref<327680xf32, #tpu.memory_space<hbm>> -> memref<128xf32, #tpu.memory_space<hbm>>
      %dma_start3A_77 = tpu.memref_slice %arg5[%add3A_59] : memref<327680xf32, #tpu.memory_space<hbm>> -> memref<128xf32, #tpu.memory_space<hbm>>
      tpu.enqueue_dma source(%dma_start3A_77 : memref<128xf32, #tpu.memory_space<hbm>>) target(%arg12 : memref<128xf32, #tpu.memory_space<vmem>>) target_semaphore(%run_scoped3A : memref<!tpu.dma_semaphore, #tpu.memory_space<semaphore_mem>>)
      %dma_wait3A_78 = tpu.memref_slice %arg5[%add3A_59] : memref<327680xf32, #tpu.memory_space<hbm>> -> memref<128xf32, #tpu.memory_space<hbm>>
      %dma_wait3A_79 = tpu.memref_slice %arg5[%add3A_59] : memref<327680xf32, #tpu.memory_space<hbm>> -> memref<128xf32, #tpu.memory_space<hbm>>
      tpu.wait_dma2 semaphore(%run_scoped3A : memref<!tpu.dma_semaphore, #tpu.memory_space<semaphore_mem>>) src(%dma_wait3A_79 : memref<128xf32, #tpu.memory_space<hbm>>) dst(%arg12 : memref<128xf32, #tpu.memory_space<vmem>>)
      tpu.yield
    }) : () -> ()
    %dma_start3A_60 = arith.constant 0 : i32
    %dma_start3A_61 = arith.constant 0 : i32
    %dma_start3A_62 = tpu.memref_slice %arg2[%dma_start3A_60, %dma_start3A_61] : memref<10000x128xf32, #tpu.memory_space<hbm>> -> memref<10000x128xf32, #tpu.memory_space<hbm>>
    tpu.enqueue_indirect_dma source(%dma_start3A_62 : memref<10000x128xf32, #tpu.memory_space<hbm>>) target(%arg15 : memref<128x128xf32, #tpu.memory_space<vmem>>) offsets(%arg8 : memref<128xi32, #tpu.memory_space<vmem>>) semaphore(%arg18 : memref<!tpu.dma_semaphore, #tpu.memory_space<semaphore_mem>>)
    %scan3A_63 = arith.constant 0 : i32
    %scan3A_64 = arith.constant 0 : i32
    %scan3A_65 = arith.constant 40 : i32
    %scan3A_66 = arith.addi %scan3A_64, %scan3A_65 : i32
    %scan3A_67 = arith.constant 1 : i32
    %scan3A_68 = scf.for %scan3A_76 = %scan3A_64 to %scan3A_66 step %scan3A_67 iter_args(%scan3A_77 = %scan3A_63) -> (i32)  : i32 {
      %mul3A_78 = arith.constant 2 : i32
      %mul3A_79 = arith.muli %mul3A_78, %scan3A_76 : i32
      %add3A_80 = arith.constant 0 : i32
      %add3A_81 = arith.addi %mul3A_79, %add3A_80 : i32
      %add3A_82 = arith.constant 2 : i32
      %add3A_83 = arith.addi %add3A_81, %add3A_82 : i32
      %min3A = arith.constant 79 : i32
      %min3A_84 = arith.minsi %add3A_83, %min3A : i32
      %mul3A_85 = arith.constant 128 : i32
      %mul3A_86 = arith.muli %min3A_84, %mul3A_85 : i32
      %add3A_87 = arith.addi %mul3A_2, %mul3A_86 : i32
      %get3A = arith.constant 0 : index
      %get3A_88 = tpu.vector_load %arg9[%get3A] {strides = array<i32>} : memref<128xi32, #tpu.memory_space<vmem>>, vector<16xi32>,
      %get3A_89 = vector.shape_cast %get3A_88 : vector<16xi32> to vector<16xi32>
      %swap3A = arith.constant 0 : i32
      %swap3A_90 = arith.index_cast %swap3A : i32 to index
      %swap3A_91 = arith.constant 0 : index
      %swap3A_92 = tpu.vector_load %arg13[%swap3A_90, %swap3A_91] {strides = array<i32>} : memref<1x128xi32, #tpu.memory_space<vmem>>, vector<1x16xi32>,
      %swap3A_93 = vector.shape_cast %swap3A_92 : vector<1x16xi32> to vector<16xi32>
      %swap3A_94 = vector.shape_cast %get3A_89 : vector<16xi32> to vector<1x16xi32>
      tpu.vector_store %arg13[%swap3A_90, %swap3A_91], %swap3A_94 {strides = array<i32>} : memref<1x128xi32, #tpu.memory_space<vmem>>, vector<1x16xi32>,
      %get3A_95 = arith.constant 16 : index
      %get3A_96 = tpu.vector_load %arg9[%get3A_95] {strides = array<i32>} : memref<128xi32, #tpu.memory_space<vmem>>, vector<16xi32>,
      %get3A_97 = vector.shape_cast %get3A_96 : vector<16xi32> to vector<16xi32>
      %swap3A_98 = arith.constant 0 : i32
      %swap3A_99 = arith.index_cast %swap3A_98 : i32 to index
      %swap3A_100 = arith.constant 16 : index
      %swap3A_101 = tpu.vector_load %arg13[%swap3A_99, %swap3A_100] {strides = array<i32>} : memref<1x128xi32, #tpu.memory_space<vmem>>, vector<1x16xi32>,
      %swap3A_102 = vector.shape_cast %swap3A_101 : vector<1x16xi32> to vector<16xi32>
      %swap3A_103 = vector.shape_cast %get3A_97 : vector<16xi32> to vector<1x16xi32>
      tpu.vector_store %arg13[%swap3A_99, %swap3A_100], %swap3A_103 {strides = array<i32>} : memref<1x128xi32, #tpu.memory_space<vmem>>, vector<1x16xi32>,
      %get3A_104 = arith.constant 32 : index
      %get3A_105 = tpu.vector_load %arg9[%get3A_104] {strides = array<i32>} : memref<128xi32, #tpu.memory_space<vmem>>, vector<16xi32>,
      %get3A_106 = vector.shape_cast %get3A_105 : vector<16xi32> to vector<16xi32>
      %swap3A_107 = arith.constant 0 : i32
      %swap3A_108 = arith.index_cast %swap3A_107 : i32 to index
      %swap3A_109 = arith.constant 32 : index
      %swap3A_110 = tpu.vector_load %arg13[%swap3A_108, %swap3A_109] {strides = array<i32>} : memref<1x128xi32, #tpu.memory_space<vmem>>, vector<1x16xi32>,
      %swap3A_111 = vector.shape_cast %swap3A_110 : vector<1x16xi32> to vector<16xi32>
      %swap3A_112 = vector.shape_cast %get3A_106 : vector<16xi32> to vector<1x16xi32>
      tpu.vector_store %arg13[%swap3A_108, %swap3A_109], %swap3A_112 {strides = array<i32>} : memref<1x128xi32, #tpu.memory_space<vmem>>, vector<1x16xi32>,
      %get3A_113 = arith.constant 48 : index
      %get3A_114 = tpu.vector_load %arg9[%get3A_113] {strides = array<i32>} : memref<128xi32, #tpu.memory_space<vmem>>, vector<16xi32>,
      %get3A_115 = vector.shape_cast %get3A_114 : vector<16xi32> to vector<16xi32>
      %swap3A_116 = arith.constant 0 : i32
      %swap3A_117 = arith.index_cast %swap3A_116 : i32 to index
      %swap3A_118 = arith.constant 48 : index
      %swap3A_119 = tpu.vector_load %arg13[%swap3A_117, %swap3A_118] {strides = array<i32>} : memref<1x128xi32, #tpu.memory_space<vmem>>, vector<1x16xi32>,
      %swap3A_120 = vector.shape_cast %swap3A_119 : vector<1x16xi32> to vector<16xi32>
      %swap3A_121 = vector.shape_cast %get3A_115 : vector<16xi32> to vector<1x16xi32>
      tpu.vector_store %arg13[%swap3A_117, %swap3A_118], %swap3A_121 {strides = array<i32>} : memref<1x128xi32, #tpu.memory_space<vmem>>, vector<1x16xi32>,
      %get3A_122 = arith.constant 64 : index
      %get3A_123 = tpu.vector_load %arg9[%get3A_122] {strides = array<i32>} : memref<128xi32, #tpu.memory_space<vmem>>, vector<16xi32>,
      %get3A_124 = vector.shape_cast %get3A_123 : vector<16xi32> to vector<16xi32>
      %swap3A_125 = arith.constant 0 : i32
      %swap3A_126 = arith.index_cast %swap3A_125 : i32 to index
      %swap3A_127 = arith.constant 64 : index
      %swap3A_128 = tpu.vector_load %arg13[%swap3A_126, %swap3A_127] {strides = array<i32>} : memref<1x128xi32, #tpu.memory_space<vmem>>, vector<1x16xi32>,
      %swap3A_129 = vector.shape_cast %swap3A_128 : vector<1x16xi32> to vector<16xi32>
      %swap3A_130 = vector.shape_cast %get3A_124 : vector<16xi32> to vector<1x16xi32>
      tpu.vector_store %arg13[%swap3A_126, %swap3A_127], %swap3A_130 {strides = array<i32>} : memref<1x128xi32, #tpu.memory_space<vmem>>, vector<1x16xi32>,
      %get3A_131 = arith.constant 80 : index
      %get3A_132 = tpu.vector_load %arg9[%get3A_131] {strides = array<i32>} : memref<128xi32, #tpu.memory_space<vmem>>, vector<16xi32>,
      %get3A_133 = vector.shape_cast %get3A_132 : vector<16xi32> to vector<16xi32>
      %swap3A_134 = arith.constant 0 : i32
      %swap3A_135 = arith.index_cast %swap3A_134 : i32 to index
      %swap3A_136 = arith.constant 80 : index
      %swap3A_137 = tpu.vector_load %arg13[%swap3A_135, %swap3A_136] {strides = array<i32>} : memref<1x128xi32, #tpu.memory_space<vmem>>, vector<1x16xi32>,
      %swap3A_138 = vector.shape_cast %swap3A_137 : vector<1x16xi32> to vector<16xi32>
      %swap3A_139 = vector.shape_cast %get3A_133 : vector<16xi32> to vector<1x16xi32>
      tpu.vector_store %arg13[%swap3A_135, %swap3A_136], %swap3A_139 {strides = array<i32>} : memref<1x128xi32, #tpu.memory_space<vmem>>, vector<1x16xi32>,
      %get3A_140 = arith.constant 96 : index
      %get3A_141 = tpu.vector_load %arg9[%get3A_140] {strides = array<i32>} : memref<128xi32, #tpu.memory_space<vmem>>, vector<16xi32>,
      %get3A_142 = vector.shape_cast %get3A_141 : vector<16xi32> to vector<16xi32>
      %swap3A_143 = arith.constant 0 : i32
      %swap3A_144 = arith.index_cast %swap3A_143 : i32 to index
      %swap3A_145 = arith.constant 96 : index
      %swap3A_146 = tpu.vector_load %arg13[%swap3A_144, %swap3A_145] {strides = array<i32>} : memref<1x128xi32, #tpu.memory_space<vmem>>, vector<1x16xi32>,
      %swap3A_147 = vector.shape_cast %swap3A_146 : vector<1x16xi32> to vector<16xi32>
      %swap3A_148 = vector.shape_cast %get3A_142 : vector<16xi32> to vector<1x16xi32>
      tpu.vector_store %arg13[%swap3A_144, %swap3A_145], %swap3A_148 {strides = array<i32>} : memref<1x128xi32, #tpu.memory_space<vmem>>, vector<1x16xi32>,
      %get3A_149 = arith.constant 112 : index
      %get3A_150 = tpu.vector_load %arg9[%get3A_149] {strides = array<i32>} : memref<128xi32, #tpu.memory_space<vmem>>, vector<16xi32>,
      %get3A_151 = vector.shape_cast %get3A_150 : vector<16xi32> to vector<16xi32>
      %swap3A_152 = arith.constant 0 : i32
      %swap3A_153 = arith.index_cast %swap3A_152 : i32 to index
      %swap3A_154 = arith.constant 112 : index
      %swap3A_155 = tpu.vector_load %arg13[%swap3A_153, %swap3A_154] {strides = array<i32>} : memref<1x128xi32, #tpu.memory_space<vmem>>, vector<1x16xi32>,
      %swap3A_156 = vector.shape_cast %swap3A_155 : vector<1x16xi32> to vector<16xi32>
      %swap3A_157 = vector.shape_cast %get3A_151 : vector<16xi32> to vector<1x16xi32>
      tpu.vector_store %arg13[%swap3A_153, %swap3A_154], %swap3A_157 {strides = array<i32>} : memref<1x128xi32, #tpu.memory_space<vmem>>, vector<1x16xi32>,
      %dma_start3A_158 = tpu.memref_slice %arg4[%add3A_87] : memref<327680xi32, #tpu.memory_space<hbm>> -> memref<128xi32, #tpu.memory_space<hbm>>
      %dma_start3A_159 = tpu.memref_slice %arg4[%add3A_87] : memref<327680xi32, #tpu.memory_space<hbm>> -> memref<128xi32, #tpu.memory_space<hbm>>
      tpu.enqueue_dma source(%dma_start3A_159 : memref<128xi32, #tpu.memory_space<hbm>>) target(%arg9 : memref<128xi32, #tpu.memory_space<vmem>>) target_semaphore(%arg19 : memref<!tpu.dma_semaphore, #tpu.memory_space<semaphore_mem>>)
      %dma_wait3A_160 = arith.constant 0 : i32
      %dma_wait3A_161 = arith.constant 0 : i32
      %dma_wait3A_162 = tpu.memref_slice %arg2[%dma_wait3A_160, %dma_wait3A_161] : memref<10000x128xf32, #tpu.memory_space<hbm>> -> memref<10000x128xf32, #tpu.memory_space<hbm>>
      tpu.wait_indirect_dma semaphore(%arg17 : memref<!tpu.dma_semaphore, #tpu.memory_space<semaphore_mem>>) src(%dma_wait3A_162 : memref<10000x128xf32, #tpu.memory_space<hbm>>) dst(%arg14 : memref<128x128xf32, #tpu.memory_space<vmem>>)
      %dma_start3A_163 = tpu.memref_slice %arg3[%add3A_87] : memref<327680xi32, #tpu.memory_space<hbm>> -> memref<128xi32, #tpu.memory_space<hbm>>
      %dma_start3A_164 = tpu.memref_slice %arg3[%add3A_87] : memref<327680xi32, #tpu.memory_space<hbm>> -> memref<128xi32, #tpu.memory_space<hbm>>
      tpu.enqueue_dma source(%dma_start3A_164 : memref<128xi32, #tpu.memory_space<hbm>>) target(%arg7 : memref<128xi32, #tpu.memory_space<vmem>>) target_semaphore(%arg19 : memref<!tpu.dma_semaphore, #tpu.memory_space<semaphore_mem>>)
      %scan3A_165 = arith.constant 0 : i32
      %scan3A_166 = arith.constant 0 : i32
      %scan3A_167 = arith.constant 8 : i32
      %scan3A_168 = arith.addi %scan3A_166, %scan3A_167 : i32
      %scan3A_169 = arith.constant 1 : i32
      %scan3A_170 = scf.for %scan3A_291 = %scan3A_166 to %scan3A_168 step %scan3A_169 iter_args(%scan3A_292 = %scan3A_165) -> (i32)  : i32 {
        %mul3A_293 = arith.constant 16 : i32
        %mul3A_294 = arith.muli %scan3A_291, %mul3A_293 : i32
        %get3A_295 = arith.index_cast %mul3A_294 : i32 to index
        %get3A_296 = tpu.vector_load %arg11[%get3A_295] {strides = array<i32>} : memref<128xf32, #tpu.memory_space<vmem>>, vector<16xf32>,
        %get3A_297 = vector.shape_cast %get3A_296 : vector<16xf32> to vector<16xf32>
        %lt3A = arith.constant 0 : i32
        %lt3A_298 = vector.broadcast %lt3A : i32 to vector<16xi32>
        %lt3A_299 = arith.cmpi slt, %broadcast_in_dim3A_23, %lt3A_298 : vector<16xi32>
        %add3A_300 = arith.constant 16 : i32
        %add3A_301 = vector.broadcast %add3A_300 : i32 to vector<16xi32>
        %add3A_302 = arith.addi %broadcast_in_dim3A_23, %add3A_301 : vector<16xi32>
        %select_n3A = arith.select %lt3A_299, %add3A_302, %broadcast_in_dim3A_23 : vector<16xi1>, vector<16xi32>
        %broadcast_in_dim3A_303 = vector.shape_cast %select_n3A : vector<16xi32> to vector<16x1xi32>
        %gather3A = vector.shape_cast %broadcast_in_dim3A_303 : vector<16x1xi32> to vector<16xi32>
        %gather3A_304 = tpu.dynamic_gather %get3A_297[%gather3A] in [0] : vector<16xf32>, vector<16xi32> -> vector<16xf32>
        %mul3A_305 = arith.constant 16 : i32
        %mul3A_306 = arith.muli %scan3A_291, %mul3A_305 : i32
        %add3A_307 = arith.constant 0 : i32
        %add3A_308 = arith.addi %mul3A_306, %add3A_307 : i32
        %get3A_309 = arith.index_cast %add3A_308 : i32 to index
        %get3A_310 = arith.constant 0 : index
        %get3A_311 = tpu.vector_load %arg14[%get3A_309, %get3A_310] {strides = array<i32>} : memref<128x128xf32, #tpu.memory_space<vmem>>, vector<1x16xf32>,
        %get3A_312 = vector.shape_cast %get3A_311 : vector<1x16xf32> to vector<16xf32>
        %mul3A_313 = arith.mulf %get3A_312, %gather3A_304 : vector<16xf32>
        %swap3A_314 = arith.index_cast %add3A_308 : i32 to index
        %swap3A_315 = arith.constant 0 : index
        %swap3A_316 = tpu.vector_load %arg14[%swap3A_314, %swap3A_315] {strides = array<i32>} : memref<128x128xf32, #tpu.memory_space<vmem>>, vector<1x16xf32>,
        %swap3A_317 = vector.shape_cast %swap3A_316 : vector<1x16xf32> to vector<16xf32>
        %swap3A_318 = vector.shape_cast %mul3A_313 : vector<16xf32> to vector<1x16xf32>
        tpu.vector_store %arg14[%swap3A_314, %swap3A_315], %swap3A_318 {strides = array<i32>} : memref<128x128xf32, #tpu.memory_space<vmem>>, vector<1x16xf32>,
        %get3A_319 = arith.index_cast %add3A_308 : i32 to index
        %get3A_320 = arith.constant 16 : index
        %get3A_321 = tpu.vector_load %arg14[%get3A_319, %get3A_320] {strides = array<i32>} : memref<128x128xf32, #tpu.memory_space<vmem>>, vector<1x16xf32>,
        %get3A_322 = vector.shape_cast %get3A_321 : vector<1x16xf32> to vector<16xf32>
        %mul3A_323 = arith.mulf %get3A_322, %gather3A_304 : vector<16xf32>
        %swap3A_324 = arith.index_cast %add3A_308 : i32 to index
        %swap3A_325 = arith.constant 16 : index
        %swap3A_326 = tpu.vector_load %arg14[%swap3A_324, %swap3A_325] {strides = array<i32>} : memref<128x128xf32, #tpu.memory_space<vmem>>, vector<1x16xf32>,
        %swap3A_327 = vector.shape_cast %swap3A_326 : vector<1x16xf32> to vector<16xf32>
        %swap3A_328 = vector.shape_cast %mul3A_323 : vector<16xf32> to vector<1x16xf32>
        tpu.vector_store %arg14[%swap3A_324, %swap3A_325], %swap3A_328 {strides = array<i32>} : memref<128x128xf32, #tpu.memory_space<vmem>>, vector<1x16xf32>,
        %get3A_329 = arith.index_cast %add3A_308 : i32 to index
        %get3A_330 = arith.constant 32 : index
        %get3A_331 = tpu.vector_load %arg14[%get3A_329, %get3A_330] {strides = array<i32>} : memref<128x128xf32, #tpu.memory_space<vmem>>, vector<1x16xf32>,
        %get3A_332 = vector.shape_cast %get3A_331 : vector<1x16xf32> to vector<16xf32>
        %mul3A_333 = arith.mulf %get3A_332, %gather3A_304 : vector<16xf32>
        %swap3A_334 = arith.index_cast %add3A_308 : i32 to index
        %swap3A_335 = arith.constant 32 : index
        %swap3A_336 = tpu.vector_load %arg14[%swap3A_334, %swap3A_335] {strides = array<i32>} : memref<128x128xf32, #tpu.memory_space<vmem>>, vector<1x16xf32>,
        %swap3A_337 = vector.shape_cast %swap3A_336 : vector<1x16xf32> to vector<16xf32>
        %swap3A_338 = vector.shape_cast %mul3A_333 : vector<16xf32> to vector<1x16xf32>
        tpu.vector_store %arg14[%swap3A_334, %swap3A_335], %swap3A_338 {strides = array<i32>} : memref<128x128xf32, #tpu.memory_space<vmem>>, vector<1x16xf32>,
        %get3A_339 = arith.index_cast %add3A_308 : i32 to index
        %get3A_340 = arith.constant 48 : index
        %get3A_341 = tpu.vector_load %arg14[%get3A_339, %get3A_340] {strides = array<i32>} : memref<128x128xf32, #tpu.memory_space<vmem>>, vector<1x16xf32>,
        %get3A_342 = vector.shape_cast %get3A_341 : vector<1x16xf32> to vector<16xf32>
        %mul3A_343 = arith.mulf %get3A_342, %gather3A_304 : vector<16xf32>
        %swap3A_344 = arith.index_cast %add3A_308 : i32 to index
        %swap3A_345 = arith.constant 48 : index
        %swap3A_346 = tpu.vector_load %arg14[%swap3A_344, %swap3A_345] {strides = array<i32>} : memref<128x128xf32, #tpu.memory_space<vmem>>, vector<1x16xf32>,
        %swap3A_347 = vector.shape_cast %swap3A_346 : vector<1x16xf32> to vector<16xf32>
        %swap3A_348 = vector.shape_cast %mul3A_343 : vector<16xf32> to vector<1x16xf32>
        tpu.vector_store %arg14[%swap3A_344, %swap3A_345], %swap3A_348 {strides = array<i32>} : memref<128x128xf32, #tpu.memory_space<vmem>>, vector<1x16xf32>,
        %get3A_349 = arith.index_cast %add3A_308 : i32 to index
        %get3A_350 = arith.constant 64 : index
        %get3A_351 = tpu.vector_load %arg14[%get3A_349, %get3A_350] {strides = array<i32>} : memref<128x128xf32, #tpu.memory_space<vmem>>, vector<1x16xf32>,
        %get3A_352 = vector.shape_cast %get3A_351 : vector<1x16xf32> to vector<16xf32>
        %mul3A_353 = arith.mulf %get3A_352, %gather3A_304 : vector<16xf32>
        %swap3A_354 = arith.index_cast %add3A_308 : i32 to index
        %swap3A_355 = arith.constant 64 : index
        %swap3A_356 = tpu.vector_load %arg14[%swap3A_354, %swap3A_355] {strides = array<i32>} : memref<128x128xf32, #tpu.memory_space<vmem>>, vector<1x16xf32>,
        %swap3A_357 = vector.shape_cast %swap3A_356 : vector<1x16xf32> to vector<16xf32>
        %swap3A_358 = vector.shape_cast %mul3A_353 : vector<16xf32> to vector<1x16xf32>
        tpu.vector_store %arg14[%swap3A_354, %swap3A_355], %swap3A_358 {strides = array<i32>} : memref<128x128xf32, #tpu.memory_space<vmem>>, vector<1x16xf32>,
        %get3A_359 = arith.index_cast %add3A_308 : i32 to index
        %get3A_360 = arith.constant 80 : index
        %get3A_361 = tpu.vector_load %arg14[%get3A_359, %get3A_360] {strides = array<i32>} : memref<128x128xf32, #tpu.memory_space<vmem>>, vector<1x16xf32>,
        %get3A_362 = vector.shape_cast %get3A_361 : vector<1x16xf32> to vector<16xf32>
        %mul3A_363 = arith.mulf %get3A_362, %gather3A_304 : vector<16xf32>
        %swap3A_364 = arith.index_cast %add3A_308 : i32 to index
        %swap3A_365 = arith.constant 80 : index
        %swap3A_366 = tpu.vector_load %arg14[%swap3A_364, %swap3A_365] {strides = array<i32>} : memref<128x128xf32, #tpu.memory_space<vmem>>, vector<1x16xf32>,
        %swap3A_367 = vector.shape_cast %swap3A_366 : vector<1x16xf32> to vector<16xf32>
        %swap3A_368 = vector.shape_cast %mul3A_363 : vector<16xf32> to vector<1x16xf32>
        tpu.vector_store %arg14[%swap3A_364, %swap3A_365], %swap3A_368 {strides = array<i32>} : memref<128x128xf32, #tpu.memory_space<vmem>>, vector<1x16xf32>,
        %get3A_369 = arith.index_cast %add3A_308 : i32 to index
        %get3A_370 = arith.constant 96 : index
        %get3A_371 = tpu.vector_load %arg14[%get3A_369, %get3A_370] {strides = array<i32>} : memref<128x128xf32, #tpu.memory_space<vmem>>, vector<1x16xf32>,
        %get3A_372 = vector.shape_cast %get3A_371 : vector<1x16xf32> to vector<16xf32>
        %mul3A_373 = arith.mulf %get3A_372, %gather3A_304 : vector<16xf32>
        %swap3A_374 = arith.index_cast %add3A_308 : i32 to index
        %swap3A_375 = arith.constant 96 : index
        %swap3A_376 = tpu.vector_load %arg14[%swap3A_374, %swap3A_375] {strides = array<i32>} : memref<128x128xf32, #tpu.memory_space<vmem>>, vector<1x16xf32>,
        %swap3A_377 = vector.shape_cast %swap3A_376 : vector<1x16xf32> to vector<16xf32>
        %swap3A_378 = vector.shape_cast %mul3A_373 : vector<16xf32> to vector<1x16xf32>
        tpu.vector_store %arg14[%swap3A_374, %swap3A_375], %swap3A_378 {strides = array<i32>} : memref<128x128xf32, #tpu.memory_space<vmem>>, vector<1x16xf32>,
        %get3A_379 = arith.index_cast %add3A_308 : i32 to index
        %get3A_380 = arith.constant 112 : index
        %get3A_381 = tpu.vector_load %arg14[%get3A_379, %get3A_380] {strides = array<i32>} : memref<128x128xf32, #tpu.memory_space<vmem>>, vector<1x16xf32>,
        %get3A_382 = vector.shape_cast %get3A_381 : vector<1x16xf32> to vector<16xf32>
        %mul3A_383 = arith.mulf %get3A_382, %gather3A_304 : vector<16xf32>
        %swap3A_384 = arith.index_cast %add3A_308 : i32 to index
        %swap3A_385 = arith.constant 112 : index
        %swap3A_386 = tpu.vector_load %arg14[%swap3A_384, %swap3A_385] {strides = array<i32>} : memref<128x128xf32, #tpu.memory_space<vmem>>, vector<1x16xf32>,
        %swap3A_387 = vector.shape_cast %swap3A_386 : vector<1x16xf32> to vector<16xf32>
        %swap3A_388 = vector.shape_cast %mul3A_383 : vector<16xf32> to vector<1x16xf32>
        tpu.vector_store %arg14[%swap3A_384, %swap3A_385], %swap3A_388 {strides = array<i32>} : memref<128x128xf32, #tpu.memory_space<vmem>>, vector<1x16xf32>,
        %lt3A_389 = arith.constant 0 : i32
        %lt3A_390 = vector.broadcast %lt3A_389 : i32 to vector<16xi32>
        %lt3A_391 = arith.cmpi slt, %broadcast_in_dim3A_25, %lt3A_390 : vector<16xi32>
        %add3A_392 = arith.constant 16 : i32
        %add3A_393 = vector.broadcast %add3A_392 : i32 to vector<16xi32>
        %add3A_394 = arith.addi %broadcast_in_dim3A_25, %add3A_393 : vector<16xi32>
        %select_n3A_395 = arith.select %lt3A_391, %add3A_394, %broadcast_in_dim3A_25 : vector<16xi1>, vector<16xi32>
        %broadcast_in_dim3A_396 = vector.shape_cast %select_n3A_395 : vector<16xi32> to vector<16x1xi32>
        %gather3A_397 = vector.shape_cast %broadcast_in_dim3A_396 : vector<16x1xi32> to vector<16xi32>
        %gather3A_398 = tpu.dynamic_gather %get3A_297[%gather3A_397] in [0] : vector<16xf32>, vector<16xi32> -> vector<16xf32>
        %mul3A_399 = arith.constant 16 : i32
        %mul3A_400 = arith.muli %scan3A_291, %mul3A_399 : i32
        %add3A_401 = arith.constant 1 : i32
        %add3A_402 = arith.addi %mul3A_400, %add3A_401 : i32
        %get3A_403 = arith.index_cast %add3A_402 : i32 to index
        %get3A_404 = arith.constant 0 : index
        %get3A_405 = tpu.vector_load %arg14[%get3A_403, %get3A_404] {strides = array<i32>} : memref<128x128xf32, #tpu.memory_space<vmem>>, vector<1x16xf32>,
        %get3A_406 = vector.shape_cast %get3A_405 : vector<1x16xf32> to vector<16xf32>
        %mul3A_407 = arith.mulf %get3A_406, %gather3A_398 : vector<16xf32>
        %swap3A_408 = arith.index_cast %add3A_402 : i32 to index
        %swap3A_409 = arith.constant 0 : index
        %swap3A_410 = tpu.vector_load %arg14[%swap3A_408, %swap3A_409] {strides = array<i32>} : memref<128x128xf32, #tpu.memory_space<vmem>>, vector<1x16xf32>,
        %swap3A_411 = vector.shape_cast %swap3A_410 : vector<1x16xf32> to vector<16xf32>
        %swap3A_412 = vector.shape_cast %mul3A_407 : vector<16xf32> to vector<1x16xf32>
        tpu.vector_store %arg14[%swap3A_408, %swap3A_409], %swap3A_412 {strides = array<i32>} : memref<128x128xf32, #tpu.memory_space<vmem>>, vector<1x16xf32>,
        %get3A_413 = arith.index_cast %add3A_402 : i32 to index
        %get3A_414 = arith.constant 16 : index
        %get3A_415 = tpu.vector_load %arg14[%get3A_413, %get3A_414] {strides = array<i32>} : memref<128x128xf32, #tpu.memory_space<vmem>>, vector<1x16xf32>,
        %get3A_416 = vector.shape_cast %get3A_415 : vector<1x16xf32> to vector<16xf32>
        %mul3A_417 = arith.mulf %get3A_416, %gather3A_398 : vector<16xf32>
        %swap3A_418 = arith.index_cast %add3A_402 : i32 to index
        %swap3A_419 = arith.constant 16 : index
        %swap3A_420 = tpu.vector_load %arg14[%swap3A_418, %swap3A_419] {strides = array<i32>} : memref<128x128xf32, #tpu.memory_space<vmem>>, vector<1x16xf32>,
        %swap3A_421 = vector.shape_cast %swap3A_420 : vector<1x16xf32> to vector<16xf32>
        %swap3A_422 = vector.shape_cast %mul3A_417 : vector<16xf32> to vector<1x16xf32>
        tpu.vector_store %arg14[%swap3A_418, %swap3A_419], %swap3A_422 {strides = array<i32>} : memref<128x128xf32, #tpu.memory_space<vmem>>, vector<1x16xf32>,
        %get3A_423 = arith.index_cast %add3A_402 : i32 to index
        %get3A_424 = arith.constant 32 : index
        %get3A_425 = tpu.vector_load %arg14[%get3A_423, %get3A_424] {strides = array<i32>} : memref<128x128xf32, #tpu.memory_space<vmem>>, vector<1x16xf32>,
        %get3A_426 = vector.shape_cast %get3A_425 : vector<1x16xf32> to vector<16xf32>
        %mul3A_427 = arith.mulf %get3A_426, %gather3A_398 : vector<16xf32>
        %swap3A_428 = arith.index_cast %add3A_402 : i32 to index
        %swap3A_429 = arith.constant 32 : index
        %swap3A_430 = tpu.vector_load %arg14[%swap3A_428, %swap3A_429] {strides = array<i32>} : memref<128x128xf32, #tpu.memory_space<vmem>>, vector<1x16xf32>,
        %swap3A_431 = vector.shape_cast %swap3A_430 : vector<1x16xf32> to vector<16xf32>
        %swap3A_432 = vector.shape_cast %mul3A_427 : vector<16xf32> to vector<1x16xf32>
        tpu.vector_store %arg14[%swap3A_428, %swap3A_429], %swap3A_432 {strides = array<i32>} : memref<128x128xf32, #tpu.memory_space<vmem>>, vector<1x16xf32>,
        %get3A_433 = arith.index_cast %add3A_402 : i32 to index
        %get3A_434 = arith.constant 48 : index
        %get3A_435 = tpu.vector_load %arg14[%get3A_433, %get3A_434] {strides = array<i32>} : memref<128x128xf32, #tpu.memory_space<vmem>>, vector<1x16xf32>,
        %get3A_436 = vector.shape_cast %get3A_435 : vector<1x16xf32> to vector<16xf32>
        %mul3A_437 = arith.mulf %get3A_436, %gather3A_398 : vector<16xf32>
        %swap3A_438 = arith.index_cast %add3A_402 : i32 to index
        %swap3A_439 = arith.constant 48 : index
        %swap3A_440 = tpu.vector_load %arg14[%swap3A_438, %swap3A_439] {strides = array<i32>} : memref<128x128xf32, #tpu.memory_space<vmem>>, vector<1x16xf32>,
        %swap3A_441 = vector.shape_cast %swap3A_440 : vector<1x16xf32> to vector<16xf32>
        %swap3A_442 = vector.shape_cast %mul3A_437 : vector<16xf32> to vector<1x16xf32>
        tpu.vector_store %arg14[%swap3A_438, %swap3A_439], %swap3A_442 {strides = array<i32>} : memref<128x128xf32, #tpu.memory_space<vmem>>, vector<1x16xf32>,
        %get3A_443 = arith.index_cast %add3A_402 : i32 to index
        %get3A_444 = arith.constant 64 : index
        %get3A_445 = tpu.vector_load %arg14[%get3A_443, %get3A_444] {strides = array<i32>} : memref<128x128xf32, #tpu.memory_space<vmem>>, vector<1x16xf32>,
        %get3A_446 = vector.shape_cast %get3A_445 : vector<1x16xf32> to vector<16xf32>
        %mul3A_447 = arith.mulf %get3A_446, %gather3A_398 : vector<16xf32>
        %swap3A_448 = arith.index_cast %add3A_402 : i32 to index
        %swap3A_449 = arith.constant 64 : index
        %swap3A_450 = tpu.vector_load %arg14[%swap3A_448, %swap3A_449] {strides = array<i32>} : memref<128x128xf32, #tpu.memory_space<vmem>>, vector<1x16xf32>,
        %swap3A_451 = vector.shape_cast %swap3A_450 : vector<1x16xf32> to vector<16xf32>
        %swap3A_452 = vector.shape_cast %mul3A_447 : vector<16xf32> to vector<1x16xf32>
        tpu.vector_store %arg14[%swap3A_448, %swap3A_449], %swap3A_452 {strides = array<i32>} : memref<128x128xf32, #tpu.memory_space<vmem>>, vector<1x16xf32>,
        %get3A_453 = arith.index_cast %add3A_402 : i32 to index
        %get3A_454 = arith.constant 80 : index
        %get3A_455 = tpu.vector_load %arg14[%get3A_453, %get3A_454] {strides = array<i32>} : memref<128x128xf32, #tpu.memory_space<vmem>>, vector<1x16xf32>,
        %get3A_456 = vector.shape_cast %get3A_455 : vector<1x16xf32> to vector<16xf32>
        %mul3A_457 = arith.mulf %get3A_456, %gather3A_398 : vector<16xf32>
        %swap3A_458 = arith.index_cast %add3A_402 : i32 to index
        %swap3A_459 = arith.constant 80 : index
        %swap3A_460 = tpu.vector_load %arg14[%swap3A_458, %swap3A_459] {strides = array<i32>} : memref<128x128xf32, #tpu.memory_space<vmem>>, vector<1x16xf32>,
        %swap3A_461 = vector.shape_cast %swap3A_460 : vector<1x16xf32> to vector<16xf32>
        %swap3A_462 = vector.shape_cast %mul3A_457 : vector<16xf32> to vector<1x16xf32>
        tpu.vector_store %arg14[%swap3A_458, %swap3A_459], %swap3A_462 {strides = array<i32>} : memref<128x128xf32, #tpu.memory_space<vmem>>, vector<1x16xf32>,
        %get3A_463 = arith.index_cast %add3A_402 : i32 to index
        %get3A_464 = arith.constant 96 : index
        %get3A_465 = tpu.vector_load %arg14[%get3A_463, %get3A_464] {strides = array<i32>} : memref<128x128xf32, #tpu.memory_space<vmem>>, vector<1x16xf32>,
        %get3A_466 = vector.shape_cast %get3A_465 : vector<1x16xf32> to vector<16xf32>
        %mul3A_467 = arith.mulf %get3A_466, %gather3A_398 : vector<16xf32>
        %swap3A_468 = arith.index_cast %add3A_402 : i32 to index
        %swap3A_469 = arith.constant 96 : index
        %swap3A_470 = tpu.vector_load %arg14[%swap3A_468, %swap3A_469] {strides = array<i32>} : memref<128x128xf32, #tpu.memory_space<vmem>>, vector<1x16xf32>,
        %swap3A_471 = vector.shape_cast %swap3A_470 : vector<1x16xf32> to vector<16xf32>
        %swap3A_472 = vector.shape_cast %mul3A_467 : vector<16xf32> to vector<1x16xf32>
        tpu.vector_store %arg14[%swap3A_468, %swap3A_469], %swap3A_472 {strides = array<i32>} : memref<128x128xf32, #tpu.memory_space<vmem>>, vector<1x16xf32>,
        %get3A_473 = arith.index_cast %add3A_402 : i32 to index
        %get3A_474 = arith.constant 112 : index
        %get3A_475 = tpu.vector_load %arg14[%get3A_473, %get3A_474] {strides = array<i32>} : memref<128x128xf32, #tpu.memory_space<vmem>>, vector<1x16xf32>,
        %get3A_476 = vector.shape_cast %get3A_475 : vector<1x16xf32> to vector<16xf32>
        %mul3A_477 = arith.mulf %get3A_476, %gather3A_398 : vector<16xf32>
        %swap3A_478 = arith.index_cast %add3A_402 : i32 to index
        %swap3A_479 = arith.constant 112 : index
        %swap3A_480 = tpu.vector_load %arg14[%swap3A_478, %swap3A_479] {strides = array<i32>} : memref<128x128xf32, #tpu.memory_space<vmem>>, vector<1x16xf32>,
        %swap3A_481 = vector.shape_cast %swap3A_480 : vector<1x16xf32> to vector<16xf32>
        %swap3A_482 = vector.shape_cast %mul3A_477 : vector<16xf32> to vector<1x16xf32>
        tpu.vector_store %arg14[%swap3A_478, %swap3A_479], %swap3A_482 {strides = array<i32>} : memref<128x128xf32, #tpu.memory_space<vmem>>, vector<1x16xf32>,
        %lt3A_483 = arith.constant 0 : i32
        %lt3A_484 = vector.broadcast %lt3A_483 : i32 to vector<16xi32>
        %lt3A_485 = arith.cmpi slt, %broadcast_in_dim3A_27, %lt3A_484 : vector<16xi32>
        %add3A_486 = arith.constant 16 : i32
        %add3A_487 = vector.broadcast %add3A_486 : i32 to vector<16xi32>
        %add3A_488 = arith.addi %broadcast_in_dim3A_27, %add3A_487 : vector<16xi32>
        %select_n3A_489 = arith.select %lt3A_485, %add3A_488, %broadcast_in_dim3A_27 : vector<16xi1>, vector<16xi32>
        %broadcast_in_dim3A_490 = vector.shape_cast %select_n3A_489 : vector<16xi32> to vector<16x1xi32>
        %gather3A_491 = vector.shape_cast %broadcast_in_dim3A_490 : vector<16x1xi32> to vector<16xi32>
        %gather3A_492 = tpu.dynamic_gather %get3A_297[%gather3A_491] in [0] : vector<16xf32>, vector<16xi32> -> vector<16xf32>
        %mul3A_493 = arith.constant 16 : i32
        %mul3A_494 = arith.muli %scan3A_291, %mul3A_493 : i32
        %add3A_495 = arith.constant 2 : i32
        %add3A_496 = arith.addi %mul3A_494, %add3A_495 : i32
        %get3A_497 = arith.index_cast %add3A_496 : i32 to index
        %get3A_498 = arith.constant 0 : index
        %get3A_499 = tpu.vector_load %arg14[%get3A_497, %get3A_498] {strides = array<i32>} : memref<128x128xf32, #tpu.memory_space<vmem>>, vector<1x16xf32>,
        %get3A_500 = vector.shape_cast %get3A_499 : vector<1x16xf32> to vector<16xf32>
        %mul3A_501 = arith.mulf %get3A_500, %gather3A_492 : vector<16xf32>
        %swap3A_502 = arith.index_cast %add3A_496 : i32 to index
        %swap3A_503 = arith.constant 0 : index
        %swap3A_504 = tpu.vector_load %arg14[%swap3A_502, %swap3A_503] {strides = array<i32>} : memref<128x128xf32, #tpu.memory_space<vmem>>, vector<1x16xf32>,
        %swap3A_505 = vector.shape_cast %swap3A_504 : vector<1x16xf32> to vector<16xf32>
        %swap3A_506 = vector.shape_cast %mul3A_501 : vector<16xf32> to vector<1x16xf32>
        tpu.vector_store %arg14[%swap3A_502, %swap3A_503], %swap3A_506 {strides = array<i32>} : memref<128x128xf32, #tpu.memory_space<vmem>>, vector<1x16xf32>,
        %get3A_507 = arith.index_cast %add3A_496 : i32 to index
        %get3A_508 = arith.constant 16 : index
        %get3A_509 = tpu.vector_load %arg14[%get3A_507, %get3A_508] {strides = array<i32>} : memref<128x128xf32, #tpu.memory_space<vmem>>, vector<1x16xf32>,
        %get3A_510 = vector.shape_cast %get3A_509 : vector<1x16xf32> to vector<16xf32>
        %mul3A_511 = arith.mulf %get3A_510, %gather3A_492 : vector<16xf32>
        %swap3A_512 = arith.index_cast %add3A_496 : i32 to index
        %swap3A_513 = arith.constant 16 : index
        %swap3A_514 = tpu.vector_load %arg14[%swap3A_512, %swap3A_513] {strides = array<i32>} : memref<128x128xf32, #tpu.memory_space<vmem>>, vector<1x16xf32>,
        %swap3A_515 = vector.shape_cast %swap3A_514 : vector<1x16xf32> to vector<16xf32>
        %swap3A_516 = vector.shape_cast %mul3A_511 : vector<16xf32> to vector<1x16xf32>
        tpu.vector_store %arg14[%swap3A_512, %swap3A_513], %swap3A_516 {strides = array<i32>} : memref<128x128xf32, #tpu.memory_space<vmem>>, vector<1x16xf32>,
        %get3A_517 = arith.index_cast %add3A_496 : i32 to index
        %get3A_518 = arith.constant 32 : index
        %get3A_519 = tpu.vector_load %arg14[%get3A_517, %get3A_518] {strides = array<i32>} : memref<128x128xf32, #tpu.memory_space<vmem>>, vector<1x16xf32>,
        %get3A_520 = vector.shape_cast %get3A_519 : vector<1x16xf32> to vector<16xf32>
        %mul3A_521 = arith.mulf %get3A_520, %gather3A_492 : vector<16xf32>
        %swap3A_522 = arith.index_cast %add3A_496 : i32 to index
        %swap3A_523 = arith.constant 32 : index
        %swap3A_524 = tpu.vector_load %arg14[%swap3A_522, %swap3A_523] {strides = array<i32>} : memref<128x128xf32, #tpu.memory_space<vmem>>, vector<1x16xf32>,
        %swap3A_525 = vector.shape_cast %swap3A_524 : vector<1x16xf32> to vector<16xf32>
        %swap3A_526 = vector.shape_cast %mul3A_521 : vector<16xf32> to vector<1x16xf32>
        tpu.vector_store %arg14[%swap3A_522, %swap3A_523], %swap3A_526 {strides = array<i32>} : memref<128x128xf32, #tpu.memory_space<vmem>>, vector<1x16xf32>,
        %get3A_527 = arith.index_cast %add3A_496 : i32 to index
        %get3A_528 = arith.constant 48 : index
        %get3A_529 = tpu.vector_load %arg14[%get3A_527, %get3A_528] {strides = array<i32>} : memref<128x128xf32, #tpu.memory_space<vmem>>, vector<1x16xf32>,
        %get3A_530 = vector.shape_cast %get3A_529 : vector<1x16xf32> to vector<16xf32>
        %mul3A_531 = arith.mulf %get3A_530, %gather3A_492 : vector<16xf32>
        %swap3A_532 = arith.index_cast %add3A_496 : i32 to index
        %swap3A_533 = arith.constant 48 : index
        %swap3A_534 = tpu.vector_load %arg14[%swap3A_532, %swap3A_533] {strides = array<i32>} : memref<128x128xf32, #tpu.memory_space<vmem>>, vector<1x16xf32>,
        %swap3A_535 = vector.shape_cast %swap3A_534 : vector<1x16xf32> to vector<16xf32>
        %swap3A_536 = vector.shape_cast %mul3A_531 : vector<16xf32> to vector<1x16xf32>
        tpu.vector_store %arg14[%swap3A_532, %swap3A_533], %swap3A_536 {strides = array<i32>} : memref<128x128xf32, #tpu.memory_space<vmem>>, vector<1x16xf32>,
        %get3A_537 = arith.index_cast %add3A_496 : i32 to index
        %get3A_538 = arith.constant 64 : index
        %get3A_539 = tpu.vector_load %arg14[%get3A_537, %get3A_538] {strides = array<i32>} : memref<128x128xf32, #tpu.memory_space<vmem>>, vector<1x16xf32>,
        %get3A_540 = vector.shape_cast %get3A_539 : vector<1x16xf32> to vector<16xf32>
        %mul3A_541 = arith.mulf %get3A_540, %gather3A_492 : vector<16xf32>
        %swap3A_542 = arith.index_cast %add3A_496 : i32 to index
        %swap3A_543 = arith.constant 64 : index
        %swap3A_544 = tpu.vector_load %arg14[%swap3A_542, %swap3A_543] {strides = array<i32>} : memref<128x128xf32, #tpu.memory_space<vmem>>, vector<1x16xf32>,
        %swap3A_545 = vector.shape_cast %swap3A_544 : vector<1x16xf32> to vector<16xf32>
        %swap3A_546 = vector.shape_cast %mul3A_541 : vector<16xf32> to vector<1x16xf32>
        tpu.vector_store %arg14[%swap3A_542, %swap3A_543], %swap3A_546 {strides = array<i32>} : memref<128x128xf32, #tpu.memory_space<vmem>>, vector<1x16xf32>,
        %get3A_547 = arith.index_cast %add3A_496 : i32 to index
        %get3A_548 = arith.constant 80 : index
        %get3A_549 = tpu.vector_load %arg14[%get3A_547, %get3A_548] {strides = array<i32>} : memref<128x128xf32, #tpu.memory_space<vmem>>, vector<1x16xf32>,
        %get3A_550 = vector.shape_cast %get3A_549 : vector<1x16xf32> to vector<16xf32>
        %mul3A_551 = arith.mulf %get3A_550, %gather3A_492 : vector<16xf32>
        %swap3A_552 = arith.index_cast %add3A_496 : i32 to index
        %swap3A_553 = arith.constant 80 : index
        %swap3A_554 = tpu.vector_load %arg14[%swap3A_552, %swap3A_553] {strides = array<i32>} : memref<128x128xf32, #tpu.memory_space<vmem>>, vector<1x16xf32>,
        %swap3A_555 = vector.shape_cast %swap3A_554 : vector<1x16xf32> to vector<16xf32>
        %swap3A_556 = vector.shape_cast %mul3A_551 : vector<16xf32> to vector<1x16xf32>
        tpu.vector_store %arg14[%swap3A_552, %swap3A_553], %swap3A_556 {strides = array<i32>} : memref<128x128xf32, #tpu.memory_space<vmem>>, vector<1x16xf32>,
        %get3A_557 = arith.index_cast %add3A_496 : i32 to index
        %get3A_558 = arith.constant 96 : index
        %get3A_559 = tpu.vector_load %arg14[%get3A_557, %get3A_558] {strides = array<i32>} : memref<128x128xf32, #tpu.memory_space<vmem>>, vector<1x16xf32>,
        %get3A_560 = vector.shape_cast %get3A_559 : vector<1x16xf32> to vector<16xf32>
        %mul3A_561 = arith.mulf %get3A_560, %gather3A_492 : vector<16xf32>
        %swap3A_562 = arith.index_cast %add3A_496 : i32 to index
        %swap3A_563 = arith.constant 96 : index
        %swap3A_564 = tpu.vector_load %arg14[%swap3A_562, %swap3A_563] {strides = array<i32>} : memref<128x128xf32, #tpu.memory_space<vmem>>, vector<1x16xf32>,
        %swap3A_565 = vector.shape_cast %swap3A_564 : vector<1x16xf32> to vector<16xf32>
        %swap3A_566 = vector.shape_cast %mul3A_561 : vector<16xf32> to vector<1x16xf32>
        tpu.vector_store %arg14[%swap3A_562, %swap3A_563], %swap3A_566 {strides = array<i32>} : memref<128x128xf32, #tpu.memory_space<vmem>>, vector<1x16xf32>,
        %get3A_567 = arith.index_cast %add3A_496 : i32 to index
        %get3A_568 = arith.constant 112 : index
        %get3A_569 = tpu.vector_load %arg14[%get3A_567, %get3A_568] {strides = array<i32>} : memref<128x128xf32, #tpu.memory_space<vmem>>, vector<1x16xf32>,
        %get3A_570 = vector.shape_cast %get3A_569 : vector<1x16xf32> to vector<16xf32>
        %mul3A_571 = arith.mulf %get3A_570, %gather3A_492 : vector<16xf32>
        %swap3A_572 = arith.index_cast %add3A_496 : i32 to index
        %swap3A_573 = arith.constant 112 : index
        %swap3A_574 = tpu.vector_load %arg14[%swap3A_572, %swap3A_573] {strides = array<i32>} : memref<128x128xf32, #tpu.memory_space<vmem>>, vector<1x16xf32>,
        %swap3A_575 = vector.shape_cast %swap3A_574 : vector<1x16xf32> to vector<16xf32>
        %swap3A_576 = vector.shape_cast %mul3A_571 : vector<16xf32> to vector<1x16xf32>
        tpu.vector_store %arg14[%swap3A_572, %swap3A_573], %swap3A_576 {strides = array<i32>} : memref<128x128xf32, #tpu.memory_space<vmem>>, vector<1x16xf32>,
        %lt3A_577 = arith.constant 0 : i32
        %lt3A_578 = vector.broadcast %lt3A_577 : i32 to vector<16xi32>
        %lt3A_579 = arith.cmpi slt, %broadcast_in_dim3A_29, %lt3A_578 : vector<16xi32>
        %add3A_580 = arith.constant 16 : i32
        %add3A_581 = vector.broadcast %add3A_580 : i32 to vector<16xi32>
        %add3A_582 = arith.addi %broadcast_in_dim3A_29, %add3A_581 : vector<16xi32>
        %select_n3A_583 = arith.select %lt3A_579, %add3A_582, %broadcast_in_dim3A_29 : vector<16xi1>, vector<16xi32>
        %broadcast_in_dim3A_584 = vector.shape_cast %select_n3A_583 : vector<16xi32> to vector<16x1xi32>
        %gather3A_585 = vector.shape_cast %broadcast_in_dim3A_584 : vector<16x1xi32> to vector<16xi32>
        %gather3A_586 = tpu.dynamic_gather %get3A_297[%gather3A_585] in [0] : vector<16xf32>, vector<16xi32> -> vector<16xf32>
        %mul3A_587 = arith.constant 16 : i32
        %mul3A_588 = arith.muli %scan3A_291, %mul3A_587 : i32
        %add3A_589 = arith.constant 3 : i32
        %add3A_590 = arith.addi %mul3A_588, %add3A_589 : i32
        %get3A_591 = arith.index_cast %add3A_590 : i32 to index
        %get3A_592 = arith.constant 0 : index
        %get3A_593 = tpu.vector_load %arg14[%get3A_591, %get3A_592] {strides = array<i32>} : memref<128x128xf32, #tpu.memory_space<vmem>>, vector<1x16xf32>,
        %get3A_594 = vector.shape_cast %get3A_593 : vector<1x16xf32> to vector<16xf32>
        %mul3A_595 = arith.mulf %get3A_594, %gather3A_586 : vector<16xf32>
        %swap3A_596 = arith.index_cast %add3A_590 : i32 to index
        %swap3A_597 = arith.constant 0 : index
        %swap3A_598 = tpu.vector_load %arg14[%swap3A_596, %swap3A_597] {strides = array<i32>} : memref<128x128xf32, #tpu.memory_space<vmem>>, vector<1x16xf32>,
        %swap3A_599 = vector.shape_cast %swap3A_598 : vector<1x16xf32> to vector<16xf32>
        %swap3A_600 = vector.shape_cast %mul3A_595 : vector<16xf32> to vector<1x16xf32>
        tpu.vector_store %arg14[%swap3A_596, %swap3A_597], %swap3A_600 {strides = array<i32>} : memref<128x128xf32, #tpu.memory_space<vmem>>, vector<1x16xf32>,
        %get3A_601 = arith.index_cast %add3A_590 : i32 to index
        %get3A_602 = arith.constant 16 : index
        %get3A_603 = tpu.vector_load %arg14[%get3A_601, %get3A_602] {strides = array<i32>} : memref<128x128xf32, #tpu.memory_space<vmem>>, vector<1x16xf32>,
        %get3A_604 = vector.shape_cast %get3A_603 : vector<1x16xf32> to vector<16xf32>
        %mul3A_605 = arith.mulf %get3A_604, %gather3A_586 : vector<16xf32>
        %swap3A_606 = arith.index_cast %add3A_590 : i32 to index
        %swap3A_607 = arith.constant 16 : index
        %swap3A_608 = tpu.vector_load %arg14[%swap3A_606, %swap3A_607] {strides = array<i32>} : memref<128x128xf32, #tpu.memory_space<vmem>>, vector<1x16xf32>,
        %swap3A_609 = vector.shape_cast %swap3A_608 : vector<1x16xf32> to vector<16xf32>
        %swap3A_610 = vector.shape_cast %mul3A_605 : vector<16xf32> to vector<1x16xf32>
        tpu.vector_store %arg14[%swap3A_606, %swap3A_607], %swap3A_610 {strides = array<i32>} : memref<128x128xf32, #tpu.memory_space<vmem>>, vector<1x16xf32>,
        %get3A_611 = arith.index_cast %add3A_590 : i32 to index
        %get3A_612 = arith.constant 32 : index
        %get3A_613 = tpu.vector_load %arg14[%get3A_611, %get3A_612] {strides = array<i32>} : memref<128x128xf32, #tpu.memory_space<vmem>>, vector<1x16xf32>,
        %get3A_614 = vector.shape_cast %get3A_613 : vector<1x16xf32> to vector<16xf32>
        %mul3A_615 = arith.mulf %get3A_614, %gather3A_586 : vector<16xf32>
        %swap3A_616 = arith.index_cast %add3A_590 : i32 to index
        %swap3A_617 = arith.constant 32 : index
        %swap3A_618 = tpu.vector_load %arg14[%swap3A_616, %swap3A_617] {strides = array<i32>} : memref<128x128xf32, #tpu.memory_space<vmem>>, vector<1x16xf32>,
        %swap3A_619 = vector.shape_cast %swap3A_618 : vector<1x16xf32> to vector<16xf32>
        %swap3A_620 = vector.shape_cast %mul3A_615 : vector<16xf32> to vector<1x16xf32>
        tpu.vector_store %arg14[%swap3A_616, %swap3A_617], %swap3A_620 {strides = array<i32>} : memref<128x128xf32, #tpu.memory_space<vmem>>, vector<1x16xf32>,
        %get3A_621 = arith.index_cast %add3A_590 : i32 to index
        %get3A_622 = arith.constant 48 : index
        %get3A_623 = tpu.vector_load %arg14[%get3A_621, %get3A_622] {strides = array<i32>} : memref<128x128xf32, #tpu.memory_space<vmem>>, vector<1x16xf32>,
        %get3A_624 = vector.shape_cast %get3A_623 : vector<1x16xf32> to vector<16xf32>
        %mul3A_625 = arith.mulf %get3A_624, %gather3A_586 : vector<16xf32>
        %swap3A_626 = arith.index_cast %add3A_590 : i32 to index
        %swap3A_627 = arith.constant 48 : index
        %swap3A_628 = tpu.vector_load %arg14[%swap3A_626, %swap3A_627] {strides = array<i32>} : memref<128x128xf32, #tpu.memory_space<vmem>>, vector<1x16xf32>,
        %swap3A_629 = vector.shape_cast %swap3A_628 : vector<1x16xf32> to vector<16xf32>
        %swap3A_630 = vector.shape_cast %mul3A_625 : vector<16xf32> to vector<1x16xf32>
        tpu.vector_store %arg14[%swap3A_626, %swap3A_627], %swap3A_630 {strides = array<i32>} : memref<128x128xf32, #tpu.memory_space<vmem>>, vector<1x16xf32>,
        %get3A_631 = arith.index_cast %add3A_590 : i32 to index
        %get3A_632 = arith.constant 64 : index
        %get3A_633 = tpu.vector_load %arg14[%get3A_631, %get3A_632] {strides = array<i32>} : memref<128x128xf32, #tpu.memory_space<vmem>>, vector<1x16xf32>,
        %get3A_634 = vector.shape_cast %get3A_633 : vector<1x16xf32> to vector<16xf32>
        %mul3A_635 = arith.mulf %get3A_634, %gather3A_586 : vector<16xf32>
        %swap3A_636 = arith.index_cast %add3A_590 : i32 to index
        %swap3A_637 = arith.constant 64 : index
        %swap3A_638 = tpu.vector_load %arg14[%swap3A_636, %swap3A_637] {strides = array<i32>} : memref<128x128xf32, #tpu.memory_space<vmem>>, vector<1x16xf32>,
        %swap3A_639 = vector.shape_cast %swap3A_638 : vector<1x16xf32> to vector<16xf32>
        %swap3A_640 = vector.shape_cast %mul3A_635 : vector<16xf32> to vector<1x16xf32>
        tpu.vector_store %arg14[%swap3A_636, %swap3A_637], %swap3A_640 {strides = array<i32>} : memref<128x128xf32, #tpu.memory_space<vmem>>, vector<1x16xf32>,
        %get3A_641 = arith.index_cast %add3A_590 : i32 to index
        %get3A_642 = arith.constant 80 : index
        %get3A_643 = tpu.vector_load %arg14[%get3A_641, %get3A_642] {strides = array<i32>} : memref<128x128xf32, #tpu.memory_space<vmem>>, vector<1x16xf32>,
        %get3A_644 = vector.shape_cast %get3A_643 : vector<1x16xf32> to vector<16xf32>
        %mul3A_645 = arith.mulf %get3A_644, %gather3A_586 : vector<16xf32>
        %swap3A_646 = arith.index_cast %add3A_590 : i32 to index
        %swap3A_647 = arith.constant 80 : index
        %swap3A_648 = tpu.vector_load %arg14[%swap3A_646, %swap3A_647] {strides = array<i32>} : memref<128x128xf32, #tpu.memory_space<vmem>>, vector<1x16xf32>,
        %swap3A_649 = vector.shape_cast %swap3A_648 : vector<1x16xf32> to vector<16xf32>
        %swap3A_650 = vector.shape_cast %mul3A_645 : vector<16xf32> to vector<1x16xf32>
        tpu.vector_store %arg14[%swap3A_646, %swap3A_647], %swap3A_650 {strides = array<i32>} : memref<128x128xf32, #tpu.memory_space<vmem>>, vector<1x16xf32>,
        %get3A_651 = arith.index_cast %add3A_590 : i32 to index
        %get3A_652 = arith.constant 96 : index
        %get3A_653 = tpu.vector_load %arg14[%get3A_651, %get3A_652] {strides = array<i32>} : memref<128x128xf32, #tpu.memory_space<vmem>>, vector<1x16xf32>,
        %get3A_654 = vector.shape_cast %get3A_653 : vector<1x16xf32> to vector<16xf32>
        %mul3A_655 = arith.mulf %get3A_654, %gather3A_586 : vector<16xf32>
        %swap3A_656 = arith.index_cast %add3A_590 : i32 to index
        %swap3A_657 = arith.constant 96 : index
        %swap3A_658 = tpu.vector_load %arg14[%swap3A_656, %swap3A_657] {strides = array<i32>} : memref<128x128xf32, #tpu.memory_space<vmem>>, vector<1x16xf32>,
        %swap3A_659 = vector.shape_cast %swap3A_658 : vector<1x16xf32> to vector<16xf32>
        %swap3A_660 = vector.shape_cast %mul3A_655 : vector<16xf32> to vector<1x16xf32>
        tpu.vector_store %arg14[%swap3A_656, %swap3A_657], %swap3A_660 {strides = array<i32>} : memref<128x128xf32, #tpu.memory_space<vmem>>, vector<1x16xf32>,
        %get3A_661 = arith.index_cast %add3A_590 : i32 to index
        %get3A_662 = arith.constant 112 : index
        %get3A_663 = tpu.vector_load %arg14[%get3A_661, %get3A_662] {strides = array<i32>} : memref<128x128xf32, #tpu.memory_space<vmem>>, vector<1x16xf32>,
        %get3A_664 = vector.shape_cast %get3A_663 : vector<1x16xf32> to vector<16xf32>
        %mul3A_665 = arith.mulf %get3A_664, %gather3A_586 : vector<16xf32>
        %swap3A_666 = arith.index_cast %add3A_590 : i32 to index
        %swap3A_667 = arith.constant 112 : index
        %swap3A_668 = tpu.vector_load %arg14[%swap3A_666, %swap3A_667] {strides = array<i32>} : memref<128x128xf32, #tpu.memory_space<vmem>>, vector<1x16xf32>,
        %swap3A_669 = vector.shape_cast %swap3A_668 : vector<1x16xf32> to vector<16xf32>
        %swap3A_670 = vector.shape_cast %mul3A_665 : vector<16xf32> to vector<1x16xf32>
        tpu.vector_store %arg14[%swap3A_666, %swap3A_667], %swap3A_670 {strides = array<i32>} : memref<128x128xf32, #tpu.memory_space<vmem>>, vector<1x16xf32>,
        %lt3A_671 = arith.constant 0 : i32
        %lt3A_672 = vector.broadcast %lt3A_671 : i32 to vector<16xi32>
        %lt3A_673 = arith.cmpi slt, %broadcast_in_dim3A_31, %lt3A_672 : vector<16xi32>
        %add3A_674 = arith.constant 16 : i32
        %add3A_675 = vector.broadcast %add3A_674 : i32 to vector<16xi32>
        %add3A_676 = arith.addi %broadcast_in_dim3A_31, %add3A_675 : vector<16xi32>
        %select_n3A_677 = arith.select %lt3A_673, %add3A_676, %broadcast_in_dim3A_31 : vector<16xi1>, vector<16xi32>
        %broadcast_in_dim3A_678 = vector.shape_cast %select_n3A_677 : vector<16xi32> to vector<16x1xi32>
        %gather3A_679 = vector.shape_cast %broadcast_in_dim3A_678 : vector<16x1xi32> to vector<16xi32>
        %gather3A_680 = tpu.dynamic_gather %get3A_297[%gather3A_679] in [0] : vector<16xf32>, vector<16xi32> -> vector<16xf32>
        %mul3A_681 = arith.constant 16 : i32
        %mul3A_682 = arith.muli %scan3A_291, %mul3A_681 : i32
        %add3A_683 = arith.constant 4 : i32
        %add3A_684 = arith.addi %mul3A_682, %add3A_683 : i32
        %get3A_685 = arith.index_cast %add3A_684 : i32 to index
        %get3A_686 = arith.constant 0 : index
        %get3A_687 = tpu.vector_load %arg14[%get3A_685, %get3A_686] {strides = array<i32>} : memref<128x128xf32, #tpu.memory_space<vmem>>, vector<1x16xf32>,
        %get3A_688 = vector.shape_cast %get3A_687 : vector<1x16xf32> to vector<16xf32>
        %mul3A_689 = arith.mulf %get3A_688, %gather3A_680 : vector<16xf32>
        %swap3A_690 = arith.index_cast %add3A_684 : i32 to index
        %swap3A_691 = arith.constant 0 : index
        %swap3A_692 = tpu.vector_load %arg14[%swap3A_690, %swap3A_691] {strides = array<i32>} : memref<128x128xf32, #tpu.memory_space<vmem>>, vector<1x16xf32>,
        %swap3A_693 = vector.shape_cast %swap3A_692 : vector<1x16xf32> to vector<16xf32>
        %swap3A_694 = vector.shape_cast %mul3A_689 : vector<16xf32> to vector<1x16xf32>
        tpu.vector_store %arg14[%swap3A_690, %swap3A_691], %swap3A_694 {strides = array<i32>} : memref<128x128xf32, #tpu.memory_space<vmem>>, vector<1x16xf32>,
        %get3A_695 = arith.index_cast %add3A_684 : i32 to index
        %get3A_696 = arith.constant 16 : index
        %get3A_697 = tpu.vector_load %arg14[%get3A_695, %get3A_696] {strides = array<i32>} : memref<128x128xf32, #tpu.memory_space<vmem>>, vector<1x16xf32>,
        %get3A_698 = vector.shape_cast %get3A_697 : vector<1x16xf32> to vector<16xf32>
        %mul3A_699 = arith.mulf %get3A_698, %gather3A_680 : vector<16xf32>
        %swap3A_700 = arith.index_cast %add3A_684 : i32 to index
        %swap3A_701 = arith.constant 16 : index
        %swap3A_702 = tpu.vector_load %arg14[%swap3A_700, %swap3A_701] {strides = array<i32>} : memref<128x128xf32, #tpu.memory_space<vmem>>, vector<1x16xf32>,
        %swap3A_703 = vector.shape_cast %swap3A_702 : vector<1x16xf32> to vector<16xf32>
        %swap3A_704 = vector.shape_cast %mul3A_699 : vector<16xf32> to vector<1x16xf32>
        tpu.vector_store %arg14[%swap3A_700, %swap3A_701], %swap3A_704 {strides = array<i32>} : memref<128x128xf32, #tpu.memory_space<vmem>>, vector<1x16xf32>,
        %get3A_705 = arith.index_cast %add3A_684 : i32 to index
        %get3A_706 = arith.constant 32 : index
        %get3A_707 = tpu.vector_load %arg14[%get3A_705, %get3A_706] {strides = array<i32>} : memref<128x128xf32, #tpu.memory_space<vmem>>, vector<1x16xf32>,
        %get3A_708 = vector.shape_cast %get3A_707 : vector<1x16xf32> to vector<16xf32>
        %mul3A_709 = arith.mulf %get3A_708, %gather3A_680 : vector<16xf32>
        %swap3A_710 = arith.index_cast %add3A_684 : i32 to index
        %swap3A_711 = arith.constant 32 : index
        %swap3A_712 = tpu.vector_load %arg14[%swap3A_710, %swap3A_711] {strides = array<i32>} : memref<128x128xf32, #tpu.memory_space<vmem>>, vector<1x16xf32>,
        %swap3A_713 = vector.shape_cast %swap3A_712 : vector<1x16xf32> to vector<16xf32>
        %swap3A_714 = vector.shape_cast %mul3A_709 : vector<16xf32> to vector<1x16xf32>
        tpu.vector_store %arg14[%swap3A_710, %swap3A_711], %swap3A_714 {strides = array<i32>} : memref<128x128xf32, #tpu.memory_space<vmem>>, vector<1x16xf32>,
        %get3A_715 = arith.index_cast %add3A_684 : i32 to index
        %get3A_716 = arith.constant 48 : index
        %get3A_717 = tpu.vector_load %arg14[%get3A_715, %get3A_716] {strides = array<i32>} : memref<128x128xf32, #tpu.memory_space<vmem>>, vector<1x16xf32>,
        %get3A_718 = vector.shape_cast %get3A_717 : vector<1x16xf32> to vector<16xf32>
        %mul3A_719 = arith.mulf %get3A_718, %gather3A_680 : vector<16xf32>
        %swap3A_720 = arith.index_cast %add3A_684 : i32 to index
        %swap3A_721 = arith.constant 48 : index
        %swap3A_722 = tpu.vector_load %arg14[%swap3A_720, %swap3A_721] {strides = array<i32>} : memref<128x128xf32, #tpu.memory_space<vmem>>, vector<1x16xf32>,
        %swap3A_723 = vector.shape_cast %swap3A_722 : vector<1x16xf32> to vector<16xf32>
        %swap3A_724 = vector.shape_cast %mul3A_719 : vector<16xf32> to vector<1x16xf32>
        tpu.vector_store %arg14[%swap3A_720, %swap3A_721], %swap3A_724 {strides = array<i32>} : memref<128x128xf32, #tpu.memory_space<vmem>>, vector<1x16xf32>,
        %get3A_725 = arith.index_cast %add3A_684 : i32 to index
        %get3A_726 = arith.constant 64 : index
        %get3A_727 = tpu.vector_load %arg14[%get3A_725, %get3A_726] {strides = array<i32>} : memref<128x128xf32, #tpu.memory_space<vmem>>, vector<1x16xf32>,
        %get3A_728 = vector.shape_cast %get3A_727 : vector<1x16xf32> to vector<16xf32>
        %mul3A_729 = arith.mulf %get3A_728, %gather3A_680 : vector<16xf32>
        %swap3A_730 = arith.index_cast %add3A_684 : i32 to index
        %swap3A_731 = arith.constant 64 : index
        %swap3A_732 = tpu.vector_load %arg14[%swap3A_730, %swap3A_731] {strides = array<i32>} : memref<128x128xf32, #tpu.memory_space<vmem>>, vector<1x16xf32>,
        %swap3A_733 = vector.shape_cast %swap3A_732 : vector<1x16xf32> to vector<16xf32>
        %swap3A_734 = vector.shape_cast %mul3A_729 : vector<16xf32> to vector<1x16xf32>
        tpu.vector_store %arg14[%swap3A_730, %swap3A_731], %swap3A_734 {strides = array<i32>} : memref<128x128xf32, #tpu.memory_space<vmem>>, vector<1x16xf32>,
        %get3A_735 = arith.index_cast %add3A_684 : i32 to index
        %get3A_736 = arith.constant 80 : index
        %get3A_737 = tpu.vector_load %arg14[%get3A_735, %get3A_736] {strides = array<i32>} : memref<128x128xf32, #tpu.memory_space<vmem>>, vector<1x16xf32>,
        %get3A_738 = vector.shape_cast %get3A_737 : vector<1x16xf32> to vector<16xf32>
        %mul3A_739 = arith.mulf %get3A_738, %gather3A_680 : vector<16xf32>
        %swap3A_740 = arith.index_cast %add3A_684 : i32 to index
        %swap3A_741 = arith.constant 80 : index
        %swap3A_742 = tpu.vector_load %arg14[%swap3A_740, %swap3A_741] {strides = array<i32>} : memref<128x128xf32, #tpu.memory_space<vmem>>, vector<1x16xf32>,
        %swap3A_743 = vector.shape_cast %swap3A_742 : vector<1x16xf32> to vector<16xf32>
        %swap3A_744 = vector.shape_cast %mul3A_739 : vector<16xf32> to vector<1x16xf32>
        tpu.vector_store %arg14[%swap3A_740, %swap3A_741], %swap3A_744 {strides = array<i32>} : memref<128x128xf32, #tpu.memory_space<vmem>>, vector<1x16xf32>,
        %get3A_745 = arith.index_cast %add3A_684 : i32 to index
        %get3A_746 = arith.constant 96 : index
        %get3A_747 = tpu.vector_load %arg14[%get3A_745, %get3A_746] {strides = array<i32>} : memref<128x128xf32, #tpu.memory_space<vmem>>, vector<1x16xf32>,
        %get3A_748 = vector.shape_cast %get3A_747 : vector<1x16xf32> to vector<16xf32>
        %mul3A_749 = arith.mulf %get3A_748, %gather3A_680 : vector<16xf32>
        %swap3A_750 = arith.index_cast %add3A_684 : i32 to index
        %swap3A_751 = arith.constant 96 : index
        %swap3A_752 = tpu.vector_load %arg14[%swap3A_750, %swap3A_751] {strides = array<i32>} : memref<128x128xf32, #tpu.memory_space<vmem>>, vector<1x16xf32>,
        %swap3A_753 = vector.shape_cast %swap3A_752 : vector<1x16xf32> to vector<16xf32>
        %swap3A_754 = vector.shape_cast %mul3A_749 : vector<16xf32> to vector<1x16xf32>
        tpu.vector_store %arg14[%swap3A_750, %swap3A_751], %swap3A_754 {strides = array<i32>} : memref<128x128xf32, #tpu.memory_space<vmem>>, vector<1x16xf32>,
        %get3A_755 = arith.index_cast %add3A_684 : i32 to index
        %get3A_756 = arith.constant 112 : index
        %get3A_757 = tpu.vector_load %arg14[%get3A_755, %get3A_756] {strides = array<i32>} : memref<128x128xf32, #tpu.memory_space<vmem>>, vector<1x16xf32>,
        %get3A_758 = vector.shape_cast %get3A_757 : vector<1x16xf32> to vector<16xf32>
        %mul3A_759 = arith.mulf %get3A_758, %gather3A_680 : vector<16xf32>
        %swap3A_760 = arith.index_cast %add3A_684 : i32 to index
        %swap3A_761 = arith.constant 112 : index
        %swap3A_762 = tpu.vector_load %arg14[%swap3A_760, %swap3A_761] {strides = array<i32>} : memref<128x128xf32, #tpu.memory_space<vmem>>, vector<1x16xf32>,
        %swap3A_763 = vector.shape_cast %swap3A_762 : vector<1x16xf32> to vector<16xf32>
        %swap3A_764 = vector.shape_cast %mul3A_759 : vector<16xf32> to vector<1x16xf32>
        tpu.vector_store %arg14[%swap3A_760, %swap3A_761], %swap3A_764 {strides = array<i32>} : memref<128x128xf32, #tpu.memory_space<vmem>>, vector<1x16xf32>,
        %lt3A_765 = arith.constant 0 : i32
        %lt3A_766 = vector.broadcast %lt3A_765 : i32 to vector<16xi32>
        %lt3A_767 = arith.cmpi slt, %broadcast_in_dim3A_33, %lt3A_766 : vector<16xi32>
        %add3A_768 = arith.constant 16 : i32
        %add3A_769 = vector.broadcast %add3A_768 : i32 to vector<16xi32>
        %add3A_770 = arith.addi %broadcast_in_dim3A_33, %add3A_769 : vector<16xi32>
        %select_n3A_771 = arith.select %lt3A_767, %add3A_770, %broadcast_in_dim3A_33 : vector<16xi1>, vector<16xi32>
        %broadcast_in_dim3A_772 = vector.shape_cast %select_n3A_771 : vector<16xi32> to vector<16x1xi32>
        %gather3A_773 = vector.shape_cast %broadcast_in_dim3A_772 : vector<16x1xi32> to vector<16xi32>
        %gather3A_774 = tpu.dynamic_gather %get3A_297[%gather3A_773] in [0] : vector<16xf32>, vector<16xi32> -> vector<16xf32>
        %mul3A_775 = arith.constant 16 : i32
        %mul3A_776 = arith.muli %scan3A_291, %mul3A_775 : i32
        %add3A_777 = arith.constant 5 : i32
        %add3A_778 = arith.addi %mul3A_776, %add3A_777 : i32
        %get3A_779 = arith.index_cast %add3A_778 : i32 to index
        %get3A_780 = arith.constant 0 : index
        %get3A_781 = tpu.vector_load %arg14[%get3A_779, %get3A_780] {strides = array<i32>} : memref<128x128xf32, #tpu.memory_space<vmem>>, vector<1x16xf32>,
        %get3A_782 = vector.shape_cast %get3A_781 : vector<1x16xf32> to vector<16xf32>
        %mul3A_783 = arith.mulf %get3A_782, %gather3A_774 : vector<16xf32>
        %swap3A_784 = arith.index_cast %add3A_778 : i32 to index
        %swap3A_785 = arith.constant 0 : index
        %swap3A_786 = tpu.vector_load %arg14[%swap3A_784, %swap3A_785] {strides = array<i32>} : memref<128x128xf32, #tpu.memory_space<vmem>>, vector<1x16xf32>,
        %swap3A_787 = vector.shape_cast %swap3A_786 : vector<1x16xf32> to vector<16xf32>
        %swap3A_788 = vector.shape_cast %mul3A_783 : vector<16xf32> to vector<1x16xf32>
        tpu.vector_store %arg14[%swap3A_784, %swap3A_785], %swap3A_788 {strides = array<i32>} : memref<128x128xf32, #tpu.memory_space<vmem>>, vector<1x16xf32>,
        %get3A_789 = arith.index_cast %add3A_778 : i32 to index
        %get3A_790 = arith.constant 16 : index
        %get3A_791 = tpu.vector_load %arg14[%get3A_789, %get3A_790] {strides = array<i32>} : memref<128x128xf32, #tpu.memory_space<vmem>>, vector<1x16xf32>,
        %get3A_792 = vector.shape_cast %get3A_791 : vector<1x16xf32> to vector<16xf32>
        %mul3A_793 = arith.mulf %get3A_792, %gather3A_774 : vector<16xf32>
        %swap3A_794 = arith.index_cast %add3A_778 : i32 to index
        %swap3A_795 = arith.constant 16 : index
        %swap3A_796 = tpu.vector_load %arg14[%swap3A_794, %swap3A_795] {strides = array<i32>} : memref<128x128xf32, #tpu.memory_space<vmem>>, vector<1x16xf32>,
        %swap3A_797 = vector.shape_cast %swap3A_796 : vector<1x16xf32> to vector<16xf32>
        %swap3A_798 = vector.shape_cast %mul3A_793 : vector<16xf32> to vector<1x16xf32>
        tpu.vector_store %arg14[%swap3A_794, %swap3A_795], %swap3A_798 {strides = array<i32>} : memref<128x128xf32, #tpu.memory_space<vmem>>, vector<1x16xf32>,
        %get3A_799 = arith.index_cast %add3A_778 : i32 to index
        %get3A_800 = arith.constant 32 : index
        %get3A_801 = tpu.vector_load %arg14[%get3A_799, %get3A_800] {strides = array<i32>} : memref<128x128xf32, #tpu.memory_space<vmem>>, vector<1x16xf32>,
        %get3A_802 = vector.shape_cast %get3A_801 : vector<1x16xf32> to vector<16xf32>
        %mul3A_803 = arith.mulf %get3A_802, %gather3A_774 : vector<16xf32>
        %swap3A_804 = arith.index_cast %add3A_778 : i32 to index
        %swap3A_805 = arith.constant 32 : index
        %swap3A_806 = tpu.vector_load %arg14[%swap3A_804, %swap3A_805] {strides = array<i32>} : memref<128x128xf32, #tpu.memory_space<vmem>>, vector<1x16xf32>,
        %swap3A_807 = vector.shape_cast %swap3A_806 : vector<1x16xf32> to vector<16xf32>
        %swap3A_808 = vector.shape_cast %mul3A_803 : vector<16xf32> to vector<1x16xf32>
        tpu.vector_store %arg14[%swap3A_804, %swap3A_805], %swap3A_808 {strides = array<i32>} : memref<128x128xf32, #tpu.memory_space<vmem>>, vector<1x16xf32>,
        %get3A_809 = arith.index_cast %add3A_778 : i32 to index
        %get3A_810 = arith.constant 48 : index
        %get3A_811 = tpu.vector_load %arg14[%get3A_809, %get3A_810] {strides = array<i32>} : memref<128x128xf32, #tpu.memory_space<vmem>>, vector<1x16xf32>,
        %get3A_812 = vector.shape_cast %get3A_811 : vector<1x16xf32> to vector<16xf32>
        %mul3A_813 = arith.mulf %get3A_812, %gather3A_774 : vector<16xf32>
        %swap3A_814 = arith.index_cast %add3A_778 : i32 to index
        %swap3A_815 = arith.constant 48 : index
        %swap3A_816 = tpu.vector_load %arg14[%swap3A_814, %swap3A_815] {strides = array<i32>} : memref<128x128xf32, #tpu.memory_space<vmem>>, vector<1x16xf32>,
        %swap3A_817 = vector.shape_cast %swap3A_816 : vector<1x16xf32> to vector<16xf32>
        %swap3A_818 = vector.shape_cast %mul3A_813 : vector<16xf32> to vector<1x16xf32>
        tpu.vector_store %arg14[%swap3A_814, %swap3A_815], %swap3A_818 {strides = array<i32>} : memref<128x128xf32, #tpu.memory_space<vmem>>, vector<1x16xf32>,
        %get3A_819 = arith.index_cast %add3A_778 : i32 to index
        %get3A_820 = arith.constant 64 : index
        %get3A_821 = tpu.vector_load %arg14[%get3A_819, %get3A_820] {strides = array<i32>} : memref<128x128xf32, #tpu.memory_space<vmem>>, vector<1x16xf32>,
        %get3A_822 = vector.shape_cast %get3A_821 : vector<1x16xf32> to vector<16xf32>
        %mul3A_823 = arith.mulf %get3A_822, %gather3A_774 : vector<16xf32>
        %swap3A_824 = arith.index_cast %add3A_778 : i32 to index
        %swap3A_825 = arith.constant 64 : index
        %swap3A_826 = tpu.vector_load %arg14[%swap3A_824, %swap3A_825] {strides = array<i32>} : memref<128x128xf32, #tpu.memory_space<vmem>>, vector<1x16xf32>,
        %swap3A_827 = vector.shape_cast %swap3A_826 : vector<1x16xf32> to vector<16xf32>
        %swap3A_828 = vector.shape_cast %mul3A_823 : vector<16xf32> to vector<1x16xf32>
        tpu.vector_store %arg14[%swap3A_824, %swap3A_825], %swap3A_828 {strides = array<i32>} : memref<128x128xf32, #tpu.memory_space<vmem>>, vector<1x16xf32>,
        %get3A_829 = arith.index_cast %add3A_778 : i32 to index
        %get3A_830 = arith.constant 80 : index
        %get3A_831 = tpu.vector_load %arg14[%get3A_829, %get3A_830] {strides = array<i32>} : memref<128x128xf32, #tpu.memory_space<vmem>>, vector<1x16xf32>,
        %get3A_832 = vector.shape_cast %get3A_831 : vector<1x16xf32> to vector<16xf32>
        %mul3A_833 = arith.mulf %get3A_832, %gather3A_774 : vector<16xf32>
        %swap3A_834 = arith.index_cast %add3A_778 : i32 to index
        %swap3A_835 = arith.constant 80 : index
        %swap3A_836 = tpu.vector_load %arg14[%swap3A_834, %swap3A_835] {strides = array<i32>} : memref<128x128xf32, #tpu.memory_space<vmem>>, vector<1x16xf32>,
        %swap3A_837 = vector.shape_cast %swap3A_836 : vector<1x16xf32> to vector<16xf32>
        %swap3A_838 = vector.shape_cast %mul3A_833 : vector<16xf32> to vector<1x16xf32>
        tpu.vector_store %arg14[%swap3A_834, %swap3A_835], %swap3A_838 {strides = array<i32>} : memref<128x128xf32, #tpu.memory_space<vmem>>, vector<1x16xf32>,
        %get3A_839 = arith.index_cast %add3A_778 : i32 to index
        %get3A_840 = arith.constant 96 : index
        %get3A_841 = tpu.vector_load %arg14[%get3A_839, %get3A_840] {strides = array<i32>} : memref<128x128xf32, #tpu.memory_space<vmem>>, vector<1x16xf32>,
        %get3A_842 = vector.shape_cast %get3A_841 : vector<1x16xf32> to vector<16xf32>
        %mul3A_843 = arith.mulf %get3A_842, %gather3A_774 : vector<16xf32>
        %swap3A_844 = arith.index_cast %add3A_778 : i32 to index
        %swap3A_845 = arith.constant 96 : index
        %swap3A_846 = tpu.vector_load %arg14[%swap3A_844, %swap3A_845] {strides = array<i32>} : memref<128x128xf32, #tpu.memory_space<vmem>>, vector<1x16xf32>,
        %swap3A_847 = vector.shape_cast %swap3A_846 : vector<1x16xf32> to vector<16xf32>
        %swap3A_848 = vector.shape_cast %mul3A_843 : vector<16xf32> to vector<1x16xf32>
        tpu.vector_store %arg14[%swap3A_844, %swap3A_845], %swap3A_848 {strides = array<i32>} : memref<128x128xf32, #tpu.memory_space<vmem>>, vector<1x16xf32>,
        %get3A_849 = arith.index_cast %add3A_778 : i32 to index
        %get3A_850 = arith.constant 112 : index
        %get3A_851 = tpu.vector_load %arg14[%get3A_849, %get3A_850] {strides = array<i32>} : memref<128x128xf32, #tpu.memory_space<vmem>>, vector<1x16xf32>,
        %get3A_852 = vector.shape_cast %get3A_851 : vector<1x16xf32> to vector<16xf32>
        %mul3A_853 = arith.mulf %get3A_852, %gather3A_774 : vector<16xf32>
        %swap3A_854 = arith.index_cast %add3A_778 : i32 to index
        %swap3A_855 = arith.constant 112 : index
        %swap3A_856 = tpu.vector_load %arg14[%swap3A_854, %swap3A_855] {strides = array<i32>} : memref<128x128xf32, #tpu.memory_space<vmem>>, vector<1x16xf32>,
        %swap3A_857 = vector.shape_cast %swap3A_856 : vector<1x16xf32> to vector<16xf32>
        %swap3A_858 = vector.shape_cast %mul3A_853 : vector<16xf32> to vector<1x16xf32>
        tpu.vector_store %arg14[%swap3A_854, %swap3A_855], %swap3A_858 {strides = array<i32>} : memref<128x128xf32, #tpu.memory_space<vmem>>, vector<1x16xf32>,
        %lt3A_859 = arith.constant 0 : i32
        %lt3A_860 = vector.broadcast %lt3A_859 : i32 to vector<16xi32>
        %lt3A_861 = arith.cmpi slt, %broadcast_in_dim3A_35, %lt3A_860 : vector<16xi32>
        %add3A_862 = arith.constant 16 : i32
        %add3A_863 = vector.broadcast %add3A_862 : i32 to vector<16xi32>
        %add3A_864 = arith.addi %broadcast_in_dim3A_35, %add3A_863 : vector<16xi32>
        %select_n3A_865 = arith.select %lt3A_861, %add3A_864, %broadcast_in_dim3A_35 : vector<16xi1>, vector<16xi32>
        %broadcast_in_dim3A_866 = vector.shape_cast %select_n3A_865 : vector<16xi32> to vector<16x1xi32>
        %gather3A_867 = vector.shape_cast %broadcast_in_dim3A_866 : vector<16x1xi32> to vector<16xi32>
        %gather3A_868 = tpu.dynamic_gather %get3A_297[%gather3A_867] in [0] : vector<16xf32>, vector<16xi32> -> vector<16xf32>
        %mul3A_869 = arith.constant 16 : i32
        %mul3A_870 = arith.muli %scan3A_291, %mul3A_869 : i32
        %add3A_871 = arith.constant 6 : i32
        %add3A_872 = arith.addi %mul3A_870, %add3A_871 : i32
        %get3A_873 = arith.index_cast %add3A_872 : i32 to index
        %get3A_874 = arith.constant 0 : index
        %get3A_875 = tpu.vector_load %arg14[%get3A_873, %get3A_874] {strides = array<i32>} : memref<128x128xf32, #tpu.memory_space<vmem>>, vector<1x16xf32>,
        %get3A_876 = vector.shape_cast %get3A_875 : vector<1x16xf32> to vector<16xf32>
        %mul3A_877 = arith.mulf %get3A_876, %gather3A_868 : vector<16xf32>
        %swap3A_878 = arith.index_cast %add3A_872 : i32 to index
        %swap3A_879 = arith.constant 0 : index
        %swap3A_880 = tpu.vector_load %arg14[%swap3A_878, %swap3A_879] {strides = array<i32>} : memref<128x128xf32, #tpu.memory_space<vmem>>, vector<1x16xf32>,
        %swap3A_881 = vector.shape_cast %swap3A_880 : vector<1x16xf32> to vector<16xf32>
        %swap3A_882 = vector.shape_cast %mul3A_877 : vector<16xf32> to vector<1x16xf32>
        tpu.vector_store %arg14[%swap3A_878, %swap3A_879], %swap3A_882 {strides = array<i32>} : memref<128x128xf32, #tpu.memory_space<vmem>>, vector<1x16xf32>,
        %get3A_883 = arith.index_cast %add3A_872 : i32 to index
        %get3A_884 = arith.constant 16 : index
        %get3A_885 = tpu.vector_load %arg14[%get3A_883, %get3A_884] {strides = array<i32>} : memref<128x128xf32, #tpu.memory_space<vmem>>, vector<1x16xf32>,
        %get3A_886 = vector.shape_cast %get3A_885 : vector<1x16xf32> to vector<16xf32>
        %mul3A_887 = arith.mulf %get3A_886, %gather3A_868 : vector<16xf32>
        %swap3A_888 = arith.index_cast %add3A_872 : i32 to index
        %swap3A_889 = arith.constant 16 : index
        %swap3A_890 = tpu.vector_load %arg14[%swap3A_888, %swap3A_889] {strides = array<i32>} : memref<128x128xf32, #tpu.memory_space<vmem>>, vector<1x16xf32>,
        %swap3A_891 = vector.shape_cast %swap3A_890 : vector<1x16xf32> to vector<16xf32>
        %swap3A_892 = vector.shape_cast %mul3A_887 : vector<16xf32> to vector<1x16xf32>
        tpu.vector_store %arg14[%swap3A_888, %swap3A_889], %swap3A_892 {strides = array<i32>} : memref<128x128xf32, #tpu.memory_space<vmem>>, vector<1x16xf32>,
        %get3A_893 = arith.index_cast %add3A_872 : i32 to index
        %get3A_894 = arith.constant 32 : index
        %get3A_895 = tpu.vector_load %arg14[%get3A_893, %get3A_894] {strides = array<i32>} : memref<128x128xf32, #tpu.memory_space<vmem>>, vector<1x16xf32>,
        %get3A_896 = vector.shape_cast %get3A_895 : vector<1x16xf32> to vector<16xf32>
        %mul3A_897 = arith.mulf %get3A_896, %gather3A_868 : vector<16xf32>
        %swap3A_898 = arith.index_cast %add3A_872 : i32 to index
        %swap3A_899 = arith.constant 32 : index
        %swap3A_900 = tpu.vector_load %arg14[%swap3A_898, %swap3A_899] {strides = array<i32>} : memref<128x128xf32, #tpu.memory_space<vmem>>, vector<1x16xf32>,
        %swap3A_901 = vector.shape_cast %swap3A_900 : vector<1x16xf32> to vector<16xf32>
        %swap3A_902 = vector.shape_cast %mul3A_897 : vector<16xf32> to vector<1x16xf32>
        tpu.vector_store %arg14[%swap3A_898, %swap3A_899], %swap3A_902 {strides = array<i32>} : memref<128x128xf32, #tpu.memory_space<vmem>>, vector<1x16xf32>,
        %get3A_903 = arith.index_cast %add3A_872 : i32 to index
        %get3A_904 = arith.constant 48 : index
        %get3A_905 = tpu.vector_load %arg14[%get3A_903, %get3A_904] {strides = array<i32>} : memref<128x128xf32, #tpu.memory_space<vmem>>, vector<1x16xf32>,
        %get3A_906 = vector.shape_cast %get3A_905 : vector<1x16xf32> to vector<16xf32>
        %mul3A_907 = arith.mulf %get3A_906, %gather3A_868 : vector<16xf32>
        %swap3A_908 = arith.index_cast %add3A_872 : i32 to index
        %swap3A_909 = arith.constant 48 : index
        %swap3A_910 = tpu.vector_load %arg14[%swap3A_908, %swap3A_909] {strides = array<i32>} : memref<128x128xf32, #tpu.memory_space<vmem>>, vector<1x16xf32>,
        %swap3A_911 = vector.shape_cast %swap3A_910 : vector<1x16xf32> to vector<16xf32>
        %swap3A_912 = vector.shape_cast %mul3A_907 : vector<16xf32> to vector<1x16xf32>
        tpu.vector_store %arg14[%swap3A_908, %swap3A_909], %swap3A_912 {strides = array<i32>} : memref<128x128xf32, #tpu.memory_space<vmem>>, vector<1x16xf32>,
        %get3A_913 = arith.index_cast %add3A_872 : i32 to index
        %get3A_914 = arith.constant 64 : index
        %get3A_915 = tpu.vector_load %arg14[%get3A_913, %get3A_914] {strides = array<i32>} : memref<128x128xf32, #tpu.memory_space<vmem>>, vector<1x16xf32>,
        %get3A_916 = vector.shape_cast %get3A_915 : vector<1x16xf32> to vector<16xf32>
        %mul3A_917 = arith.mulf %get3A_916, %gather3A_868 : vector<16xf32>
        %swap3A_918 = arith.index_cast %add3A_872 : i32 to index
        %swap3A_919 = arith.constant 64 : index
        %swap3A_920 = tpu.vector_load %arg14[%swap3A_918, %swap3A_919] {strides = array<i32>} : memref<128x128xf32, #tpu.memory_space<vmem>>, vector<1x16xf32>,
        %swap3A_921 = vector.shape_cast %swap3A_920 : vector<1x16xf32> to vector<16xf32>
        %swap3A_922 = vector.shape_cast %mul3A_917 : vector<16xf32> to vector<1x16xf32>
        tpu.vector_store %arg14[%swap3A_918, %swap3A_919], %swap3A_922 {strides = array<i32>} : memref<128x128xf32, #tpu.memory_space<vmem>>, vector<1x16xf32>,
        %get3A_923 = arith.index_cast %add3A_872 : i32 to index
        %get3A_924 = arith.constant 80 : index
        %get3A_925 = tpu.vector_load %arg14[%get3A_923, %get3A_924] {strides = array<i32>} : memref<128x128xf32, #tpu.memory_space<vmem>>, vector<1x16xf32>,
        %get3A_926 = vector.shape_cast %get3A_925 : vector<1x16xf32> to vector<16xf32>
        %mul3A_927 = arith.mulf %get3A_926, %gather3A_868 : vector<16xf32>
        %swap3A_928 = arith.index_cast %add3A_872 : i32 to index
        %swap3A_929 = arith.constant 80 : index
        %swap3A_930 = tpu.vector_load %arg14[%swap3A_928, %swap3A_929] {strides = array<i32>} : memref<128x128xf32, #tpu.memory_space<vmem>>, vector<1x16xf32>,
        %swap3A_931 = vector.shape_cast %swap3A_930 : vector<1x16xf32> to vector<16xf32>
        %swap3A_932 = vector.shape_cast %mul3A_927 : vector<16xf32> to vector<1x16xf32>
        tpu.vector_store %arg14[%swap3A_928, %swap3A_929], %swap3A_932 {strides = array<i32>} : memref<128x128xf32, #tpu.memory_space<vmem>>, vector<1x16xf32>,
        %get3A_933 = arith.index_cast %add3A_872 : i32 to index
        %get3A_934 = arith.constant 96 : index
        %get3A_935 = tpu.vector_load %arg14[%get3A_933, %get3A_934] {strides = array<i32>} : memref<128x128xf32, #tpu.memory_space<vmem>>, vector<1x16xf32>,
        %get3A_936 = vector.shape_cast %get3A_935 : vector<1x16xf32> to vector<16xf32>
        %mul3A_937 = arith.mulf %get3A_936, %gather3A_868 : vector<16xf32>
        %swap3A_938 = arith.index_cast %add3A_872 : i32 to index
        %swap3A_939 = arith.constant 96 : index
        %swap3A_940 = tpu.vector_load %arg14[%swap3A_938, %swap3A_939] {strides = array<i32>} : memref<128x128xf32, #tpu.memory_space<vmem>>, vector<1x16xf32>,
        %swap3A_941 = vector.shape_cast %swap3A_940 : vector<1x16xf32> to vector<16xf32>
        %swap3A_942 = vector.shape_cast %mul3A_937 : vector<16xf32> to vector<1x16xf32>
        tpu.vector_store %arg14[%swap3A_938, %swap3A_939], %swap3A_942 {strides = array<i32>} : memref<128x128xf32, #tpu.memory_space<vmem>>, vector<1x16xf32>,
        %get3A_943 = arith.index_cast %add3A_872 : i32 to index
        %get3A_944 = arith.constant 112 : index
        %get3A_945 = tpu.vector_load %arg14[%get3A_943, %get3A_944] {strides = array<i32>} : memref<128x128xf32, #tpu.memory_space<vmem>>, vector<1x16xf32>,
        %get3A_946 = vector.shape_cast %get3A_945 : vector<1x16xf32> to vector<16xf32>
        %mul3A_947 = arith.mulf %get3A_946, %gather3A_868 : vector<16xf32>
        %swap3A_948 = arith.index_cast %add3A_872 : i32 to index
        %swap3A_949 = arith.constant 112 : index
        %swap3A_950 = tpu.vector_load %arg14[%swap3A_948, %swap3A_949] {strides = array<i32>} : memref<128x128xf32, #tpu.memory_space<vmem>>, vector<1x16xf32>,
        %swap3A_951 = vector.shape_cast %swap3A_950 : vector<1x16xf32> to vector<16xf32>
        %swap3A_952 = vector.shape_cast %mul3A_947 : vector<16xf32> to vector<1x16xf32>
        tpu.vector_store %arg14[%swap3A_948, %swap3A_949], %swap3A_952 {strides = array<i32>} : memref<128x128xf32, #tpu.memory_space<vmem>>, vector<1x16xf32>,
        %lt3A_953 = arith.constant 0 : i32
        %lt3A_954 = vector.broadcast %lt3A_953 : i32 to vector<16xi32>
        %lt3A_955 = arith.cmpi slt, %broadcast_in_dim3A_37, %lt3A_954 : vector<16xi32>
        %add3A_956 = arith.constant 16 : i32
        %add3A_957 = vector.broadcast %add3A_956 : i32 to vector<16xi32>
        %add3A_958 = arith.addi %broadcast_in_dim3A_37, %add3A_957 : vector<16xi32>
        %select_n3A_959 = arith.select %lt3A_955, %add3A_958, %broadcast_in_dim3A_37 : vector<16xi1>, vector<16xi32>
        %broadcast_in_dim3A_960 = vector.shape_cast %select_n3A_959 : vector<16xi32> to vector<16x1xi32>
        %gather3A_961 = vector.shape_cast %broadcast_in_dim3A_960 : vector<16x1xi32> to vector<16xi32>
        %gather3A_962 = tpu.dynamic_gather %get3A_297[%gather3A_961] in [0] : vector<16xf32>, vector<16xi32> -> vector<16xf32>
        %mul3A_963 = arith.constant 16 : i32
        %mul3A_964 = arith.muli %scan3A_291, %mul3A_963 : i32
        %add3A_965 = arith.constant 7 : i32
        %add3A_966 = arith.addi %mul3A_964, %add3A_965 : i32
        %get3A_967 = arith.index_cast %add3A_966 : i32 to index
        %get3A_968 = arith.constant 0 : index
        %get3A_969 = tpu.vector_load %arg14[%get3A_967, %get3A_968] {strides = array<i32>} : memref<128x128xf32, #tpu.memory_space<vmem>>, vector<1x16xf32>,
        %get3A_970 = vector.shape_cast %get3A_969 : vector<1x16xf32> to vector<16xf32>
        %mul3A_971 = arith.mulf %get3A_970, %gather3A_962 : vector<16xf32>
        %swap3A_972 = arith.index_cast %add3A_966 : i32 to index
        %swap3A_973 = arith.constant 0 : index
        %swap3A_974 = tpu.vector_load %arg14[%swap3A_972, %swap3A_973] {strides = array<i32>} : memref<128x128xf32, #tpu.memory_space<vmem>>, vector<1x16xf32>,
        %swap3A_975 = vector.shape_cast %swap3A_974 : vector<1x16xf32> to vector<16xf32>
        %swap3A_976 = vector.shape_cast %mul3A_971 : vector<16xf32> to vector<1x16xf32>
        tpu.vector_store %arg14[%swap3A_972, %swap3A_973], %swap3A_976 {strides = array<i32>} : memref<128x128xf32, #tpu.memory_space<vmem>>, vector<1x16xf32>,
        %get3A_977 = arith.index_cast %add3A_966 : i32 to index
        %get3A_978 = arith.constant 16 : index
        %get3A_979 = tpu.vector_load %arg14[%get3A_977, %get3A_978] {strides = array<i32>} : memref<128x128xf32, #tpu.memory_space<vmem>>, vector<1x16xf32>,
        %get3A_980 = vector.shape_cast %get3A_979 : vector<1x16xf32> to vector<16xf32>
        %mul3A_981 = arith.mulf %get3A_980, %gather3A_962 : vector<16xf32>
        %swap3A_982 = arith.index_cast %add3A_966 : i32 to index
        %swap3A_983 = arith.constant 16 : index
        %swap3A_984 = tpu.vector_load %arg14[%swap3A_982, %swap3A_983] {strides = array<i32>} : memref<128x128xf32, #tpu.memory_space<vmem>>, vector<1x16xf32>,
        %swap3A_985 = vector.shape_cast %swap3A_984 : vector<1x16xf32> to vector<16xf32>
        %swap3A_986 = vector.shape_cast %mul3A_981 : vector<16xf32> to vector<1x16xf32>
        tpu.vector_store %arg14[%swap3A_982, %swap3A_983], %swap3A_986 {strides = array<i32>} : memref<128x128xf32, #tpu.memory_space<vmem>>, vector<1x16xf32>,
        %get3A_987 = arith.index_cast %add3A_966 : i32 to index
        %get3A_988 = arith.constant 32 : index
        %get3A_989 = tpu.vector_load %arg14[%get3A_987, %get3A_988] {strides = array<i32>} : memref<128x128xf32, #tpu.memory_space<vmem>>, vector<1x16xf32>,
        %get3A_990 = vector.shape_cast %get3A_989 : vector<1x16xf32> to vector<16xf32>
        %mul3A_991 = arith.mulf %get3A_990, %gather3A_962 : vector<16xf32>
        %swap3A_992 = arith.index_cast %add3A_966 : i32 to index
        %swap3A_993 = arith.constant 32 : index
        %swap3A_994 = tpu.vector_load %arg14[%swap3A_992, %swap3A_993] {strides = array<i32>} : memref<128x128xf32, #tpu.memory_space<vmem>>, vector<1x16xf32>,
        %swap3A_995 = vector.shape_cast %swap3A_994 : vector<1x16xf32> to vector<16xf32>
        %swap3A_996 = vector.shape_cast %mul3A_991 : vector<16xf32> to vector<1x16xf32>
        tpu.vector_store %arg14[%swap3A_992, %swap3A_993], %swap3A_996 {strides = array<i32>} : memref<128x128xf32, #tpu.memory_space<vmem>>, vector<1x16xf32>,
        %get3A_997 = arith.index_cast %add3A_966 : i32 to index
        %get3A_998 = arith.constant 48 : index
        %get3A_999 = tpu.vector_load %arg14[%get3A_997, %get3A_998] {strides = array<i32>} : memref<128x128xf32, #tpu.memory_space<vmem>>, vector<1x16xf32>,
        %get3A_1000 = vector.shape_cast %get3A_999 : vector<1x16xf32> to vector<16xf32>
        %mul3A_1001 = arith.mulf %get3A_1000, %gather3A_962 : vector<16xf32>
        %swap3A_1002 = arith.index_cast %add3A_966 : i32 to index
        %swap3A_1003 = arith.constant 48 : index
        %swap3A_1004 = tpu.vector_load %arg14[%swap3A_1002, %swap3A_1003] {strides = array<i32>} : memref<128x128xf32, #tpu.memory_space<vmem>>, vector<1x16xf32>,
        %swap3A_1005 = vector.shape_cast %swap3A_1004 : vector<1x16xf32> to vector<16xf32>
        %swap3A_1006 = vector.shape_cast %mul3A_1001 : vector<16xf32> to vector<1x16xf32>
        tpu.vector_store %arg14[%swap3A_1002, %swap3A_1003], %swap3A_1006 {strides = array<i32>} : memref<128x128xf32, #tpu.memory_space<vmem>>, vector<1x16xf32>,
        %get3A_1007 = arith.index_cast %add3A_966 : i32 to index
        %get3A_1008 = arith.constant 64 : index
        %get3A_1009 = tpu.vector_load %arg14[%get3A_1007, %get3A_1008] {strides = array<i32>} : memref<128x128xf32, #tpu.memory_space<vmem>>, vector<1x16xf32>,
        %get3A_1010 = vector.shape_cast %get3A_1009 : vector<1x16xf32> to vector<16xf32>
        %mul3A_1011 = arith.mulf %get3A_1010, %gather3A_962 : vector<16xf32>
        %swap3A_1012 = arith.index_cast %add3A_966 : i32 to index
        %swap3A_1013 = arith.constant 64 : index
        %swap3A_1014 = tpu.vector_load %arg14[%swap3A_1012, %swap3A_1013] {strides = array<i32>} : memref<128x128xf32, #tpu.memory_space<vmem>>, vector<1x16xf32>,
        %swap3A_1015 = vector.shape_cast %swap3A_1014 : vector<1x16xf32> to vector<16xf32>
        %swap3A_1016 = vector.shape_cast %mul3A_1011 : vector<16xf32> to vector<1x16xf32>
        tpu.vector_store %arg14[%swap3A_1012, %swap3A_1013], %swap3A_1016 {strides = array<i32>} : memref<128x128xf32, #tpu.memory_space<vmem>>, vector<1x16xf32>,
        %get3A_1017 = arith.index_cast %add3A_966 : i32 to index
        %get3A_1018 = arith.constant 80 : index
        %get3A_1019 = tpu.vector_load %arg14[%get3A_1017, %get3A_1018] {strides = array<i32>} : memref<128x128xf32, #tpu.memory_space<vmem>>, vector<1x16xf32>,
        %get3A_1020 = vector.shape_cast %get3A_1019 : vector<1x16xf32> to vector<16xf32>
        %mul3A_1021 = arith.mulf %get3A_1020, %gather3A_962 : vector<16xf32>
        %swap3A_1022 = arith.index_cast %add3A_966 : i32 to index
        %swap3A_1023 = arith.constant 80 : index
        %swap3A_1024 = tpu.vector_load %arg14[%swap3A_1022, %swap3A_1023] {strides = array<i32>} : memref<128x128xf32, #tpu.memory_space<vmem>>, vector<1x16xf32>,
        %swap3A_1025 = vector.shape_cast %swap3A_1024 : vector<1x16xf32> to vector<16xf32>
        %swap3A_1026 = vector.shape_cast %mul3A_1021 : vector<16xf32> to vector<1x16xf32>
        tpu.vector_store %arg14[%swap3A_1022, %swap3A_1023], %swap3A_1026 {strides = array<i32>} : memref<128x128xf32, #tpu.memory_space<vmem>>, vector<1x16xf32>,
        %get3A_1027 = arith.index_cast %add3A_966 : i32 to index
        %get3A_1028 = arith.constant 96 : index
        %get3A_1029 = tpu.vector_load %arg14[%get3A_1027, %get3A_1028] {strides = array<i32>} : memref<128x128xf32, #tpu.memory_space<vmem>>, vector<1x16xf32>,
        %get3A_1030 = vector.shape_cast %get3A_1029 : vector<1x16xf32> to vector<16xf32>
        %mul3A_1031 = arith.mulf %get3A_1030, %gather3A_962 : vector<16xf32>
        %swap3A_1032 = arith.index_cast %add3A_966 : i32 to index
        %swap3A_1033 = arith.constant 96 : index
        %swap3A_1034 = tpu.vector_load %arg14[%swap3A_1032, %swap3A_1033] {strides = array<i32>} : memref<128x128xf32, #tpu.memory_space<vmem>>, vector<1x16xf32>,
        %swap3A_1035 = vector.shape_cast %swap3A_1034 : vector<1x16xf32> to vector<16xf32>
        %swap3A_1036 = vector.shape_cast %mul3A_1031 : vector<16xf32> to vector<1x16xf32>
        tpu.vector_store %arg14[%swap3A_1032, %swap3A_1033], %swap3A_1036 {strides = array<i32>} : memref<128x128xf32, #tpu.memory_space<vmem>>, vector<1x16xf32>,
        %get3A_1037 = arith.index_cast %add3A_966 : i32 to index
        %get3A_1038 = arith.constant 112 : index
        %get3A_1039 = tpu.vector_load %arg14[%get3A_1037, %get3A_1038] {strides = array<i32>} : memref<128x128xf32, #tpu.memory_space<vmem>>, vector<1x16xf32>,
        %get3A_1040 = vector.shape_cast %get3A_1039 : vector<1x16xf32> to vector<16xf32>
        %mul3A_1041 = arith.mulf %get3A_1040, %gather3A_962 : vector<16xf32>
        %swap3A_1042 = arith.index_cast %add3A_966 : i32 to index
        %swap3A_1043 = arith.constant 112 : index
        %swap3A_1044 = tpu.vector_load %arg14[%swap3A_1042, %swap3A_1043] {strides = array<i32>} : memref<128x128xf32, #tpu.memory_space<vmem>>, vector<1x16xf32>,
        %swap3A_1045 = vector.shape_cast %swap3A_1044 : vector<1x16xf32> to vector<16xf32>
        %swap3A_1046 = vector.shape_cast %mul3A_1041 : vector<16xf32> to vector<1x16xf32>
        tpu.vector_store %arg14[%swap3A_1042, %swap3A_1043], %swap3A_1046 {strides = array<i32>} : memref<128x128xf32, #tpu.memory_space<vmem>>, vector<1x16xf32>,
        %lt3A_1047 = arith.constant 0 : i32
        %lt3A_1048 = vector.broadcast %lt3A_1047 : i32 to vector<16xi32>
        %lt3A_1049 = arith.cmpi slt, %broadcast_in_dim3A_39, %lt3A_1048 : vector<16xi32>
        %add3A_1050 = arith.constant 16 : i32
        %add3A_1051 = vector.broadcast %add3A_1050 : i32 to vector<16xi32>
        %add3A_1052 = arith.addi %broadcast_in_dim3A_39, %add3A_1051 : vector<16xi32>
        %select_n3A_1053 = arith.select %lt3A_1049, %add3A_1052, %broadcast_in_dim3A_39 : vector<16xi1>, vector<16xi32>
        %broadcast_in_dim3A_1054 = vector.shape_cast %select_n3A_1053 : vector<16xi32> to vector<16x1xi32>
        %gather3A_1055 = vector.shape_cast %broadcast_in_dim3A_1054 : vector<16x1xi32> to vector<16xi32>
        %gather3A_1056 = tpu.dynamic_gather %get3A_297[%gather3A_1055] in [0] : vector<16xf32>, vector<16xi32> -> vector<16xf32>
        %mul3A_1057 = arith.constant 16 : i32
        %mul3A_1058 = arith.muli %scan3A_291, %mul3A_1057 : i32
        %add3A_1059 = arith.constant 8 : i32
        %add3A_1060 = arith.addi %mul3A_1058, %add3A_1059 : i32
        %get3A_1061 = arith.index_cast %add3A_1060 : i32 to index
        %get3A_1062 = arith.constant 0 : index
        %get3A_1063 = tpu.vector_load %arg14[%get3A_1061, %get3A_1062] {strides = array<i32>} : memref<128x128xf32, #tpu.memory_space<vmem>>, vector<1x16xf32>,
        %get3A_1064 = vector.shape_cast %get3A_1063 : vector<1x16xf32> to vector<16xf32>
        %mul3A_1065 = arith.mulf %get3A_1064, %gather3A_1056 : vector<16xf32>
        %swap3A_1066 = arith.index_cast %add3A_1060 : i32 to index
        %swap3A_1067 = arith.constant 0 : index
        %swap3A_1068 = tpu.vector_load %arg14[%swap3A_1066, %swap3A_1067] {strides = array<i32>} : memref<128x128xf32, #tpu.memory_space<vmem>>, vector<1x16xf32>,
        %swap3A_1069 = vector.shape_cast %swap3A_1068 : vector<1x16xf32> to vector<16xf32>
        %swap3A_1070 = vector.shape_cast %mul3A_1065 : vector<16xf32> to vector<1x16xf32>
        tpu.vector_store %arg14[%swap3A_1066, %swap3A_1067], %swap3A_1070 {strides = array<i32>} : memref<128x128xf32, #tpu.memory_space<vmem>>, vector<1x16xf32>,
        %get3A_1071 = arith.index_cast %add3A_1060 : i32 to index
        %get3A_1072 = arith.constant 16 : index
        %get3A_1073 = tpu.vector_load %arg14[%get3A_1071, %get3A_1072] {strides = array<i32>} : memref<128x128xf32, #tpu.memory_space<vmem>>, vector<1x16xf32>,
        %get3A_1074 = vector.shape_cast %get3A_1073 : vector<1x16xf32> to vector<16xf32>
        %mul3A_1075 = arith.mulf %get3A_1074, %gather3A_1056 : vector<16xf32>
        %swap3A_1076 = arith.index_cast %add3A_1060 : i32 to index
        %swap3A_1077 = arith.constant 16 : index
        %swap3A_1078 = tpu.vector_load %arg14[%swap3A_1076, %swap3A_1077] {strides = array<i32>} : memref<128x128xf32, #tpu.memory_space<vmem>>, vector<1x16xf32>,
        %swap3A_1079 = vector.shape_cast %swap3A_1078 : vector<1x16xf32> to vector<16xf32>
        %swap3A_1080 = vector.shape_cast %mul3A_1075 : vector<16xf32> to vector<1x16xf32>
        tpu.vector_store %arg14[%swap3A_1076, %swap3A_1077], %swap3A_1080 {strides = array<i32>} : memref<128x128xf32, #tpu.memory_space<vmem>>, vector<1x16xf32>,
        %get3A_1081 = arith.index_cast %add3A_1060 : i32 to index
        %get3A_1082 = arith.constant 32 : index
        %get3A_1083 = tpu.vector_load %arg14[%get3A_1081, %get3A_1082] {strides = array<i32>} : memref<128x128xf32, #tpu.memory_space<vmem>>, vector<1x16xf32>,
        %get3A_1084 = vector.shape_cast %get3A_1083 : vector<1x16xf32> to vector<16xf32>
        %mul3A_1085 = arith.mulf %get3A_1084, %gather3A_1056 : vector<16xf32>
        %swap3A_1086 = arith.index_cast %add3A_1060 : i32 to index
        %swap3A_1087 = arith.constant 32 : index
        %swap3A_1088 = tpu.vector_load %arg14[%swap3A_1086, %swap3A_1087] {strides = array<i32>} : memref<128x128xf32, #tpu.memory_space<vmem>>, vector<1x16xf32>,
        %swap3A_1089 = vector.shape_cast %swap3A_1088 : vector<1x16xf32> to vector<16xf32>
        %swap3A_1090 = vector.shape_cast %mul3A_1085 : vector<16xf32> to vector<1x16xf32>
        tpu.vector_store %arg14[%swap3A_1086, %swap3A_1087], %swap3A_1090 {strides = array<i32>} : memref<128x128xf32, #tpu.memory_space<vmem>>, vector<1x16xf32>,
        %get3A_1091 = arith.index_cast %add3A_1060 : i32 to index
        %get3A_1092 = arith.constant 48 : index
        %get3A_1093 = tpu.vector_load %arg14[%get3A_1091, %get3A_1092] {strides = array<i32>} : memref<128x128xf32, #tpu.memory_space<vmem>>, vector<1x16xf32>,
        %get3A_1094 = vector.shape_cast %get3A_1093 : vector<1x16xf32> to vector<16xf32>
        %mul3A_1095 = arith.mulf %get3A_1094, %gather3A_1056 : vector<16xf32>
        %swap3A_1096 = arith.index_cast %add3A_1060 : i32 to index
        %swap3A_1097 = arith.constant 48 : index
        %swap3A_1098 = tpu.vector_load %arg14[%swap3A_1096, %swap3A_1097] {strides = array<i32>} : memref<128x128xf32, #tpu.memory_space<vmem>>, vector<1x16xf32>,
        %swap3A_1099 = vector.shape_cast %swap3A_1098 : vector<1x16xf32> to vector<16xf32>
        %swap3A_1100 = vector.shape_cast %mul3A_1095 : vector<16xf32> to vector<1x16xf32>
        tpu.vector_store %arg14[%swap3A_1096, %swap3A_1097], %swap3A_1100 {strides = array<i32>} : memref<128x128xf32, #tpu.memory_space<vmem>>, vector<1x16xf32>,
        %get3A_1101 = arith.index_cast %add3A_1060 : i32 to index
        %get3A_1102 = arith.constant 64 : index
        %get3A_1103 = tpu.vector_load %arg14[%get3A_1101, %get3A_1102] {strides = array<i32>} : memref<128x128xf32, #tpu.memory_space<vmem>>, vector<1x16xf32>,
        %get3A_1104 = vector.shape_cast %get3A_1103 : vector<1x16xf32> to vector<16xf32>
        %mul3A_1105 = arith.mulf %get3A_1104, %gather3A_1056 : vector<16xf32>
        %swap3A_1106 = arith.index_cast %add3A_1060 : i32 to index
        %swap3A_1107 = arith.constant 64 : index
        %swap3A_1108 = tpu.vector_load %arg14[%swap3A_1106, %swap3A_1107] {strides = array<i32>} : memref<128x128xf32, #tpu.memory_space<vmem>>, vector<1x16xf32>,
        %swap3A_1109 = vector.shape_cast %swap3A_1108 : vector<1x16xf32> to vector<16xf32>
        %swap3A_1110 = vector.shape_cast %mul3A_1105 : vector<16xf32> to vector<1x16xf32>
        tpu.vector_store %arg14[%swap3A_1106, %swap3A_1107], %swap3A_1110 {strides = array<i32>} : memref<128x128xf32, #tpu.memory_space<vmem>>, vector<1x16xf32>,
        %get3A_1111 = arith.index_cast %add3A_1060 : i32 to index
        %get3A_1112 = arith.constant 80 : index
        %get3A_1113 = tpu.vector_load %arg14[%get3A_1111, %get3A_1112] {strides = array<i32>} : memref<128x128xf32, #tpu.memory_space<vmem>>, vector<1x16xf32>,
        %get3A_1114 = vector.shape_cast %get3A_1113 : vector<1x16xf32> to vector<16xf32>
        %mul3A_1115 = arith.mulf %get3A_1114, %gather3A_1056 : vector<16xf32>
        %swap3A_1116 = arith.index_cast %add3A_1060 : i32 to index
        %swap3A_1117 = arith.constant 80 : index
        %swap3A_1118 = tpu.vector_load %arg14[%swap3A_1116, %swap3A_1117] {strides = array<i32>} : memref<128x128xf32, #tpu.memory_space<vmem>>, vector<1x16xf32>,
        %swap3A_1119 = vector.shape_cast %swap3A_1118 : vector<1x16xf32> to vector<16xf32>
        %swap3A_1120 = vector.shape_cast %mul3A_1115 : vector<16xf32> to vector<1x16xf32>
        tpu.vector_store %arg14[%swap3A_1116, %swap3A_1117], %swap3A_1120 {strides = array<i32>} : memref<128x128xf32, #tpu.memory_space<vmem>>, vector<1x16xf32>,
        %get3A_1121 = arith.index_cast %add3A_1060 : i32 to index
        %get3A_1122 = arith.constant 96 : index
        %get3A_1123 = tpu.vector_load %arg14[%get3A_1121, %get3A_1122] {strides = array<i32>} : memref<128x128xf32, #tpu.memory_space<vmem>>, vector<1x16xf32>,
        %get3A_1124 = vector.shape_cast %get3A_1123 : vector<1x16xf32> to vector<16xf32>
        %mul3A_1125 = arith.mulf %get3A_1124, %gather3A_1056 : vector<16xf32>
        %swap3A_1126 = arith.index_cast %add3A_1060 : i32 to index
        %swap3A_1127 = arith.constant 96 : index
        %swap3A_1128 = tpu.vector_load %arg14[%swap3A_1126, %swap3A_1127] {strides = array<i32>} : memref<128x128xf32, #tpu.memory_space<vmem>>, vector<1x16xf32>,
        %swap3A_1129 = vector.shape_cast %swap3A_1128 : vector<1x16xf32> to vector<16xf32>
        %swap3A_1130 = vector.shape_cast %mul3A_1125 : vector<16xf32> to vector<1x16xf32>
        tpu.vector_store %arg14[%swap3A_1126, %swap3A_1127], %swap3A_1130 {strides = array<i32>} : memref<128x128xf32, #tpu.memory_space<vmem>>, vector<1x16xf32>,
        %get3A_1131 = arith.index_cast %add3A_1060 : i32 to index
        %get3A_1132 = arith.constant 112 : index
        %get3A_1133 = tpu.vector_load %arg14[%get3A_1131, %get3A_1132] {strides = array<i32>} : memref<128x128xf32, #tpu.memory_space<vmem>>, vector<1x16xf32>,
        %get3A_1134 = vector.shape_cast %get3A_1133 : vector<1x16xf32> to vector<16xf32>
        %mul3A_1135 = arith.mulf %get3A_1134, %gather3A_1056 : vector<16xf32>
        %swap3A_1136 = arith.index_cast %add3A_1060 : i32 to index
        %swap3A_1137 = arith.constant 112 : index
        %swap3A_1138 = tpu.vector_load %arg14[%swap3A_1136, %swap3A_1137] {strides = array<i32>} : memref<128x128xf32, #tpu.memory_space<vmem>>, vector<1x16xf32>,
        %swap3A_1139 = vector.shape_cast %swap3A_1138 : vector<1x16xf32> to vector<16xf32>
        %swap3A_1140 = vector.shape_cast %mul3A_1135 : vector<16xf32> to vector<1x16xf32>
        tpu.vector_store %arg14[%swap3A_1136, %swap3A_1137], %swap3A_1140 {strides = array<i32>} : memref<128x128xf32, #tpu.memory_space<vmem>>, vector<1x16xf32>,
        %lt3A_1141 = arith.constant 0 : i32
        %lt3A_1142 = vector.broadcast %lt3A_1141 : i32 to vector<16xi32>
        %lt3A_1143 = arith.cmpi slt, %broadcast_in_dim3A_41, %lt3A_1142 : vector<16xi32>
        %add3A_1144 = arith.constant 16 : i32
        %add3A_1145 = vector.broadcast %add3A_1144 : i32 to vector<16xi32>
        %add3A_1146 = arith.addi %broadcast_in_dim3A_41, %add3A_1145 : vector<16xi32>
        %select_n3A_1147 = arith.select %lt3A_1143, %add3A_1146, %broadcast_in_dim3A_41 : vector<16xi1>, vector<16xi32>
        %broadcast_in_dim3A_1148 = vector.shape_cast %select_n3A_1147 : vector<16xi32> to vector<16x1xi32>
        %gather3A_1149 = vector.shape_cast %broadcast_in_dim3A_1148 : vector<16x1xi32> to vector<16xi32>
        %gather3A_1150 = tpu.dynamic_gather %get3A_297[%gather3A_1149] in [0] : vector<16xf32>, vector<16xi32> -> vector<16xf32>
        %mul3A_1151 = arith.constant 16 : i32
        %mul3A_1152 = arith.muli %scan3A_291, %mul3A_1151 : i32
        %add3A_1153 = arith.constant 9 : i32
        %add3A_1154 = arith.addi %mul3A_1152, %add3A_1153 : i32
        %get3A_1155 = arith.index_cast %add3A_1154 : i32 to index
        %get3A_1156 = arith.constant 0 : index
        %get3A_1157 = tpu.vector_load %arg14[%get3A_1155, %get3A_1156] {strides = array<i32>} : memref<128x128xf32, #tpu.memory_space<vmem>>, vector<1x16xf32>,
        %get3A_1158 = vector.shape_cast %get3A_1157 : vector<1x16xf32> to vector<16xf32>
        %mul3A_1159 = arith.mulf %get3A_1158, %gather3A_1150 : vector<16xf32>
        %swap3A_1160 = arith.index_cast %add3A_1154 : i32 to index
        %swap3A_1161 = arith.constant 0 : index
        %swap3A_1162 = tpu.vector_load %arg14[%swap3A_1160, %swap3A_1161] {strides = array<i32>} : memref<128x128xf32, #tpu.memory_space<vmem>>, vector<1x16xf32>,
        %swap3A_1163 = vector.shape_cast %swap3A_1162 : vector<1x16xf32> to vector<16xf32>
        %swap3A_1164 = vector.shape_cast %mul3A_1159 : vector<16xf32> to vector<1x16xf32>
        tpu.vector_store %arg14[%swap3A_1160, %swap3A_1161], %swap3A_1164 {strides = array<i32>} : memref<128x128xf32, #tpu.memory_space<vmem>>, vector<1x16xf32>,
        %get3A_1165 = arith.index_cast %add3A_1154 : i32 to index
        %get3A_1166 = arith.constant 16 : index
        %get3A_1167 = tpu.vector_load %arg14[%get3A_1165, %get3A_1166] {strides = array<i32>} : memref<128x128xf32, #tpu.memory_space<vmem>>, vector<1x16xf32>,
        %get3A_1168 = vector.shape_cast %get3A_1167 : vector<1x16xf32> to vector<16xf32>
        %mul3A_1169 = arith.mulf %get3A_1168, %gather3A_1150 : vector<16xf32>
        %swap3A_1170 = arith.index_cast %add3A_1154 : i32 to index
        %swap3A_1171 = arith.constant 16 : index
        %swap3A_1172 = tpu.vector_load %arg14[%swap3A_1170, %swap3A_1171] {strides = array<i32>} : memref<128x128xf32, #tpu.memory_space<vmem>>, vector<1x16xf32>,
        %swap3A_1173 = vector.shape_cast %swap3A_1172 : vector<1x16xf32> to vector<16xf32>
        %swap3A_1174 = vector.shape_cast %mul3A_1169 : vector<16xf32> to vector<1x16xf32>
        tpu.vector_store %arg14[%swap3A_1170, %swap3A_1171], %swap3A_1174 {strides = array<i32>} : memref<128x128xf32, #tpu.memory_space<vmem>>, vector<1x16xf32>,
        %get3A_1175 = arith.index_cast %add3A_1154 : i32 to index
        %get3A_1176 = arith.constant 32 : index
        %get3A_1177 = tpu.vector_load %arg14[%get3A_1175, %get3A_1176] {strides = array<i32>} : memref<128x128xf32, #tpu.memory_space<vmem>>, vector<1x16xf32>,
        %get3A_1178 = vector.shape_cast %get3A_1177 : vector<1x16xf32> to vector<16xf32>
        %mul3A_1179 = arith.mulf %get3A_1178, %gather3A_1150 : vector<16xf32>
        %swap3A_1180 = arith.index_cast %add3A_1154 : i32 to index
        %swap3A_1181 = arith.constant 32 : index
        %swap3A_1182 = tpu.vector_load %arg14[%swap3A_1180, %swap3A_1181] {strides = array<i32>} : memref<128x128xf32, #tpu.memory_space<vmem>>, vector<1x16xf32>,
        %swap3A_1183 = vector.shape_cast %swap3A_1182 : vector<1x16xf32> to vector<16xf32>
        %swap3A_1184 = vector.shape_cast %mul3A_1179 : vector<16xf32> to vector<1x16xf32>
        tpu.vector_store %arg14[%swap3A_1180, %swap3A_1181], %swap3A_1184 {strides = array<i32>} : memref<128x128xf32, #tpu.memory_space<vmem>>, vector<1x16xf32>,
        %get3A_1185 = arith.index_cast %add3A_1154 : i32 to index
        %get3A_1186 = arith.constant 48 : index
        %get3A_1187 = tpu.vector_load %arg14[%get3A_1185, %get3A_1186] {strides = array<i32>} : memref<128x128xf32, #tpu.memory_space<vmem>>, vector<1x16xf32>,
        %get3A_1188 = vector.shape_cast %get3A_1187 : vector<1x16xf32> to vector<16xf32>
        %mul3A_1189 = arith.mulf %get3A_1188, %gather3A_1150 : vector<16xf32>
        %swap3A_1190 = arith.index_cast %add3A_1154 : i32 to index
        %swap3A_1191 = arith.constant 48 : index
        %swap3A_1192 = tpu.vector_load %arg14[%swap3A_1190, %swap3A_1191] {strides = array<i32>} : memref<128x128xf32, #tpu.memory_space<vmem>>, vector<1x16xf32>,
        %swap3A_1193 = vector.shape_cast %swap3A_1192 : vector<1x16xf32> to vector<16xf32>
        %swap3A_1194 = vector.shape_cast %mul3A_1189 : vector<16xf32> to vector<1x16xf32>
        tpu.vector_store %arg14[%swap3A_1190, %swap3A_1191], %swap3A_1194 {strides = array<i32>} : memref<128x128xf32, #tpu.memory_space<vmem>>, vector<1x16xf32>,
        %get3A_1195 = arith.index_cast %add3A_1154 : i32 to index
        %get3A_1196 = arith.constant 64 : index
        %get3A_1197 = tpu.vector_load %arg14[%get3A_1195, %get3A_1196] {strides = array<i32>} : memref<128x128xf32, #tpu.memory_space<vmem>>, vector<1x16xf32>,
        %get3A_1198 = vector.shape_cast %get3A_1197 : vector<1x16xf32> to vector<16xf32>
        %mul3A_1199 = arith.mulf %get3A_1198, %gather3A_1150 : vector<16xf32>
        %swap3A_1200 = arith.index_cast %add3A_1154 : i32 to index
        %swap3A_1201 = arith.constant 64 : index
        %swap3A_1202 = tpu.vector_load %arg14[%swap3A_1200, %swap3A_1201] {strides = array<i32>} : memref<128x128xf32, #tpu.memory_space<vmem>>, vector<1x16xf32>,
        %swap3A_1203 = vector.shape_cast %swap3A_1202 : vector<1x16xf32> to vector<16xf32>
        %swap3A_1204 = vector.shape_cast %mul3A_1199 : vector<16xf32> to vector<1x16xf32>
        tpu.vector_store %arg14[%swap3A_1200, %swap3A_1201], %swap3A_1204 {strides = array<i32>} : memref<128x128xf32, #tpu.memory_space<vmem>>, vector<1x16xf32>,
        %get3A_1205 = arith.index_cast %add3A_1154 : i32 to index
        %get3A_1206 = arith.constant 80 : index
        %get3A_1207 = tpu.vector_load %arg14[%get3A_1205, %get3A_1206] {strides = array<i32>} : memref<128x128xf32, #tpu.memory_space<vmem>>, vector<1x16xf32>,
        %get3A_1208 = vector.shape_cast %get3A_1207 : vector<1x16xf32> to vector<16xf32>
        %mul3A_1209 = arith.mulf %get3A_1208, %gather3A_1150 : vector<16xf32>
        %swap3A_1210 = arith.index_cast %add3A_1154 : i32 to index
        %swap3A_1211 = arith.constant 80 : index
        %swap3A_1212 = tpu.vector_load %arg14[%swap3A_1210, %swap3A_1211] {strides = array<i32>} : memref<128x128xf32, #tpu.memory_space<vmem>>, vector<1x16xf32>,
        %swap3A_1213 = vector.shape_cast %swap3A_1212 : vector<1x16xf32> to vector<16xf32>
        %swap3A_1214 = vector.shape_cast %mul3A_1209 : vector<16xf32> to vector<1x16xf32>
        tpu.vector_store %arg14[%swap3A_1210, %swap3A_1211], %swap3A_1214 {strides = array<i32>} : memref<128x128xf32, #tpu.memory_space<vmem>>, vector<1x16xf32>,
        %get3A_1215 = arith.index_cast %add3A_1154 : i32 to index
        %get3A_1216 = arith.constant 96 : index
        %get3A_1217 = tpu.vector_load %arg14[%get3A_1215, %get3A_1216] {strides = array<i32>} : memref<128x128xf32, #tpu.memory_space<vmem>>, vector<1x16xf32>,
        %get3A_1218 = vector.shape_cast %get3A_1217 : vector<1x16xf32> to vector<16xf32>
        %mul3A_1219 = arith.mulf %get3A_1218, %gather3A_1150 : vector<16xf32>
        %swap3A_1220 = arith.index_cast %add3A_1154 : i32 to index
        %swap3A_1221 = arith.constant 96 : index
        %swap3A_1222 = tpu.vector_load %arg14[%swap3A_1220, %swap3A_1221] {strides = array<i32>} : memref<128x128xf32, #tpu.memory_space<vmem>>, vector<1x16xf32>,
        %swap3A_1223 = vector.shape_cast %swap3A_1222 : vector<1x16xf32> to vector<16xf32>
        %swap3A_1224 = vector.shape_cast %mul3A_1219 : vector<16xf32> to vector<1x16xf32>
        tpu.vector_store %arg14[%swap3A_1220, %swap3A_1221], %swap3A_1224 {strides = array<i32>} : memref<128x128xf32, #tpu.memory_space<vmem>>, vector<1x16xf32>,
        %get3A_1225 = arith.index_cast %add3A_1154 : i32 to index
        %get3A_1226 = arith.constant 112 : index
        %get3A_1227 = tpu.vector_load %arg14[%get3A_1225, %get3A_1226] {strides = array<i32>} : memref<128x128xf32, #tpu.memory_space<vmem>>, vector<1x16xf32>,
        %get3A_1228 = vector.shape_cast %get3A_1227 : vector<1x16xf32> to vector<16xf32>
        %mul3A_1229 = arith.mulf %get3A_1228, %gather3A_1150 : vector<16xf32>
        %swap3A_1230 = arith.index_cast %add3A_1154 : i32 to index
        %swap3A_1231 = arith.constant 112 : index
        %swap3A_1232 = tpu.vector_load %arg14[%swap3A_1230, %swap3A_1231] {strides = array<i32>} : memref<128x128xf32, #tpu.memory_space<vmem>>, vector<1x16xf32>,
        %swap3A_1233 = vector.shape_cast %swap3A_1232 : vector<1x16xf32> to vector<16xf32>
        %swap3A_1234 = vector.shape_cast %mul3A_1229 : vector<16xf32> to vector<1x16xf32>
        tpu.vector_store %arg14[%swap3A_1230, %swap3A_1231], %swap3A_1234 {strides = array<i32>} : memref<128x128xf32, #tpu.memory_space<vmem>>, vector<1x16xf32>,
        %lt3A_1235 = arith.constant 0 : i32
        %lt3A_1236 = vector.broadcast %lt3A_1235 : i32 to vector<16xi32>
        %lt3A_1237 = arith.cmpi slt, %broadcast_in_dim3A_43, %lt3A_1236 : vector<16xi32>
        %add3A_1238 = arith.constant 16 : i32
        %add3A_1239 = vector.broadcast %add3A_1238 : i32 to vector<16xi32>
        %add3A_1240 = arith.addi %broadcast_in_dim3A_43, %add3A_1239 : vector<16xi32>
        %select_n3A_1241 = arith.select %lt3A_1237, %add3A_1240, %broadcast_in_dim3A_43 : vector<16xi1>, vector<16xi32>
        %broadcast_in_dim3A_1242 = vector.shape_cast %select_n3A_1241 : vector<16xi32> to vector<16x1xi32>
        %gather3A_1243 = vector.shape_cast %broadcast_in_dim3A_1242 : vector<16x1xi32> to vector<16xi32>
        %gather3A_1244 = tpu.dynamic_gather %get3A_297[%gather3A_1243] in [0] : vector<16xf32>, vector<16xi32> -> vector<16xf32>
        %mul3A_1245 = arith.constant 16 : i32
        %mul3A_1246 = arith.muli %scan3A_291, %mul3A_1245 : i32
        %add3A_1247 = arith.constant 10 : i32
        %add3A_1248 = arith.addi %mul3A_1246, %add3A_1247 : i32
        %get3A_1249 = arith.index_cast %add3A_1248 : i32 to index
        %get3A_1250 = arith.constant 0 : index
        %get3A_1251 = tpu.vector_load %arg14[%get3A_1249, %get3A_1250] {strides = array<i32>} : memref<128x128xf32, #tpu.memory_space<vmem>>, vector<1x16xf32>,
        %get3A_1252 = vector.shape_cast %get3A_1251 : vector<1x16xf32> to vector<16xf32>
        %mul3A_1253 = arith.mulf %get3A_1252, %gather3A_1244 : vector<16xf32>
        %swap3A_1254 = arith.index_cast %add3A_1248 : i32 to index
        %swap3A_1255 = arith.constant 0 : index
        %swap3A_1256 = tpu.vector_load %arg14[%swap3A_1254, %swap3A_1255] {strides = array<i32>} : memref<128x128xf32, #tpu.memory_space<vmem>>, vector<1x16xf32>,
        %swap3A_1257 = vector.shape_cast %swap3A_1256 : vector<1x16xf32> to vector<16xf32>
        %swap3A_1258 = vector.shape_cast %mul3A_1253 : vector<16xf32> to vector<1x16xf32>
        tpu.vector_store %arg14[%swap3A_1254, %swap3A_1255], %swap3A_1258 {strides = array<i32>} : memref<128x128xf32, #tpu.memory_space<vmem>>, vector<1x16xf32>,
        %get3A_1259 = arith.index_cast %add3A_1248 : i32 to index
        %get3A_1260 = arith.constant 16 : index
        %get3A_1261 = tpu.vector_load %arg14[%get3A_1259, %get3A_1260] {strides = array<i32>} : memref<128x128xf32, #tpu.memory_space<vmem>>, vector<1x16xf32>,
        %get3A_1262 = vector.shape_cast %get3A_1261 : vector<1x16xf32> to vector<16xf32>
        %mul3A_1263 = arith.mulf %get3A_1262, %gather3A_1244 : vector<16xf32>
        %swap3A_1264 = arith.index_cast %add3A_1248 : i32 to index
        %swap3A_1265 = arith.constant 16 : index
        %swap3A_1266 = tpu.vector_load %arg14[%swap3A_1264, %swap3A_1265] {strides = array<i32>} : memref<128x128xf32, #tpu.memory_space<vmem>>, vector<1x16xf32>,
        %swap3A_1267 = vector.shape_cast %swap3A_1266 : vector<1x16xf32> to vector<16xf32>
        %swap3A_1268 = vector.shape_cast %mul3A_1263 : vector<16xf32> to vector<1x16xf32>
        tpu.vector_store %arg14[%swap3A_1264, %swap3A_1265], %swap3A_1268 {strides = array<i32>} : memref<128x128xf32, #tpu.memory_space<vmem>>, vector<1x16xf32>,
        %get3A_1269 = arith.index_cast %add3A_1248 : i32 to index
        %get3A_1270 = arith.constant 32 : index
        %get3A_1271 = tpu.vector_load %arg14[%get3A_1269, %get3A_1270] {strides = array<i32>} : memref<128x128xf32, #tpu.memory_space<vmem>>, vector<1x16xf32>,
        %get3A_1272 = vector.shape_cast %get3A_1271 : vector<1x16xf32> to vector<16xf32>
        %mul3A_1273 = arith.mulf %get3A_1272, %gather3A_1244 : vector<16xf32>
        %swap3A_1274 = arith.index_cast %add3A_1248 : i32 to index
        %swap3A_1275 = arith.constant 32 : index
        %swap3A_1276 = tpu.vector_load %arg14[%swap3A_1274, %swap3A_1275] {strides = array<i32>} : memref<128x128xf32, #tpu.memory_space<vmem>>, vector<1x16xf32>,
        %swap3A_1277 = vector.shape_cast %swap3A_1276 : vector<1x16xf32> to vector<16xf32>
        %swap3A_1278 = vector.shape_cast %mul3A_1273 : vector<16xf32> to vector<1x16xf32>
        tpu.vector_store %arg14[%swap3A_1274, %swap3A_1275], %swap3A_1278 {strides = array<i32>} : memref<128x128xf32, #tpu.memory_space<vmem>>, vector<1x16xf32>,
        %get3A_1279 = arith.index_cast %add3A_1248 : i32 to index
        %get3A_1280 = arith.constant 48 : index
        %get3A_1281 = tpu.vector_load %arg14[%get3A_1279, %get3A_1280] {strides = array<i32>} : memref<128x128xf32, #tpu.memory_space<vmem>>, vector<1x16xf32>,
        %get3A_1282 = vector.shape_cast %get3A_1281 : vector<1x16xf32> to vector<16xf32>
        %mul3A_1283 = arith.mulf %get3A_1282, %gather3A_1244 : vector<16xf32>
        %swap3A_1284 = arith.index_cast %add3A_1248 : i32 to index
        %swap3A_1285 = arith.constant 48 : index
        %swap3A_1286 = tpu.vector_load %arg14[%swap3A_1284, %swap3A_1285] {strides = array<i32>} : memref<128x128xf32, #tpu.memory_space<vmem>>, vector<1x16xf32>,
        %swap3A_1287 = vector.shape_cast %swap3A_1286 : vector<1x16xf32> to vector<16xf32>
        %swap3A_1288 = vector.shape_cast %mul3A_1283 : vector<16xf32> to vector<1x16xf32>
        tpu.vector_store %arg14[%swap3A_1284, %swap3A_1285], %swap3A_1288 {strides = array<i32>} : memref<128x128xf32, #tpu.memory_space<vmem>>, vector<1x16xf32>,
        %get3A_1289 = arith.index_cast %add3A_1248 : i32 to index
        %get3A_1290 = arith.constant 64 : index
        %get3A_1291 = tpu.vector_load %arg14[%get3A_1289, %get3A_1290] {strides = array<i32>} : memref<128x128xf32, #tpu.memory_space<vmem>>, vector<1x16xf32>,
        %get3A_1292 = vector.shape_cast %get3A_1291 : vector<1x16xf32> to vector<16xf32>
        %mul3A_1293 = arith.mulf %get3A_1292, %gather3A_1244 : vector<16xf32>
        %swap3A_1294 = arith.index_cast %add3A_1248 : i32 to index
        %swap3A_1295 = arith.constant 64 : index
        %swap3A_1296 = tpu.vector_load %arg14[%swap3A_1294, %swap3A_1295] {strides = array<i32>} : memref<128x128xf32, #tpu.memory_space<vmem>>, vector<1x16xf32>,
        %swap3A_1297 = vector.shape_cast %swap3A_1296 : vector<1x16xf32> to vector<16xf32>
        %swap3A_1298 = vector.shape_cast %mul3A_1293 : vector<16xf32> to vector<1x16xf32>
        tpu.vector_store %arg14[%swap3A_1294, %swap3A_1295], %swap3A_1298 {strides = array<i32>} : memref<128x128xf32, #tpu.memory_space<vmem>>, vector<1x16xf32>,
        %get3A_1299 = arith.index_cast %add3A_1248 : i32 to index
        %get3A_1300 = arith.constant 80 : index
        %get3A_1301 = tpu.vector_load %arg14[%get3A_1299, %get3A_1300] {strides = array<i32>} : memref<128x128xf32, #tpu.memory_space<vmem>>, vector<1x16xf32>,
        %get3A_1302 = vector.shape_cast %get3A_1301 : vector<1x16xf32> to vector<16xf32>
        %mul3A_1303 = arith.mulf %get3A_1302, %gather3A_1244 : vector<16xf32>
        %swap3A_1304 = arith.index_cast %add3A_1248 : i32 to index
        %swap3A_1305 = arith.constant 80 : index
        %swap3A_1306 = tpu.vector_load %arg14[%swap3A_1304, %swap3A_1305] {strides = array<i32>} : memref<128x128xf32, #tpu.memory_space<vmem>>, vector<1x16xf32>,
        %swap3A_1307 = vector.shape_cast %swap3A_1306 : vector<1x16xf32> to vector<16xf32>
        %swap3A_1308 = vector.shape_cast %mul3A_1303 : vector<16xf32> to vector<1x16xf32>
        tpu.vector_store %arg14[%swap3A_1304, %swap3A_1305], %swap3A_1308 {strides = array<i32>} : memref<128x128xf32, #tpu.memory_space<vmem>>, vector<1x16xf32>,
        %get3A_1309 = arith.index_cast %add3A_1248 : i32 to index
        %get3A_1310 = arith.constant 96 : index
        %get3A_1311 = tpu.vector_load %arg14[%get3A_1309, %get3A_1310] {strides = array<i32>} : memref<128x128xf32, #tpu.memory_space<vmem>>, vector<1x16xf32>,
        %get3A_1312 = vector.shape_cast %get3A_1311 : vector<1x16xf32> to vector<16xf32>
        %mul3A_1313 = arith.mulf %get3A_1312, %gather3A_1244 : vector<16xf32>
        %swap3A_1314 = arith.index_cast %add3A_1248 : i32 to index
        %swap3A_1315 = arith.constant 96 : index
        %swap3A_1316 = tpu.vector_load %arg14[%swap3A_1314, %swap3A_1315] {strides = array<i32>} : memref<128x128xf32, #tpu.memory_space<vmem>>, vector<1x16xf32>,
        %swap3A_1317 = vector.shape_cast %swap3A_1316 : vector<1x16xf32> to vector<16xf32>
        %swap3A_1318 = vector.shape_cast %mul3A_1313 : vector<16xf32> to vector<1x16xf32>
        tpu.vector_store %arg14[%swap3A_1314, %swap3A_1315], %swap3A_1318 {strides = array<i32>} : memref<128x128xf32, #tpu.memory_space<vmem>>, vector<1x16xf32>,
        %get3A_1319 = arith.index_cast %add3A_1248 : i32 to index
        %get3A_1320 = arith.constant 112 : index
        %get3A_1321 = tpu.vector_load %arg14[%get3A_1319, %get3A_1320] {strides = array<i32>} : memref<128x128xf32, #tpu.memory_space<vmem>>, vector<1x16xf32>,
        %get3A_1322 = vector.shape_cast %get3A_1321 : vector<1x16xf32> to vector<16xf32>
        %mul3A_1323 = arith.mulf %get3A_1322, %gather3A_1244 : vector<16xf32>
        %swap3A_1324 = arith.index_cast %add3A_1248 : i32 to index
        %swap3A_1325 = arith.constant 112 : index
        %swap3A_1326 = tpu.vector_load %arg14[%swap3A_1324, %swap3A_1325] {strides = array<i32>} : memref<128x128xf32, #tpu.memory_space<vmem>>, vector<1x16xf32>,
        %swap3A_1327 = vector.shape_cast %swap3A_1326 : vector<1x16xf32> to vector<16xf32>
        %swap3A_1328 = vector.shape_cast %mul3A_1323 : vector<16xf32> to vector<1x16xf32>
        tpu.vector_store %arg14[%swap3A_1324, %swap3A_1325], %swap3A_1328 {strides = array<i32>} : memref<128x128xf32, #tpu.memory_space<vmem>>, vector<1x16xf32>,
        %lt3A_1329 = arith.constant 0 : i32
        %lt3A_1330 = vector.broadcast %lt3A_1329 : i32 to vector<16xi32>
        %lt3A_1331 = arith.cmpi slt, %broadcast_in_dim3A_45, %lt3A_1330 : vector<16xi32>
        %add3A_1332 = arith.constant 16 : i32
        %add3A_1333 = vector.broadcast %add3A_1332 : i32 to vector<16xi32>
        %add3A_1334 = arith.addi %broadcast_in_dim3A_45, %add3A_1333 : vector<16xi32>
        %select_n3A_1335 = arith.select %lt3A_1331, %add3A_1334, %broadcast_in_dim3A_45 : vector<16xi1>, vector<16xi32>
        %broadcast_in_dim3A_1336 = vector.shape_cast %select_n3A_1335 : vector<16xi32> to vector<16x1xi32>
        %gather3A_1337 = vector.shape_cast %broadcast_in_dim3A_1336 : vector<16x1xi32> to vector<16xi32>
        %gather3A_1338 = tpu.dynamic_gather %get3A_297[%gather3A_1337] in [0] : vector<16xf32>, vector<16xi32> -> vector<16xf32>
        %mul3A_1339 = arith.constant 16 : i32
        %mul3A_1340 = arith.muli %scan3A_291, %mul3A_1339 : i32
        %add3A_1341 = arith.constant 11 : i32
        %add3A_1342 = arith.addi %mul3A_1340, %add3A_1341 : i32
        %get3A_1343 = arith.index_cast %add3A_1342 : i32 to index
        %get3A_1344 = arith.constant 0 : index
        %get3A_1345 = tpu.vector_load %arg14[%get3A_1343, %get3A_1344] {strides = array<i32>} : memref<128x128xf32, #tpu.memory_space<vmem>>, vector<1x16xf32>,
        %get3A_1346 = vector.shape_cast %get3A_1345 : vector<1x16xf32> to vector<16xf32>
        %mul3A_1347 = arith.mulf %get3A_1346, %gather3A_1338 : vector<16xf32>
        %swap3A_1348 = arith.index_cast %add3A_1342 : i32 to index
        %swap3A_1349 = arith.constant 0 : index
        %swap3A_1350 = tpu.vector_load %arg14[%swap3A_1348, %swap3A_1349] {strides = array<i32>} : memref<128x128xf32, #tpu.memory_space<vmem>>, vector<1x16xf32>,
        %swap3A_1351 = vector.shape_cast %swap3A_1350 : vector<1x16xf32> to vector<16xf32>
        %swap3A_1352 = vector.shape_cast %mul3A_1347 : vector<16xf32> to vector<1x16xf32>
        tpu.vector_store %arg14[%swap3A_1348, %swap3A_1349], %swap3A_1352 {strides = array<i32>} : memref<128x128xf32, #tpu.memory_space<vmem>>, vector<1x16xf32>,
        %get3A_1353 = arith.index_cast %add3A_1342 : i32 to index
        %get3A_1354 = arith.constant 16 : index
        %get3A_1355 = tpu.vector_load %arg14[%get3A_1353, %get3A_1354] {strides = array<i32>} : memref<128x128xf32, #tpu.memory_space<vmem>>, vector<1x16xf32>,
        %get3A_1356 = vector.shape_cast %get3A_1355 : vector<1x16xf32> to vector<16xf32>
        %mul3A_1357 = arith.mulf %get3A_1356, %gather3A_1338 : vector<16xf32>
        %swap3A_1358 = arith.index_cast %add3A_1342 : i32 to index
        %swap3A_1359 = arith.constant 16 : index
        %swap3A_1360 = tpu.vector_load %arg14[%swap3A_1358, %swap3A_1359] {strides = array<i32>} : memref<128x128xf32, #tpu.memory_space<vmem>>, vector<1x16xf32>,
        %swap3A_1361 = vector.shape_cast %swap3A_1360 : vector<1x16xf32> to vector<16xf32>
        %swap3A_1362 = vector.shape_cast %mul3A_1357 : vector<16xf32> to vector<1x16xf32>
        tpu.vector_store %arg14[%swap3A_1358, %swap3A_1359], %swap3A_1362 {strides = array<i32>} : memref<128x128xf32, #tpu.memory_space<vmem>>, vector<1x16xf32>,
        %get3A_1363 = arith.index_cast %add3A_1342 : i32 to index
        %get3A_1364 = arith.constant 32 : index
        %get3A_1365 = tpu.vector_load %arg14[%get3A_1363, %get3A_1364] {strides = array<i32>} : memref<128x128xf32, #tpu.memory_space<vmem>>, vector<1x16xf32>,
        %get3A_1366 = vector.shape_cast %get3A_1365 : vector<1x16xf32> to vector<16xf32>
        %mul3A_1367 = arith.mulf %get3A_1366, %gather3A_1338 : vector<16xf32>
        %swap3A_1368 = arith.index_cast %add3A_1342 : i32 to index
        %swap3A_1369 = arith.constant 32 : index
        %swap3A_1370 = tpu.vector_load %arg14[%swap3A_1368, %swap3A_1369] {strides = array<i32>} : memref<128x128xf32, #tpu.memory_space<vmem>>, vector<1x16xf32>,
        %swap3A_1371 = vector.shape_cast %swap3A_1370 : vector<1x16xf32> to vector<16xf32>
        %swap3A_1372 = vector.shape_cast %mul3A_1367 : vector<16xf32> to vector<1x16xf32>
        tpu.vector_store %arg14[%swap3A_1368, %swap3A_1369], %swap3A_1372 {strides = array<i32>} : memref<128x128xf32, #tpu.memory_space<vmem>>, vector<1x16xf32>,
        %get3A_1373 = arith.index_cast %add3A_1342 : i32 to index
        %get3A_1374 = arith.constant 48 : index
        %get3A_1375 = tpu.vector_load %arg14[%get3A_1373, %get3A_1374] {strides = array<i32>} : memref<128x128xf32, #tpu.memory_space<vmem>>, vector<1x16xf32>,
        %get3A_1376 = vector.shape_cast %get3A_1375 : vector<1x16xf32> to vector<16xf32>
        %mul3A_1377 = arith.mulf %get3A_1376, %gather3A_1338 : vector<16xf32>
        %swap3A_1378 = arith.index_cast %add3A_1342 : i32 to index
        %swap3A_1379 = arith.constant 48 : index
        %swap3A_1380 = tpu.vector_load %arg14[%swap3A_1378, %swap3A_1379] {strides = array<i32>} : memref<128x128xf32, #tpu.memory_space<vmem>>, vector<1x16xf32>,
        %swap3A_1381 = vector.shape_cast %swap3A_1380 : vector<1x16xf32> to vector<16xf32>
        %swap3A_1382 = vector.shape_cast %mul3A_1377 : vector<16xf32> to vector<1x16xf32>
        tpu.vector_store %arg14[%swap3A_1378, %swap3A_1379], %swap3A_1382 {strides = array<i32>} : memref<128x128xf32, #tpu.memory_space<vmem>>, vector<1x16xf32>,
        %get3A_1383 = arith.index_cast %add3A_1342 : i32 to index
        %get3A_1384 = arith.constant 64 : index
        %get3A_1385 = tpu.vector_load %arg14[%get3A_1383, %get3A_1384] {strides = array<i32>} : memref<128x128xf32, #tpu.memory_space<vmem>>, vector<1x16xf32>,
        %get3A_1386 = vector.shape_cast %get3A_1385 : vector<1x16xf32> to vector<16xf32>
        %mul3A_1387 = arith.mulf %get3A_1386, %gather3A_1338 : vector<16xf32>
        %swap3A_1388 = arith.index_cast %add3A_1342 : i32 to index
        %swap3A_1389 = arith.constant 64 : index
        %swap3A_1390 = tpu.vector_load %arg14[%swap3A_1388, %swap3A_1389] {strides = array<i32>} : memref<128x128xf32, #tpu.memory_space<vmem>>, vector<1x16xf32>,
        %swap3A_1391 = vector.shape_cast %swap3A_1390 : vector<1x16xf32> to vector<16xf32>
        %swap3A_1392 = vector.shape_cast %mul3A_1387 : vector<16xf32> to vector<1x16xf32>
        tpu.vector_store %arg14[%swap3A_1388, %swap3A_1389], %swap3A_1392 {strides = array<i32>} : memref<128x128xf32, #tpu.memory_space<vmem>>, vector<1x16xf32>,
        %get3A_1393 = arith.index_cast %add3A_1342 : i32 to index
        %get3A_1394 = arith.constant 80 : index
        %get3A_1395 = tpu.vector_load %arg14[%get3A_1393, %get3A_1394] {strides = array<i32>} : memref<128x128xf32, #tpu.memory_space<vmem>>, vector<1x16xf32>,
        %get3A_1396 = vector.shape_cast %get3A_1395 : vector<1x16xf32> to vector<16xf32>
        %mul3A_1397 = arith.mulf %get3A_1396, %gather3A_1338 : vector<16xf32>
        %swap3A_1398 = arith.index_cast %add3A_1342 : i32 to index
        %swap3A_1399 = arith.constant 80 : index
        %swap3A_1400 = tpu.vector_load %arg14[%swap3A_1398, %swap3A_1399] {strides = array<i32>} : memref<128x128xf32, #tpu.memory_space<vmem>>, vector<1x16xf32>,
        %swap3A_1401 = vector.shape_cast %swap3A_1400 : vector<1x16xf32> to vector<16xf32>
        %swap3A_1402 = vector.shape_cast %mul3A_1397 : vector<16xf32> to vector<1x16xf32>
        tpu.vector_store %arg14[%swap3A_1398, %swap3A_1399], %swap3A_1402 {strides = array<i32>} : memref<128x128xf32, #tpu.memory_space<vmem>>, vector<1x16xf32>,
        %get3A_1403 = arith.index_cast %add3A_1342 : i32 to index
        %get3A_1404 = arith.constant 96 : index
        %get3A_1405 = tpu.vector_load %arg14[%get3A_1403, %get3A_1404] {strides = array<i32>} : memref<128x128xf32, #tpu.memory_space<vmem>>, vector<1x16xf32>,
        %get3A_1406 = vector.shape_cast %get3A_1405 : vector<1x16xf32> to vector<16xf32>
        %mul3A_1407 = arith.mulf %get3A_1406, %gather3A_1338 : vector<16xf32>
        %swap3A_1408 = arith.index_cast %add3A_1342 : i32 to index
        %swap3A_1409 = arith.constant 96 : index
        %swap3A_1410 = tpu.vector_load %arg14[%swap3A_1408, %swap3A_1409] {strides = array<i32>} : memref<128x128xf32, #tpu.memory_space<vmem>>, vector<1x16xf32>,
        %swap3A_1411 = vector.shape_cast %swap3A_1410 : vector<1x16xf32> to vector<16xf32>
        %swap3A_1412 = vector.shape_cast %mul3A_1407 : vector<16xf32> to vector<1x16xf32>
        tpu.vector_store %arg14[%swap3A_1408, %swap3A_1409], %swap3A_1412 {strides = array<i32>} : memref<128x128xf32, #tpu.memory_space<vmem>>, vector<1x16xf32>,
        %get3A_1413 = arith.index_cast %add3A_1342 : i32 to index
        %get3A_1414 = arith.constant 112 : index
        %get3A_1415 = tpu.vector_load %arg14[%get3A_1413, %get3A_1414] {strides = array<i32>} : memref<128x128xf32, #tpu.memory_space<vmem>>, vector<1x16xf32>,
        %get3A_1416 = vector.shape_cast %get3A_1415 : vector<1x16xf32> to vector<16xf32>
        %mul3A_1417 = arith.mulf %get3A_1416, %gather3A_1338 : vector<16xf32>
        %swap3A_1418 = arith.index_cast %add3A_1342 : i32 to index
        %swap3A_1419 = arith.constant 112 : index
        %swap3A_1420 = tpu.vector_load %arg14[%swap3A_1418, %swap3A_1419] {strides = array<i32>} : memref<128x128xf32, #tpu.memory_space<vmem>>, vector<1x16xf32>,
        %swap3A_1421 = vector.shape_cast %swap3A_1420 : vector<1x16xf32> to vector<16xf32>
        %swap3A_1422 = vector.shape_cast %mul3A_1417 : vector<16xf32> to vector<1x16xf32>
        tpu.vector_store %arg14[%swap3A_1418, %swap3A_1419], %swap3A_1422 {strides = array<i32>} : memref<128x128xf32, #tpu.memory_space<vmem>>, vector<1x16xf32>,
        %lt3A_1423 = arith.constant 0 : i32
        %lt3A_1424 = vector.broadcast %lt3A_1423 : i32 to vector<16xi32>
        %lt3A_1425 = arith.cmpi slt, %broadcast_in_dim3A_47, %lt3A_1424 : vector<16xi32>
        %add3A_1426 = arith.constant 16 : i32
        %add3A_1427 = vector.broadcast %add3A_1426 : i32 to vector<16xi32>
        %add3A_1428 = arith.addi %broadcast_in_dim3A_47, %add3A_1427 : vector<16xi32>
        %select_n3A_1429 = arith.select %lt3A_1425, %add3A_1428, %broadcast_in_dim3A_47 : vector<16xi1>, vector<16xi32>
        %broadcast_in_dim3A_1430 = vector.shape_cast %select_n3A_1429 : vector<16xi32> to vector<16x1xi32>
        %gather3A_1431 = vector.shape_cast %broadcast_in_dim3A_1430 : vector<16x1xi32> to vector<16xi32>
        %gather3A_1432 = tpu.dynamic_gather %get3A_297[%gather3A_1431] in [0] : vector<16xf32>, vector<16xi32> -> vector<16xf32>
        %mul3A_1433 = arith.constant 16 : i32
        %mul3A_1434 = arith.muli %scan3A_291, %mul3A_1433 : i32
        %add3A_1435 = arith.constant 12 : i32
        %add3A_1436 = arith.addi %mul3A_1434, %add3A_1435 : i32
        %get3A_1437 = arith.index_cast %add3A_1436 : i32 to index
        %get3A_1438 = arith.constant 0 : index
        %get3A_1439 = tpu.vector_load %arg14[%get3A_1437, %get3A_1438] {strides = array<i32>} : memref<128x128xf32, #tpu.memory_space<vmem>>, vector<1x16xf32>,
        %get3A_1440 = vector.shape_cast %get3A_1439 : vector<1x16xf32> to vector<16xf32>
        %mul3A_1441 = arith.mulf %get3A_1440, %gather3A_1432 : vector<16xf32>
        %swap3A_1442 = arith.index_cast %add3A_1436 : i32 to index
        %swap3A_1443 = arith.constant 0 : index
        %swap3A_1444 = tpu.vector_load %arg14[%swap3A_1442, %swap3A_1443] {strides = array<i32>} : memref<128x128xf32, #tpu.memory_space<vmem>>, vector<1x16xf32>,
        %swap3A_1445 = vector.shape_cast %swap3A_1444 : vector<1x16xf32> to vector<16xf32>
        %swap3A_1446 = vector.shape_cast %mul3A_1441 : vector<16xf32> to vector<1x16xf32>
        tpu.vector_store %arg14[%swap3A_1442, %swap3A_1443], %swap3A_1446 {strides = array<i32>} : memref<128x128xf32, #tpu.memory_space<vmem>>, vector<1x16xf32>,
        %get3A_1447 = arith.index_cast %add3A_1436 : i32 to index
        %get3A_1448 = arith.constant 16 : index
        %get3A_1449 = tpu.vector_load %arg14[%get3A_1447, %get3A_1448] {strides = array<i32>} : memref<128x128xf32, #tpu.memory_space<vmem>>, vector<1x16xf32>,
        %get3A_1450 = vector.shape_cast %get3A_1449 : vector<1x16xf32> to vector<16xf32>
        %mul3A_1451 = arith.mulf %get3A_1450, %gather3A_1432 : vector<16xf32>
        %swap3A_1452 = arith.index_cast %add3A_1436 : i32 to index
        %swap3A_1453 = arith.constant 16 : index
        %swap3A_1454 = tpu.vector_load %arg14[%swap3A_1452, %swap3A_1453] {strides = array<i32>} : memref<128x128xf32, #tpu.memory_space<vmem>>, vector<1x16xf32>,
        %swap3A_1455 = vector.shape_cast %swap3A_1454 : vector<1x16xf32> to vector<16xf32>
        %swap3A_1456 = vector.shape_cast %mul3A_1451 : vector<16xf32> to vector<1x16xf32>
        tpu.vector_store %arg14[%swap3A_1452, %swap3A_1453], %swap3A_1456 {strides = array<i32>} : memref<128x128xf32, #tpu.memory_space<vmem>>, vector<1x16xf32>,
        %get3A_1457 = arith.index_cast %add3A_1436 : i32 to index
        %get3A_1458 = arith.constant 32 : index
        %get3A_1459 = tpu.vector_load %arg14[%get3A_1457, %get3A_1458] {strides = array<i32>} : memref<128x128xf32, #tpu.memory_space<vmem>>, vector<1x16xf32>,
        %get3A_1460 = vector.shape_cast %get3A_1459 : vector<1x16xf32> to vector<16xf32>
        %mul3A_1461 = arith.mulf %get3A_1460, %gather3A_1432 : vector<16xf32>
        %swap3A_1462 = arith.index_cast %add3A_1436 : i32 to index
        %swap3A_1463 = arith.constant 32 : index
        %swap3A_1464 = tpu.vector_load %arg14[%swap3A_1462, %swap3A_1463] {strides = array<i32>} : memref<128x128xf32, #tpu.memory_space<vmem>>, vector<1x16xf32>,
        %swap3A_1465 = vector.shape_cast %swap3A_1464 : vector<1x16xf32> to vector<16xf32>
        %swap3A_1466 = vector.shape_cast %mul3A_1461 : vector<16xf32> to vector<1x16xf32>
        tpu.vector_store %arg14[%swap3A_1462, %swap3A_1463], %swap3A_1466 {strides = array<i32>} : memref<128x128xf32, #tpu.memory_space<vmem>>, vector<1x16xf32>,
        %get3A_1467 = arith.index_cast %add3A_1436 : i32 to index
        %get3A_1468 = arith.constant 48 : index
        %get3A_1469 = tpu.vector_load %arg14[%get3A_1467, %get3A_1468] {strides = array<i32>} : memref<128x128xf32, #tpu.memory_space<vmem>>, vector<1x16xf32>,
        %get3A_1470 = vector.shape_cast %get3A_1469 : vector<1x16xf32> to vector<16xf32>
        %mul3A_1471 = arith.mulf %get3A_1470, %gather3A_1432 : vector<16xf32>
        %swap3A_1472 = arith.index_cast %add3A_1436 : i32 to index
        %swap3A_1473 = arith.constant 48 : index
        %swap3A_1474 = tpu.vector_load %arg14[%swap3A_1472, %swap3A_1473] {strides = array<i32>} : memref<128x128xf32, #tpu.memory_space<vmem>>, vector<1x16xf32>,
        %swap3A_1475 = vector.shape_cast %swap3A_1474 : vector<1x16xf32> to vector<16xf32>
        %swap3A_1476 = vector.shape_cast %mul3A_1471 : vector<16xf32> to vector<1x16xf32>
        tpu.vector_store %arg14[%swap3A_1472, %swap3A_1473], %swap3A_1476 {strides = array<i32>} : memref<128x128xf32, #tpu.memory_space<vmem>>, vector<1x16xf32>,
        %get3A_1477 = arith.index_cast %add3A_1436 : i32 to index
        %get3A_1478 = arith.constant 64 : index
        %get3A_1479 = tpu.vector_load %arg14[%get3A_1477, %get3A_1478] {strides = array<i32>} : memref<128x128xf32, #tpu.memory_space<vmem>>, vector<1x16xf32>,
        %get3A_1480 = vector.shape_cast %get3A_1479 : vector<1x16xf32> to vector<16xf32>
        %mul3A_1481 = arith.mulf %get3A_1480, %gather3A_1432 : vector<16xf32>
        %swap3A_1482 = arith.index_cast %add3A_1436 : i32 to index
        %swap3A_1483 = arith.constant 64 : index
        %swap3A_1484 = tpu.vector_load %arg14[%swap3A_1482, %swap3A_1483] {strides = array<i32>} : memref<128x128xf32, #tpu.memory_space<vmem>>, vector<1x16xf32>,
        %swap3A_1485 = vector.shape_cast %swap3A_1484 : vector<1x16xf32> to vector<16xf32>
        %swap3A_1486 = vector.shape_cast %mul3A_1481 : vector<16xf32> to vector<1x16xf32>
        tpu.vector_store %arg14[%swap3A_1482, %swap3A_1483], %swap3A_1486 {strides = array<i32>} : memref<128x128xf32, #tpu.memory_space<vmem>>, vector<1x16xf32>,
        %get3A_1487 = arith.index_cast %add3A_1436 : i32 to index
        %get3A_1488 = arith.constant 80 : index
        %get3A_1489 = tpu.vector_load %arg14[%get3A_1487, %get3A_1488] {strides = array<i32>} : memref<128x128xf32, #tpu.memory_space<vmem>>, vector<1x16xf32>,
        %get3A_1490 = vector.shape_cast %get3A_1489 : vector<1x16xf32> to vector<16xf32>
        %mul3A_1491 = arith.mulf %get3A_1490, %gather3A_1432 : vector<16xf32>
        %swap3A_1492 = arith.index_cast %add3A_1436 : i32 to index
        %swap3A_1493 = arith.constant 80 : index
        %swap3A_1494 = tpu.vector_load %arg14[%swap3A_1492, %swap3A_1493] {strides = array<i32>} : memref<128x128xf32, #tpu.memory_space<vmem>>, vector<1x16xf32>,
        %swap3A_1495 = vector.shape_cast %swap3A_1494 : vector<1x16xf32> to vector<16xf32>
        %swap3A_1496 = vector.shape_cast %mul3A_1491 : vector<16xf32> to vector<1x16xf32>
        tpu.vector_store %arg14[%swap3A_1492, %swap3A_1493], %swap3A_1496 {strides = array<i32>} : memref<128x128xf32, #tpu.memory_space<vmem>>, vector<1x16xf32>,
        %get3A_1497 = arith.index_cast %add3A_1436 : i32 to index
        %get3A_1498 = arith.constant 96 : index
        %get3A_1499 = tpu.vector_load %arg14[%get3A_1497, %get3A_1498] {strides = array<i32>} : memref<128x128xf32, #tpu.memory_space<vmem>>, vector<1x16xf32>,
        %get3A_1500 = vector.shape_cast %get3A_1499 : vector<1x16xf32> to vector<16xf32>
        %mul3A_1501 = arith.mulf %get3A_1500, %gather3A_1432 : vector<16xf32>
        %swap3A_1502 = arith.index_cast %add3A_1436 : i32 to index
        %swap3A_1503 = arith.constant 96 : index
        %swap3A_1504 = tpu.vector_load %arg14[%swap3A_1502, %swap3A_1503] {strides = array<i32>} : memref<128x128xf32, #tpu.memory_space<vmem>>, vector<1x16xf32>,
        %swap3A_1505 = vector.shape_cast %swap3A_1504 : vector<1x16xf32> to vector<16xf32>
        %swap3A_1506 = vector.shape_cast %mul3A_1501 : vector<16xf32> to vector<1x16xf32>
        tpu.vector_store %arg14[%swap3A_1502, %swap3A_1503], %swap3A_1506 {strides = array<i32>} : memref<128x128xf32, #tpu.memory_space<vmem>>, vector<1x16xf32>,
        %get3A_1507 = arith.index_cast %add3A_1436 : i32 to index
        %get3A_1508 = arith.constant 112 : index
        %get3A_1509 = tpu.vector_load %arg14[%get3A_1507, %get3A_1508] {strides = array<i32>} : memref<128x128xf32, #tpu.memory_space<vmem>>, vector<1x16xf32>,
        %get3A_1510 = vector.shape_cast %get3A_1509 : vector<1x16xf32> to vector<16xf32>
        %mul3A_1511 = arith.mulf %get3A_1510, %gather3A_1432 : vector<16xf32>
        %swap3A_1512 = arith.index_cast %add3A_1436 : i32 to index
        %swap3A_1513 = arith.constant 112 : index
        %swap3A_1514 = tpu.vector_load %arg14[%swap3A_1512, %swap3A_1513] {strides = array<i32>} : memref<128x128xf32, #tpu.memory_space<vmem>>, vector<1x16xf32>,
        %swap3A_1515 = vector.shape_cast %swap3A_1514 : vector<1x16xf32> to vector<16xf32>
        %swap3A_1516 = vector.shape_cast %mul3A_1511 : vector<16xf32> to vector<1x16xf32>
        tpu.vector_store %arg14[%swap3A_1512, %swap3A_1513], %swap3A_1516 {strides = array<i32>} : memref<128x128xf32, #tpu.memory_space<vmem>>, vector<1x16xf32>,
        %lt3A_1517 = arith.constant 0 : i32
        %lt3A_1518 = vector.broadcast %lt3A_1517 : i32 to vector<16xi32>
        %lt3A_1519 = arith.cmpi slt, %broadcast_in_dim3A_49, %lt3A_1518 : vector<16xi32>
        %add3A_1520 = arith.constant 16 : i32
        %add3A_1521 = vector.broadcast %add3A_1520 : i32 to vector<16xi32>
        %add3A_1522 = arith.addi %broadcast_in_dim3A_49, %add3A_1521 : vector<16xi32>
        %select_n3A_1523 = arith.select %lt3A_1519, %add3A_1522, %broadcast_in_dim3A_49 : vector<16xi1>, vector<16xi32>
        %broadcast_in_dim3A_1524 = vector.shape_cast %select_n3A_1523 : vector<16xi32> to vector<16x1xi32>
        %gather3A_1525 = vector.shape_cast %broadcast_in_dim3A_1524 : vector<16x1xi32> to vector<16xi32>
        %gather3A_1526 = tpu.dynamic_gather %get3A_297[%gather3A_1525] in [0] : vector<16xf32>, vector<16xi32> -> vector<16xf32>
        %mul3A_1527 = arith.constant 16 : i32
        %mul3A_1528 = arith.muli %scan3A_291, %mul3A_1527 : i32
        %add3A_1529 = arith.constant 13 : i32
        %add3A_1530 = arith.addi %mul3A_1528, %add3A_1529 : i32
        %get3A_1531 = arith.index_cast %add3A_1530 : i32 to index
        %get3A_1532 = arith.constant 0 : index
        %get3A_1533 = tpu.vector_load %arg14[%get3A_1531, %get3A_1532] {strides = array<i32>} : memref<128x128xf32, #tpu.memory_space<vmem>>, vector<1x16xf32>,
        %get3A_1534 = vector.shape_cast %get3A_1533 : vector<1x16xf32> to vector<16xf32>
        %mul3A_1535 = arith.mulf %get3A_1534, %gather3A_1526 : vector<16xf32>
        %swap3A_1536 = arith.index_cast %add3A_1530 : i32 to index
        %swap3A_1537 = arith.constant 0 : index
        %swap3A_1538 = tpu.vector_load %arg14[%swap3A_1536, %swap3A_1537] {strides = array<i32>} : memref<128x128xf32, #tpu.memory_space<vmem>>, vector<1x16xf32>,
        %swap3A_1539 = vector.shape_cast %swap3A_1538 : vector<1x16xf32> to vector<16xf32>
        %swap3A_1540 = vector.shape_cast %mul3A_1535 : vector<16xf32> to vector<1x16xf32>
        tpu.vector_store %arg14[%swap3A_1536, %swap3A_1537], %swap3A_1540 {strides = array<i32>} : memref<128x128xf32, #tpu.memory_space<vmem>>, vector<1x16xf32>,
        %get3A_1541 = arith.index_cast %add3A_1530 : i32 to index
        %get3A_1542 = arith.constant 16 : index
        %get3A_1543 = tpu.vector_load %arg14[%get3A_1541, %get3A_1542] {strides = array<i32>} : memref<128x128xf32, #tpu.memory_space<vmem>>, vector<1x16xf32>,
        %get3A_1544 = vector.shape_cast %get3A_1543 : vector<1x16xf32> to vector<16xf32>
        %mul3A_1545 = arith.mulf %get3A_1544, %gather3A_1526 : vector<16xf32>
        %swap3A_1546 = arith.index_cast %add3A_1530 : i32 to index
        %swap3A_1547 = arith.constant 16 : index
        %swap3A_1548 = tpu.vector_load %arg14[%swap3A_1546, %swap3A_1547] {strides = array<i32>} : memref<128x128xf32, #tpu.memory_space<vmem>>, vector<1x16xf32>,
        %swap3A_1549 = vector.shape_cast %swap3A_1548 : vector<1x16xf32> to vector<16xf32>
        %swap3A_1550 = vector.shape_cast %mul3A_1545 : vector<16xf32> to vector<1x16xf32>
        tpu.vector_store %arg14[%swap3A_1546, %swap3A_1547], %swap3A_1550 {strides = array<i32>} : memref<128x128xf32, #tpu.memory_space<vmem>>, vector<1x16xf32>,
        %get3A_1551 = arith.index_cast %add3A_1530 : i32 to index
        %get3A_1552 = arith.constant 32 : index
        %get3A_1553 = tpu.vector_load %arg14[%get3A_1551, %get3A_1552] {strides = array<i32>} : memref<128x128xf32, #tpu.memory_space<vmem>>, vector<1x16xf32>,
        %get3A_1554 = vector.shape_cast %get3A_1553 : vector<1x16xf32> to vector<16xf32>
        %mul3A_1555 = arith.mulf %get3A_1554, %gather3A_1526 : vector<16xf32>
        %swap3A_1556 = arith.index_cast %add3A_1530 : i32 to index
        %swap3A_1557 = arith.constant 32 : index
        %swap3A_1558 = tpu.vector_load %arg14[%swap3A_1556, %swap3A_1557] {strides = array<i32>} : memref<128x128xf32, #tpu.memory_space<vmem>>, vector<1x16xf32>,
        %swap3A_1559 = vector.shape_cast %swap3A_1558 : vector<1x16xf32> to vector<16xf32>
        %swap3A_1560 = vector.shape_cast %mul3A_1555 : vector<16xf32> to vector<1x16xf32>
        tpu.vector_store %arg14[%swap3A_1556, %swap3A_1557], %swap3A_1560 {strides = array<i32>} : memref<128x128xf32, #tpu.memory_space<vmem>>, vector<1x16xf32>,
        %get3A_1561 = arith.index_cast %add3A_1530 : i32 to index
        %get3A_1562 = arith.constant 48 : index
        %get3A_1563 = tpu.vector_load %arg14[%get3A_1561, %get3A_1562] {strides = array<i32>} : memref<128x128xf32, #tpu.memory_space<vmem>>, vector<1x16xf32>,
        %get3A_1564 = vector.shape_cast %get3A_1563 : vector<1x16xf32> to vector<16xf32>
        %mul3A_1565 = arith.mulf %get3A_1564, %gather3A_1526 : vector<16xf32>
        %swap3A_1566 = arith.index_cast %add3A_1530 : i32 to index
        %swap3A_1567 = arith.constant 48 : index
        %swap3A_1568 = tpu.vector_load %arg14[%swap3A_1566, %swap3A_1567] {strides = array<i32>} : memref<128x128xf32, #tpu.memory_space<vmem>>, vector<1x16xf32>,
        %swap3A_1569 = vector.shape_cast %swap3A_1568 : vector<1x16xf32> to vector<16xf32>
        %swap3A_1570 = vector.shape_cast %mul3A_1565 : vector<16xf32> to vector<1x16xf32>
        tpu.vector_store %arg14[%swap3A_1566, %swap3A_1567], %swap3A_1570 {strides = array<i32>} : memref<128x128xf32, #tpu.memory_space<vmem>>, vector<1x16xf32>,
        %get3A_1571 = arith.index_cast %add3A_1530 : i32 to index
        %get3A_1572 = arith.constant 64 : index
        %get3A_1573 = tpu.vector_load %arg14[%get3A_1571, %get3A_1572] {strides = array<i32>} : memref<128x128xf32, #tpu.memory_space<vmem>>, vector<1x16xf32>,
        %get3A_1574 = vector.shape_cast %get3A_1573 : vector<1x16xf32> to vector<16xf32>
        %mul3A_1575 = arith.mulf %get3A_1574, %gather3A_1526 : vector<16xf32>
        %swap3A_1576 = arith.index_cast %add3A_1530 : i32 to index
        %swap3A_1577 = arith.constant 64 : index
        %swap3A_1578 = tpu.vector_load %arg14[%swap3A_1576, %swap3A_1577] {strides = array<i32>} : memref<128x128xf32, #tpu.memory_space<vmem>>, vector<1x16xf32>,
        %swap3A_1579 = vector.shape_cast %swap3A_1578 : vector<1x16xf32> to vector<16xf32>
        %swap3A_1580 = vector.shape_cast %mul3A_1575 : vector<16xf32> to vector<1x16xf32>
        tpu.vector_store %arg14[%swap3A_1576, %swap3A_1577], %swap3A_1580 {strides = array<i32>} : memref<128x128xf32, #tpu.memory_space<vmem>>, vector<1x16xf32>,
        %get3A_1581 = arith.index_cast %add3A_1530 : i32 to index
        %get3A_1582 = arith.constant 80 : index
        %get3A_1583 = tpu.vector_load %arg14[%get3A_1581, %get3A_1582] {strides = array<i32>} : memref<128x128xf32, #tpu.memory_space<vmem>>, vector<1x16xf32>,
        %get3A_1584 = vector.shape_cast %get3A_1583 : vector<1x16xf32> to vector<16xf32>
        %mul3A_1585 = arith.mulf %get3A_1584, %gather3A_1526 : vector<16xf32>
        %swap3A_1586 = arith.index_cast %add3A_1530 : i32 to index
        %swap3A_1587 = arith.constant 80 : index
        %swap3A_1588 = tpu.vector_load %arg14[%swap3A_1586, %swap3A_1587] {strides = array<i32>} : memref<128x128xf32, #tpu.memory_space<vmem>>, vector<1x16xf32>,
        %swap3A_1589 = vector.shape_cast %swap3A_1588 : vector<1x16xf32> to vector<16xf32>
        %swap3A_1590 = vector.shape_cast %mul3A_1585 : vector<16xf32> to vector<1x16xf32>
        tpu.vector_store %arg14[%swap3A_1586, %swap3A_1587], %swap3A_1590 {strides = array<i32>} : memref<128x128xf32, #tpu.memory_space<vmem>>, vector<1x16xf32>,
        %get3A_1591 = arith.index_cast %add3A_1530 : i32 to index
        %get3A_1592 = arith.constant 96 : index
        %get3A_1593 = tpu.vector_load %arg14[%get3A_1591, %get3A_1592] {strides = array<i32>} : memref<128x128xf32, #tpu.memory_space<vmem>>, vector<1x16xf32>,
        %get3A_1594 = vector.shape_cast %get3A_1593 : vector<1x16xf32> to vector<16xf32>
        %mul3A_1595 = arith.mulf %get3A_1594, %gather3A_1526 : vector<16xf32>
        %swap3A_1596 = arith.index_cast %add3A_1530 : i32 to index
        %swap3A_1597 = arith.constant 96 : index
        %swap3A_1598 = tpu.vector_load %arg14[%swap3A_1596, %swap3A_1597] {strides = array<i32>} : memref<128x128xf32, #tpu.memory_space<vmem>>, vector<1x16xf32>,
        %swap3A_1599 = vector.shape_cast %swap3A_1598 : vector<1x16xf32> to vector<16xf32>
        %swap3A_1600 = vector.shape_cast %mul3A_1595 : vector<16xf32> to vector<1x16xf32>
        tpu.vector_store %arg14[%swap3A_1596, %swap3A_1597], %swap3A_1600 {strides = array<i32>} : memref<128x128xf32, #tpu.memory_space<vmem>>, vector<1x16xf32>,
        %get3A_1601 = arith.index_cast %add3A_1530 : i32 to index
        %get3A_1602 = arith.constant 112 : index
        %get3A_1603 = tpu.vector_load %arg14[%get3A_1601, %get3A_1602] {strides = array<i32>} : memref<128x128xf32, #tpu.memory_space<vmem>>, vector<1x16xf32>,
        %get3A_1604 = vector.shape_cast %get3A_1603 : vector<1x16xf32> to vector<16xf32>
        %mul3A_1605 = arith.mulf %get3A_1604, %gather3A_1526 : vector<16xf32>
        %swap3A_1606 = arith.index_cast %add3A_1530 : i32 to index
        %swap3A_1607 = arith.constant 112 : index
        %swap3A_1608 = tpu.vector_load %arg14[%swap3A_1606, %swap3A_1607] {strides = array<i32>} : memref<128x128xf32, #tpu.memory_space<vmem>>, vector<1x16xf32>,
        %swap3A_1609 = vector.shape_cast %swap3A_1608 : vector<1x16xf32> to vector<16xf32>
        %swap3A_1610 = vector.shape_cast %mul3A_1605 : vector<16xf32> to vector<1x16xf32>
        tpu.vector_store %arg14[%swap3A_1606, %swap3A_1607], %swap3A_1610 {strides = array<i32>} : memref<128x128xf32, #tpu.memory_space<vmem>>, vector<1x16xf32>,
        %lt3A_1611 = arith.constant 0 : i32
        %lt3A_1612 = vector.broadcast %lt3A_1611 : i32 to vector<16xi32>
        %lt3A_1613 = arith.cmpi slt, %broadcast_in_dim3A_51, %lt3A_1612 : vector<16xi32>
        %add3A_1614 = arith.constant 16 : i32
        %add3A_1615 = vector.broadcast %add3A_1614 : i32 to vector<16xi32>
        %add3A_1616 = arith.addi %broadcast_in_dim3A_51, %add3A_1615 : vector<16xi32>
        %select_n3A_1617 = arith.select %lt3A_1613, %add3A_1616, %broadcast_in_dim3A_51 : vector<16xi1>, vector<16xi32>
        %broadcast_in_dim3A_1618 = vector.shape_cast %select_n3A_1617 : vector<16xi32> to vector<16x1xi32>
        %gather3A_1619 = vector.shape_cast %broadcast_in_dim3A_1618 : vector<16x1xi32> to vector<16xi32>
        %gather3A_1620 = tpu.dynamic_gather %get3A_297[%gather3A_1619] in [0] : vector<16xf32>, vector<16xi32> -> vector<16xf32>
        %mul3A_1621 = arith.constant 16 : i32
        %mul3A_1622 = arith.muli %scan3A_291, %mul3A_1621 : i32
        %add3A_1623 = arith.constant 14 : i32
        %add3A_1624 = arith.addi %mul3A_1622, %add3A_1623 : i32
        %get3A_1625 = arith.index_cast %add3A_1624 : i32 to index
        %get3A_1626 = arith.constant 0 : index
        %get3A_1627 = tpu.vector_load %arg14[%get3A_1625, %get3A_1626] {strides = array<i32>} : memref<128x128xf32, #tpu.memory_space<vmem>>, vector<1x16xf32>,
        %get3A_1628 = vector.shape_cast %get3A_1627 : vector<1x16xf32> to vector<16xf32>
        %mul3A_1629 = arith.mulf %get3A_1628, %gather3A_1620 : vector<16xf32>
        %swap3A_1630 = arith.index_cast %add3A_1624 : i32 to index
        %swap3A_1631 = arith.constant 0 : index
        %swap3A_1632 = tpu.vector_load %arg14[%swap3A_1630, %swap3A_1631] {strides = array<i32>} : memref<128x128xf32, #tpu.memory_space<vmem>>, vector<1x16xf32>,
        %swap3A_1633 = vector.shape_cast %swap3A_1632 : vector<1x16xf32> to vector<16xf32>
        %swap3A_1634 = vector.shape_cast %mul3A_1629 : vector<16xf32> to vector<1x16xf32>
        tpu.vector_store %arg14[%swap3A_1630, %swap3A_1631], %swap3A_1634 {strides = array<i32>} : memref<128x128xf32, #tpu.memory_space<vmem>>, vector<1x16xf32>,
        %get3A_1635 = arith.index_cast %add3A_1624 : i32 to index
        %get3A_1636 = arith.constant 16 : index
        %get3A_1637 = tpu.vector_load %arg14[%get3A_1635, %get3A_1636] {strides = array<i32>} : memref<128x128xf32, #tpu.memory_space<vmem>>, vector<1x16xf32>,
        %get3A_1638 = vector.shape_cast %get3A_1637 : vector<1x16xf32> to vector<16xf32>
        %mul3A_1639 = arith.mulf %get3A_1638, %gather3A_1620 : vector<16xf32>
        %swap3A_1640 = arith.index_cast %add3A_1624 : i32 to index
        %swap3A_1641 = arith.constant 16 : index
        %swap3A_1642 = tpu.vector_load %arg14[%swap3A_1640, %swap3A_1641] {strides = array<i32>} : memref<128x128xf32, #tpu.memory_space<vmem>>, vector<1x16xf32>,
        %swap3A_1643 = vector.shape_cast %swap3A_1642 : vector<1x16xf32> to vector<16xf32>
        %swap3A_1644 = vector.shape_cast %mul3A_1639 : vector<16xf32> to vector<1x16xf32>
        tpu.vector_store %arg14[%swap3A_1640, %swap3A_1641], %swap3A_1644 {strides = array<i32>} : memref<128x128xf32, #tpu.memory_space<vmem>>, vector<1x16xf32>,
        %get3A_1645 = arith.index_cast %add3A_1624 : i32 to index
        %get3A_1646 = arith.constant 32 : index
        %get3A_1647 = tpu.vector_load %arg14[%get3A_1645, %get3A_1646] {strides = array<i32>} : memref<128x128xf32, #tpu.memory_space<vmem>>, vector<1x16xf32>,
        %get3A_1648 = vector.shape_cast %get3A_1647 : vector<1x16xf32> to vector<16xf32>
        %mul3A_1649 = arith.mulf %get3A_1648, %gather3A_1620 : vector<16xf32>
        %swap3A_1650 = arith.index_cast %add3A_1624 : i32 to index
        %swap3A_1651 = arith.constant 32 : index
        %swap3A_1652 = tpu.vector_load %arg14[%swap3A_1650, %swap3A_1651] {strides = array<i32>} : memref<128x128xf32, #tpu.memory_space<vmem>>, vector<1x16xf32>,
        %swap3A_1653 = vector.shape_cast %swap3A_1652 : vector<1x16xf32> to vector<16xf32>
        %swap3A_1654 = vector.shape_cast %mul3A_1649 : vector<16xf32> to vector<1x16xf32>
        tpu.vector_store %arg14[%swap3A_1650, %swap3A_1651], %swap3A_1654 {strides = array<i32>} : memref<128x128xf32, #tpu.memory_space<vmem>>, vector<1x16xf32>,
        %get3A_1655 = arith.index_cast %add3A_1624 : i32 to index
        %get3A_1656 = arith.constant 48 : index
        %get3A_1657 = tpu.vector_load %arg14[%get3A_1655, %get3A_1656] {strides = array<i32>} : memref<128x128xf32, #tpu.memory_space<vmem>>, vector<1x16xf32>,
        %get3A_1658 = vector.shape_cast %get3A_1657 : vector<1x16xf32> to vector<16xf32>
        %mul3A_1659 = arith.mulf %get3A_1658, %gather3A_1620 : vector<16xf32>
        %swap3A_1660 = arith.index_cast %add3A_1624 : i32 to index
        %swap3A_1661 = arith.constant 48 : index
        %swap3A_1662 = tpu.vector_load %arg14[%swap3A_1660, %swap3A_1661] {strides = array<i32>} : memref<128x128xf32, #tpu.memory_space<vmem>>, vector<1x16xf32>,
        %swap3A_1663 = vector.shape_cast %swap3A_1662 : vector<1x16xf32> to vector<16xf32>
        %swap3A_1664 = vector.shape_cast %mul3A_1659 : vector<16xf32> to vector<1x16xf32>
        tpu.vector_store %arg14[%swap3A_1660, %swap3A_1661], %swap3A_1664 {strides = array<i32>} : memref<128x128xf32, #tpu.memory_space<vmem>>, vector<1x16xf32>,
        %get3A_1665 = arith.index_cast %add3A_1624 : i32 to index
        %get3A_1666 = arith.constant 64 : index
        %get3A_1667 = tpu.vector_load %arg14[%get3A_1665, %get3A_1666] {strides = array<i32>} : memref<128x128xf32, #tpu.memory_space<vmem>>, vector<1x16xf32>,
        %get3A_1668 = vector.shape_cast %get3A_1667 : vector<1x16xf32> to vector<16xf32>
        %mul3A_1669 = arith.mulf %get3A_1668, %gather3A_1620 : vector<16xf32>
        %swap3A_1670 = arith.index_cast %add3A_1624 : i32 to index
        %swap3A_1671 = arith.constant 64 : index
        %swap3A_1672 = tpu.vector_load %arg14[%swap3A_1670, %swap3A_1671] {strides = array<i32>} : memref<128x128xf32, #tpu.memory_space<vmem>>, vector<1x16xf32>,
        %swap3A_1673 = vector.shape_cast %swap3A_1672 : vector<1x16xf32> to vector<16xf32>
        %swap3A_1674 = vector.shape_cast %mul3A_1669 : vector<16xf32> to vector<1x16xf32>
        tpu.vector_store %arg14[%swap3A_1670, %swap3A_1671], %swap3A_1674 {strides = array<i32>} : memref<128x128xf32, #tpu.memory_space<vmem>>, vector<1x16xf32>,
        %get3A_1675 = arith.index_cast %add3A_1624 : i32 to index
        %get3A_1676 = arith.constant 80 : index
        %get3A_1677 = tpu.vector_load %arg14[%get3A_1675, %get3A_1676] {strides = array<i32>} : memref<128x128xf32, #tpu.memory_space<vmem>>, vector<1x16xf32>,
        %get3A_1678 = vector.shape_cast %get3A_1677 : vector<1x16xf32> to vector<16xf32>
        %mul3A_1679 = arith.mulf %get3A_1678, %gather3A_1620 : vector<16xf32>
        %swap3A_1680 = arith.index_cast %add3A_1624 : i32 to index
        %swap3A_1681 = arith.constant 80 : index
        %swap3A_1682 = tpu.vector_load %arg14[%swap3A_1680, %swap3A_1681] {strides = array<i32>} : memref<128x128xf32, #tpu.memory_space<vmem>>, vector<1x16xf32>,
        %swap3A_1683 = vector.shape_cast %swap3A_1682 : vector<1x16xf32> to vector<16xf32>
        %swap3A_1684 = vector.shape_cast %mul3A_1679 : vector<16xf32> to vector<1x16xf32>
        tpu.vector_store %arg14[%swap3A_1680, %swap3A_1681], %swap3A_1684 {strides = array<i32>} : memref<128x128xf32, #tpu.memory_space<vmem>>, vector<1x16xf32>,
        %get3A_1685 = arith.index_cast %add3A_1624 : i32 to index
        %get3A_1686 = arith.constant 96 : index
        %get3A_1687 = tpu.vector_load %arg14[%get3A_1685, %get3A_1686] {strides = array<i32>} : memref<128x128xf32, #tpu.memory_space<vmem>>, vector<1x16xf32>,
        %get3A_1688 = vector.shape_cast %get3A_1687 : vector<1x16xf32> to vector<16xf32>
        %mul3A_1689 = arith.mulf %get3A_1688, %gather3A_1620 : vector<16xf32>
        %swap3A_1690 = arith.index_cast %add3A_1624 : i32 to index
        %swap3A_1691 = arith.constant 96 : index
        %swap3A_1692 = tpu.vector_load %arg14[%swap3A_1690, %swap3A_1691] {strides = array<i32>} : memref<128x128xf32, #tpu.memory_space<vmem>>, vector<1x16xf32>,
        %swap3A_1693 = vector.shape_cast %swap3A_1692 : vector<1x16xf32> to vector<16xf32>
        %swap3A_1694 = vector.shape_cast %mul3A_1689 : vector<16xf32> to vector<1x16xf32>
        tpu.vector_store %arg14[%swap3A_1690, %swap3A_1691], %swap3A_1694 {strides = array<i32>} : memref<128x128xf32, #tpu.memory_space<vmem>>, vector<1x16xf32>,
        %get3A_1695 = arith.index_cast %add3A_1624 : i32 to index
        %get3A_1696 = arith.constant 112 : index
        %get3A_1697 = tpu.vector_load %arg14[%get3A_1695, %get3A_1696] {strides = array<i32>} : memref<128x128xf32, #tpu.memory_space<vmem>>, vector<1x16xf32>,
        %get3A_1698 = vector.shape_cast %get3A_1697 : vector<1x16xf32> to vector<16xf32>
        %mul3A_1699 = arith.mulf %get3A_1698, %gather3A_1620 : vector<16xf32>
        %swap3A_1700 = arith.index_cast %add3A_1624 : i32 to index
        %swap3A_1701 = arith.constant 112 : index
        %swap3A_1702 = tpu.vector_load %arg14[%swap3A_1700, %swap3A_1701] {strides = array<i32>} : memref<128x128xf32, #tpu.memory_space<vmem>>, vector<1x16xf32>,
        %swap3A_1703 = vector.shape_cast %swap3A_1702 : vector<1x16xf32> to vector<16xf32>
        %swap3A_1704 = vector.shape_cast %mul3A_1699 : vector<16xf32> to vector<1x16xf32>
        tpu.vector_store %arg14[%swap3A_1700, %swap3A_1701], %swap3A_1704 {strides = array<i32>} : memref<128x128xf32, #tpu.memory_space<vmem>>, vector<1x16xf32>,
        %lt3A_1705 = arith.constant 0 : i32
        %lt3A_1706 = vector.broadcast %lt3A_1705 : i32 to vector<16xi32>
        %lt3A_1707 = arith.cmpi slt, %broadcast_in_dim3A_53, %lt3A_1706 : vector<16xi32>
        %add3A_1708 = arith.constant 16 : i32
        %add3A_1709 = vector.broadcast %add3A_1708 : i32 to vector<16xi32>
        %add3A_1710 = arith.addi %broadcast_in_dim3A_53, %add3A_1709 : vector<16xi32>
        %select_n3A_1711 = arith.select %lt3A_1707, %add3A_1710, %broadcast_in_dim3A_53 : vector<16xi1>, vector<16xi32>
        %broadcast_in_dim3A_1712 = vector.shape_cast %select_n3A_1711 : vector<16xi32> to vector<16x1xi32>
        %gather3A_1713 = vector.shape_cast %broadcast_in_dim3A_1712 : vector<16x1xi32> to vector<16xi32>
        %gather3A_1714 = tpu.dynamic_gather %get3A_297[%gather3A_1713] in [0] : vector<16xf32>, vector<16xi32> -> vector<16xf32>
        %mul3A_1715 = arith.constant 16 : i32
        %mul3A_1716 = arith.muli %scan3A_291, %mul3A_1715 : i32
        %add3A_1717 = arith.constant 15 : i32
        %add3A_1718 = arith.addi %mul3A_1716, %add3A_1717 : i32
        %get3A_1719 = arith.index_cast %add3A_1718 : i32 to index
        %get3A_1720 = arith.constant 0 : index
        %get3A_1721 = tpu.vector_load %arg14[%get3A_1719, %get3A_1720] {strides = array<i32>} : memref<128x128xf32, #tpu.memory_space<vmem>>, vector<1x16xf32>,
        %get3A_1722 = vector.shape_cast %get3A_1721 : vector<1x16xf32> to vector<16xf32>
        %mul3A_1723 = arith.mulf %get3A_1722, %gather3A_1714 : vector<16xf32>
        %swap3A_1724 = arith.index_cast %add3A_1718 : i32 to index
        %swap3A_1725 = arith.constant 0 : index
        %swap3A_1726 = tpu.vector_load %arg14[%swap3A_1724, %swap3A_1725] {strides = array<i32>} : memref<128x128xf32, #tpu.memory_space<vmem>>, vector<1x16xf32>,
        %swap3A_1727 = vector.shape_cast %swap3A_1726 : vector<1x16xf32> to vector<16xf32>
        %swap3A_1728 = vector.shape_cast %mul3A_1723 : vector<16xf32> to vector<1x16xf32>
        tpu.vector_store %arg14[%swap3A_1724, %swap3A_1725], %swap3A_1728 {strides = array<i32>} : memref<128x128xf32, #tpu.memory_space<vmem>>, vector<1x16xf32>,
        %get3A_1729 = arith.index_cast %add3A_1718 : i32 to index
        %get3A_1730 = arith.constant 16 : index
        %get3A_1731 = tpu.vector_load %arg14[%get3A_1729, %get3A_1730] {strides = array<i32>} : memref<128x128xf32, #tpu.memory_space<vmem>>, vector<1x16xf32>,
        %get3A_1732 = vector.shape_cast %get3A_1731 : vector<1x16xf32> to vector<16xf32>
        %mul3A_1733 = arith.mulf %get3A_1732, %gather3A_1714 : vector<16xf32>
        %swap3A_1734 = arith.index_cast %add3A_1718 : i32 to index
        %swap3A_1735 = arith.constant 16 : index
        %swap3A_1736 = tpu.vector_load %arg14[%swap3A_1734, %swap3A_1735] {strides = array<i32>} : memref<128x128xf32, #tpu.memory_space<vmem>>, vector<1x16xf32>,
        %swap3A_1737 = vector.shape_cast %swap3A_1736 : vector<1x16xf32> to vector<16xf32>
        %swap3A_1738 = vector.shape_cast %mul3A_1733 : vector<16xf32> to vector<1x16xf32>
        tpu.vector_store %arg14[%swap3A_1734, %swap3A_1735], %swap3A_1738 {strides = array<i32>} : memref<128x128xf32, #tpu.memory_space<vmem>>, vector<1x16xf32>,
        %get3A_1739 = arith.index_cast %add3A_1718 : i32 to index
        %get3A_1740 = arith.constant 32 : index
        %get3A_1741 = tpu.vector_load %arg14[%get3A_1739, %get3A_1740] {strides = array<i32>} : memref<128x128xf32, #tpu.memory_space<vmem>>, vector<1x16xf32>,
        %get3A_1742 = vector.shape_cast %get3A_1741 : vector<1x16xf32> to vector<16xf32>
        %mul3A_1743 = arith.mulf %get3A_1742, %gather3A_1714 : vector<16xf32>
        %swap3A_1744 = arith.index_cast %add3A_1718 : i32 to index
        %swap3A_1745 = arith.constant 32 : index
        %swap3A_1746 = tpu.vector_load %arg14[%swap3A_1744, %swap3A_1745] {strides = array<i32>} : memref<128x128xf32, #tpu.memory_space<vmem>>, vector<1x16xf32>,
        %swap3A_1747 = vector.shape_cast %swap3A_1746 : vector<1x16xf32> to vector<16xf32>
        %swap3A_1748 = vector.shape_cast %mul3A_1743 : vector<16xf32> to vector<1x16xf32>
        tpu.vector_store %arg14[%swap3A_1744, %swap3A_1745], %swap3A_1748 {strides = array<i32>} : memref<128x128xf32, #tpu.memory_space<vmem>>, vector<1x16xf32>,
        %get3A_1749 = arith.index_cast %add3A_1718 : i32 to index
        %get3A_1750 = arith.constant 48 : index
        %get3A_1751 = tpu.vector_load %arg14[%get3A_1749, %get3A_1750] {strides = array<i32>} : memref<128x128xf32, #tpu.memory_space<vmem>>, vector<1x16xf32>,
        %get3A_1752 = vector.shape_cast %get3A_1751 : vector<1x16xf32> to vector<16xf32>
        %mul3A_1753 = arith.mulf %get3A_1752, %gather3A_1714 : vector<16xf32>
        %swap3A_1754 = arith.index_cast %add3A_1718 : i32 to index
        %swap3A_1755 = arith.constant 48 : index
        %swap3A_1756 = tpu.vector_load %arg14[%swap3A_1754, %swap3A_1755] {strides = array<i32>} : memref<128x128xf32, #tpu.memory_space<vmem>>, vector<1x16xf32>,
        %swap3A_1757 = vector.shape_cast %swap3A_1756 : vector<1x16xf32> to vector<16xf32>
        %swap3A_1758 = vector.shape_cast %mul3A_1753 : vector<16xf32> to vector<1x16xf32>
        tpu.vector_store %arg14[%swap3A_1754, %swap3A_1755], %swap3A_1758 {strides = array<i32>} : memref<128x128xf32, #tpu.memory_space<vmem>>, vector<1x16xf32>,
        %get3A_1759 = arith.index_cast %add3A_1718 : i32 to index
        %get3A_1760 = arith.constant 64 : index
        %get3A_1761 = tpu.vector_load %arg14[%get3A_1759, %get3A_1760] {strides = array<i32>} : memref<128x128xf32, #tpu.memory_space<vmem>>, vector<1x16xf32>,
        %get3A_1762 = vector.shape_cast %get3A_1761 : vector<1x16xf32> to vector<16xf32>
        %mul3A_1763 = arith.mulf %get3A_1762, %gather3A_1714 : vector<16xf32>
        %swap3A_1764 = arith.index_cast %add3A_1718 : i32 to index
        %swap3A_1765 = arith.constant 64 : index
        %swap3A_1766 = tpu.vector_load %arg14[%swap3A_1764, %swap3A_1765] {strides = array<i32>} : memref<128x128xf32, #tpu.memory_space<vmem>>, vector<1x16xf32>,
        %swap3A_1767 = vector.shape_cast %swap3A_1766 : vector<1x16xf32> to vector<16xf32>
        %swap3A_1768 = vector.shape_cast %mul3A_1763 : vector<16xf32> to vector<1x16xf32>
        tpu.vector_store %arg14[%swap3A_1764, %swap3A_1765], %swap3A_1768 {strides = array<i32>} : memref<128x128xf32, #tpu.memory_space<vmem>>, vector<1x16xf32>,
        %get3A_1769 = arith.index_cast %add3A_1718 : i32 to index
        %get3A_1770 = arith.constant 80 : index
        %get3A_1771 = tpu.vector_load %arg14[%get3A_1769, %get3A_1770] {strides = array<i32>} : memref<128x128xf32, #tpu.memory_space<vmem>>, vector<1x16xf32>,
        %get3A_1772 = vector.shape_cast %get3A_1771 : vector<1x16xf32> to vector<16xf32>
        %mul3A_1773 = arith.mulf %get3A_1772, %gather3A_1714 : vector<16xf32>
        %swap3A_1774 = arith.index_cast %add3A_1718 : i32 to index
        %swap3A_1775 = arith.constant 80 : index
        %swap3A_1776 = tpu.vector_load %arg14[%swap3A_1774, %swap3A_1775] {strides = array<i32>} : memref<128x128xf32, #tpu.memory_space<vmem>>, vector<1x16xf32>,
        %swap3A_1777 = vector.shape_cast %swap3A_1776 : vector<1x16xf32> to vector<16xf32>
        %swap3A_1778 = vector.shape_cast %mul3A_1773 : vector<16xf32> to vector<1x16xf32>
        tpu.vector_store %arg14[%swap3A_1774, %swap3A_1775], %swap3A_1778 {strides = array<i32>} : memref<128x128xf32, #tpu.memory_space<vmem>>, vector<1x16xf32>,
        %get3A_1779 = arith.index_cast %add3A_1718 : i32 to index
        %get3A_1780 = arith.constant 96 : index
        %get3A_1781 = tpu.vector_load %arg14[%get3A_1779, %get3A_1780] {strides = array<i32>} : memref<128x128xf32, #tpu.memory_space<vmem>>, vector<1x16xf32>,
        %get3A_1782 = vector.shape_cast %get3A_1781 : vector<1x16xf32> to vector<16xf32>
        %mul3A_1783 = arith.mulf %get3A_1782, %gather3A_1714 : vector<16xf32>
        %swap3A_1784 = arith.index_cast %add3A_1718 : i32 to index
        %swap3A_1785 = arith.constant 96 : index
        %swap3A_1786 = tpu.vector_load %arg14[%swap3A_1784, %swap3A_1785] {strides = array<i32>} : memref<128x128xf32, #tpu.memory_space<vmem>>, vector<1x16xf32>,
        %swap3A_1787 = vector.shape_cast %swap3A_1786 : vector<1x16xf32> to vector<16xf32>
        %swap3A_1788 = vector.shape_cast %mul3A_1783 : vector<16xf32> to vector<1x16xf32>
        tpu.vector_store %arg14[%swap3A_1784, %swap3A_1785], %swap3A_1788 {strides = array<i32>} : memref<128x128xf32, #tpu.memory_space<vmem>>, vector<1x16xf32>,
        %get3A_1789 = arith.index_cast %add3A_1718 : i32 to index
        %get3A_1790 = arith.constant 112 : index
        %get3A_1791 = tpu.vector_load %arg14[%get3A_1789, %get3A_1790] {strides = array<i32>} : memref<128x128xf32, #tpu.memory_space<vmem>>, vector<1x16xf32>,
        %get3A_1792 = vector.shape_cast %get3A_1791 : vector<1x16xf32> to vector<16xf32>
        %mul3A_1793 = arith.mulf %get3A_1792, %gather3A_1714 : vector<16xf32>
        %swap3A_1794 = arith.index_cast %add3A_1718 : i32 to index
        %swap3A_1795 = arith.constant 112 : index
        %swap3A_1796 = tpu.vector_load %arg14[%swap3A_1794, %swap3A_1795] {strides = array<i32>} : memref<128x128xf32, #tpu.memory_space<vmem>>, vector<1x16xf32>,
        %swap3A_1797 = vector.shape_cast %swap3A_1796 : vector<1x16xf32> to vector<16xf32>
        %swap3A_1798 = vector.shape_cast %mul3A_1793 : vector<16xf32> to vector<1x16xf32>
        tpu.vector_store %arg14[%swap3A_1794, %swap3A_1795], %swap3A_1798 {strides = array<i32>} : memref<128x128xf32, #tpu.memory_space<vmem>>, vector<1x16xf32>,
        %scan3A_1799 = arith.constant 0 : i32
        scf.yield %scan3A_1799 : i32
      }
      %scan3A_171 = arith.constant 8 : i32
      %dma_start3A_172 = tpu.memref_slice %arg5[%add3A_87] : memref<327680xf32, #tpu.memory_space<hbm>> -> memref<128xf32, #tpu.memory_space<hbm>>
      %dma_start3A_173 = tpu.memref_slice %arg5[%add3A_87] : memref<327680xf32, #tpu.memory_space<hbm>> -> memref<128xf32, #tpu.memory_space<hbm>>
      tpu.enqueue_dma source(%dma_start3A_173 : memref<128xf32, #tpu.memory_space<hbm>>) target(%arg11 : memref<128xf32, #tpu.memory_space<vmem>>) target_semaphore(%arg19 : memref<!tpu.dma_semaphore, #tpu.memory_space<semaphore_mem>>)
      %run_scoped3A = arith.constant 0 : i32
      "tpu.region"() ({
        %run_scoped3A_291 = tpu.sem_alloc : memref<!tpu.dma_semaphore, #tpu.memory_space<semaphore_mem>>
        %dma_start3A_292 = arith.constant 0 : i32
        %dma_start3A_293 = tpu.memref_slice %arg13[%run_scoped3A, %dma_start3A_292] : memref<1x128xi32, #tpu.memory_space<vmem>> -> memref<1x128xi32, #tpu.memory_space<vmem>>
        %dma_start3A_294 = tpu.memref_squeeze %dma_start3A_293 : memref<1x128xi32, #tpu.memory_space<vmem>> -> memref<128xi32, #tpu.memory_space<vmem>>
        %dma_start3A_295 = arith.constant 0 : i32
        %dma_start3A_296 = arith.constant 0 : i32
        %dma_start3A_297 = tpu.memref_slice %arg16[%dma_start3A_295, %dma_start3A_296] : memref<10240x128xf32, #tpu.memory_space<vmem_shared>> -> memref<10240x128xf32, #tpu.memory_space<vmem_shared>>
        tpu.enqueue_indirect_dma source(%arg14 : memref<128x128xf32, #tpu.memory_space<vmem>>) target(%dma_start3A_297 : memref<10240x128xf32, #tpu.memory_space<vmem_shared>>) offsets(%dma_start3A_294 : memref<128xi32, #tpu.memory_space<vmem>>) semaphore(%run_scoped3A_291 : memref<!tpu.dma_semaphore, #tpu.memory_space<semaphore_mem>>) {add = true}
        %dma_wait3A_298 = arith.constant 0 : i32
        %dma_wait3A_299 = tpu.memref_slice %arg13[%run_scoped3A, %dma_wait3A_298] : memref<1x128xi32, #tpu.memory_space<vmem>> -> memref<1x128xi32, #tpu.memory_space<vmem>>
        %dma_wait3A_300 = tpu.memref_squeeze %dma_wait3A_299 : memref<1x128xi32, #tpu.memory_space<vmem>> -> memref<128xi32, #tpu.memory_space<vmem>>
        %dma_wait3A_301 = arith.constant 0 : i32
        %dma_wait3A_302 = arith.constant 0 : i32
        %dma_wait3A_303 = tpu.memref_slice %arg16[%dma_wait3A_301, %dma_wait3A_302] : memref<10240x128xf32, #tpu.memory_space<vmem_shared>> -> memref<10240x128xf32, #tpu.memory_space<vmem_shared>>
        tpu.wait_indirect_dma semaphore(%run_scoped3A_291 : memref<!tpu.dma_semaphore, #tpu.memory_space<semaphore_mem>>) src(%arg14 : memref<128x128xf32, #tpu.memory_space<vmem>>) dst(%dma_wait3A_303 : memref<10240x128xf32, #tpu.memory_space<vmem_shared>>)
        tpu.yield
      }) : () -> ()
      %dma_wait3A_174 = tpu.memref_slice %arg4[%add3A_87] : memref<327680xi32, #tpu.memory_space<hbm>> -> memref<128xi32, #tpu.memory_space<hbm>>
      %dma_wait3A_175 = tpu.memref_slice %arg4[%add3A_87] : memref<327680xi32, #tpu.memory_space<hbm>> -> memref<128xi32, #tpu.memory_space<hbm>>
      tpu.wait_dma2 semaphore(%arg19 : memref<!tpu.dma_semaphore, #tpu.memory_space<semaphore_mem>>) src(%dma_wait3A_175 : memref<128xi32, #tpu.memory_space<hbm>>) dst(%arg9 : memref<128xi32, #tpu.memory_space<vmem>>)
      %dma_wait3A_176 = tpu.memref_slice %arg3[%add3A_87] : memref<327680xi32, #tpu.memory_space<hbm>> -> memref<128xi32, #tpu.memory_space<hbm>>
      %dma_wait3A_177 = tpu.memref_slice %arg3[%add3A_87] : memref<327680xi32, #tpu.memory_space<hbm>> -> memref<128xi32, #tpu.memory_space<hbm>>
      tpu.wait_dma2 semaphore(%arg19 : memref<!tpu.dma_semaphore, #tpu.memory_space<semaphore_mem>>) src(%dma_wait3A_177 : memref<128xi32, #tpu.memory_space<hbm>>) dst(%arg7 : memref<128xi32, #tpu.memory_space<vmem>>)
      %dma_wait3A_178 = tpu.memref_slice %arg5[%add3A_87] : memref<327680xf32, #tpu.memory_space<hbm>> -> memref<128xf32, #tpu.memory_space<hbm>>
      %dma_wait3A_179 = tpu.memref_slice %arg5[%add3A_87] : memref<327680xf32, #tpu.memory_space<hbm>> -> memref<128xf32, #tpu.memory_space<hbm>>
      tpu.wait_dma2 semaphore(%arg19 : memref<!tpu.dma_semaphore, #tpu.memory_space<semaphore_mem>>) src(%dma_wait3A_179 : memref<128xf32, #tpu.memory_space<hbm>>) dst(%arg11 : memref<128xf32, #tpu.memory_space<vmem>>)
      %dma_start3A_180 = arith.constant 0 : i32
      %dma_start3A_181 = arith.constant 0 : i32
      %dma_start3A_182 = tpu.memref_slice %arg2[%dma_start3A_180, %dma_start3A_181] : memref<10000x128xf32, #tpu.memory_space<hbm>> -> memref<10000x128xf32, #tpu.memory_space<hbm>>
      tpu.enqueue_indirect_dma source(%dma_start3A_182 : memref<10000x128xf32, #tpu.memory_space<hbm>>) target(%arg14 : memref<128x128xf32, #tpu.memory_space<vmem>>) offsets(%arg7 : memref<128xi32, #tpu.memory_space<vmem>>) semaphore(%arg17 : memref<!tpu.dma_semaphore, #tpu.memory_space<semaphore_mem>>)
      %add3A_183 = arith.constant 1 : i32
      %add3A_184 = arith.addi %mul3A_79, %add3A_183 : i32
      %add3A_185 = arith.constant 2 : i32
      %add3A_186 = arith.addi %add3A_184, %add3A_185 : i32
      %min3A_187 = arith.constant 79 : i32
      %min3A_188 = arith.minsi %add3A_186, %min3A_187 : i32
      %mul3A_189 = arith.constant 128 : i32
      %mul3A_190 = arith.muli %min3A_188, %mul3A_189 : i32
      %add3A_191 = arith.addi %mul3A_2, %mul3A_190 : i32
      %get3A_192 = arith.constant 0 : index
      %get3A_193 = tpu.vector_load %arg10[%get3A_192] {strides = array<i32>} : memref<128xi32, #tpu.memory_space<vmem>>, vector<16xi32>,
      %get3A_194 = vector.shape_cast %get3A_193 : vector<16xi32> to vector<16xi32>
      %swap3A_195 = arith.constant 0 : i32
      %swap3A_196 = arith.index_cast %swap3A_195 : i32 to index
      %swap3A_197 = arith.constant 0 : index
      %swap3A_198 = tpu.vector_load %arg13[%swap3A_196, %swap3A_197] {strides = array<i32>} : memref<1x128xi32, #tpu.memory_space<vmem>>, vector<1x16xi32>,
      %swap3A_199 = vector.shape_cast %swap3A_198 : vector<1x16xi32> to vector<16xi32>
      %swap3A_200 = vector.shape_cast %get3A_194 : vector<16xi32> to vector<1x16xi32>
      tpu.vector_store %arg13[%swap3A_196, %swap3A_197], %swap3A_200 {strides = array<i32>} : memref<1x128xi32, #tpu.memory_space<vmem>>, vector<1x16xi32>,
      %get3A_201 = arith.constant 16 : index
      %get3A_202 = tpu.vector_load %arg10[%get3A_201] {strides = array<i32>} : memref<128xi32, #tpu.memory_space<vmem>>, vector<16xi32>,
      %get3A_203 = vector.shape_cast %get3A_202 : vector<16xi32> to vector<16xi32>
      %swap3A_204 = arith.constant 0 : i32
      %swap3A_205 = arith.index_cast %swap3A_204 : i32 to index
      %swap3A_206 = arith.constant 16 : index
      %swap3A_207 = tpu.vector_load %arg13[%swap3A_205, %swap3A_206] {strides = array<i32>} : memref<1x128xi32, #tpu.memory_space<vmem>>, vector<1x16xi32>,
      %swap3A_208 = vector.shape_cast %swap3A_207 : vector<1x16xi32> to vector<16xi32>
      %swap3A_209 = vector.shape_cast %get3A_203 : vector<16xi32> to vector<1x16xi32>
      tpu.vector_store %arg13[%swap3A_205, %swap3A_206], %swap3A_209 {strides = array<i32>} : memref<1x128xi32, #tpu.memory_space<vmem>>, vector<1x16xi32>,
      %get3A_210 = arith.constant 32 : index
      %get3A_211 = tpu.vector_load %arg10[%get3A_210] {strides = array<i32>} : memref<128xi32, #tpu.memory_space<vmem>>, vector<16xi32>,
      %get3A_212 = vector.shape_cast %get3A_211 : vector<16xi32> to vector<16xi32>
      %swap3A_213 = arith.constant 0 : i32
      %swap3A_214 = arith.index_cast %swap3A_213 : i32 to index
      %swap3A_215 = arith.constant 32 : index
      %swap3A_216 = tpu.vector_load %arg13[%swap3A_214, %swap3A_215] {strides = array<i32>} : memref<1x128xi32, #tpu.memory_space<vmem>>, vector<1x16xi32>,
      %swap3A_217 = vector.shape_cast %swap3A_216 : vector<1x16xi32> to vector<16xi32>
      %swap3A_218 = vector.shape_cast %get3A_212 : vector<16xi32> to vector<1x16xi32>
      tpu.vector_store %arg13[%swap3A_214, %swap3A_215], %swap3A_218 {strides = array<i32>} : memref<1x128xi32, #tpu.memory_space<vmem>>, vector<1x16xi32>,
      %get3A_219 = arith.constant 48 : index
      %get3A_220 = tpu.vector_load %arg10[%get3A_219] {strides = array<i32>} : memref<128xi32, #tpu.memory_space<vmem>>, vector<16xi32>,
      %get3A_221 = vector.shape_cast %get3A_220 : vector<16xi32> to vector<16xi32>
      %swap3A_222 = arith.constant 0 : i32
      %swap3A_223 = arith.index_cast %swap3A_222 : i32 to index
      %swap3A_224 = arith.constant 48 : index
      %swap3A_225 = tpu.vector_load %arg13[%swap3A_223, %swap3A_224] {strides = array<i32>} : memref<1x128xi32, #tpu.memory_space<vmem>>, vector<1x16xi32>,
      %swap3A_226 = vector.shape_cast %swap3A_225 : vector<1x16xi32> to vector<16xi32>
      %swap3A_227 = vector.shape_cast %get3A_221 : vector<16xi32> to vector<1x16xi32>
      tpu.vector_store %arg13[%swap3A_223, %swap3A_224], %swap3A_227 {strides = array<i32>} : memref<1x128xi32, #tpu.memory_space<vmem>>, vector<1x16xi32>,
      %get3A_228 = arith.constant 64 : index
      %get3A_229 = tpu.vector_load %arg10[%get3A_228] {strides = array<i32>} : memref<128xi32, #tpu.memory_space<vmem>>, vector<16xi32>,
      %get3A_230 = vector.shape_cast %get3A_229 : vector<16xi32> to vector<16xi32>
      %swap3A_231 = arith.constant 0 : i32
      %swap3A_232 = arith.index_cast %swap3A_231 : i32 to index
      %swap3A_233 = arith.constant 64 : index
      %swap3A_234 = tpu.vector_load %arg13[%swap3A_232, %swap3A_233] {strides = array<i32>} : memref<1x128xi32, #tpu.memory_space<vmem>>, vector<1x16xi32>,
      %swap3A_235 = vector.shape_cast %swap3A_234 : vector<1x16xi32> to vector<16xi32>
      %swap3A_236 = vector.shape_cast %get3A_230 : vector<16xi32> to vector<1x16xi32>
      tpu.vector_store %arg13[%swap3A_232, %swap3A_233], %swap3A_236 {strides = array<i32>} : memref<1x128xi32, #tpu.memory_space<vmem>>, vector<1x16xi32>,
      %get3A_237 = arith.constant 80 : index
      %get3A_238 = tpu.vector_load %arg10[%get3A_237] {strides = array<i32>} : memref<128xi32, #tpu.memory_space<vmem>>, vector<16xi32>,
      %get3A_239 = vector.shape_cast %get3A_238 : vector<16xi32> to vector<16xi32>
      %swap3A_240 = arith.constant 0 : i32
      %swap3A_241 = arith.index_cast %swap3A_240 : i32 to index
      %swap3A_242 = arith.constant 80 : index
      %swap3A_243 = tpu.vector_load %arg13[%swap3A_241, %swap3A_242] {strides = array<i32>} : memref<1x128xi32, #tpu.memory_space<vmem>>, vector<1x16xi32>,
      %swap3A_244 = vector.shape_cast %swap3A_243 : vector<1x16xi32> to vector<16xi32>
      %swap3A_245 = vector.shape_cast %get3A_239 : vector<16xi32> to vector<1x16xi32>
      tpu.vector_store %arg13[%swap3A_241, %swap3A_242], %swap3A_245 {strides = array<i32>} : memref<1x128xi32, #tpu.memory_space<vmem>>, vector<1x16xi32>,
      %get3A_246 = arith.constant 96 : index
      %get3A_247 = tpu.vector_load %arg10[%get3A_246] {strides = array<i32>} : memref<128xi32, #tpu.memory_space<vmem>>, vector<16xi32>,
      %get3A_248 = vector.shape_cast %get3A_247 : vector<16xi32> to vector<16xi32>
      %swap3A_249 = arith.constant 0 : i32
      %swap3A_250 = arith.index_cast %swap3A_249 : i32 to index
      %swap3A_251 = arith.constant 96 : index
      %swap3A_252 = tpu.vector_load %arg13[%swap3A_250, %swap3A_251] {strides = array<i32>} : memref<1x128xi32, #tpu.memory_space<vmem>>, vector<1x16xi32>,
      %swap3A_253 = vector.shape_cast %swap3A_252 : vector<1x16xi32> to vector<16xi32>
      %swap3A_254 = vector.shape_cast %get3A_248 : vector<16xi32> to vector<1x16xi32>
      tpu.vector_store %arg13[%swap3A_250, %swap3A_251], %swap3A_254 {strides = array<i32>} : memref<1x128xi32, #tpu.memory_space<vmem>>, vector<1x16xi32>,
      %get3A_255 = arith.constant 112 : index
      %get3A_256 = tpu.vector_load %arg10[%get3A_255] {strides = array<i32>} : memref<128xi32, #tpu.memory_space<vmem>>, vector<16xi32>,
      %get3A_257 = vector.shape_cast %get3A_256 : vector<16xi32> to vector<16xi32>
      %swap3A_258 = arith.constant 0 : i32
      %swap3A_259 = arith.index_cast %swap3A_258 : i32 to index
      %swap3A_260 = arith.constant 112 : index
      %swap3A_261 = tpu.vector_load %arg13[%swap3A_259, %swap3A_260] {strides = array<i32>} : memref<1x128xi32, #tpu.memory_space<vmem>>, vector<1x16xi32>,
      %swap3A_262 = vector.shape_cast %swap3A_261 : vector<1x16xi32> to vector<16xi32>
      %swap3A_263 = vector.shape_cast %get3A_257 : vector<16xi32> to vector<1x16xi32>
      tpu.vector_store %arg13[%swap3A_259, %swap3A_260], %swap3A_263 {strides = array<i32>} : memref<1x128xi32, #tpu.memory_space<vmem>>, vector<1x16xi32>,
      %dma_start3A_264 = tpu.memref_slice %arg4[%add3A_191] : memref<327680xi32, #tpu.memory_space<hbm>> -> memref<128xi32, #tpu.memory_space<hbm>>
      %dma_start3A_265 = tpu.memref_slice %arg4[%add3A_191] : memref<327680xi32, #tpu.memory_space<hbm>> -> memref<128xi32, #tpu.memory_space<hbm>>
      tpu.enqueue_dma source(%dma_start3A_265 : memref<128xi32, #tpu.memory_space<hbm>>) target(%arg10 : memref<128xi32, #tpu.memory_space<vmem>>) target_semaphore(%arg20 : memref<!tpu.dma_semaphore, #tpu.memory_space<semaphore_mem>>)
      %dma_wait3A_266 = arith.constant 0 : i32
      %dma_wait3A_267 = arith.constant 0 : i32
      %dma_wait3A_268 = tpu.memref_slice %arg2[%dma_wait3A_266, %dma_wait3A_267] : memref<10000x128xf32, #tpu.memory_space<hbm>> -> memref<10000x128xf32, #tpu.memory_space<hbm>>
      tpu.wait_indirect_dma semaphore(%arg18 : memref<!tpu.dma_semaphore, #tpu.memory_space<semaphore_mem>>) src(%dma_wait3A_268 : memref<10000x128xf32, #tpu.memory_space<hbm>>) dst(%arg15 : memref<128x128xf32, #tpu.memory_space<vmem>>)
      %dma_start3A_269 = tpu.memref_slice %arg3[%add3A_191] : memref<327680xi32, #tpu.memory_space<hbm>> -> memref<128xi32, #tpu.memory_space<hbm>>
      %dma_start3A_270 = tpu.memref_slice %arg3[%add3A_191] : memref<327680xi32, #tpu.memory_space<hbm>> -> memref<128xi32, #tpu.memory_space<hbm>>
      tpu.enqueue_dma source(%dma_start3A_270 : memref<128xi32, #tpu.memory_space<hbm>>) target(%arg8 : memref<128xi32, #tpu.memory_space<vmem>>) target_semaphore(%arg20 : memref<!tpu.dma_semaphore, #tpu.memory_space<semaphore_mem>>)
      %scan3A_271 = arith.constant 0 : i32
      %scan3A_272 = arith.constant 0 : i32
      %scan3A_273 = arith.constant 8 : i32
      %scan3A_274 = arith.addi %scan3A_272, %scan3A_273 : i32
      %scan3A_275 = arith.constant 1 : i32
      %scan3A_276 = scf.for %scan3A_291 = %scan3A_272 to %scan3A_274 step %scan3A_275 iter_args(%scan3A_292 = %scan3A_271) -> (i32)  : i32 {
        %mul3A_293 = arith.constant 16 : i32
        %mul3A_294 = arith.muli %scan3A_291, %mul3A_293 : i32
        %get3A_295 = arith.index_cast %mul3A_294 : i32 to index
        %get3A_296 = tpu.vector_load %arg12[%get3A_295] {strides = array<i32>} : memref<128xf32, #tpu.memory_space<vmem>>, vector<16xf32>,
        %get3A_297 = vector.shape_cast %get3A_296 : vector<16xf32> to vector<16xf32>
        %lt3A = arith.constant 0 : i32
        %lt3A_298 = vector.broadcast %lt3A : i32 to vector<16xi32>
        %lt3A_299 = arith.cmpi slt, %broadcast_in_dim3A_23, %lt3A_298 : vector<16xi32>
        %add3A_300 = arith.constant 16 : i32
        %add3A_301 = vector.broadcast %add3A_300 : i32 to vector<16xi32>
        %add3A_302 = arith.addi %broadcast_in_dim3A_23, %add3A_301 : vector<16xi32>
        %select_n3A = arith.select %lt3A_299, %add3A_302, %broadcast_in_dim3A_23 : vector<16xi1>, vector<16xi32>
        %broadcast_in_dim3A_303 = vector.shape_cast %select_n3A : vector<16xi32> to vector<16x1xi32>
        %gather3A = vector.shape_cast %broadcast_in_dim3A_303 : vector<16x1xi32> to vector<16xi32>
        %gather3A_304 = tpu.dynamic_gather %get3A_297[%gather3A] in [0] : vector<16xf32>, vector<16xi32> -> vector<16xf32>
        %mul3A_305 = arith.constant 16 : i32
        %mul3A_306 = arith.muli %scan3A_291, %mul3A_305 : i32
        %add3A_307 = arith.constant 0 : i32
        %add3A_308 = arith.addi %mul3A_306, %add3A_307 : i32
        %get3A_309 = arith.index_cast %add3A_308 : i32 to index
        %get3A_310 = arith.constant 0 : index
        %get3A_311 = tpu.vector_load %arg15[%get3A_309, %get3A_310] {strides = array<i32>} : memref<128x128xf32, #tpu.memory_space<vmem>>, vector<1x16xf32>,
        %get3A_312 = vector.shape_cast %get3A_311 : vector<1x16xf32> to vector<16xf32>
        %mul3A_313 = arith.mulf %get3A_312, %gather3A_304 : vector<16xf32>
        %swap3A_314 = arith.index_cast %add3A_308 : i32 to index
        %swap3A_315 = arith.constant 0 : index
        %swap3A_316 = tpu.vector_load %arg15[%swap3A_314, %swap3A_315] {strides = array<i32>} : memref<128x128xf32, #tpu.memory_space<vmem>>, vector<1x16xf32>,
        %swap3A_317 = vector.shape_cast %swap3A_316 : vector<1x16xf32> to vector<16xf32>
        %swap3A_318 = vector.shape_cast %mul3A_313 : vector<16xf32> to vector<1x16xf32>
        tpu.vector_store %arg15[%swap3A_314, %swap3A_315], %swap3A_318 {strides = array<i32>} : memref<128x128xf32, #tpu.memory_space<vmem>>, vector<1x16xf32>,
        %get3A_319 = arith.index_cast %add3A_308 : i32 to index
        %get3A_320 = arith.constant 16 : index
        %get3A_321 = tpu.vector_load %arg15[%get3A_319, %get3A_320] {strides = array<i32>} : memref<128x128xf32, #tpu.memory_space<vmem>>, vector<1x16xf32>,
        %get3A_322 = vector.shape_cast %get3A_321 : vector<1x16xf32> to vector<16xf32>
        %mul3A_323 = arith.mulf %get3A_322, %gather3A_304 : vector<16xf32>
        %swap3A_324 = arith.index_cast %add3A_308 : i32 to index
        %swap3A_325 = arith.constant 16 : index
        %swap3A_326 = tpu.vector_load %arg15[%swap3A_324, %swap3A_325] {strides = array<i32>} : memref<128x128xf32, #tpu.memory_space<vmem>>, vector<1x16xf32>,
        %swap3A_327 = vector.shape_cast %swap3A_326 : vector<1x16xf32> to vector<16xf32>
        %swap3A_328 = vector.shape_cast %mul3A_323 : vector<16xf32> to vector<1x16xf32>
        tpu.vector_store %arg15[%swap3A_324, %swap3A_325], %swap3A_328 {strides = array<i32>} : memref<128x128xf32, #tpu.memory_space<vmem>>, vector<1x16xf32>,
        %get3A_329 = arith.index_cast %add3A_308 : i32 to index
        %get3A_330 = arith.constant 32 : index
        %get3A_331 = tpu.vector_load %arg15[%get3A_329, %get3A_330] {strides = array<i32>} : memref<128x128xf32, #tpu.memory_space<vmem>>, vector<1x16xf32>,
        %get3A_332 = vector.shape_cast %get3A_331 : vector<1x16xf32> to vector<16xf32>
        %mul3A_333 = arith.mulf %get3A_332, %gather3A_304 : vector<16xf32>
        %swap3A_334 = arith.index_cast %add3A_308 : i32 to index
        %swap3A_335 = arith.constant 32 : index
        %swap3A_336 = tpu.vector_load %arg15[%swap3A_334, %swap3A_335] {strides = array<i32>} : memref<128x128xf32, #tpu.memory_space<vmem>>, vector<1x16xf32>,
        %swap3A_337 = vector.shape_cast %swap3A_336 : vector<1x16xf32> to vector<16xf32>
        %swap3A_338 = vector.shape_cast %mul3A_333 : vector<16xf32> to vector<1x16xf32>
        tpu.vector_store %arg15[%swap3A_334, %swap3A_335], %swap3A_338 {strides = array<i32>} : memref<128x128xf32, #tpu.memory_space<vmem>>, vector<1x16xf32>,
        %get3A_339 = arith.index_cast %add3A_308 : i32 to index
        %get3A_340 = arith.constant 48 : index
        %get3A_341 = tpu.vector_load %arg15[%get3A_339, %get3A_340] {strides = array<i32>} : memref<128x128xf32, #tpu.memory_space<vmem>>, vector<1x16xf32>,
        %get3A_342 = vector.shape_cast %get3A_341 : vector<1x16xf32> to vector<16xf32>
        %mul3A_343 = arith.mulf %get3A_342, %gather3A_304 : vector<16xf32>
        %swap3A_344 = arith.index_cast %add3A_308 : i32 to index
        %swap3A_345 = arith.constant 48 : index
        %swap3A_346 = tpu.vector_load %arg15[%swap3A_344, %swap3A_345] {strides = array<i32>} : memref<128x128xf32, #tpu.memory_space<vmem>>, vector<1x16xf32>,
        %swap3A_347 = vector.shape_cast %swap3A_346 : vector<1x16xf32> to vector<16xf32>
        %swap3A_348 = vector.shape_cast %mul3A_343 : vector<16xf32> to vector<1x16xf32>
        tpu.vector_store %arg15[%swap3A_344, %swap3A_345], %swap3A_348 {strides = array<i32>} : memref<128x128xf32, #tpu.memory_space<vmem>>, vector<1x16xf32>,
        %get3A_349 = arith.index_cast %add3A_308 : i32 to index
        %get3A_350 = arith.constant 64 : index
        %get3A_351 = tpu.vector_load %arg15[%get3A_349, %get3A_350] {strides = array<i32>} : memref<128x128xf32, #tpu.memory_space<vmem>>, vector<1x16xf32>,
        %get3A_352 = vector.shape_cast %get3A_351 : vector<1x16xf32> to vector<16xf32>
        %mul3A_353 = arith.mulf %get3A_352, %gather3A_304 : vector<16xf32>
        %swap3A_354 = arith.index_cast %add3A_308 : i32 to index
        %swap3A_355 = arith.constant 64 : index
        %swap3A_356 = tpu.vector_load %arg15[%swap3A_354, %swap3A_355] {strides = array<i32>} : memref<128x128xf32, #tpu.memory_space<vmem>>, vector<1x16xf32>,
        %swap3A_357 = vector.shape_cast %swap3A_356 : vector<1x16xf32> to vector<16xf32>
        %swap3A_358 = vector.shape_cast %mul3A_353 : vector<16xf32> to vector<1x16xf32>
        tpu.vector_store %arg15[%swap3A_354, %swap3A_355], %swap3A_358 {strides = array<i32>} : memref<128x128xf32, #tpu.memory_space<vmem>>, vector<1x16xf32>,
        %get3A_359 = arith.index_cast %add3A_308 : i32 to index
        %get3A_360 = arith.constant 80 : index
        %get3A_361 = tpu.vector_load %arg15[%get3A_359, %get3A_360] {strides = array<i32>} : memref<128x128xf32, #tpu.memory_space<vmem>>, vector<1x16xf32>,
        %get3A_362 = vector.shape_cast %get3A_361 : vector<1x16xf32> to vector<16xf32>
        %mul3A_363 = arith.mulf %get3A_362, %gather3A_304 : vector<16xf32>
        %swap3A_364 = arith.index_cast %add3A_308 : i32 to index
        %swap3A_365 = arith.constant 80 : index
        %swap3A_366 = tpu.vector_load %arg15[%swap3A_364, %swap3A_365] {strides = array<i32>} : memref<128x128xf32, #tpu.memory_space<vmem>>, vector<1x16xf32>,
        %swap3A_367 = vector.shape_cast %swap3A_366 : vector<1x16xf32> to vector<16xf32>
        %swap3A_368 = vector.shape_cast %mul3A_363 : vector<16xf32> to vector<1x16xf32>
        tpu.vector_store %arg15[%swap3A_364, %swap3A_365], %swap3A_368 {strides = array<i32>} : memref<128x128xf32, #tpu.memory_space<vmem>>, vector<1x16xf32>,
        %get3A_369 = arith.index_cast %add3A_308 : i32 to index
        %get3A_370 = arith.constant 96 : index
        %get3A_371 = tpu.vector_load %arg15[%get3A_369, %get3A_370] {strides = array<i32>} : memref<128x128xf32, #tpu.memory_space<vmem>>, vector<1x16xf32>,
        %get3A_372 = vector.shape_cast %get3A_371 : vector<1x16xf32> to vector<16xf32>
        %mul3A_373 = arith.mulf %get3A_372, %gather3A_304 : vector<16xf32>
        %swap3A_374 = arith.index_cast %add3A_308 : i32 to index
        %swap3A_375 = arith.constant 96 : index
        %swap3A_376 = tpu.vector_load %arg15[%swap3A_374, %swap3A_375] {strides = array<i32>} : memref<128x128xf32, #tpu.memory_space<vmem>>, vector<1x16xf32>,
        %swap3A_377 = vector.shape_cast %swap3A_376 : vector<1x16xf32> to vector<16xf32>
        %swap3A_378 = vector.shape_cast %mul3A_373 : vector<16xf32> to vector<1x16xf32>
        tpu.vector_store %arg15[%swap3A_374, %swap3A_375], %swap3A_378 {strides = array<i32>} : memref<128x128xf32, #tpu.memory_space<vmem>>, vector<1x16xf32>,
        %get3A_379 = arith.index_cast %add3A_308 : i32 to index
        %get3A_380 = arith.constant 112 : index
        %get3A_381 = tpu.vector_load %arg15[%get3A_379, %get3A_380] {strides = array<i32>} : memref<128x128xf32, #tpu.memory_space<vmem>>, vector<1x16xf32>,
        %get3A_382 = vector.shape_cast %get3A_381 : vector<1x16xf32> to vector<16xf32>
        %mul3A_383 = arith.mulf %get3A_382, %gather3A_304 : vector<16xf32>
        %swap3A_384 = arith.index_cast %add3A_308 : i32 to index
        %swap3A_385 = arith.constant 112 : index
        %swap3A_386 = tpu.vector_load %arg15[%swap3A_384, %swap3A_385] {strides = array<i32>} : memref<128x128xf32, #tpu.memory_space<vmem>>, vector<1x16xf32>,
        %swap3A_387 = vector.shape_cast %swap3A_386 : vector<1x16xf32> to vector<16xf32>
        %swap3A_388 = vector.shape_cast %mul3A_383 : vector<16xf32> to vector<1x16xf32>
        tpu.vector_store %arg15[%swap3A_384, %swap3A_385], %swap3A_388 {strides = array<i32>} : memref<128x128xf32, #tpu.memory_space<vmem>>, vector<1x16xf32>,
        %lt3A_389 = arith.constant 0 : i32
        %lt3A_390 = vector.broadcast %lt3A_389 : i32 to vector<16xi32>
        %lt3A_391 = arith.cmpi slt, %broadcast_in_dim3A_25, %lt3A_390 : vector<16xi32>
        %add3A_392 = arith.constant 16 : i32
        %add3A_393 = vector.broadcast %add3A_392 : i32 to vector<16xi32>
        %add3A_394 = arith.addi %broadcast_in_dim3A_25, %add3A_393 : vector<16xi32>
        %select_n3A_395 = arith.select %lt3A_391, %add3A_394, %broadcast_in_dim3A_25 : vector<16xi1>, vector<16xi32>
        %broadcast_in_dim3A_396 = vector.shape_cast %select_n3A_395 : vector<16xi32> to vector<16x1xi32>
        %gather3A_397 = vector.shape_cast %broadcast_in_dim3A_396 : vector<16x1xi32> to vector<16xi32>
        %gather3A_398 = tpu.dynamic_gather %get3A_297[%gather3A_397] in [0] : vector<16xf32>, vector<16xi32> -> vector<16xf32>
        %mul3A_399 = arith.constant 16 : i32
        %mul3A_400 = arith.muli %scan3A_291, %mul3A_399 : i32
        %add3A_401 = arith.constant 1 : i32
        %add3A_402 = arith.addi %mul3A_400, %add3A_401 : i32
        %get3A_403 = arith.index_cast %add3A_402 : i32 to index
        %get3A_404 = arith.constant 0 : index
        %get3A_405 = tpu.vector_load %arg15[%get3A_403, %get3A_404] {strides = array<i32>} : memref<128x128xf32, #tpu.memory_space<vmem>>, vector<1x16xf32>,
        %get3A_406 = vector.shape_cast %get3A_405 : vector<1x16xf32> to vector<16xf32>
        %mul3A_407 = arith.mulf %get3A_406, %gather3A_398 : vector<16xf32>
        %swap3A_408 = arith.index_cast %add3A_402 : i32 to index
        %swap3A_409 = arith.constant 0 : index
        %swap3A_410 = tpu.vector_load %arg15[%swap3A_408, %swap3A_409] {strides = array<i32>} : memref<128x128xf32, #tpu.memory_space<vmem>>, vector<1x16xf32>,
        %swap3A_411 = vector.shape_cast %swap3A_410 : vector<1x16xf32> to vector<16xf32>
        %swap3A_412 = vector.shape_cast %mul3A_407 : vector<16xf32> to vector<1x16xf32>
        tpu.vector_store %arg15[%swap3A_408, %swap3A_409], %swap3A_412 {strides = array<i32>} : memref<128x128xf32, #tpu.memory_space<vmem>>, vector<1x16xf32>,
        %get3A_413 = arith.index_cast %add3A_402 : i32 to index
        %get3A_414 = arith.constant 16 : index
        %get3A_415 = tpu.vector_load %arg15[%get3A_413, %get3A_414] {strides = array<i32>} : memref<128x128xf32, #tpu.memory_space<vmem>>, vector<1x16xf32>,
        %get3A_416 = vector.shape_cast %get3A_415 : vector<1x16xf32> to vector<16xf32>
        %mul3A_417 = arith.mulf %get3A_416, %gather3A_398 : vector<16xf32>
        %swap3A_418 = arith.index_cast %add3A_402 : i32 to index
        %swap3A_419 = arith.constant 16 : index
        %swap3A_420 = tpu.vector_load %arg15[%swap3A_418, %swap3A_419] {strides = array<i32>} : memref<128x128xf32, #tpu.memory_space<vmem>>, vector<1x16xf32>,
        %swap3A_421 = vector.shape_cast %swap3A_420 : vector<1x16xf32> to vector<16xf32>
        %swap3A_422 = vector.shape_cast %mul3A_417 : vector<16xf32> to vector<1x16xf32>
        tpu.vector_store %arg15[%swap3A_418, %swap3A_419], %swap3A_422 {strides = array<i32>} : memref<128x128xf32, #tpu.memory_space<vmem>>, vector<1x16xf32>,
        %get3A_423 = arith.index_cast %add3A_402 : i32 to index
        %get3A_424 = arith.constant 32 : index
        %get3A_425 = tpu.vector_load %arg15[%get3A_423, %get3A_424] {strides = array<i32>} : memref<128x128xf32, #tpu.memory_space<vmem>>, vector<1x16xf32>,
        %get3A_426 = vector.shape_cast %get3A_425 : vector<1x16xf32> to vector<16xf32>
        %mul3A_427 = arith.mulf %get3A_426, %gather3A_398 : vector<16xf32>
        %swap3A_428 = arith.index_cast %add3A_402 : i32 to index
        %swap3A_429 = arith.constant 32 : index
        %swap3A_430 = tpu.vector_load %arg15[%swap3A_428, %swap3A_429] {strides = array<i32>} : memref<128x128xf32, #tpu.memory_space<vmem>>, vector<1x16xf32>,
        %swap3A_431 = vector.shape_cast %swap3A_430 : vector<1x16xf32> to vector<16xf32>
        %swap3A_432 = vector.shape_cast %mul3A_427 : vector<16xf32> to vector<1x16xf32>
        tpu.vector_store %arg15[%swap3A_428, %swap3A_429], %swap3A_432 {strides = array<i32>} : memref<128x128xf32, #tpu.memory_space<vmem>>, vector<1x16xf32>,
        %get3A_433 = arith.index_cast %add3A_402 : i32 to index
        %get3A_434 = arith.constant 48 : index
        %get3A_435 = tpu.vector_load %arg15[%get3A_433, %get3A_434] {strides = array<i32>} : memref<128x128xf32, #tpu.memory_space<vmem>>, vector<1x16xf32>,
        %get3A_436 = vector.shape_cast %get3A_435 : vector<1x16xf32> to vector<16xf32>
        %mul3A_437 = arith.mulf %get3A_436, %gather3A_398 : vector<16xf32>
        %swap3A_438 = arith.index_cast %add3A_402 : i32 to index
        %swap3A_439 = arith.constant 48 : index
        %swap3A_440 = tpu.vector_load %arg15[%swap3A_438, %swap3A_439] {strides = array<i32>} : memref<128x128xf32, #tpu.memory_space<vmem>>, vector<1x16xf32>,
        %swap3A_441 = vector.shape_cast %swap3A_440 : vector<1x16xf32> to vector<16xf32>
        %swap3A_442 = vector.shape_cast %mul3A_437 : vector<16xf32> to vector<1x16xf32>
        tpu.vector_store %arg15[%swap3A_438, %swap3A_439], %swap3A_442 {strides = array<i32>} : memref<128x128xf32, #tpu.memory_space<vmem>>, vector<1x16xf32>,
        %get3A_443 = arith.index_cast %add3A_402 : i32 to index
        %get3A_444 = arith.constant 64 : index
        %get3A_445 = tpu.vector_load %arg15[%get3A_443, %get3A_444] {strides = array<i32>} : memref<128x128xf32, #tpu.memory_space<vmem>>, vector<1x16xf32>,
        %get3A_446 = vector.shape_cast %get3A_445 : vector<1x16xf32> to vector<16xf32>
        %mul3A_447 = arith.mulf %get3A_446, %gather3A_398 : vector<16xf32>
        %swap3A_448 = arith.index_cast %add3A_402 : i32 to index
        %swap3A_449 = arith.constant 64 : index
        %swap3A_450 = tpu.vector_load %arg15[%swap3A_448, %swap3A_449] {strides = array<i32>} : memref<128x128xf32, #tpu.memory_space<vmem>>, vector<1x16xf32>,
        %swap3A_451 = vector.shape_cast %swap3A_450 : vector<1x16xf32> to vector<16xf32>
        %swap3A_452 = vector.shape_cast %mul3A_447 : vector<16xf32> to vector<1x16xf32>
        tpu.vector_store %arg15[%swap3A_448, %swap3A_449], %swap3A_452 {strides = array<i32>} : memref<128x128xf32, #tpu.memory_space<vmem>>, vector<1x16xf32>,
        %get3A_453 = arith.index_cast %add3A_402 : i32 to index
        %get3A_454 = arith.constant 80 : index
        %get3A_455 = tpu.vector_load %arg15[%get3A_453, %get3A_454] {strides = array<i32>} : memref<128x128xf32, #tpu.memory_space<vmem>>, vector<1x16xf32>,
        %get3A_456 = vector.shape_cast %get3A_455 : vector<1x16xf32> to vector<16xf32>
        %mul3A_457 = arith.mulf %get3A_456, %gather3A_398 : vector<16xf32>
        %swap3A_458 = arith.index_cast %add3A_402 : i32 to index
        %swap3A_459 = arith.constant 80 : index
        %swap3A_460 = tpu.vector_load %arg15[%swap3A_458, %swap3A_459] {strides = array<i32>} : memref<128x128xf32, #tpu.memory_space<vmem>>, vector<1x16xf32>,
        %swap3A_461 = vector.shape_cast %swap3A_460 : vector<1x16xf32> to vector<16xf32>
        %swap3A_462 = vector.shape_cast %mul3A_457 : vector<16xf32> to vector<1x16xf32>
        tpu.vector_store %arg15[%swap3A_458, %swap3A_459], %swap3A_462 {strides = array<i32>} : memref<128x128xf32, #tpu.memory_space<vmem>>, vector<1x16xf32>,
        %get3A_463 = arith.index_cast %add3A_402 : i32 to index
        %get3A_464 = arith.constant 96 : index
        %get3A_465 = tpu.vector_load %arg15[%get3A_463, %get3A_464] {strides = array<i32>} : memref<128x128xf32, #tpu.memory_space<vmem>>, vector<1x16xf32>,
        %get3A_466 = vector.shape_cast %get3A_465 : vector<1x16xf32> to vector<16xf32>
        %mul3A_467 = arith.mulf %get3A_466, %gather3A_398 : vector<16xf32>
        %swap3A_468 = arith.index_cast %add3A_402 : i32 to index
        %swap3A_469 = arith.constant 96 : index
        %swap3A_470 = tpu.vector_load %arg15[%swap3A_468, %swap3A_469] {strides = array<i32>} : memref<128x128xf32, #tpu.memory_space<vmem>>, vector<1x16xf32>,
        %swap3A_471 = vector.shape_cast %swap3A_470 : vector<1x16xf32> to vector<16xf32>
        %swap3A_472 = vector.shape_cast %mul3A_467 : vector<16xf32> to vector<1x16xf32>
        tpu.vector_store %arg15[%swap3A_468, %swap3A_469], %swap3A_472 {strides = array<i32>} : memref<128x128xf32, #tpu.memory_space<vmem>>, vector<1x16xf32>,
        %get3A_473 = arith.index_cast %add3A_402 : i32 to index
        %get3A_474 = arith.constant 112 : index
        %get3A_475 = tpu.vector_load %arg15[%get3A_473, %get3A_474] {strides = array<i32>} : memref<128x128xf32, #tpu.memory_space<vmem>>, vector<1x16xf32>,
        %get3A_476 = vector.shape_cast %get3A_475 : vector<1x16xf32> to vector<16xf32>
        %mul3A_477 = arith.mulf %get3A_476, %gather3A_398 : vector<16xf32>
        %swap3A_478 = arith.index_cast %add3A_402 : i32 to index
        %swap3A_479 = arith.constant 112 : index
        %swap3A_480 = tpu.vector_load %arg15[%swap3A_478, %swap3A_479] {strides = array<i32>} : memref<128x128xf32, #tpu.memory_space<vmem>>, vector<1x16xf32>,
        %swap3A_481 = vector.shape_cast %swap3A_480 : vector<1x16xf32> to vector<16xf32>
        %swap3A_482 = vector.shape_cast %mul3A_477 : vector<16xf32> to vector<1x16xf32>
        tpu.vector_store %arg15[%swap3A_478, %swap3A_479], %swap3A_482 {strides = array<i32>} : memref<128x128xf32, #tpu.memory_space<vmem>>, vector<1x16xf32>,
        %lt3A_483 = arith.constant 0 : i32
        %lt3A_484 = vector.broadcast %lt3A_483 : i32 to vector<16xi32>
        %lt3A_485 = arith.cmpi slt, %broadcast_in_dim3A_27, %lt3A_484 : vector<16xi32>
        %add3A_486 = arith.constant 16 : i32
        %add3A_487 = vector.broadcast %add3A_486 : i32 to vector<16xi32>
        %add3A_488 = arith.addi %broadcast_in_dim3A_27, %add3A_487 : vector<16xi32>
        %select_n3A_489 = arith.select %lt3A_485, %add3A_488, %broadcast_in_dim3A_27 : vector<16xi1>, vector<16xi32>
        %broadcast_in_dim3A_490 = vector.shape_cast %select_n3A_489 : vector<16xi32> to vector<16x1xi32>
        %gather3A_491 = vector.shape_cast %broadcast_in_dim3A_490 : vector<16x1xi32> to vector<16xi32>
        %gather3A_492 = tpu.dynamic_gather %get3A_297[%gather3A_491] in [0] : vector<16xf32>, vector<16xi32> -> vector<16xf32>
        %mul3A_493 = arith.constant 16 : i32
        %mul3A_494 = arith.muli %scan3A_291, %mul3A_493 : i32
        %add3A_495 = arith.constant 2 : i32
        %add3A_496 = arith.addi %mul3A_494, %add3A_495 : i32
        %get3A_497 = arith.index_cast %add3A_496 : i32 to index
        %get3A_498 = arith.constant 0 : index
        %get3A_499 = tpu.vector_load %arg15[%get3A_497, %get3A_498] {strides = array<i32>} : memref<128x128xf32, #tpu.memory_space<vmem>>, vector<1x16xf32>,
        %get3A_500 = vector.shape_cast %get3A_499 : vector<1x16xf32> to vector<16xf32>
        %mul3A_501 = arith.mulf %get3A_500, %gather3A_492 : vector<16xf32>
        %swap3A_502 = arith.index_cast %add3A_496 : i32 to index
        %swap3A_503 = arith.constant 0 : index
        %swap3A_504 = tpu.vector_load %arg15[%swap3A_502, %swap3A_503] {strides = array<i32>} : memref<128x128xf32, #tpu.memory_space<vmem>>, vector<1x16xf32>,
        %swap3A_505 = vector.shape_cast %swap3A_504 : vector<1x16xf32> to vector<16xf32>
        %swap3A_506 = vector.shape_cast %mul3A_501 : vector<16xf32> to vector<1x16xf32>
        tpu.vector_store %arg15[%swap3A_502, %swap3A_503], %swap3A_506 {strides = array<i32>} : memref<128x128xf32, #tpu.memory_space<vmem>>, vector<1x16xf32>,
        %get3A_507 = arith.index_cast %add3A_496 : i32 to index
        %get3A_508 = arith.constant 16 : index
        %get3A_509 = tpu.vector_load %arg15[%get3A_507, %get3A_508] {strides = array<i32>} : memref<128x128xf32, #tpu.memory_space<vmem>>, vector<1x16xf32>,
        %get3A_510 = vector.shape_cast %get3A_509 : vector<1x16xf32> to vector<16xf32>
        %mul3A_511 = arith.mulf %get3A_510, %gather3A_492 : vector<16xf32>
        %swap3A_512 = arith.index_cast %add3A_496 : i32 to index
        %swap3A_513 = arith.constant 16 : index
        %swap3A_514 = tpu.vector_load %arg15[%swap3A_512, %swap3A_513] {strides = array<i32>} : memref<128x128xf32, #tpu.memory_space<vmem>>, vector<1x16xf32>,
        %swap3A_515 = vector.shape_cast %swap3A_514 : vector<1x16xf32> to vector<16xf32>
        %swap3A_516 = vector.shape_cast %mul3A_511 : vector<16xf32> to vector<1x16xf32>
        tpu.vector_store %arg15[%swap3A_512, %swap3A_513], %swap3A_516 {strides = array<i32>} : memref<128x128xf32, #tpu.memory_space<vmem>>, vector<1x16xf32>,
        %get3A_517 = arith.index_cast %add3A_496 : i32 to index
        %get3A_518 = arith.constant 32 : index
        %get3A_519 = tpu.vector_load %arg15[%get3A_517, %get3A_518] {strides = array<i32>} : memref<128x128xf32, #tpu.memory_space<vmem>>, vector<1x16xf32>,
        %get3A_520 = vector.shape_cast %get3A_519 : vector<1x16xf32> to vector<16xf32>
        %mul3A_521 = arith.mulf %get3A_520, %gather3A_492 : vector<16xf32>
        %swap3A_522 = arith.index_cast %add3A_496 : i32 to index
        %swap3A_523 = arith.constant 32 : index
        %swap3A_524 = tpu.vector_load %arg15[%swap3A_522, %swap3A_523] {strides = array<i32>} : memref<128x128xf32, #tpu.memory_space<vmem>>, vector<1x16xf32>,
        %swap3A_525 = vector.shape_cast %swap3A_524 : vector<1x16xf32> to vector<16xf32>
        %swap3A_526 = vector.shape_cast %mul3A_521 : vector<16xf32> to vector<1x16xf32>
        tpu.vector_store %arg15[%swap3A_522, %swap3A_523], %swap3A_526 {strides = array<i32>} : memref<128x128xf32, #tpu.memory_space<vmem>>, vector<1x16xf32>,
        %get3A_527 = arith.index_cast %add3A_496 : i32 to index
        %get3A_528 = arith.constant 48 : index
        %get3A_529 = tpu.vector_load %arg15[%get3A_527, %get3A_528] {strides = array<i32>} : memref<128x128xf32, #tpu.memory_space<vmem>>, vector<1x16xf32>,
        %get3A_530 = vector.shape_cast %get3A_529 : vector<1x16xf32> to vector<16xf32>
        %mul3A_531 = arith.mulf %get3A_530, %gather3A_492 : vector<16xf32>
        %swap3A_532 = arith.index_cast %add3A_496 : i32 to index
        %swap3A_533 = arith.constant 48 : index
        %swap3A_534 = tpu.vector_load %arg15[%swap3A_532, %swap3A_533] {strides = array<i32>} : memref<128x128xf32, #tpu.memory_space<vmem>>, vector<1x16xf32>,
        %swap3A_535 = vector.shape_cast %swap3A_534 : vector<1x16xf32> to vector<16xf32>
        %swap3A_536 = vector.shape_cast %mul3A_531 : vector<16xf32> to vector<1x16xf32>
        tpu.vector_store %arg15[%swap3A_532, %swap3A_533], %swap3A_536 {strides = array<i32>} : memref<128x128xf32, #tpu.memory_space<vmem>>, vector<1x16xf32>,
        %get3A_537 = arith.index_cast %add3A_496 : i32 to index
        %get3A_538 = arith.constant 64 : index
        %get3A_539 = tpu.vector_load %arg15[%get3A_537, %get3A_538] {strides = array<i32>} : memref<128x128xf32, #tpu.memory_space<vmem>>, vector<1x16xf32>,
        %get3A_540 = vector.shape_cast %get3A_539 : vector<1x16xf32> to vector<16xf32>
        %mul3A_541 = arith.mulf %get3A_540, %gather3A_492 : vector<16xf32>
        %swap3A_542 = arith.index_cast %add3A_496 : i32 to index
        %swap3A_543 = arith.constant 64 : index
        %swap3A_544 = tpu.vector_load %arg15[%swap3A_542, %swap3A_543] {strides = array<i32>} : memref<128x128xf32, #tpu.memory_space<vmem>>, vector<1x16xf32>,
        %swap3A_545 = vector.shape_cast %swap3A_544 : vector<1x16xf32> to vector<16xf32>
        %swap3A_546 = vector.shape_cast %mul3A_541 : vector<16xf32> to vector<1x16xf32>
        tpu.vector_store %arg15[%swap3A_542, %swap3A_543], %swap3A_546 {strides = array<i32>} : memref<128x128xf32, #tpu.memory_space<vmem>>, vector<1x16xf32>,
        %get3A_547 = arith.index_cast %add3A_496 : i32 to index
        %get3A_548 = arith.constant 80 : index
        %get3A_549 = tpu.vector_load %arg15[%get3A_547, %get3A_548] {strides = array<i32>} : memref<128x128xf32, #tpu.memory_space<vmem>>, vector<1x16xf32>,
        %get3A_550 = vector.shape_cast %get3A_549 : vector<1x16xf32> to vector<16xf32>
        %mul3A_551 = arith.mulf %get3A_550, %gather3A_492 : vector<16xf32>
        %swap3A_552 = arith.index_cast %add3A_496 : i32 to index
        %swap3A_553 = arith.constant 80 : index
        %swap3A_554 = tpu.vector_load %arg15[%swap3A_552, %swap3A_553] {strides = array<i32>} : memref<128x128xf32, #tpu.memory_space<vmem>>, vector<1x16xf32>,
        %swap3A_555 = vector.shape_cast %swap3A_554 : vector<1x16xf32> to vector<16xf32>
        %swap3A_556 = vector.shape_cast %mul3A_551 : vector<16xf32> to vector<1x16xf32>
        tpu.vector_store %arg15[%swap3A_552, %swap3A_553], %swap3A_556 {strides = array<i32>} : memref<128x128xf32, #tpu.memory_space<vmem>>, vector<1x16xf32>,
        %get3A_557 = arith.index_cast %add3A_496 : i32 to index
        %get3A_558 = arith.constant 96 : index
        %get3A_559 = tpu.vector_load %arg15[%get3A_557, %get3A_558] {strides = array<i32>} : memref<128x128xf32, #tpu.memory_space<vmem>>, vector<1x16xf32>,
        %get3A_560 = vector.shape_cast %get3A_559 : vector<1x16xf32> to vector<16xf32>
        %mul3A_561 = arith.mulf %get3A_560, %gather3A_492 : vector<16xf32>
        %swap3A_562 = arith.index_cast %add3A_496 : i32 to index
        %swap3A_563 = arith.constant 96 : index
        %swap3A_564 = tpu.vector_load %arg15[%swap3A_562, %swap3A_563] {strides = array<i32>} : memref<128x128xf32, #tpu.memory_space<vmem>>, vector<1x16xf32>,
        %swap3A_565 = vector.shape_cast %swap3A_564 : vector<1x16xf32> to vector<16xf32>
        %swap3A_566 = vector.shape_cast %mul3A_561 : vector<16xf32> to vector<1x16xf32>
        tpu.vector_store %arg15[%swap3A_562, %swap3A_563], %swap3A_566 {strides = array<i32>} : memref<128x128xf32, #tpu.memory_space<vmem>>, vector<1x16xf32>,
        %get3A_567 = arith.index_cast %add3A_496 : i32 to index
        %get3A_568 = arith.constant 112 : index
        %get3A_569 = tpu.vector_load %arg15[%get3A_567, %get3A_568] {strides = array<i32>} : memref<128x128xf32, #tpu.memory_space<vmem>>, vector<1x16xf32>,
        %get3A_570 = vector.shape_cast %get3A_569 : vector<1x16xf32> to vector<16xf32>
        %mul3A_571 = arith.mulf %get3A_570, %gather3A_492 : vector<16xf32>
        %swap3A_572 = arith.index_cast %add3A_496 : i32 to index
        %swap3A_573 = arith.constant 112 : index
        %swap3A_574 = tpu.vector_load %arg15[%swap3A_572, %swap3A_573] {strides = array<i32>} : memref<128x128xf32, #tpu.memory_space<vmem>>, vector<1x16xf32>,
        %swap3A_575 = vector.shape_cast %swap3A_574 : vector<1x16xf32> to vector<16xf32>
        %swap3A_576 = vector.shape_cast %mul3A_571 : vector<16xf32> to vector<1x16xf32>
        tpu.vector_store %arg15[%swap3A_572, %swap3A_573], %swap3A_576 {strides = array<i32>} : memref<128x128xf32, #tpu.memory_space<vmem>>, vector<1x16xf32>,
        %lt3A_577 = arith.constant 0 : i32
        %lt3A_578 = vector.broadcast %lt3A_577 : i32 to vector<16xi32>
        %lt3A_579 = arith.cmpi slt, %broadcast_in_dim3A_29, %lt3A_578 : vector<16xi32>
        %add3A_580 = arith.constant 16 : i32
        %add3A_581 = vector.broadcast %add3A_580 : i32 to vector<16xi32>
        %add3A_582 = arith.addi %broadcast_in_dim3A_29, %add3A_581 : vector<16xi32>
        %select_n3A_583 = arith.select %lt3A_579, %add3A_582, %broadcast_in_dim3A_29 : vector<16xi1>, vector<16xi32>
        %broadcast_in_dim3A_584 = vector.shape_cast %select_n3A_583 : vector<16xi32> to vector<16x1xi32>
        %gather3A_585 = vector.shape_cast %broadcast_in_dim3A_584 : vector<16x1xi32> to vector<16xi32>
        %gather3A_586 = tpu.dynamic_gather %get3A_297[%gather3A_585] in [0] : vector<16xf32>, vector<16xi32> -> vector<16xf32>
        %mul3A_587 = arith.constant 16 : i32
        %mul3A_588 = arith.muli %scan3A_291, %mul3A_587 : i32
        %add3A_589 = arith.constant 3 : i32
        %add3A_590 = arith.addi %mul3A_588, %add3A_589 : i32
        %get3A_591 = arith.index_cast %add3A_590 : i32 to index
        %get3A_592 = arith.constant 0 : index
        %get3A_593 = tpu.vector_load %arg15[%get3A_591, %get3A_592] {strides = array<i32>} : memref<128x128xf32, #tpu.memory_space<vmem>>, vector<1x16xf32>,
        %get3A_594 = vector.shape_cast %get3A_593 : vector<1x16xf32> to vector<16xf32>
        %mul3A_595 = arith.mulf %get3A_594, %gather3A_586 : vector<16xf32>
        %swap3A_596 = arith.index_cast %add3A_590 : i32 to index
        %swap3A_597 = arith.constant 0 : index
        %swap3A_598 = tpu.vector_load %arg15[%swap3A_596, %swap3A_597] {strides = array<i32>} : memref<128x128xf32, #tpu.memory_space<vmem>>, vector<1x16xf32>,
        %swap3A_599 = vector.shape_cast %swap3A_598 : vector<1x16xf32> to vector<16xf32>
        %swap3A_600 = vector.shape_cast %mul3A_595 : vector<16xf32> to vector<1x16xf32>
        tpu.vector_store %arg15[%swap3A_596, %swap3A_597], %swap3A_600 {strides = array<i32>} : memref<128x128xf32, #tpu.memory_space<vmem>>, vector<1x16xf32>,
        %get3A_601 = arith.index_cast %add3A_590 : i32 to index
        %get3A_602 = arith.constant 16 : index
        %get3A_603 = tpu.vector_load %arg15[%get3A_601, %get3A_602] {strides = array<i32>} : memref<128x128xf32, #tpu.memory_space<vmem>>, vector<1x16xf32>,
        %get3A_604 = vector.shape_cast %get3A_603 : vector<1x16xf32> to vector<16xf32>
        %mul3A_605 = arith.mulf %get3A_604, %gather3A_586 : vector<16xf32>
        %swap3A_606 = arith.index_cast %add3A_590 : i32 to index
        %swap3A_607 = arith.constant 16 : index
        %swap3A_608 = tpu.vector_load %arg15[%swap3A_606, %swap3A_607] {strides = array<i32>} : memref<128x128xf32, #tpu.memory_space<vmem>>, vector<1x16xf32>,
        %swap3A_609 = vector.shape_cast %swap3A_608 : vector<1x16xf32> to vector<16xf32>
        %swap3A_610 = vector.shape_cast %mul3A_605 : vector<16xf32> to vector<1x16xf32>
        tpu.vector_store %arg15[%swap3A_606, %swap3A_607], %swap3A_610 {strides = array<i32>} : memref<128x128xf32, #tpu.memory_space<vmem>>, vector<1x16xf32>,
        %get3A_611 = arith.index_cast %add3A_590 : i32 to index
        %get3A_612 = arith.constant 32 : index
        %get3A_613 = tpu.vector_load %arg15[%get3A_611, %get3A_612] {strides = array<i32>} : memref<128x128xf32, #tpu.memory_space<vmem>>, vector<1x16xf32>,
        %get3A_614 = vector.shape_cast %get3A_613 : vector<1x16xf32> to vector<16xf32>
        %mul3A_615 = arith.mulf %get3A_614, %gather3A_586 : vector<16xf32>
        %swap3A_616 = arith.index_cast %add3A_590 : i32 to index
        %swap3A_617 = arith.constant 32 : index
        %swap3A_618 = tpu.vector_load %arg15[%swap3A_616, %swap3A_617] {strides = array<i32>} : memref<128x128xf32, #tpu.memory_space<vmem>>, vector<1x16xf32>,
        %swap3A_619 = vector.shape_cast %swap3A_618 : vector<1x16xf32> to vector<16xf32>
        %swap3A_620 = vector.shape_cast %mul3A_615 : vector<16xf32> to vector<1x16xf32>
        tpu.vector_store %arg15[%swap3A_616, %swap3A_617], %swap3A_620 {strides = array<i32>} : memref<128x128xf32, #tpu.memory_space<vmem>>, vector<1x16xf32>,
        %get3A_621 = arith.index_cast %add3A_590 : i32 to index
        %get3A_622 = arith.constant 48 : index
        %get3A_623 = tpu.vector_load %arg15[%get3A_621, %get3A_622] {strides = array<i32>} : memref<128x128xf32, #tpu.memory_space<vmem>>, vector<1x16xf32>,
        %get3A_624 = vector.shape_cast %get3A_623 : vector<1x16xf32> to vector<16xf32>
        %mul3A_625 = arith.mulf %get3A_624, %gather3A_586 : vector<16xf32>
        %swap3A_626 = arith.index_cast %add3A_590 : i32 to index
        %swap3A_627 = arith.constant 48 : index
        %swap3A_628 = tpu.vector_load %arg15[%swap3A_626, %swap3A_627] {strides = array<i32>} : memref<128x128xf32, #tpu.memory_space<vmem>>, vector<1x16xf32>,
        %swap3A_629 = vector.shape_cast %swap3A_628 : vector<1x16xf32> to vector<16xf32>
        %swap3A_630 = vector.shape_cast %mul3A_625 : vector<16xf32> to vector<1x16xf32>
        tpu.vector_store %arg15[%swap3A_626, %swap3A_627], %swap3A_630 {strides = array<i32>} : memref<128x128xf32, #tpu.memory_space<vmem>>, vector<1x16xf32>,
        %get3A_631 = arith.index_cast %add3A_590 : i32 to index
        %get3A_632 = arith.constant 64 : index
        %get3A_633 = tpu.vector_load %arg15[%get3A_631, %get3A_632] {strides = array<i32>} : memref<128x128xf32, #tpu.memory_space<vmem>>, vector<1x16xf32>,
        %get3A_634 = vector.shape_cast %get3A_633 : vector<1x16xf32> to vector<16xf32>
        %mul3A_635 = arith.mulf %get3A_634, %gather3A_586 : vector<16xf32>
        %swap3A_636 = arith.index_cast %add3A_590 : i32 to index
        %swap3A_637 = arith.constant 64 : index
        %swap3A_638 = tpu.vector_load %arg15[%swap3A_636, %swap3A_637] {strides = array<i32>} : memref<128x128xf32, #tpu.memory_space<vmem>>, vector<1x16xf32>,
        %swap3A_639 = vector.shape_cast %swap3A_638 : vector<1x16xf32> to vector<16xf32>
        %swap3A_640 = vector.shape_cast %mul3A_635 : vector<16xf32> to vector<1x16xf32>
        tpu.vector_store %arg15[%swap3A_636, %swap3A_637], %swap3A_640 {strides = array<i32>} : memref<128x128xf32, #tpu.memory_space<vmem>>, vector<1x16xf32>,
        %get3A_641 = arith.index_cast %add3A_590 : i32 to index
        %get3A_642 = arith.constant 80 : index
        %get3A_643 = tpu.vector_load %arg15[%get3A_641, %get3A_642] {strides = array<i32>} : memref<128x128xf32, #tpu.memory_space<vmem>>, vector<1x16xf32>,
        %get3A_644 = vector.shape_cast %get3A_643 : vector<1x16xf32> to vector<16xf32>
        %mul3A_645 = arith.mulf %get3A_644, %gather3A_586 : vector<16xf32>
        %swap3A_646 = arith.index_cast %add3A_590 : i32 to index
        %swap3A_647 = arith.constant 80 : index
        %swap3A_648 = tpu.vector_load %arg15[%swap3A_646, %swap3A_647] {strides = array<i32>} : memref<128x128xf32, #tpu.memory_space<vmem>>, vector<1x16xf32>,
        %swap3A_649 = vector.shape_cast %swap3A_648 : vector<1x16xf32> to vector<16xf32>
        %swap3A_650 = vector.shape_cast %mul3A_645 : vector<16xf32> to vector<1x16xf32>
        tpu.vector_store %arg15[%swap3A_646, %swap3A_647], %swap3A_650 {strides = array<i32>} : memref<128x128xf32, #tpu.memory_space<vmem>>, vector<1x16xf32>,
        %get3A_651 = arith.index_cast %add3A_590 : i32 to index
        %get3A_652 = arith.constant 96 : index
        %get3A_653 = tpu.vector_load %arg15[%get3A_651, %get3A_652] {strides = array<i32>} : memref<128x128xf32, #tpu.memory_space<vmem>>, vector<1x16xf32>,
        %get3A_654 = vector.shape_cast %get3A_653 : vector<1x16xf32> to vector<16xf32>
        %mul3A_655 = arith.mulf %get3A_654, %gather3A_586 : vector<16xf32>
        %swap3A_656 = arith.index_cast %add3A_590 : i32 to index
        %swap3A_657 = arith.constant 96 : index
        %swap3A_658 = tpu.vector_load %arg15[%swap3A_656, %swap3A_657] {strides = array<i32>} : memref<128x128xf32, #tpu.memory_space<vmem>>, vector<1x16xf32>,
        %swap3A_659 = vector.shape_cast %swap3A_658 : vector<1x16xf32> to vector<16xf32>
        %swap3A_660 = vector.shape_cast %mul3A_655 : vector<16xf32> to vector<1x16xf32>
        tpu.vector_store %arg15[%swap3A_656, %swap3A_657], %swap3A_660 {strides = array<i32>} : memref<128x128xf32, #tpu.memory_space<vmem>>, vector<1x16xf32>,
        %get3A_661 = arith.index_cast %add3A_590 : i32 to index
        %get3A_662 = arith.constant 112 : index
        %get3A_663 = tpu.vector_load %arg15[%get3A_661, %get3A_662] {strides = array<i32>} : memref<128x128xf32, #tpu.memory_space<vmem>>, vector<1x16xf32>,
        %get3A_664 = vector.shape_cast %get3A_663 : vector<1x16xf32> to vector<16xf32>
        %mul3A_665 = arith.mulf %get3A_664, %gather3A_586 : vector<16xf32>
        %swap3A_666 = arith.index_cast %add3A_590 : i32 to index
        %swap3A_667 = arith.constant 112 : index
        %swap3A_668 = tpu.vector_load %arg15[%swap3A_666, %swap3A_667] {strides = array<i32>} : memref<128x128xf32, #tpu.memory_space<vmem>>, vector<1x16xf32>,
        %swap3A_669 = vector.shape_cast %swap3A_668 : vector<1x16xf32> to vector<16xf32>
        %swap3A_670 = vector.shape_cast %mul3A_665 : vector<16xf32> to vector<1x16xf32>
        tpu.vector_store %arg15[%swap3A_666, %swap3A_667], %swap3A_670 {strides = array<i32>} : memref<128x128xf32, #tpu.memory_space<vmem>>, vector<1x16xf32>,
        %lt3A_671 = arith.constant 0 : i32
        %lt3A_672 = vector.broadcast %lt3A_671 : i32 to vector<16xi32>
        %lt3A_673 = arith.cmpi slt, %broadcast_in_dim3A_31, %lt3A_672 : vector<16xi32>
        %add3A_674 = arith.constant 16 : i32
        %add3A_675 = vector.broadcast %add3A_674 : i32 to vector<16xi32>
        %add3A_676 = arith.addi %broadcast_in_dim3A_31, %add3A_675 : vector<16xi32>
        %select_n3A_677 = arith.select %lt3A_673, %add3A_676, %broadcast_in_dim3A_31 : vector<16xi1>, vector<16xi32>
        %broadcast_in_dim3A_678 = vector.shape_cast %select_n3A_677 : vector<16xi32> to vector<16x1xi32>
        %gather3A_679 = vector.shape_cast %broadcast_in_dim3A_678 : vector<16x1xi32> to vector<16xi32>
        %gather3A_680 = tpu.dynamic_gather %get3A_297[%gather3A_679] in [0] : vector<16xf32>, vector<16xi32> -> vector<16xf32>
        %mul3A_681 = arith.constant 16 : i32
        %mul3A_682 = arith.muli %scan3A_291, %mul3A_681 : i32
        %add3A_683 = arith.constant 4 : i32
        %add3A_684 = arith.addi %mul3A_682, %add3A_683 : i32
        %get3A_685 = arith.index_cast %add3A_684 : i32 to index
        %get3A_686 = arith.constant 0 : index
        %get3A_687 = tpu.vector_load %arg15[%get3A_685, %get3A_686] {strides = array<i32>} : memref<128x128xf32, #tpu.memory_space<vmem>>, vector<1x16xf32>,
        %get3A_688 = vector.shape_cast %get3A_687 : vector<1x16xf32> to vector<16xf32>
        %mul3A_689 = arith.mulf %get3A_688, %gather3A_680 : vector<16xf32>
        %swap3A_690 = arith.index_cast %add3A_684 : i32 to index
        %swap3A_691 = arith.constant 0 : index
        %swap3A_692 = tpu.vector_load %arg15[%swap3A_690, %swap3A_691] {strides = array<i32>} : memref<128x128xf32, #tpu.memory_space<vmem>>, vector<1x16xf32>,
        %swap3A_693 = vector.shape_cast %swap3A_692 : vector<1x16xf32> to vector<16xf32>
        %swap3A_694 = vector.shape_cast %mul3A_689 : vector<16xf32> to vector<1x16xf32>
        tpu.vector_store %arg15[%swap3A_690, %swap3A_691], %swap3A_694 {strides = array<i32>} : memref<128x128xf32, #tpu.memory_space<vmem>>, vector<1x16xf32>,
        %get3A_695 = arith.index_cast %add3A_684 : i32 to index
        %get3A_696 = arith.constant 16 : index
        %get3A_697 = tpu.vector_load %arg15[%get3A_695, %get3A_696] {strides = array<i32>} : memref<128x128xf32, #tpu.memory_space<vmem>>, vector<1x16xf32>,
        %get3A_698 = vector.shape_cast %get3A_697 : vector<1x16xf32> to vector<16xf32>
        %mul3A_699 = arith.mulf %get3A_698, %gather3A_680 : vector<16xf32>
        %swap3A_700 = arith.index_cast %add3A_684 : i32 to index
        %swap3A_701 = arith.constant 16 : index
        %swap3A_702 = tpu.vector_load %arg15[%swap3A_700, %swap3A_701] {strides = array<i32>} : memref<128x128xf32, #tpu.memory_space<vmem>>, vector<1x16xf32>,
        %swap3A_703 = vector.shape_cast %swap3A_702 : vector<1x16xf32> to vector<16xf32>
        %swap3A_704 = vector.shape_cast %mul3A_699 : vector<16xf32> to vector<1x16xf32>
        tpu.vector_store %arg15[%swap3A_700, %swap3A_701], %swap3A_704 {strides = array<i32>} : memref<128x128xf32, #tpu.memory_space<vmem>>, vector<1x16xf32>,
        %get3A_705 = arith.index_cast %add3A_684 : i32 to index
        %get3A_706 = arith.constant 32 : index
        %get3A_707 = tpu.vector_load %arg15[%get3A_705, %get3A_706] {strides = array<i32>} : memref<128x128xf32, #tpu.memory_space<vmem>>, vector<1x16xf32>,
        %get3A_708 = vector.shape_cast %get3A_707 : vector<1x16xf32> to vector<16xf32>
        %mul3A_709 = arith.mulf %get3A_708, %gather3A_680 : vector<16xf32>
        %swap3A_710 = arith.index_cast %add3A_684 : i32 to index
        %swap3A_711 = arith.constant 32 : index
        %swap3A_712 = tpu.vector_load %arg15[%swap3A_710, %swap3A_711] {strides = array<i32>} : memref<128x128xf32, #tpu.memory_space<vmem>>, vector<1x16xf32>,
        %swap3A_713 = vector.shape_cast %swap3A_712 : vector<1x16xf32> to vector<16xf32>
        %swap3A_714 = vector.shape_cast %mul3A_709 : vector<16xf32> to vector<1x16xf32>
        tpu.vector_store %arg15[%swap3A_710, %swap3A_711], %swap3A_714 {strides = array<i32>} : memref<128x128xf32, #tpu.memory_space<vmem>>, vector<1x16xf32>,
        %get3A_715 = arith.index_cast %add3A_684 : i32 to index
        %get3A_716 = arith.constant 48 : index
        %get3A_717 = tpu.vector_load %arg15[%get3A_715, %get3A_716] {strides = array<i32>} : memref<128x128xf32, #tpu.memory_space<vmem>>, vector<1x16xf32>,
        %get3A_718 = vector.shape_cast %get3A_717 : vector<1x16xf32> to vector<16xf32>
        %mul3A_719 = arith.mulf %get3A_718, %gather3A_680 : vector<16xf32>
        %swap3A_720 = arith.index_cast %add3A_684 : i32 to index
        %swap3A_721 = arith.constant 48 : index
        %swap3A_722 = tpu.vector_load %arg15[%swap3A_720, %swap3A_721] {strides = array<i32>} : memref<128x128xf32, #tpu.memory_space<vmem>>, vector<1x16xf32>,
        %swap3A_723 = vector.shape_cast %swap3A_722 : vector<1x16xf32> to vector<16xf32>
        %swap3A_724 = vector.shape_cast %mul3A_719 : vector<16xf32> to vector<1x16xf32>
        tpu.vector_store %arg15[%swap3A_720, %swap3A_721], %swap3A_724 {strides = array<i32>} : memref<128x128xf32, #tpu.memory_space<vmem>>, vector<1x16xf32>,
        %get3A_725 = arith.index_cast %add3A_684 : i32 to index
        %get3A_726 = arith.constant 64 : index
        %get3A_727 = tpu.vector_load %arg15[%get3A_725, %get3A_726] {strides = array<i32>} : memref<128x128xf32, #tpu.memory_space<vmem>>, vector<1x16xf32>,
        %get3A_728 = vector.shape_cast %get3A_727 : vector<1x16xf32> to vector<16xf32>
        %mul3A_729 = arith.mulf %get3A_728, %gather3A_680 : vector<16xf32>
        %swap3A_730 = arith.index_cast %add3A_684 : i32 to index
        %swap3A_731 = arith.constant 64 : index
        %swap3A_732 = tpu.vector_load %arg15[%swap3A_730, %swap3A_731] {strides = array<i32>} : memref<128x128xf32, #tpu.memory_space<vmem>>, vector<1x16xf32>,
        %swap3A_733 = vector.shape_cast %swap3A_732 : vector<1x16xf32> to vector<16xf32>
        %swap3A_734 = vector.shape_cast %mul3A_729 : vector<16xf32> to vector<1x16xf32>
        tpu.vector_store %arg15[%swap3A_730, %swap3A_731], %swap3A_734 {strides = array<i32>} : memref<128x128xf32, #tpu.memory_space<vmem>>, vector<1x16xf32>,
        %get3A_735 = arith.index_cast %add3A_684 : i32 to index
        %get3A_736 = arith.constant 80 : index
        %get3A_737 = tpu.vector_load %arg15[%get3A_735, %get3A_736] {strides = array<i32>} : memref<128x128xf32, #tpu.memory_space<vmem>>, vector<1x16xf32>,
        %get3A_738 = vector.shape_cast %get3A_737 : vector<1x16xf32> to vector<16xf32>
        %mul3A_739 = arith.mulf %get3A_738, %gather3A_680 : vector<16xf32>
        %swap3A_740 = arith.index_cast %add3A_684 : i32 to index
        %swap3A_741 = arith.constant 80 : index
        %swap3A_742 = tpu.vector_load %arg15[%swap3A_740, %swap3A_741] {strides = array<i32>} : memref<128x128xf32, #tpu.memory_space<vmem>>, vector<1x16xf32>,
        %swap3A_743 = vector.shape_cast %swap3A_742 : vector<1x16xf32> to vector<16xf32>
        %swap3A_744 = vector.shape_cast %mul3A_739 : vector<16xf32> to vector<1x16xf32>
        tpu.vector_store %arg15[%swap3A_740, %swap3A_741], %swap3A_744 {strides = array<i32>} : memref<128x128xf32, #tpu.memory_space<vmem>>, vector<1x16xf32>,
        %get3A_745 = arith.index_cast %add3A_684 : i32 to index
        %get3A_746 = arith.constant 96 : index
        %get3A_747 = tpu.vector_load %arg15[%get3A_745, %get3A_746] {strides = array<i32>} : memref<128x128xf32, #tpu.memory_space<vmem>>, vector<1x16xf32>,
        %get3A_748 = vector.shape_cast %get3A_747 : vector<1x16xf32> to vector<16xf32>
        %mul3A_749 = arith.mulf %get3A_748, %gather3A_680 : vector<16xf32>
        %swap3A_750 = arith.index_cast %add3A_684 : i32 to index
        %swap3A_751 = arith.constant 96 : index
        %swap3A_752 = tpu.vector_load %arg15[%swap3A_750, %swap3A_751] {strides = array<i32>} : memref<128x128xf32, #tpu.memory_space<vmem>>, vector<1x16xf32>,
        %swap3A_753 = vector.shape_cast %swap3A_752 : vector<1x16xf32> to vector<16xf32>
        %swap3A_754 = vector.shape_cast %mul3A_749 : vector<16xf32> to vector<1x16xf32>
        tpu.vector_store %arg15[%swap3A_750, %swap3A_751], %swap3A_754 {strides = array<i32>} : memref<128x128xf32, #tpu.memory_space<vmem>>, vector<1x16xf32>,
        %get3A_755 = arith.index_cast %add3A_684 : i32 to index
        %get3A_756 = arith.constant 112 : index
        %get3A_757 = tpu.vector_load %arg15[%get3A_755, %get3A_756] {strides = array<i32>} : memref<128x128xf32, #tpu.memory_space<vmem>>, vector<1x16xf32>,
        %get3A_758 = vector.shape_cast %get3A_757 : vector<1x16xf32> to vector<16xf32>
        %mul3A_759 = arith.mulf %get3A_758, %gather3A_680 : vector<16xf32>
        %swap3A_760 = arith.index_cast %add3A_684 : i32 to index
        %swap3A_761 = arith.constant 112 : index
        %swap3A_762 = tpu.vector_load %arg15[%swap3A_760, %swap3A_761] {strides = array<i32>} : memref<128x128xf32, #tpu.memory_space<vmem>>, vector<1x16xf32>,
        %swap3A_763 = vector.shape_cast %swap3A_762 : vector<1x16xf32> to vector<16xf32>
        %swap3A_764 = vector.shape_cast %mul3A_759 : vector<16xf32> to vector<1x16xf32>
        tpu.vector_store %arg15[%swap3A_760, %swap3A_761], %swap3A_764 {strides = array<i32>} : memref<128x128xf32, #tpu.memory_space<vmem>>, vector<1x16xf32>,
        %lt3A_765 = arith.constant 0 : i32
        %lt3A_766 = vector.broadcast %lt3A_765 : i32 to vector<16xi32>
        %lt3A_767 = arith.cmpi slt, %broadcast_in_dim3A_33, %lt3A_766 : vector<16xi32>
        %add3A_768 = arith.constant 16 : i32
        %add3A_769 = vector.broadcast %add3A_768 : i32 to vector<16xi32>
        %add3A_770 = arith.addi %broadcast_in_dim3A_33, %add3A_769 : vector<16xi32>
        %select_n3A_771 = arith.select %lt3A_767, %add3A_770, %broadcast_in_dim3A_33 : vector<16xi1>, vector<16xi32>
        %broadcast_in_dim3A_772 = vector.shape_cast %select_n3A_771 : vector<16xi32> to vector<16x1xi32>
        %gather3A_773 = vector.shape_cast %broadcast_in_dim3A_772 : vector<16x1xi32> to vector<16xi32>
        %gather3A_774 = tpu.dynamic_gather %get3A_297[%gather3A_773] in [0] : vector<16xf32>, vector<16xi32> -> vector<16xf32>
        %mul3A_775 = arith.constant 16 : i32
        %mul3A_776 = arith.muli %scan3A_291, %mul3A_775 : i32
        %add3A_777 = arith.constant 5 : i32
        %add3A_778 = arith.addi %mul3A_776, %add3A_777 : i32
        %get3A_779 = arith.index_cast %add3A_778 : i32 to index
        %get3A_780 = arith.constant 0 : index
        %get3A_781 = tpu.vector_load %arg15[%get3A_779, %get3A_780] {strides = array<i32>} : memref<128x128xf32, #tpu.memory_space<vmem>>, vector<1x16xf32>,
        %get3A_782 = vector.shape_cast %get3A_781 : vector<1x16xf32> to vector<16xf32>
        %mul3A_783 = arith.mulf %get3A_782, %gather3A_774 : vector<16xf32>
        %swap3A_784 = arith.index_cast %add3A_778 : i32 to index
        %swap3A_785 = arith.constant 0 : index
        %swap3A_786 = tpu.vector_load %arg15[%swap3A_784, %swap3A_785] {strides = array<i32>} : memref<128x128xf32, #tpu.memory_space<vmem>>, vector<1x16xf32>,
        %swap3A_787 = vector.shape_cast %swap3A_786 : vector<1x16xf32> to vector<16xf32>
        %swap3A_788 = vector.shape_cast %mul3A_783 : vector<16xf32> to vector<1x16xf32>
        tpu.vector_store %arg15[%swap3A_784, %swap3A_785], %swap3A_788 {strides = array<i32>} : memref<128x128xf32, #tpu.memory_space<vmem>>, vector<1x16xf32>,
        %get3A_789 = arith.index_cast %add3A_778 : i32 to index
        %get3A_790 = arith.constant 16 : index
        %get3A_791 = tpu.vector_load %arg15[%get3A_789, %get3A_790] {strides = array<i32>} : memref<128x128xf32, #tpu.memory_space<vmem>>, vector<1x16xf32>,
        %get3A_792 = vector.shape_cast %get3A_791 : vector<1x16xf32> to vector<16xf32>
        %mul3A_793 = arith.mulf %get3A_792, %gather3A_774 : vector<16xf32>
        %swap3A_794 = arith.index_cast %add3A_778 : i32 to index
        %swap3A_795 = arith.constant 16 : index
        %swap3A_796 = tpu.vector_load %arg15[%swap3A_794, %swap3A_795] {strides = array<i32>} : memref<128x128xf32, #tpu.memory_space<vmem>>, vector<1x16xf32>,
        %swap3A_797 = vector.shape_cast %swap3A_796 : vector<1x16xf32> to vector<16xf32>
        %swap3A_798 = vector.shape_cast %mul3A_793 : vector<16xf32> to vector<1x16xf32>
        tpu.vector_store %arg15[%swap3A_794, %swap3A_795], %swap3A_798 {strides = array<i32>} : memref<128x128xf32, #tpu.memory_space<vmem>>, vector<1x16xf32>,
        %get3A_799 = arith.index_cast %add3A_778 : i32 to index
        %get3A_800 = arith.constant 32 : index
        %get3A_801 = tpu.vector_load %arg15[%get3A_799, %get3A_800] {strides = array<i32>} : memref<128x128xf32, #tpu.memory_space<vmem>>, vector<1x16xf32>,
        %get3A_802 = vector.shape_cast %get3A_801 : vector<1x16xf32> to vector<16xf32>
        %mul3A_803 = arith.mulf %get3A_802, %gather3A_774 : vector<16xf32>
        %swap3A_804 = arith.index_cast %add3A_778 : i32 to index
        %swap3A_805 = arith.constant 32 : index
        %swap3A_806 = tpu.vector_load %arg15[%swap3A_804, %swap3A_805] {strides = array<i32>} : memref<128x128xf32, #tpu.memory_space<vmem>>, vector<1x16xf32>,
        %swap3A_807 = vector.shape_cast %swap3A_806 : vector<1x16xf32> to vector<16xf32>
        %swap3A_808 = vector.shape_cast %mul3A_803 : vector<16xf32> to vector<1x16xf32>
        tpu.vector_store %arg15[%swap3A_804, %swap3A_805], %swap3A_808 {strides = array<i32>} : memref<128x128xf32, #tpu.memory_space<vmem>>, vector<1x16xf32>,
        %get3A_809 = arith.index_cast %add3A_778 : i32 to index
        %get3A_810 = arith.constant 48 : index
        %get3A_811 = tpu.vector_load %arg15[%get3A_809, %get3A_810] {strides = array<i32>} : memref<128x128xf32, #tpu.memory_space<vmem>>, vector<1x16xf32>,
        %get3A_812 = vector.shape_cast %get3A_811 : vector<1x16xf32> to vector<16xf32>
        %mul3A_813 = arith.mulf %get3A_812, %gather3A_774 : vector<16xf32>
        %swap3A_814 = arith.index_cast %add3A_778 : i32 to index
        %swap3A_815 = arith.constant 48 : index
        %swap3A_816 = tpu.vector_load %arg15[%swap3A_814, %swap3A_815] {strides = array<i32>} : memref<128x128xf32, #tpu.memory_space<vmem>>, vector<1x16xf32>,
        %swap3A_817 = vector.shape_cast %swap3A_816 : vector<1x16xf32> to vector<16xf32>
        %swap3A_818 = vector.shape_cast %mul3A_813 : vector<16xf32> to vector<1x16xf32>
        tpu.vector_store %arg15[%swap3A_814, %swap3A_815], %swap3A_818 {strides = array<i32>} : memref<128x128xf32, #tpu.memory_space<vmem>>, vector<1x16xf32>,
        %get3A_819 = arith.index_cast %add3A_778 : i32 to index
        %get3A_820 = arith.constant 64 : index
        %get3A_821 = tpu.vector_load %arg15[%get3A_819, %get3A_820] {strides = array<i32>} : memref<128x128xf32, #tpu.memory_space<vmem>>, vector<1x16xf32>,
        %get3A_822 = vector.shape_cast %get3A_821 : vector<1x16xf32> to vector<16xf32>
        %mul3A_823 = arith.mulf %get3A_822, %gather3A_774 : vector<16xf32>
        %swap3A_824 = arith.index_cast %add3A_778 : i32 to index
        %swap3A_825 = arith.constant 64 : index
        %swap3A_826 = tpu.vector_load %arg15[%swap3A_824, %swap3A_825] {strides = array<i32>} : memref<128x128xf32, #tpu.memory_space<vmem>>, vector<1x16xf32>,
        %swap3A_827 = vector.shape_cast %swap3A_826 : vector<1x16xf32> to vector<16xf32>
        %swap3A_828 = vector.shape_cast %mul3A_823 : vector<16xf32> to vector<1x16xf32>
        tpu.vector_store %arg15[%swap3A_824, %swap3A_825], %swap3A_828 {strides = array<i32>} : memref<128x128xf32, #tpu.memory_space<vmem>>, vector<1x16xf32>,
        %get3A_829 = arith.index_cast %add3A_778 : i32 to index
        %get3A_830 = arith.constant 80 : index
        %get3A_831 = tpu.vector_load %arg15[%get3A_829, %get3A_830] {strides = array<i32>} : memref<128x128xf32, #tpu.memory_space<vmem>>, vector<1x16xf32>,
        %get3A_832 = vector.shape_cast %get3A_831 : vector<1x16xf32> to vector<16xf32>
        %mul3A_833 = arith.mulf %get3A_832, %gather3A_774 : vector<16xf32>
        %swap3A_834 = arith.index_cast %add3A_778 : i32 to index
        %swap3A_835 = arith.constant 80 : index
        %swap3A_836 = tpu.vector_load %arg15[%swap3A_834, %swap3A_835] {strides = array<i32>} : memref<128x128xf32, #tpu.memory_space<vmem>>, vector<1x16xf32>,
        %swap3A_837 = vector.shape_cast %swap3A_836 : vector<1x16xf32> to vector<16xf32>
        %swap3A_838 = vector.shape_cast %mul3A_833 : vector<16xf32> to vector<1x16xf32>
        tpu.vector_store %arg15[%swap3A_834, %swap3A_835], %swap3A_838 {strides = array<i32>} : memref<128x128xf32, #tpu.memory_space<vmem>>, vector<1x16xf32>,
        %get3A_839 = arith.index_cast %add3A_778 : i32 to index
        %get3A_840 = arith.constant 96 : index
        %get3A_841 = tpu.vector_load %arg15[%get3A_839, %get3A_840] {strides = array<i32>} : memref<128x128xf32, #tpu.memory_space<vmem>>, vector<1x16xf32>,
        %get3A_842 = vector.shape_cast %get3A_841 : vector<1x16xf32> to vector<16xf32>
        %mul3A_843 = arith.mulf %get3A_842, %gather3A_774 : vector<16xf32>
        %swap3A_844 = arith.index_cast %add3A_778 : i32 to index
        %swap3A_845 = arith.constant 96 : index
        %swap3A_846 = tpu.vector_load %arg15[%swap3A_844, %swap3A_845] {strides = array<i32>} : memref<128x128xf32, #tpu.memory_space<vmem>>, vector<1x16xf32>,
        %swap3A_847 = vector.shape_cast %swap3A_846 : vector<1x16xf32> to vector<16xf32>
        %swap3A_848 = vector.shape_cast %mul3A_843 : vector<16xf32> to vector<1x16xf32>
        tpu.vector_store %arg15[%swap3A_844, %swap3A_845], %swap3A_848 {strides = array<i32>} : memref<128x128xf32, #tpu.memory_space<vmem>>, vector<1x16xf32>,
        %get3A_849 = arith.index_cast %add3A_778 : i32 to index
        %get3A_850 = arith.constant 112 : index
        %get3A_851 = tpu.vector_load %arg15[%get3A_849, %get3A_850] {strides = array<i32>} : memref<128x128xf32, #tpu.memory_space<vmem>>, vector<1x16xf32>,
        %get3A_852 = vector.shape_cast %get3A_851 : vector<1x16xf32> to vector<16xf32>
        %mul3A_853 = arith.mulf %get3A_852, %gather3A_774 : vector<16xf32>
        %swap3A_854 = arith.index_cast %add3A_778 : i32 to index
        %swap3A_855 = arith.constant 112 : index
        %swap3A_856 = tpu.vector_load %arg15[%swap3A_854, %swap3A_855] {strides = array<i32>} : memref<128x128xf32, #tpu.memory_space<vmem>>, vector<1x16xf32>,
        %swap3A_857 = vector.shape_cast %swap3A_856 : vector<1x16xf32> to vector<16xf32>
        %swap3A_858 = vector.shape_cast %mul3A_853 : vector<16xf32> to vector<1x16xf32>
        tpu.vector_store %arg15[%swap3A_854, %swap3A_855], %swap3A_858 {strides = array<i32>} : memref<128x128xf32, #tpu.memory_space<vmem>>, vector<1x16xf32>,
        %lt3A_859 = arith.constant 0 : i32
        %lt3A_860 = vector.broadcast %lt3A_859 : i32 to vector<16xi32>
        %lt3A_861 = arith.cmpi slt, %broadcast_in_dim3A_35, %lt3A_860 : vector<16xi32>
        %add3A_862 = arith.constant 16 : i32
        %add3A_863 = vector.broadcast %add3A_862 : i32 to vector<16xi32>
        %add3A_864 = arith.addi %broadcast_in_dim3A_35, %add3A_863 : vector<16xi32>
        %select_n3A_865 = arith.select %lt3A_861, %add3A_864, %broadcast_in_dim3A_35 : vector<16xi1>, vector<16xi32>
        %broadcast_in_dim3A_866 = vector.shape_cast %select_n3A_865 : vector<16xi32> to vector<16x1xi32>
        %gather3A_867 = vector.shape_cast %broadcast_in_dim3A_866 : vector<16x1xi32> to vector<16xi32>
        %gather3A_868 = tpu.dynamic_gather %get3A_297[%gather3A_867] in [0] : vector<16xf32>, vector<16xi32> -> vector<16xf32>
        %mul3A_869 = arith.constant 16 : i32
        %mul3A_870 = arith.muli %scan3A_291, %mul3A_869 : i32
        %add3A_871 = arith.constant 6 : i32
        %add3A_872 = arith.addi %mul3A_870, %add3A_871 : i32
        %get3A_873 = arith.index_cast %add3A_872 : i32 to index
        %get3A_874 = arith.constant 0 : index
        %get3A_875 = tpu.vector_load %arg15[%get3A_873, %get3A_874] {strides = array<i32>} : memref<128x128xf32, #tpu.memory_space<vmem>>, vector<1x16xf32>,
        %get3A_876 = vector.shape_cast %get3A_875 : vector<1x16xf32> to vector<16xf32>
        %mul3A_877 = arith.mulf %get3A_876, %gather3A_868 : vector<16xf32>
        %swap3A_878 = arith.index_cast %add3A_872 : i32 to index
        %swap3A_879 = arith.constant 0 : index
        %swap3A_880 = tpu.vector_load %arg15[%swap3A_878, %swap3A_879] {strides = array<i32>} : memref<128x128xf32, #tpu.memory_space<vmem>>, vector<1x16xf32>,
        %swap3A_881 = vector.shape_cast %swap3A_880 : vector<1x16xf32> to vector<16xf32>
        %swap3A_882 = vector.shape_cast %mul3A_877 : vector<16xf32> to vector<1x16xf32>
        tpu.vector_store %arg15[%swap3A_878, %swap3A_879], %swap3A_882 {strides = array<i32>} : memref<128x128xf32, #tpu.memory_space<vmem>>, vector<1x16xf32>,
        %get3A_883 = arith.index_cast %add3A_872 : i32 to index
        %get3A_884 = arith.constant 16 : index
        %get3A_885 = tpu.vector_load %arg15[%get3A_883, %get3A_884] {strides = array<i32>} : memref<128x128xf32, #tpu.memory_space<vmem>>, vector<1x16xf32>,
        %get3A_886 = vector.shape_cast %get3A_885 : vector<1x16xf32> to vector<16xf32>
        %mul3A_887 = arith.mulf %get3A_886, %gather3A_868 : vector<16xf32>
        %swap3A_888 = arith.index_cast %add3A_872 : i32 to index
        %swap3A_889 = arith.constant 16 : index
        %swap3A_890 = tpu.vector_load %arg15[%swap3A_888, %swap3A_889] {strides = array<i32>} : memref<128x128xf32, #tpu.memory_space<vmem>>, vector<1x16xf32>,
        %swap3A_891 = vector.shape_cast %swap3A_890 : vector<1x16xf32> to vector<16xf32>
        %swap3A_892 = vector.shape_cast %mul3A_887 : vector<16xf32> to vector<1x16xf32>
        tpu.vector_store %arg15[%swap3A_888, %swap3A_889], %swap3A_892 {strides = array<i32>} : memref<128x128xf32, #tpu.memory_space<vmem>>, vector<1x16xf32>,
        %get3A_893 = arith.index_cast %add3A_872 : i32 to index
        %get3A_894 = arith.constant 32 : index
        %get3A_895 = tpu.vector_load %arg15[%get3A_893, %get3A_894] {strides = array<i32>} : memref<128x128xf32, #tpu.memory_space<vmem>>, vector<1x16xf32>,
        %get3A_896 = vector.shape_cast %get3A_895 : vector<1x16xf32> to vector<16xf32>
        %mul3A_897 = arith.mulf %get3A_896, %gather3A_868 : vector<16xf32>
        %swap3A_898 = arith.index_cast %add3A_872 : i32 to index
        %swap3A_899 = arith.constant 32 : index
        %swap3A_900 = tpu.vector_load %arg15[%swap3A_898, %swap3A_899] {strides = array<i32>} : memref<128x128xf32, #tpu.memory_space<vmem>>, vector<1x16xf32>,
        %swap3A_901 = vector.shape_cast %swap3A_900 : vector<1x16xf32> to vector<16xf32>
        %swap3A_902 = vector.shape_cast %mul3A_897 : vector<16xf32> to vector<1x16xf32>
        tpu.vector_store %arg15[%swap3A_898, %swap3A_899], %swap3A_902 {strides = array<i32>} : memref<128x128xf32, #tpu.memory_space<vmem>>, vector<1x16xf32>,
        %get3A_903 = arith.index_cast %add3A_872 : i32 to index
        %get3A_904 = arith.constant 48 : index
        %get3A_905 = tpu.vector_load %arg15[%get3A_903, %get3A_904] {strides = array<i32>} : memref<128x128xf32, #tpu.memory_space<vmem>>, vector<1x16xf32>,
        %get3A_906 = vector.shape_cast %get3A_905 : vector<1x16xf32> to vector<16xf32>
        %mul3A_907 = arith.mulf %get3A_906, %gather3A_868 : vector<16xf32>
        %swap3A_908 = arith.index_cast %add3A_872 : i32 to index
        %swap3A_909 = arith.constant 48 : index
        %swap3A_910 = tpu.vector_load %arg15[%swap3A_908, %swap3A_909] {strides = array<i32>} : memref<128x128xf32, #tpu.memory_space<vmem>>, vector<1x16xf32>,
        %swap3A_911 = vector.shape_cast %swap3A_910 : vector<1x16xf32> to vector<16xf32>
        %swap3A_912 = vector.shape_cast %mul3A_907 : vector<16xf32> to vector<1x16xf32>
        tpu.vector_store %arg15[%swap3A_908, %swap3A_909], %swap3A_912 {strides = array<i32>} : memref<128x128xf32, #tpu.memory_space<vmem>>, vector<1x16xf32>,
        %get3A_913 = arith.index_cast %add3A_872 : i32 to index
        %get3A_914 = arith.constant 64 : index
        %get3A_915 = tpu.vector_load %arg15[%get3A_913, %get3A_914] {strides = array<i32>} : memref<128x128xf32, #tpu.memory_space<vmem>>, vector<1x16xf32>,
        %get3A_916 = vector.shape_cast %get3A_915 : vector<1x16xf32> to vector<16xf32>
        %mul3A_917 = arith.mulf %get3A_916, %gather3A_868 : vector<16xf32>
        %swap3A_918 = arith.index_cast %add3A_872 : i32 to index
        %swap3A_919 = arith.constant 64 : index
        %swap3A_920 = tpu.vector_load %arg15[%swap3A_918, %swap3A_919] {strides = array<i32>} : memref<128x128xf32, #tpu.memory_space<vmem>>, vector<1x16xf32>,
        %swap3A_921 = vector.shape_cast %swap3A_920 : vector<1x16xf32> to vector<16xf32>
        %swap3A_922 = vector.shape_cast %mul3A_917 : vector<16xf32> to vector<1x16xf32>
        tpu.vector_store %arg15[%swap3A_918, %swap3A_919], %swap3A_922 {strides = array<i32>} : memref<128x128xf32, #tpu.memory_space<vmem>>, vector<1x16xf32>,
        %get3A_923 = arith.index_cast %add3A_872 : i32 to index
        %get3A_924 = arith.constant 80 : index
        %get3A_925 = tpu.vector_load %arg15[%get3A_923, %get3A_924] {strides = array<i32>} : memref<128x128xf32, #tpu.memory_space<vmem>>, vector<1x16xf32>,
        %get3A_926 = vector.shape_cast %get3A_925 : vector<1x16xf32> to vector<16xf32>
        %mul3A_927 = arith.mulf %get3A_926, %gather3A_868 : vector<16xf32>
        %swap3A_928 = arith.index_cast %add3A_872 : i32 to index
        %swap3A_929 = arith.constant 80 : index
        %swap3A_930 = tpu.vector_load %arg15[%swap3A_928, %swap3A_929] {strides = array<i32>} : memref<128x128xf32, #tpu.memory_space<vmem>>, vector<1x16xf32>,
        %swap3A_931 = vector.shape_cast %swap3A_930 : vector<1x16xf32> to vector<16xf32>
        %swap3A_932 = vector.shape_cast %mul3A_927 : vector<16xf32> to vector<1x16xf32>
        tpu.vector_store %arg15[%swap3A_928, %swap3A_929], %swap3A_932 {strides = array<i32>} : memref<128x128xf32, #tpu.memory_space<vmem>>, vector<1x16xf32>,
        %get3A_933 = arith.index_cast %add3A_872 : i32 to index
        %get3A_934 = arith.constant 96 : index
        %get3A_935 = tpu.vector_load %arg15[%get3A_933, %get3A_934] {strides = array<i32>} : memref<128x128xf32, #tpu.memory_space<vmem>>, vector<1x16xf32>,
        %get3A_936 = vector.shape_cast %get3A_935 : vector<1x16xf32> to vector<16xf32>
        %mul3A_937 = arith.mulf %get3A_936, %gather3A_868 : vector<16xf32>
        %swap3A_938 = arith.index_cast %add3A_872 : i32 to index
        %swap3A_939 = arith.constant 96 : index
        %swap3A_940 = tpu.vector_load %arg15[%swap3A_938, %swap3A_939] {strides = array<i32>} : memref<128x128xf32, #tpu.memory_space<vmem>>, vector<1x16xf32>,
        %swap3A_941 = vector.shape_cast %swap3A_940 : vector<1x16xf32> to vector<16xf32>
        %swap3A_942 = vector.shape_cast %mul3A_937 : vector<16xf32> to vector<1x16xf32>
        tpu.vector_store %arg15[%swap3A_938, %swap3A_939], %swap3A_942 {strides = array<i32>} : memref<128x128xf32, #tpu.memory_space<vmem>>, vector<1x16xf32>,
        %get3A_943 = arith.index_cast %add3A_872 : i32 to index
        %get3A_944 = arith.constant 112 : index
        %get3A_945 = tpu.vector_load %arg15[%get3A_943, %get3A_944] {strides = array<i32>} : memref<128x128xf32, #tpu.memory_space<vmem>>, vector<1x16xf32>,
        %get3A_946 = vector.shape_cast %get3A_945 : vector<1x16xf32> to vector<16xf32>
        %mul3A_947 = arith.mulf %get3A_946, %gather3A_868 : vector<16xf32>
        %swap3A_948 = arith.index_cast %add3A_872 : i32 to index
        %swap3A_949 = arith.constant 112 : index
        %swap3A_950 = tpu.vector_load %arg15[%swap3A_948, %swap3A_949] {strides = array<i32>} : memref<128x128xf32, #tpu.memory_space<vmem>>, vector<1x16xf32>,
        %swap3A_951 = vector.shape_cast %swap3A_950 : vector<1x16xf32> to vector<16xf32>
        %swap3A_952 = vector.shape_cast %mul3A_947 : vector<16xf32> to vector<1x16xf32>
        tpu.vector_store %arg15[%swap3A_948, %swap3A_949], %swap3A_952 {strides = array<i32>} : memref<128x128xf32, #tpu.memory_space<vmem>>, vector<1x16xf32>,
        %lt3A_953 = arith.constant 0 : i32
        %lt3A_954 = vector.broadcast %lt3A_953 : i32 to vector<16xi32>
        %lt3A_955 = arith.cmpi slt, %broadcast_in_dim3A_37, %lt3A_954 : vector<16xi32>
        %add3A_956 = arith.constant 16 : i32
        %add3A_957 = vector.broadcast %add3A_956 : i32 to vector<16xi32>
        %add3A_958 = arith.addi %broadcast_in_dim3A_37, %add3A_957 : vector<16xi32>
        %select_n3A_959 = arith.select %lt3A_955, %add3A_958, %broadcast_in_dim3A_37 : vector<16xi1>, vector<16xi32>
        %broadcast_in_dim3A_960 = vector.shape_cast %select_n3A_959 : vector<16xi32> to vector<16x1xi32>
        %gather3A_961 = vector.shape_cast %broadcast_in_dim3A_960 : vector<16x1xi32> to vector<16xi32>
        %gather3A_962 = tpu.dynamic_gather %get3A_297[%gather3A_961] in [0] : vector<16xf32>, vector<16xi32> -> vector<16xf32>
        %mul3A_963 = arith.constant 16 : i32
        %mul3A_964 = arith.muli %scan3A_291, %mul3A_963 : i32
        %add3A_965 = arith.constant 7 : i32
        %add3A_966 = arith.addi %mul3A_964, %add3A_965 : i32
        %get3A_967 = arith.index_cast %add3A_966 : i32 to index
        %get3A_968 = arith.constant 0 : index
        %get3A_969 = tpu.vector_load %arg15[%get3A_967, %get3A_968] {strides = array<i32>} : memref<128x128xf32, #tpu.memory_space<vmem>>, vector<1x16xf32>,
        %get3A_970 = vector.shape_cast %get3A_969 : vector<1x16xf32> to vector<16xf32>
        %mul3A_971 = arith.mulf %get3A_970, %gather3A_962 : vector<16xf32>
        %swap3A_972 = arith.index_cast %add3A_966 : i32 to index
        %swap3A_973 = arith.constant 0 : index
        %swap3A_974 = tpu.vector_load %arg15[%swap3A_972, %swap3A_973] {strides = array<i32>} : memref<128x128xf32, #tpu.memory_space<vmem>>, vector<1x16xf32>,
        %swap3A_975 = vector.shape_cast %swap3A_974 : vector<1x16xf32> to vector<16xf32>
        %swap3A_976 = vector.shape_cast %mul3A_971 : vector<16xf32> to vector<1x16xf32>
        tpu.vector_store %arg15[%swap3A_972, %swap3A_973], %swap3A_976 {strides = array<i32>} : memref<128x128xf32, #tpu.memory_space<vmem>>, vector<1x16xf32>,
        %get3A_977 = arith.index_cast %add3A_966 : i32 to index
        %get3A_978 = arith.constant 16 : index
        %get3A_979 = tpu.vector_load %arg15[%get3A_977, %get3A_978] {strides = array<i32>} : memref<128x128xf32, #tpu.memory_space<vmem>>, vector<1x16xf32>,
        %get3A_980 = vector.shape_cast %get3A_979 : vector<1x16xf32> to vector<16xf32>
        %mul3A_981 = arith.mulf %get3A_980, %gather3A_962 : vector<16xf32>
        %swap3A_982 = arith.index_cast %add3A_966 : i32 to index
        %swap3A_983 = arith.constant 16 : index
        %swap3A_984 = tpu.vector_load %arg15[%swap3A_982, %swap3A_983] {strides = array<i32>} : memref<128x128xf32, #tpu.memory_space<vmem>>, vector<1x16xf32>,
        %swap3A_985 = vector.shape_cast %swap3A_984 : vector<1x16xf32> to vector<16xf32>
        %swap3A_986 = vector.shape_cast %mul3A_981 : vector<16xf32> to vector<1x16xf32>
        tpu.vector_store %arg15[%swap3A_982, %swap3A_983], %swap3A_986 {strides = array<i32>} : memref<128x128xf32, #tpu.memory_space<vmem>>, vector<1x16xf32>,
        %get3A_987 = arith.index_cast %add3A_966 : i32 to index
        %get3A_988 = arith.constant 32 : index
        %get3A_989 = tpu.vector_load %arg15[%get3A_987, %get3A_988] {strides = array<i32>} : memref<128x128xf32, #tpu.memory_space<vmem>>, vector<1x16xf32>,
        %get3A_990 = vector.shape_cast %get3A_989 : vector<1x16xf32> to vector<16xf32>
        %mul3A_991 = arith.mulf %get3A_990, %gather3A_962 : vector<16xf32>
        %swap3A_992 = arith.index_cast %add3A_966 : i32 to index
        %swap3A_993 = arith.constant 32 : index
        %swap3A_994 = tpu.vector_load %arg15[%swap3A_992, %swap3A_993] {strides = array<i32>} : memref<128x128xf32, #tpu.memory_space<vmem>>, vector<1x16xf32>,
        %swap3A_995 = vector.shape_cast %swap3A_994 : vector<1x16xf32> to vector<16xf32>
        %swap3A_996 = vector.shape_cast %mul3A_991 : vector<16xf32> to vector<1x16xf32>
        tpu.vector_store %arg15[%swap3A_992, %swap3A_993], %swap3A_996 {strides = array<i32>} : memref<128x128xf32, #tpu.memory_space<vmem>>, vector<1x16xf32>,
        %get3A_997 = arith.index_cast %add3A_966 : i32 to index
        %get3A_998 = arith.constant 48 : index
        %get3A_999 = tpu.vector_load %arg15[%get3A_997, %get3A_998] {strides = array<i32>} : memref<128x128xf32, #tpu.memory_space<vmem>>, vector<1x16xf32>,
        %get3A_1000 = vector.shape_cast %get3A_999 : vector<1x16xf32> to vector<16xf32>
        %mul3A_1001 = arith.mulf %get3A_1000, %gather3A_962 : vector<16xf32>
        %swap3A_1002 = arith.index_cast %add3A_966 : i32 to index
        %swap3A_1003 = arith.constant 48 : index
        %swap3A_1004 = tpu.vector_load %arg15[%swap3A_1002, %swap3A_1003] {strides = array<i32>} : memref<128x128xf32, #tpu.memory_space<vmem>>, vector<1x16xf32>,
        %swap3A_1005 = vector.shape_cast %swap3A_1004 : vector<1x16xf32> to vector<16xf32>
        %swap3A_1006 = vector.shape_cast %mul3A_1001 : vector<16xf32> to vector<1x16xf32>
        tpu.vector_store %arg15[%swap3A_1002, %swap3A_1003], %swap3A_1006 {strides = array<i32>} : memref<128x128xf32, #tpu.memory_space<vmem>>, vector<1x16xf32>,
        %get3A_1007 = arith.index_cast %add3A_966 : i32 to index
        %get3A_1008 = arith.constant 64 : index
        %get3A_1009 = tpu.vector_load %arg15[%get3A_1007, %get3A_1008] {strides = array<i32>} : memref<128x128xf32, #tpu.memory_space<vmem>>, vector<1x16xf32>,
        %get3A_1010 = vector.shape_cast %get3A_1009 : vector<1x16xf32> to vector<16xf32>
        %mul3A_1011 = arith.mulf %get3A_1010, %gather3A_962 : vector<16xf32>
        %swap3A_1012 = arith.index_cast %add3A_966 : i32 to index
        %swap3A_1013 = arith.constant 64 : index
        %swap3A_1014 = tpu.vector_load %arg15[%swap3A_1012, %swap3A_1013] {strides = array<i32>} : memref<128x128xf32, #tpu.memory_space<vmem>>, vector<1x16xf32>,
        %swap3A_1015 = vector.shape_cast %swap3A_1014 : vector<1x16xf32> to vector<16xf32>
        %swap3A_1016 = vector.shape_cast %mul3A_1011 : vector<16xf32> to vector<1x16xf32>
        tpu.vector_store %arg15[%swap3A_1012, %swap3A_1013], %swap3A_1016 {strides = array<i32>} : memref<128x128xf32, #tpu.memory_space<vmem>>, vector<1x16xf32>,
        %get3A_1017 = arith.index_cast %add3A_966 : i32 to index
        %get3A_1018 = arith.constant 80 : index
        %get3A_1019 = tpu.vector_load %arg15[%get3A_1017, %get3A_1018] {strides = array<i32>} : memref<128x128xf32, #tpu.memory_space<vmem>>, vector<1x16xf32>,
        %get3A_1020 = vector.shape_cast %get3A_1019 : vector<1x16xf32> to vector<16xf32>
        %mul3A_1021 = arith.mulf %get3A_1020, %gather3A_962 : vector<16xf32>
        %swap3A_1022 = arith.index_cast %add3A_966 : i32 to index
        %swap3A_1023 = arith.constant 80 : index
        %swap3A_1024 = tpu.vector_load %arg15[%swap3A_1022, %swap3A_1023] {strides = array<i32>} : memref<128x128xf32, #tpu.memory_space<vmem>>, vector<1x16xf32>,
        %swap3A_1025 = vector.shape_cast %swap3A_1024 : vector<1x16xf32> to vector<16xf32>
        %swap3A_1026 = vector.shape_cast %mul3A_1021 : vector<16xf32> to vector<1x16xf32>
        tpu.vector_store %arg15[%swap3A_1022, %swap3A_1023], %swap3A_1026 {strides = array<i32>} : memref<128x128xf32, #tpu.memory_space<vmem>>, vector<1x16xf32>,
        %get3A_1027 = arith.index_cast %add3A_966 : i32 to index
        %get3A_1028 = arith.constant 96 : index
        %get3A_1029 = tpu.vector_load %arg15[%get3A_1027, %get3A_1028] {strides = array<i32>} : memref<128x128xf32, #tpu.memory_space<vmem>>, vector<1x16xf32>,
        %get3A_1030 = vector.shape_cast %get3A_1029 : vector<1x16xf32> to vector<16xf32>
        %mul3A_1031 = arith.mulf %get3A_1030, %gather3A_962 : vector<16xf32>
        %swap3A_1032 = arith.index_cast %add3A_966 : i32 to index
        %swap3A_1033 = arith.constant 96 : index
        %swap3A_1034 = tpu.vector_load %arg15[%swap3A_1032, %swap3A_1033] {strides = array<i32>} : memref<128x128xf32, #tpu.memory_space<vmem>>, vector<1x16xf32>,
        %swap3A_1035 = vector.shape_cast %swap3A_1034 : vector<1x16xf32> to vector<16xf32>
        %swap3A_1036 = vector.shape_cast %mul3A_1031 : vector<16xf32> to vector<1x16xf32>
        tpu.vector_store %arg15[%swap3A_1032, %swap3A_1033], %swap3A_1036 {strides = array<i32>} : memref<128x128xf32, #tpu.memory_space<vmem>>, vector<1x16xf32>,
        %get3A_1037 = arith.index_cast %add3A_966 : i32 to index
        %get3A_1038 = arith.constant 112 : index
        %get3A_1039 = tpu.vector_load %arg15[%get3A_1037, %get3A_1038] {strides = array<i32>} : memref<128x128xf32, #tpu.memory_space<vmem>>, vector<1x16xf32>,
        %get3A_1040 = vector.shape_cast %get3A_1039 : vector<1x16xf32> to vector<16xf32>
        %mul3A_1041 = arith.mulf %get3A_1040, %gather3A_962 : vector<16xf32>
        %swap3A_1042 = arith.index_cast %add3A_966 : i32 to index
        %swap3A_1043 = arith.constant 112 : index
        %swap3A_1044 = tpu.vector_load %arg15[%swap3A_1042, %swap3A_1043] {strides = array<i32>} : memref<128x128xf32, #tpu.memory_space<vmem>>, vector<1x16xf32>,
        %swap3A_1045 = vector.shape_cast %swap3A_1044 : vector<1x16xf32> to vector<16xf32>
        %swap3A_1046 = vector.shape_cast %mul3A_1041 : vector<16xf32> to vector<1x16xf32>
        tpu.vector_store %arg15[%swap3A_1042, %swap3A_1043], %swap3A_1046 {strides = array<i32>} : memref<128x128xf32, #tpu.memory_space<vmem>>, vector<1x16xf32>,
        %lt3A_1047 = arith.constant 0 : i32
        %lt3A_1048 = vector.broadcast %lt3A_1047 : i32 to vector<16xi32>
        %lt3A_1049 = arith.cmpi slt, %broadcast_in_dim3A_39, %lt3A_1048 : vector<16xi32>
        %add3A_1050 = arith.constant 16 : i32
        %add3A_1051 = vector.broadcast %add3A_1050 : i32 to vector<16xi32>
        %add3A_1052 = arith.addi %broadcast_in_dim3A_39, %add3A_1051 : vector<16xi32>
        %select_n3A_1053 = arith.select %lt3A_1049, %add3A_1052, %broadcast_in_dim3A_39 : vector<16xi1>, vector<16xi32>
        %broadcast_in_dim3A_1054 = vector.shape_cast %select_n3A_1053 : vector<16xi32> to vector<16x1xi32>
        %gather3A_1055 = vector.shape_cast %broadcast_in_dim3A_1054 : vector<16x1xi32> to vector<16xi32>
        %gather3A_1056 = tpu.dynamic_gather %get3A_297[%gather3A_1055] in [0] : vector<16xf32>, vector<16xi32> -> vector<16xf32>
        %mul3A_1057 = arith.constant 16 : i32
        %mul3A_1058 = arith.muli %scan3A_291, %mul3A_1057 : i32
        %add3A_1059 = arith.constant 8 : i32
        %add3A_1060 = arith.addi %mul3A_1058, %add3A_1059 : i32
        %get3A_1061 = arith.index_cast %add3A_1060 : i32 to index
        %get3A_1062 = arith.constant 0 : index
        %get3A_1063 = tpu.vector_load %arg15[%get3A_1061, %get3A_1062] {strides = array<i32>} : memref<128x128xf32, #tpu.memory_space<vmem>>, vector<1x16xf32>,
        %get3A_1064 = vector.shape_cast %get3A_1063 : vector<1x16xf32> to vector<16xf32>
        %mul3A_1065 = arith.mulf %get3A_1064, %gather3A_1056 : vector<16xf32>
        %swap3A_1066 = arith.index_cast %add3A_1060 : i32 to index
        %swap3A_1067 = arith.constant 0 : index
        %swap3A_1068 = tpu.vector_load %arg15[%swap3A_1066, %swap3A_1067] {strides = array<i32>} : memref<128x128xf32, #tpu.memory_space<vmem>>, vector<1x16xf32>,
        %swap3A_1069 = vector.shape_cast %swap3A_1068 : vector<1x16xf32> to vector<16xf32>
        %swap3A_1070 = vector.shape_cast %mul3A_1065 : vector<16xf32> to vector<1x16xf32>
        tpu.vector_store %arg15[%swap3A_1066, %swap3A_1067], %swap3A_1070 {strides = array<i32>} : memref<128x128xf32, #tpu.memory_space<vmem>>, vector<1x16xf32>,
        %get3A_1071 = arith.index_cast %add3A_1060 : i32 to index
        %get3A_1072 = arith.constant 16 : index
        %get3A_1073 = tpu.vector_load %arg15[%get3A_1071, %get3A_1072] {strides = array<i32>} : memref<128x128xf32, #tpu.memory_space<vmem>>, vector<1x16xf32>,
        %get3A_1074 = vector.shape_cast %get3A_1073 : vector<1x16xf32> to vector<16xf32>
        %mul3A_1075 = arith.mulf %get3A_1074, %gather3A_1056 : vector<16xf32>
        %swap3A_1076 = arith.index_cast %add3A_1060 : i32 to index
        %swap3A_1077 = arith.constant 16 : index
        %swap3A_1078 = tpu.vector_load %arg15[%swap3A_1076, %swap3A_1077] {strides = array<i32>} : memref<128x128xf32, #tpu.memory_space<vmem>>, vector<1x16xf32>,
        %swap3A_1079 = vector.shape_cast %swap3A_1078 : vector<1x16xf32> to vector<16xf32>
        %swap3A_1080 = vector.shape_cast %mul3A_1075 : vector<16xf32> to vector<1x16xf32>
        tpu.vector_store %arg15[%swap3A_1076, %swap3A_1077], %swap3A_1080 {strides = array<i32>} : memref<128x128xf32, #tpu.memory_space<vmem>>, vector<1x16xf32>,
        %get3A_1081 = arith.index_cast %add3A_1060 : i32 to index
        %get3A_1082 = arith.constant 32 : index
        %get3A_1083 = tpu.vector_load %arg15[%get3A_1081, %get3A_1082] {strides = array<i32>} : memref<128x128xf32, #tpu.memory_space<vmem>>, vector<1x16xf32>,
        %get3A_1084 = vector.shape_cast %get3A_1083 : vector<1x16xf32> to vector<16xf32>
        %mul3A_1085 = arith.mulf %get3A_1084, %gather3A_1056 : vector<16xf32>
        %swap3A_1086 = arith.index_cast %add3A_1060 : i32 to index
        %swap3A_1087 = arith.constant 32 : index
        %swap3A_1088 = tpu.vector_load %arg15[%swap3A_1086, %swap3A_1087] {strides = array<i32>} : memref<128x128xf32, #tpu.memory_space<vmem>>, vector<1x16xf32>,
        %swap3A_1089 = vector.shape_cast %swap3A_1088 : vector<1x16xf32> to vector<16xf32>
        %swap3A_1090 = vector.shape_cast %mul3A_1085 : vector<16xf32> to vector<1x16xf32>
        tpu.vector_store %arg15[%swap3A_1086, %swap3A_1087], %swap3A_1090 {strides = array<i32>} : memref<128x128xf32, #tpu.memory_space<vmem>>, vector<1x16xf32>,
        %get3A_1091 = arith.index_cast %add3A_1060 : i32 to index
        %get3A_1092 = arith.constant 48 : index
        %get3A_1093 = tpu.vector_load %arg15[%get3A_1091, %get3A_1092] {strides = array<i32>} : memref<128x128xf32, #tpu.memory_space<vmem>>, vector<1x16xf32>,
        %get3A_1094 = vector.shape_cast %get3A_1093 : vector<1x16xf32> to vector<16xf32>
        %mul3A_1095 = arith.mulf %get3A_1094, %gather3A_1056 : vector<16xf32>
        %swap3A_1096 = arith.index_cast %add3A_1060 : i32 to index
        %swap3A_1097 = arith.constant 48 : index
        %swap3A_1098 = tpu.vector_load %arg15[%swap3A_1096, %swap3A_1097] {strides = array<i32>} : memref<128x128xf32, #tpu.memory_space<vmem>>, vector<1x16xf32>,
        %swap3A_1099 = vector.shape_cast %swap3A_1098 : vector<1x16xf32> to vector<16xf32>
        %swap3A_1100 = vector.shape_cast %mul3A_1095 : vector<16xf32> to vector<1x16xf32>
        tpu.vector_store %arg15[%swap3A_1096, %swap3A_1097], %swap3A_1100 {strides = array<i32>} : memref<128x128xf32, #tpu.memory_space<vmem>>, vector<1x16xf32>,
        %get3A_1101 = arith.index_cast %add3A_1060 : i32 to index
        %get3A_1102 = arith.constant 64 : index
        %get3A_1103 = tpu.vector_load %arg15[%get3A_1101, %get3A_1102] {strides = array<i32>} : memref<128x128xf32, #tpu.memory_space<vmem>>, vector<1x16xf32>,
        %get3A_1104 = vector.shape_cast %get3A_1103 : vector<1x16xf32> to vector<16xf32>
        %mul3A_1105 = arith.mulf %get3A_1104, %gather3A_1056 : vector<16xf32>
        %swap3A_1106 = arith.index_cast %add3A_1060 : i32 to index
        %swap3A_1107 = arith.constant 64 : index
        %swap3A_1108 = tpu.vector_load %arg15[%swap3A_1106, %swap3A_1107] {strides = array<i32>} : memref<128x128xf32, #tpu.memory_space<vmem>>, vector<1x16xf32>,
        %swap3A_1109 = vector.shape_cast %swap3A_1108 : vector<1x16xf32> to vector<16xf32>
        %swap3A_1110 = vector.shape_cast %mul3A_1105 : vector<16xf32> to vector<1x16xf32>
        tpu.vector_store %arg15[%swap3A_1106, %swap3A_1107], %swap3A_1110 {strides = array<i32>} : memref<128x128xf32, #tpu.memory_space<vmem>>, vector<1x16xf32>,
        %get3A_1111 = arith.index_cast %add3A_1060 : i32 to index
        %get3A_1112 = arith.constant 80 : index
        %get3A_1113 = tpu.vector_load %arg15[%get3A_1111, %get3A_1112] {strides = array<i32>} : memref<128x128xf32, #tpu.memory_space<vmem>>, vector<1x16xf32>,
        %get3A_1114 = vector.shape_cast %get3A_1113 : vector<1x16xf32> to vector<16xf32>
        %mul3A_1115 = arith.mulf %get3A_1114, %gather3A_1056 : vector<16xf32>
        %swap3A_1116 = arith.index_cast %add3A_1060 : i32 to index
        %swap3A_1117 = arith.constant 80 : index
        %swap3A_1118 = tpu.vector_load %arg15[%swap3A_1116, %swap3A_1117] {strides = array<i32>} : memref<128x128xf32, #tpu.memory_space<vmem>>, vector<1x16xf32>,
        %swap3A_1119 = vector.shape_cast %swap3A_1118 : vector<1x16xf32> to vector<16xf32>
        %swap3A_1120 = vector.shape_cast %mul3A_1115 : vector<16xf32> to vector<1x16xf32>
        tpu.vector_store %arg15[%swap3A_1116, %swap3A_1117], %swap3A_1120 {strides = array<i32>} : memref<128x128xf32, #tpu.memory_space<vmem>>, vector<1x16xf32>,
        %get3A_1121 = arith.index_cast %add3A_1060 : i32 to index
        %get3A_1122 = arith.constant 96 : index
        %get3A_1123 = tpu.vector_load %arg15[%get3A_1121, %get3A_1122] {strides = array<i32>} : memref<128x128xf32, #tpu.memory_space<vmem>>, vector<1x16xf32>,
        %get3A_1124 = vector.shape_cast %get3A_1123 : vector<1x16xf32> to vector<16xf32>
        %mul3A_1125 = arith.mulf %get3A_1124, %gather3A_1056 : vector<16xf32>
        %swap3A_1126 = arith.index_cast %add3A_1060 : i32 to index
        %swap3A_1127 = arith.constant 96 : index
        %swap3A_1128 = tpu.vector_load %arg15[%swap3A_1126, %swap3A_1127] {strides = array<i32>} : memref<128x128xf32, #tpu.memory_space<vmem>>, vector<1x16xf32>,
        %swap3A_1129 = vector.shape_cast %swap3A_1128 : vector<1x16xf32> to vector<16xf32>
        %swap3A_1130 = vector.shape_cast %mul3A_1125 : vector<16xf32> to vector<1x16xf32>
        tpu.vector_store %arg15[%swap3A_1126, %swap3A_1127], %swap3A_1130 {strides = array<i32>} : memref<128x128xf32, #tpu.memory_space<vmem>>, vector<1x16xf32>,
        %get3A_1131 = arith.index_cast %add3A_1060 : i32 to index
        %get3A_1132 = arith.constant 112 : index
        %get3A_1133 = tpu.vector_load %arg15[%get3A_1131, %get3A_1132] {strides = array<i32>} : memref<128x128xf32, #tpu.memory_space<vmem>>, vector<1x16xf32>,
        %get3A_1134 = vector.shape_cast %get3A_1133 : vector<1x16xf32> to vector<16xf32>
        %mul3A_1135 = arith.mulf %get3A_1134, %gather3A_1056 : vector<16xf32>
        %swap3A_1136 = arith.index_cast %add3A_1060 : i32 to index
        %swap3A_1137 = arith.constant 112 : index
        %swap3A_1138 = tpu.vector_load %arg15[%swap3A_1136, %swap3A_1137] {strides = array<i32>} : memref<128x128xf32, #tpu.memory_space<vmem>>, vector<1x16xf32>,
        %swap3A_1139 = vector.shape_cast %swap3A_1138 : vector<1x16xf32> to vector<16xf32>
        %swap3A_1140 = vector.shape_cast %mul3A_1135 : vector<16xf32> to vector<1x16xf32>
        tpu.vector_store %arg15[%swap3A_1136, %swap3A_1137], %swap3A_1140 {strides = array<i32>} : memref<128x128xf32, #tpu.memory_space<vmem>>, vector<1x16xf32>,
        %lt3A_1141 = arith.constant 0 : i32
        %lt3A_1142 = vector.broadcast %lt3A_1141 : i32 to vector<16xi32>
        %lt3A_1143 = arith.cmpi slt, %broadcast_in_dim3A_41, %lt3A_1142 : vector<16xi32>
        %add3A_1144 = arith.constant 16 : i32
        %add3A_1145 = vector.broadcast %add3A_1144 : i32 to vector<16xi32>
        %add3A_1146 = arith.addi %broadcast_in_dim3A_41, %add3A_1145 : vector<16xi32>
        %select_n3A_1147 = arith.select %lt3A_1143, %add3A_1146, %broadcast_in_dim3A_41 : vector<16xi1>, vector<16xi32>
        %broadcast_in_dim3A_1148 = vector.shape_cast %select_n3A_1147 : vector<16xi32> to vector<16x1xi32>
        %gather3A_1149 = vector.shape_cast %broadcast_in_dim3A_1148 : vector<16x1xi32> to vector<16xi32>
        %gather3A_1150 = tpu.dynamic_gather %get3A_297[%gather3A_1149] in [0] : vector<16xf32>, vector<16xi32> -> vector<16xf32>
        %mul3A_1151 = arith.constant 16 : i32
        %mul3A_1152 = arith.muli %scan3A_291, %mul3A_1151 : i32
        %add3A_1153 = arith.constant 9 : i32
        %add3A_1154 = arith.addi %mul3A_1152, %add3A_1153 : i32
        %get3A_1155 = arith.index_cast %add3A_1154 : i32 to index
        %get3A_1156 = arith.constant 0 : index
        %get3A_1157 = tpu.vector_load %arg15[%get3A_1155, %get3A_1156] {strides = array<i32>} : memref<128x128xf32, #tpu.memory_space<vmem>>, vector<1x16xf32>,
        %get3A_1158 = vector.shape_cast %get3A_1157 : vector<1x16xf32> to vector<16xf32>
        %mul3A_1159 = arith.mulf %get3A_1158, %gather3A_1150 : vector<16xf32>
        %swap3A_1160 = arith.index_cast %add3A_1154 : i32 to index
        %swap3A_1161 = arith.constant 0 : index
        %swap3A_1162 = tpu.vector_load %arg15[%swap3A_1160, %swap3A_1161] {strides = array<i32>} : memref<128x128xf32, #tpu.memory_space<vmem>>, vector<1x16xf32>,
        %swap3A_1163 = vector.shape_cast %swap3A_1162 : vector<1x16xf32> to vector<16xf32>
        %swap3A_1164 = vector.shape_cast %mul3A_1159 : vector<16xf32> to vector<1x16xf32>
        tpu.vector_store %arg15[%swap3A_1160, %swap3A_1161], %swap3A_1164 {strides = array<i32>} : memref<128x128xf32, #tpu.memory_space<vmem>>, vector<1x16xf32>,
        %get3A_1165 = arith.index_cast %add3A_1154 : i32 to index
        %get3A_1166 = arith.constant 16 : index
        %get3A_1167 = tpu.vector_load %arg15[%get3A_1165, %get3A_1166] {strides = array<i32>} : memref<128x128xf32, #tpu.memory_space<vmem>>, vector<1x16xf32>,
        %get3A_1168 = vector.shape_cast %get3A_1167 : vector<1x16xf32> to vector<16xf32>
        %mul3A_1169 = arith.mulf %get3A_1168, %gather3A_1150 : vector<16xf32>
        %swap3A_1170 = arith.index_cast %add3A_1154 : i32 to index
        %swap3A_1171 = arith.constant 16 : index
        %swap3A_1172 = tpu.vector_load %arg15[%swap3A_1170, %swap3A_1171] {strides = array<i32>} : memref<128x128xf32, #tpu.memory_space<vmem>>, vector<1x16xf32>,
        %swap3A_1173 = vector.shape_cast %swap3A_1172 : vector<1x16xf32> to vector<16xf32>
        %swap3A_1174 = vector.shape_cast %mul3A_1169 : vector<16xf32> to vector<1x16xf32>
        tpu.vector_store %arg15[%swap3A_1170, %swap3A_1171], %swap3A_1174 {strides = array<i32>} : memref<128x128xf32, #tpu.memory_space<vmem>>, vector<1x16xf32>,
        %get3A_1175 = arith.index_cast %add3A_1154 : i32 to index
        %get3A_1176 = arith.constant 32 : index
        %get3A_1177 = tpu.vector_load %arg15[%get3A_1175, %get3A_1176] {strides = array<i32>} : memref<128x128xf32, #tpu.memory_space<vmem>>, vector<1x16xf32>,
        %get3A_1178 = vector.shape_cast %get3A_1177 : vector<1x16xf32> to vector<16xf32>
        %mul3A_1179 = arith.mulf %get3A_1178, %gather3A_1150 : vector<16xf32>
        %swap3A_1180 = arith.index_cast %add3A_1154 : i32 to index
        %swap3A_1181 = arith.constant 32 : index
        %swap3A_1182 = tpu.vector_load %arg15[%swap3A_1180, %swap3A_1181] {strides = array<i32>} : memref<128x128xf32, #tpu.memory_space<vmem>>, vector<1x16xf32>,
        %swap3A_1183 = vector.shape_cast %swap3A_1182 : vector<1x16xf32> to vector<16xf32>
        %swap3A_1184 = vector.shape_cast %mul3A_1179 : vector<16xf32> to vector<1x16xf32>
        tpu.vector_store %arg15[%swap3A_1180, %swap3A_1181], %swap3A_1184 {strides = array<i32>} : memref<128x128xf32, #tpu.memory_space<vmem>>, vector<1x16xf32>,
        %get3A_1185 = arith.index_cast %add3A_1154 : i32 to index
        %get3A_1186 = arith.constant 48 : index
        %get3A_1187 = tpu.vector_load %arg15[%get3A_1185, %get3A_1186] {strides = array<i32>} : memref<128x128xf32, #tpu.memory_space<vmem>>, vector<1x16xf32>,
        %get3A_1188 = vector.shape_cast %get3A_1187 : vector<1x16xf32> to vector<16xf32>
        %mul3A_1189 = arith.mulf %get3A_1188, %gather3A_1150 : vector<16xf32>
        %swap3A_1190 = arith.index_cast %add3A_1154 : i32 to index
        %swap3A_1191 = arith.constant 48 : index
        %swap3A_1192 = tpu.vector_load %arg15[%swap3A_1190, %swap3A_1191] {strides = array<i32>} : memref<128x128xf32, #tpu.memory_space<vmem>>, vector<1x16xf32>,
        %swap3A_1193 = vector.shape_cast %swap3A_1192 : vector<1x16xf32> to vector<16xf32>
        %swap3A_1194 = vector.shape_cast %mul3A_1189 : vector<16xf32> to vector<1x16xf32>
        tpu.vector_store %arg15[%swap3A_1190, %swap3A_1191], %swap3A_1194 {strides = array<i32>} : memref<128x128xf32, #tpu.memory_space<vmem>>, vector<1x16xf32>,
        %get3A_1195 = arith.index_cast %add3A_1154 : i32 to index
        %get3A_1196 = arith.constant 64 : index
        %get3A_1197 = tpu.vector_load %arg15[%get3A_1195, %get3A_1196] {strides = array<i32>} : memref<128x128xf32, #tpu.memory_space<vmem>>, vector<1x16xf32>,
        %get3A_1198 = vector.shape_cast %get3A_1197 : vector<1x16xf32> to vector<16xf32>
        %mul3A_1199 = arith.mulf %get3A_1198, %gather3A_1150 : vector<16xf32>
        %swap3A_1200 = arith.index_cast %add3A_1154 : i32 to index
        %swap3A_1201 = arith.constant 64 : index
        %swap3A_1202 = tpu.vector_load %arg15[%swap3A_1200, %swap3A_1201] {strides = array<i32>} : memref<128x128xf32, #tpu.memory_space<vmem>>, vector<1x16xf32>,
        %swap3A_1203 = vector.shape_cast %swap3A_1202 : vector<1x16xf32> to vector<16xf32>
        %swap3A_1204 = vector.shape_cast %mul3A_1199 : vector<16xf32> to vector<1x16xf32>
        tpu.vector_store %arg15[%swap3A_1200, %swap3A_1201], %swap3A_1204 {strides = array<i32>} : memref<128x128xf32, #tpu.memory_space<vmem>>, vector<1x16xf32>,
        %get3A_1205 = arith.index_cast %add3A_1154 : i32 to index
        %get3A_1206 = arith.constant 80 : index
        %get3A_1207 = tpu.vector_load %arg15[%get3A_1205, %get3A_1206] {strides = array<i32>} : memref<128x128xf32, #tpu.memory_space<vmem>>, vector<1x16xf32>,
        %get3A_1208 = vector.shape_cast %get3A_1207 : vector<1x16xf32> to vector<16xf32>
        %mul3A_1209 = arith.mulf %get3A_1208, %gather3A_1150 : vector<16xf32>
        %swap3A_1210 = arith.index_cast %add3A_1154 : i32 to index
        %swap3A_1211 = arith.constant 80 : index
        %swap3A_1212 = tpu.vector_load %arg15[%swap3A_1210, %swap3A_1211] {strides = array<i32>} : memref<128x128xf32, #tpu.memory_space<vmem>>, vector<1x16xf32>,
        %swap3A_1213 = vector.shape_cast %swap3A_1212 : vector<1x16xf32> to vector<16xf32>
        %swap3A_1214 = vector.shape_cast %mul3A_1209 : vector<16xf32> to vector<1x16xf32>
        tpu.vector_store %arg15[%swap3A_1210, %swap3A_1211], %swap3A_1214 {strides = array<i32>} : memref<128x128xf32, #tpu.memory_space<vmem>>, vector<1x16xf32>,
        %get3A_1215 = arith.index_cast %add3A_1154 : i32 to index
        %get3A_1216 = arith.constant 96 : index
        %get3A_1217 = tpu.vector_load %arg15[%get3A_1215, %get3A_1216] {strides = array<i32>} : memref<128x128xf32, #tpu.memory_space<vmem>>, vector<1x16xf32>,
        %get3A_1218 = vector.shape_cast %get3A_1217 : vector<1x16xf32> to vector<16xf32>
        %mul3A_1219 = arith.mulf %get3A_1218, %gather3A_1150 : vector<16xf32>
        %swap3A_1220 = arith.index_cast %add3A_1154 : i32 to index
        %swap3A_1221 = arith.constant 96 : index
        %swap3A_1222 = tpu.vector_load %arg15[%swap3A_1220, %swap3A_1221] {strides = array<i32>} : memref<128x128xf32, #tpu.memory_space<vmem>>, vector<1x16xf32>,
        %swap3A_1223 = vector.shape_cast %swap3A_1222 : vector<1x16xf32> to vector<16xf32>
        %swap3A_1224 = vector.shape_cast %mul3A_1219 : vector<16xf32> to vector<1x16xf32>
        tpu.vector_store %arg15[%swap3A_1220, %swap3A_1221], %swap3A_1224 {strides = array<i32>} : memref<128x128xf32, #tpu.memory_space<vmem>>, vector<1x16xf32>,
        %get3A_1225 = arith.index_cast %add3A_1154 : i32 to index
        %get3A_1226 = arith.constant 112 : index
        %get3A_1227 = tpu.vector_load %arg15[%get3A_1225, %get3A_1226] {strides = array<i32>} : memref<128x128xf32, #tpu.memory_space<vmem>>, vector<1x16xf32>,
        %get3A_1228 = vector.shape_cast %get3A_1227 : vector<1x16xf32> to vector<16xf32>
        %mul3A_1229 = arith.mulf %get3A_1228, %gather3A_1150 : vector<16xf32>
        %swap3A_1230 = arith.index_cast %add3A_1154 : i32 to index
        %swap3A_1231 = arith.constant 112 : index
        %swap3A_1232 = tpu.vector_load %arg15[%swap3A_1230, %swap3A_1231] {strides = array<i32>} : memref<128x128xf32, #tpu.memory_space<vmem>>, vector<1x16xf32>,
        %swap3A_1233 = vector.shape_cast %swap3A_1232 : vector<1x16xf32> to vector<16xf32>
        %swap3A_1234 = vector.shape_cast %mul3A_1229 : vector<16xf32> to vector<1x16xf32>
        tpu.vector_store %arg15[%swap3A_1230, %swap3A_1231], %swap3A_1234 {strides = array<i32>} : memref<128x128xf32, #tpu.memory_space<vmem>>, vector<1x16xf32>,
        %lt3A_1235 = arith.constant 0 : i32
        %lt3A_1236 = vector.broadcast %lt3A_1235 : i32 to vector<16xi32>
        %lt3A_1237 = arith.cmpi slt, %broadcast_in_dim3A_43, %lt3A_1236 : vector<16xi32>
        %add3A_1238 = arith.constant 16 : i32
        %add3A_1239 = vector.broadcast %add3A_1238 : i32 to vector<16xi32>
        %add3A_1240 = arith.addi %broadcast_in_dim3A_43, %add3A_1239 : vector<16xi32>
        %select_n3A_1241 = arith.select %lt3A_1237, %add3A_1240, %broadcast_in_dim3A_43 : vector<16xi1>, vector<16xi32>
        %broadcast_in_dim3A_1242 = vector.shape_cast %select_n3A_1241 : vector<16xi32> to vector<16x1xi32>
        %gather3A_1243 = vector.shape_cast %broadcast_in_dim3A_1242 : vector<16x1xi32> to vector<16xi32>
        %gather3A_1244 = tpu.dynamic_gather %get3A_297[%gather3A_1243] in [0] : vector<16xf32>, vector<16xi32> -> vector<16xf32>
        %mul3A_1245 = arith.constant 16 : i32
        %mul3A_1246 = arith.muli %scan3A_291, %mul3A_1245 : i32
        %add3A_1247 = arith.constant 10 : i32
        %add3A_1248 = arith.addi %mul3A_1246, %add3A_1247 : i32
        %get3A_1249 = arith.index_cast %add3A_1248 : i32 to index
        %get3A_1250 = arith.constant 0 : index
        %get3A_1251 = tpu.vector_load %arg15[%get3A_1249, %get3A_1250] {strides = array<i32>} : memref<128x128xf32, #tpu.memory_space<vmem>>, vector<1x16xf32>,
        %get3A_1252 = vector.shape_cast %get3A_1251 : vector<1x16xf32> to vector<16xf32>
        %mul3A_1253 = arith.mulf %get3A_1252, %gather3A_1244 : vector<16xf32>
        %swap3A_1254 = arith.index_cast %add3A_1248 : i32 to index
        %swap3A_1255 = arith.constant 0 : index
        %swap3A_1256 = tpu.vector_load %arg15[%swap3A_1254, %swap3A_1255] {strides = array<i32>} : memref<128x128xf32, #tpu.memory_space<vmem>>, vector<1x16xf32>,
        %swap3A_1257 = vector.shape_cast %swap3A_1256 : vector<1x16xf32> to vector<16xf32>
        %swap3A_1258 = vector.shape_cast %mul3A_1253 : vector<16xf32> to vector<1x16xf32>
        tpu.vector_store %arg15[%swap3A_1254, %swap3A_1255], %swap3A_1258 {strides = array<i32>} : memref<128x128xf32, #tpu.memory_space<vmem>>, vector<1x16xf32>,
        %get3A_1259 = arith.index_cast %add3A_1248 : i32 to index
        %get3A_1260 = arith.constant 16 : index
        %get3A_1261 = tpu.vector_load %arg15[%get3A_1259, %get3A_1260] {strides = array<i32>} : memref<128x128xf32, #tpu.memory_space<vmem>>, vector<1x16xf32>,
        %get3A_1262 = vector.shape_cast %get3A_1261 : vector<1x16xf32> to vector<16xf32>
        %mul3A_1263 = arith.mulf %get3A_1262, %gather3A_1244 : vector<16xf32>
        %swap3A_1264 = arith.index_cast %add3A_1248 : i32 to index
        %swap3A_1265 = arith.constant 16 : index
        %swap3A_1266 = tpu.vector_load %arg15[%swap3A_1264, %swap3A_1265] {strides = array<i32>} : memref<128x128xf32, #tpu.memory_space<vmem>>, vector<1x16xf32>,
        %swap3A_1267 = vector.shape_cast %swap3A_1266 : vector<1x16xf32> to vector<16xf32>
        %swap3A_1268 = vector.shape_cast %mul3A_1263 : vector<16xf32> to vector<1x16xf32>
        tpu.vector_store %arg15[%swap3A_1264, %swap3A_1265], %swap3A_1268 {strides = array<i32>} : memref<128x128xf32, #tpu.memory_space<vmem>>, vector<1x16xf32>,
        %get3A_1269 = arith.index_cast %add3A_1248 : i32 to index
        %get3A_1270 = arith.constant 32 : index
        %get3A_1271 = tpu.vector_load %arg15[%get3A_1269, %get3A_1270] {strides = array<i32>} : memref<128x128xf32, #tpu.memory_space<vmem>>, vector<1x16xf32>,
        %get3A_1272 = vector.shape_cast %get3A_1271 : vector<1x16xf32> to vector<16xf32>
        %mul3A_1273 = arith.mulf %get3A_1272, %gather3A_1244 : vector<16xf32>
        %swap3A_1274 = arith.index_cast %add3A_1248 : i32 to index
        %swap3A_1275 = arith.constant 32 : index
        %swap3A_1276 = tpu.vector_load %arg15[%swap3A_1274, %swap3A_1275] {strides = array<i32>} : memref<128x128xf32, #tpu.memory_space<vmem>>, vector<1x16xf32>,
        %swap3A_1277 = vector.shape_cast %swap3A_1276 : vector<1x16xf32> to vector<16xf32>
        %swap3A_1278 = vector.shape_cast %mul3A_1273 : vector<16xf32> to vector<1x16xf32>
        tpu.vector_store %arg15[%swap3A_1274, %swap3A_1275], %swap3A_1278 {strides = array<i32>} : memref<128x128xf32, #tpu.memory_space<vmem>>, vector<1x16xf32>,
        %get3A_1279 = arith.index_cast %add3A_1248 : i32 to index
        %get3A_1280 = arith.constant 48 : index
        %get3A_1281 = tpu.vector_load %arg15[%get3A_1279, %get3A_1280] {strides = array<i32>} : memref<128x128xf32, #tpu.memory_space<vmem>>, vector<1x16xf32>,
        %get3A_1282 = vector.shape_cast %get3A_1281 : vector<1x16xf32> to vector<16xf32>
        %mul3A_1283 = arith.mulf %get3A_1282, %gather3A_1244 : vector<16xf32>
        %swap3A_1284 = arith.index_cast %add3A_1248 : i32 to index
        %swap3A_1285 = arith.constant 48 : index
        %swap3A_1286 = tpu.vector_load %arg15[%swap3A_1284, %swap3A_1285] {strides = array<i32>} : memref<128x128xf32, #tpu.memory_space<vmem>>, vector<1x16xf32>,
        %swap3A_1287 = vector.shape_cast %swap3A_1286 : vector<1x16xf32> to vector<16xf32>
        %swap3A_1288 = vector.shape_cast %mul3A_1283 : vector<16xf32> to vector<1x16xf32>
        tpu.vector_store %arg15[%swap3A_1284, %swap3A_1285], %swap3A_1288 {strides = array<i32>} : memref<128x128xf32, #tpu.memory_space<vmem>>, vector<1x16xf32>,
        %get3A_1289 = arith.index_cast %add3A_1248 : i32 to index
        %get3A_1290 = arith.constant 64 : index
        %get3A_1291 = tpu.vector_load %arg15[%get3A_1289, %get3A_1290] {strides = array<i32>} : memref<128x128xf32, #tpu.memory_space<vmem>>, vector<1x16xf32>,
        %get3A_1292 = vector.shape_cast %get3A_1291 : vector<1x16xf32> to vector<16xf32>
        %mul3A_1293 = arith.mulf %get3A_1292, %gather3A_1244 : vector<16xf32>
        %swap3A_1294 = arith.index_cast %add3A_1248 : i32 to index
        %swap3A_1295 = arith.constant 64 : index
        %swap3A_1296 = tpu.vector_load %arg15[%swap3A_1294, %swap3A_1295] {strides = array<i32>} : memref<128x128xf32, #tpu.memory_space<vmem>>, vector<1x16xf32>,
        %swap3A_1297 = vector.shape_cast %swap3A_1296 : vector<1x16xf32> to vector<16xf32>
        %swap3A_1298 = vector.shape_cast %mul3A_1293 : vector<16xf32> to vector<1x16xf32>
        tpu.vector_store %arg15[%swap3A_1294, %swap3A_1295], %swap3A_1298 {strides = array<i32>} : memref<128x128xf32, #tpu.memory_space<vmem>>, vector<1x16xf32>,
        %get3A_1299 = arith.index_cast %add3A_1248 : i32 to index
        %get3A_1300 = arith.constant 80 : index
        %get3A_1301 = tpu.vector_load %arg15[%get3A_1299, %get3A_1300] {strides = array<i32>} : memref<128x128xf32, #tpu.memory_space<vmem>>, vector<1x16xf32>,
        %get3A_1302 = vector.shape_cast %get3A_1301 : vector<1x16xf32> to vector<16xf32>
        %mul3A_1303 = arith.mulf %get3A_1302, %gather3A_1244 : vector<16xf32>
        %swap3A_1304 = arith.index_cast %add3A_1248 : i32 to index
        %swap3A_1305 = arith.constant 80 : index
        %swap3A_1306 = tpu.vector_load %arg15[%swap3A_1304, %swap3A_1305] {strides = array<i32>} : memref<128x128xf32, #tpu.memory_space<vmem>>, vector<1x16xf32>,
        %swap3A_1307 = vector.shape_cast %swap3A_1306 : vector<1x16xf32> to vector<16xf32>
        %swap3A_1308 = vector.shape_cast %mul3A_1303 : vector<16xf32> to vector<1x16xf32>
        tpu.vector_store %arg15[%swap3A_1304, %swap3A_1305], %swap3A_1308 {strides = array<i32>} : memref<128x128xf32, #tpu.memory_space<vmem>>, vector<1x16xf32>,
        %get3A_1309 = arith.index_cast %add3A_1248 : i32 to index
        %get3A_1310 = arith.constant 96 : index
        %get3A_1311 = tpu.vector_load %arg15[%get3A_1309, %get3A_1310] {strides = array<i32>} : memref<128x128xf32, #tpu.memory_space<vmem>>, vector<1x16xf32>,
        %get3A_1312 = vector.shape_cast %get3A_1311 : vector<1x16xf32> to vector<16xf32>
        %mul3A_1313 = arith.mulf %get3A_1312, %gather3A_1244 : vector<16xf32>
        %swap3A_1314 = arith.index_cast %add3A_1248 : i32 to index
        %swap3A_1315 = arith.constant 96 : index
        %swap3A_1316 = tpu.vector_load %arg15[%swap3A_1314, %swap3A_1315] {strides = array<i32>} : memref<128x128xf32, #tpu.memory_space<vmem>>, vector<1x16xf32>,
        %swap3A_1317 = vector.shape_cast %swap3A_1316 : vector<1x16xf32> to vector<16xf32>
        %swap3A_1318 = vector.shape_cast %mul3A_1313 : vector<16xf32> to vector<1x16xf32>
        tpu.vector_store %arg15[%swap3A_1314, %swap3A_1315], %swap3A_1318 {strides = array<i32>} : memref<128x128xf32, #tpu.memory_space<vmem>>, vector<1x16xf32>,
        %get3A_1319 = arith.index_cast %add3A_1248 : i32 to index
        %get3A_1320 = arith.constant 112 : index
        %get3A_1321 = tpu.vector_load %arg15[%get3A_1319, %get3A_1320] {strides = array<i32>} : memref<128x128xf32, #tpu.memory_space<vmem>>, vector<1x16xf32>,
        %get3A_1322 = vector.shape_cast %get3A_1321 : vector<1x16xf32> to vector<16xf32>
        %mul3A_1323 = arith.mulf %get3A_1322, %gather3A_1244 : vector<16xf32>
        %swap3A_1324 = arith.index_cast %add3A_1248 : i32 to index
        %swap3A_1325 = arith.constant 112 : index
        %swap3A_1326 = tpu.vector_load %arg15[%swap3A_1324, %swap3A_1325] {strides = array<i32>} : memref<128x128xf32, #tpu.memory_space<vmem>>, vector<1x16xf32>,
        %swap3A_1327 = vector.shape_cast %swap3A_1326 : vector<1x16xf32> to vector<16xf32>
        %swap3A_1328 = vector.shape_cast %mul3A_1323 : vector<16xf32> to vector<1x16xf32>
        tpu.vector_store %arg15[%swap3A_1324, %swap3A_1325], %swap3A_1328 {strides = array<i32>} : memref<128x128xf32, #tpu.memory_space<vmem>>, vector<1x16xf32>,
        %lt3A_1329 = arith.constant 0 : i32
        %lt3A_1330 = vector.broadcast %lt3A_1329 : i32 to vector<16xi32>
        %lt3A_1331 = arith.cmpi slt, %broadcast_in_dim3A_45, %lt3A_1330 : vector<16xi32>
        %add3A_1332 = arith.constant 16 : i32
        %add3A_1333 = vector.broadcast %add3A_1332 : i32 to vector<16xi32>
        %add3A_1334 = arith.addi %broadcast_in_dim3A_45, %add3A_1333 : vector<16xi32>
        %select_n3A_1335 = arith.select %lt3A_1331, %add3A_1334, %broadcast_in_dim3A_45 : vector<16xi1>, vector<16xi32>
        %broadcast_in_dim3A_1336 = vector.shape_cast %select_n3A_1335 : vector<16xi32> to vector<16x1xi32>
        %gather3A_1337 = vector.shape_cast %broadcast_in_dim3A_1336 : vector<16x1xi32> to vector<16xi32>
        %gather3A_1338 = tpu.dynamic_gather %get3A_297[%gather3A_1337] in [0] : vector<16xf32>, vector<16xi32> -> vector<16xf32>
        %mul3A_1339 = arith.constant 16 : i32
        %mul3A_1340 = arith.muli %scan3A_291, %mul3A_1339 : i32
        %add3A_1341 = arith.constant 11 : i32
        %add3A_1342 = arith.addi %mul3A_1340, %add3A_1341 : i32
        %get3A_1343 = arith.index_cast %add3A_1342 : i32 to index
        %get3A_1344 = arith.constant 0 : index
        %get3A_1345 = tpu.vector_load %arg15[%get3A_1343, %get3A_1344] {strides = array<i32>} : memref<128x128xf32, #tpu.memory_space<vmem>>, vector<1x16xf32>,
        %get3A_1346 = vector.shape_cast %get3A_1345 : vector<1x16xf32> to vector<16xf32>
        %mul3A_1347 = arith.mulf %get3A_1346, %gather3A_1338 : vector<16xf32>
        %swap3A_1348 = arith.index_cast %add3A_1342 : i32 to index
        %swap3A_1349 = arith.constant 0 : index
        %swap3A_1350 = tpu.vector_load %arg15[%swap3A_1348, %swap3A_1349] {strides = array<i32>} : memref<128x128xf32, #tpu.memory_space<vmem>>, vector<1x16xf32>,
        %swap3A_1351 = vector.shape_cast %swap3A_1350 : vector<1x16xf32> to vector<16xf32>
        %swap3A_1352 = vector.shape_cast %mul3A_1347 : vector<16xf32> to vector<1x16xf32>
        tpu.vector_store %arg15[%swap3A_1348, %swap3A_1349], %swap3A_1352 {strides = array<i32>} : memref<128x128xf32, #tpu.memory_space<vmem>>, vector<1x16xf32>,
        %get3A_1353 = arith.index_cast %add3A_1342 : i32 to index
        %get3A_1354 = arith.constant 16 : index
        %get3A_1355 = tpu.vector_load %arg15[%get3A_1353, %get3A_1354] {strides = array<i32>} : memref<128x128xf32, #tpu.memory_space<vmem>>, vector<1x16xf32>,
        %get3A_1356 = vector.shape_cast %get3A_1355 : vector<1x16xf32> to vector<16xf32>
        %mul3A_1357 = arith.mulf %get3A_1356, %gather3A_1338 : vector<16xf32>
        %swap3A_1358 = arith.index_cast %add3A_1342 : i32 to index
        %swap3A_1359 = arith.constant 16 : index
        %swap3A_1360 = tpu.vector_load %arg15[%swap3A_1358, %swap3A_1359] {strides = array<i32>} : memref<128x128xf32, #tpu.memory_space<vmem>>, vector<1x16xf32>,
        %swap3A_1361 = vector.shape_cast %swap3A_1360 : vector<1x16xf32> to vector<16xf32>
        %swap3A_1362 = vector.shape_cast %mul3A_1357 : vector<16xf32> to vector<1x16xf32>
        tpu.vector_store %arg15[%swap3A_1358, %swap3A_1359], %swap3A_1362 {strides = array<i32>} : memref<128x128xf32, #tpu.memory_space<vmem>>, vector<1x16xf32>,
        %get3A_1363 = arith.index_cast %add3A_1342 : i32 to index
        %get3A_1364 = arith.constant 32 : index
        %get3A_1365 = tpu.vector_load %arg15[%get3A_1363, %get3A_1364] {strides = array<i32>} : memref<128x128xf32, #tpu.memory_space<vmem>>, vector<1x16xf32>,
        %get3A_1366 = vector.shape_cast %get3A_1365 : vector<1x16xf32> to vector<16xf32>
        %mul3A_1367 = arith.mulf %get3A_1366, %gather3A_1338 : vector<16xf32>
        %swap3A_1368 = arith.index_cast %add3A_1342 : i32 to index
        %swap3A_1369 = arith.constant 32 : index
        %swap3A_1370 = tpu.vector_load %arg15[%swap3A_1368, %swap3A_1369] {strides = array<i32>} : memref<128x128xf32, #tpu.memory_space<vmem>>, vector<1x16xf32>,
        %swap3A_1371 = vector.shape_cast %swap3A_1370 : vector<1x16xf32> to vector<16xf32>
        %swap3A_1372 = vector.shape_cast %mul3A_1367 : vector<16xf32> to vector<1x16xf32>
        tpu.vector_store %arg15[%swap3A_1368, %swap3A_1369], %swap3A_1372 {strides = array<i32>} : memref<128x128xf32, #tpu.memory_space<vmem>>, vector<1x16xf32>,
        %get3A_1373 = arith.index_cast %add3A_1342 : i32 to index
        %get3A_1374 = arith.constant 48 : index
        %get3A_1375 = tpu.vector_load %arg15[%get3A_1373, %get3A_1374] {strides = array<i32>} : memref<128x128xf32, #tpu.memory_space<vmem>>, vector<1x16xf32>,
        %get3A_1376 = vector.shape_cast %get3A_1375 : vector<1x16xf32> to vector<16xf32>
        %mul3A_1377 = arith.mulf %get3A_1376, %gather3A_1338 : vector<16xf32>
        %swap3A_1378 = arith.index_cast %add3A_1342 : i32 to index
        %swap3A_1379 = arith.constant 48 : index
        %swap3A_1380 = tpu.vector_load %arg15[%swap3A_1378, %swap3A_1379] {strides = array<i32>} : memref<128x128xf32, #tpu.memory_space<vmem>>, vector<1x16xf32>,
        %swap3A_1381 = vector.shape_cast %swap3A_1380 : vector<1x16xf32> to vector<16xf32>
        %swap3A_1382 = vector.shape_cast %mul3A_1377 : vector<16xf32> to vector<1x16xf32>
        tpu.vector_store %arg15[%swap3A_1378, %swap3A_1379], %swap3A_1382 {strides = array<i32>} : memref<128x128xf32, #tpu.memory_space<vmem>>, vector<1x16xf32>,
        %get3A_1383 = arith.index_cast %add3A_1342 : i32 to index
        %get3A_1384 = arith.constant 64 : index
        %get3A_1385 = tpu.vector_load %arg15[%get3A_1383, %get3A_1384] {strides = array<i32>} : memref<128x128xf32, #tpu.memory_space<vmem>>, vector<1x16xf32>,
        %get3A_1386 = vector.shape_cast %get3A_1385 : vector<1x16xf32> to vector<16xf32>
        %mul3A_1387 = arith.mulf %get3A_1386, %gather3A_1338 : vector<16xf32>
        %swap3A_1388 = arith.index_cast %add3A_1342 : i32 to index
        %swap3A_1389 = arith.constant 64 : index
        %swap3A_1390 = tpu.vector_load %arg15[%swap3A_1388, %swap3A_1389] {strides = array<i32>} : memref<128x128xf32, #tpu.memory_space<vmem>>, vector<1x16xf32>,
        %swap3A_1391 = vector.shape_cast %swap3A_1390 : vector<1x16xf32> to vector<16xf32>
        %swap3A_1392 = vector.shape_cast %mul3A_1387 : vector<16xf32> to vector<1x16xf32>
        tpu.vector_store %arg15[%swap3A_1388, %swap3A_1389], %swap3A_1392 {strides = array<i32>} : memref<128x128xf32, #tpu.memory_space<vmem>>, vector<1x16xf32>,
        %get3A_1393 = arith.index_cast %add3A_1342 : i32 to index
        %get3A_1394 = arith.constant 80 : index
        %get3A_1395 = tpu.vector_load %arg15[%get3A_1393, %get3A_1394] {strides = array<i32>} : memref<128x128xf32, #tpu.memory_space<vmem>>, vector<1x16xf32>,
        %get3A_1396 = vector.shape_cast %get3A_1395 : vector<1x16xf32> to vector<16xf32>
        %mul3A_1397 = arith.mulf %get3A_1396, %gather3A_1338 : vector<16xf32>
        %swap3A_1398 = arith.index_cast %add3A_1342 : i32 to index
        %swap3A_1399 = arith.constant 80 : index
        %swap3A_1400 = tpu.vector_load %arg15[%swap3A_1398, %swap3A_1399] {strides = array<i32>} : memref<128x128xf32, #tpu.memory_space<vmem>>, vector<1x16xf32>,
        %swap3A_1401 = vector.shape_cast %swap3A_1400 : vector<1x16xf32> to vector<16xf32>
        %swap3A_1402 = vector.shape_cast %mul3A_1397 : vector<16xf32> to vector<1x16xf32>
        tpu.vector_store %arg15[%swap3A_1398, %swap3A_1399], %swap3A_1402 {strides = array<i32>} : memref<128x128xf32, #tpu.memory_space<vmem>>, vector<1x16xf32>,
        %get3A_1403 = arith.index_cast %add3A_1342 : i32 to index
        %get3A_1404 = arith.constant 96 : index
        %get3A_1405 = tpu.vector_load %arg15[%get3A_1403, %get3A_1404] {strides = array<i32>} : memref<128x128xf32, #tpu.memory_space<vmem>>, vector<1x16xf32>,
        %get3A_1406 = vector.shape_cast %get3A_1405 : vector<1x16xf32> to vector<16xf32>
        %mul3A_1407 = arith.mulf %get3A_1406, %gather3A_1338 : vector<16xf32>
        %swap3A_1408 = arith.index_cast %add3A_1342 : i32 to index
        %swap3A_1409 = arith.constant 96 : index
        %swap3A_1410 = tpu.vector_load %arg15[%swap3A_1408, %swap3A_1409] {strides = array<i32>} : memref<128x128xf32, #tpu.memory_space<vmem>>, vector<1x16xf32>,
        %swap3A_1411 = vector.shape_cast %swap3A_1410 : vector<1x16xf32> to vector<16xf32>
        %swap3A_1412 = vector.shape_cast %mul3A_1407 : vector<16xf32> to vector<1x16xf32>
        tpu.vector_store %arg15[%swap3A_1408, %swap3A_1409], %swap3A_1412 {strides = array<i32>} : memref<128x128xf32, #tpu.memory_space<vmem>>, vector<1x16xf32>,
        %get3A_1413 = arith.index_cast %add3A_1342 : i32 to index
        %get3A_1414 = arith.constant 112 : index
        %get3A_1415 = tpu.vector_load %arg15[%get3A_1413, %get3A_1414] {strides = array<i32>} : memref<128x128xf32, #tpu.memory_space<vmem>>, vector<1x16xf32>,
        %get3A_1416 = vector.shape_cast %get3A_1415 : vector<1x16xf32> to vector<16xf32>
        %mul3A_1417 = arith.mulf %get3A_1416, %gather3A_1338 : vector<16xf32>
        %swap3A_1418 = arith.index_cast %add3A_1342 : i32 to index
        %swap3A_1419 = arith.constant 112 : index
        %swap3A_1420 = tpu.vector_load %arg15[%swap3A_1418, %swap3A_1419] {strides = array<i32>} : memref<128x128xf32, #tpu.memory_space<vmem>>, vector<1x16xf32>,
        %swap3A_1421 = vector.shape_cast %swap3A_1420 : vector<1x16xf32> to vector<16xf32>
        %swap3A_1422 = vector.shape_cast %mul3A_1417 : vector<16xf32> to vector<1x16xf32>
        tpu.vector_store %arg15[%swap3A_1418, %swap3A_1419], %swap3A_1422 {strides = array<i32>} : memref<128x128xf32, #tpu.memory_space<vmem>>, vector<1x16xf32>,
        %lt3A_1423 = arith.constant 0 : i32
        %lt3A_1424 = vector.broadcast %lt3A_1423 : i32 to vector<16xi32>
        %lt3A_1425 = arith.cmpi slt, %broadcast_in_dim3A_47, %lt3A_1424 : vector<16xi32>
        %add3A_1426 = arith.constant 16 : i32
        %add3A_1427 = vector.broadcast %add3A_1426 : i32 to vector<16xi32>
        %add3A_1428 = arith.addi %broadcast_in_dim3A_47, %add3A_1427 : vector<16xi32>
        %select_n3A_1429 = arith.select %lt3A_1425, %add3A_1428, %broadcast_in_dim3A_47 : vector<16xi1>, vector<16xi32>
        %broadcast_in_dim3A_1430 = vector.shape_cast %select_n3A_1429 : vector<16xi32> to vector<16x1xi32>
        %gather3A_1431 = vector.shape_cast %broadcast_in_dim3A_1430 : vector<16x1xi32> to vector<16xi32>
        %gather3A_1432 = tpu.dynamic_gather %get3A_297[%gather3A_1431] in [0] : vector<16xf32>, vector<16xi32> -> vector<16xf32>
        %mul3A_1433 = arith.constant 16 : i32
        %mul3A_1434 = arith.muli %scan3A_291, %mul3A_1433 : i32
        %add3A_1435 = arith.constant 12 : i32
        %add3A_1436 = arith.addi %mul3A_1434, %add3A_1435 : i32
        %get3A_1437 = arith.index_cast %add3A_1436 : i32 to index
        %get3A_1438 = arith.constant 0 : index
        %get3A_1439 = tpu.vector_load %arg15[%get3A_1437, %get3A_1438] {strides = array<i32>} : memref<128x128xf32, #tpu.memory_space<vmem>>, vector<1x16xf32>,
        %get3A_1440 = vector.shape_cast %get3A_1439 : vector<1x16xf32> to vector<16xf32>
        %mul3A_1441 = arith.mulf %get3A_1440, %gather3A_1432 : vector<16xf32>
        %swap3A_1442 = arith.index_cast %add3A_1436 : i32 to index
        %swap3A_1443 = arith.constant 0 : index
        %swap3A_1444 = tpu.vector_load %arg15[%swap3A_1442, %swap3A_1443] {strides = array<i32>} : memref<128x128xf32, #tpu.memory_space<vmem>>, vector<1x16xf32>,
        %swap3A_1445 = vector.shape_cast %swap3A_1444 : vector<1x16xf32> to vector<16xf32>
        %swap3A_1446 = vector.shape_cast %mul3A_1441 : vector<16xf32> to vector<1x16xf32>
        tpu.vector_store %arg15[%swap3A_1442, %swap3A_1443], %swap3A_1446 {strides = array<i32>} : memref<128x128xf32, #tpu.memory_space<vmem>>, vector<1x16xf32>,
        %get3A_1447 = arith.index_cast %add3A_1436 : i32 to index
        %get3A_1448 = arith.constant 16 : index
        %get3A_1449 = tpu.vector_load %arg15[%get3A_1447, %get3A_1448] {strides = array<i32>} : memref<128x128xf32, #tpu.memory_space<vmem>>, vector<1x16xf32>,
        %get3A_1450 = vector.shape_cast %get3A_1449 : vector<1x16xf32> to vector<16xf32>
        %mul3A_1451 = arith.mulf %get3A_1450, %gather3A_1432 : vector<16xf32>
        %swap3A_1452 = arith.index_cast %add3A_1436 : i32 to index
        %swap3A_1453 = arith.constant 16 : index
        %swap3A_1454 = tpu.vector_load %arg15[%swap3A_1452, %swap3A_1453] {strides = array<i32>} : memref<128x128xf32, #tpu.memory_space<vmem>>, vector<1x16xf32>,
        %swap3A_1455 = vector.shape_cast %swap3A_1454 : vector<1x16xf32> to vector<16xf32>
        %swap3A_1456 = vector.shape_cast %mul3A_1451 : vector<16xf32> to vector<1x16xf32>
        tpu.vector_store %arg15[%swap3A_1452, %swap3A_1453], %swap3A_1456 {strides = array<i32>} : memref<128x128xf32, #tpu.memory_space<vmem>>, vector<1x16xf32>,
        %get3A_1457 = arith.index_cast %add3A_1436 : i32 to index
        %get3A_1458 = arith.constant 32 : index
        %get3A_1459 = tpu.vector_load %arg15[%get3A_1457, %get3A_1458] {strides = array<i32>} : memref<128x128xf32, #tpu.memory_space<vmem>>, vector<1x16xf32>,
        %get3A_1460 = vector.shape_cast %get3A_1459 : vector<1x16xf32> to vector<16xf32>
        %mul3A_1461 = arith.mulf %get3A_1460, %gather3A_1432 : vector<16xf32>
        %swap3A_1462 = arith.index_cast %add3A_1436 : i32 to index
        %swap3A_1463 = arith.constant 32 : index
        %swap3A_1464 = tpu.vector_load %arg15[%swap3A_1462, %swap3A_1463] {strides = array<i32>} : memref<128x128xf32, #tpu.memory_space<vmem>>, vector<1x16xf32>,
        %swap3A_1465 = vector.shape_cast %swap3A_1464 : vector<1x16xf32> to vector<16xf32>
        %swap3A_1466 = vector.shape_cast %mul3A_1461 : vector<16xf32> to vector<1x16xf32>
        tpu.vector_store %arg15[%swap3A_1462, %swap3A_1463], %swap3A_1466 {strides = array<i32>} : memref<128x128xf32, #tpu.memory_space<vmem>>, vector<1x16xf32>,
        %get3A_1467 = arith.index_cast %add3A_1436 : i32 to index
        %get3A_1468 = arith.constant 48 : index
        %get3A_1469 = tpu.vector_load %arg15[%get3A_1467, %get3A_1468] {strides = array<i32>} : memref<128x128xf32, #tpu.memory_space<vmem>>, vector<1x16xf32>,
        %get3A_1470 = vector.shape_cast %get3A_1469 : vector<1x16xf32> to vector<16xf32>
        %mul3A_1471 = arith.mulf %get3A_1470, %gather3A_1432 : vector<16xf32>
        %swap3A_1472 = arith.index_cast %add3A_1436 : i32 to index
        %swap3A_1473 = arith.constant 48 : index
        %swap3A_1474 = tpu.vector_load %arg15[%swap3A_1472, %swap3A_1473] {strides = array<i32>} : memref<128x128xf32, #tpu.memory_space<vmem>>, vector<1x16xf32>,
        %swap3A_1475 = vector.shape_cast %swap3A_1474 : vector<1x16xf32> to vector<16xf32>
        %swap3A_1476 = vector.shape_cast %mul3A_1471 : vector<16xf32> to vector<1x16xf32>
        tpu.vector_store %arg15[%swap3A_1472, %swap3A_1473], %swap3A_1476 {strides = array<i32>} : memref<128x128xf32, #tpu.memory_space<vmem>>, vector<1x16xf32>,
        %get3A_1477 = arith.index_cast %add3A_1436 : i32 to index
        %get3A_1478 = arith.constant 64 : index
        %get3A_1479 = tpu.vector_load %arg15[%get3A_1477, %get3A_1478] {strides = array<i32>} : memref<128x128xf32, #tpu.memory_space<vmem>>, vector<1x16xf32>,
        %get3A_1480 = vector.shape_cast %get3A_1479 : vector<1x16xf32> to vector<16xf32>
        %mul3A_1481 = arith.mulf %get3A_1480, %gather3A_1432 : vector<16xf32>
        %swap3A_1482 = arith.index_cast %add3A_1436 : i32 to index
        %swap3A_1483 = arith.constant 64 : index
        %swap3A_1484 = tpu.vector_load %arg15[%swap3A_1482, %swap3A_1483] {strides = array<i32>} : memref<128x128xf32, #tpu.memory_space<vmem>>, vector<1x16xf32>,
        %swap3A_1485 = vector.shape_cast %swap3A_1484 : vector<1x16xf32> to vector<16xf32>
        %swap3A_1486 = vector.shape_cast %mul3A_1481 : vector<16xf32> to vector<1x16xf32>
        tpu.vector_store %arg15[%swap3A_1482, %swap3A_1483], %swap3A_1486 {strides = array<i32>} : memref<128x128xf32, #tpu.memory_space<vmem>>, vector<1x16xf32>,
        %get3A_1487 = arith.index_cast %add3A_1436 : i32 to index
        %get3A_1488 = arith.constant 80 : index
        %get3A_1489 = tpu.vector_load %arg15[%get3A_1487, %get3A_1488] {strides = array<i32>} : memref<128x128xf32, #tpu.memory_space<vmem>>, vector<1x16xf32>,
        %get3A_1490 = vector.shape_cast %get3A_1489 : vector<1x16xf32> to vector<16xf32>
        %mul3A_1491 = arith.mulf %get3A_1490, %gather3A_1432 : vector<16xf32>
        %swap3A_1492 = arith.index_cast %add3A_1436 : i32 to index
        %swap3A_1493 = arith.constant 80 : index
        %swap3A_1494 = tpu.vector_load %arg15[%swap3A_1492, %swap3A_1493] {strides = array<i32>} : memref<128x128xf32, #tpu.memory_space<vmem>>, vector<1x16xf32>,
        %swap3A_1495 = vector.shape_cast %swap3A_1494 : vector<1x16xf32> to vector<16xf32>
        %swap3A_1496 = vector.shape_cast %mul3A_1491 : vector<16xf32> to vector<1x16xf32>
        tpu.vector_store %arg15[%swap3A_1492, %swap3A_1493], %swap3A_1496 {strides = array<i32>} : memref<128x128xf32, #tpu.memory_space<vmem>>, vector<1x16xf32>,
        %get3A_1497 = arith.index_cast %add3A_1436 : i32 to index
        %get3A_1498 = arith.constant 96 : index
        %get3A_1499 = tpu.vector_load %arg15[%get3A_1497, %get3A_1498] {strides = array<i32>} : memref<128x128xf32, #tpu.memory_space<vmem>>, vector<1x16xf32>,
        %get3A_1500 = vector.shape_cast %get3A_1499 : vector<1x16xf32> to vector<16xf32>
        %mul3A_1501 = arith.mulf %get3A_1500, %gather3A_1432 : vector<16xf32>
        %swap3A_1502 = arith.index_cast %add3A_1436 : i32 to index
        %swap3A_1503 = arith.constant 96 : index
        %swap3A_1504 = tpu.vector_load %arg15[%swap3A_1502, %swap3A_1503] {strides = array<i32>} : memref<128x128xf32, #tpu.memory_space<vmem>>, vector<1x16xf32>,
        %swap3A_1505 = vector.shape_cast %swap3A_1504 : vector<1x16xf32> to vector<16xf32>
        %swap3A_1506 = vector.shape_cast %mul3A_1501 : vector<16xf32> to vector<1x16xf32>
        tpu.vector_store %arg15[%swap3A_1502, %swap3A_1503], %swap3A_1506 {strides = array<i32>} : memref<128x128xf32, #tpu.memory_space<vmem>>, vector<1x16xf32>,
        %get3A_1507 = arith.index_cast %add3A_1436 : i32 to index
        %get3A_1508 = arith.constant 112 : index
        %get3A_1509 = tpu.vector_load %arg15[%get3A_1507, %get3A_1508] {strides = array<i32>} : memref<128x128xf32, #tpu.memory_space<vmem>>, vector<1x16xf32>,
        %get3A_1510 = vector.shape_cast %get3A_1509 : vector<1x16xf32> to vector<16xf32>
        %mul3A_1511 = arith.mulf %get3A_1510, %gather3A_1432 : vector<16xf32>
        %swap3A_1512 = arith.index_cast %add3A_1436 : i32 to index
        %swap3A_1513 = arith.constant 112 : index
        %swap3A_1514 = tpu.vector_load %arg15[%swap3A_1512, %swap3A_1513] {strides = array<i32>} : memref<128x128xf32, #tpu.memory_space<vmem>>, vector<1x16xf32>,
        %swap3A_1515 = vector.shape_cast %swap3A_1514 : vector<1x16xf32> to vector<16xf32>
        %swap3A_1516 = vector.shape_cast %mul3A_1511 : vector<16xf32> to vector<1x16xf32>
        tpu.vector_store %arg15[%swap3A_1512, %swap3A_1513], %swap3A_1516 {strides = array<i32>} : memref<128x128xf32, #tpu.memory_space<vmem>>, vector<1x16xf32>,
        %lt3A_1517 = arith.constant 0 : i32
        %lt3A_1518 = vector.broadcast %lt3A_1517 : i32 to vector<16xi32>
        %lt3A_1519 = arith.cmpi slt, %broadcast_in_dim3A_49, %lt3A_1518 : vector<16xi32>
        %add3A_1520 = arith.constant 16 : i32
        %add3A_1521 = vector.broadcast %add3A_1520 : i32 to vector<16xi32>
        %add3A_1522 = arith.addi %broadcast_in_dim3A_49, %add3A_1521 : vector<16xi32>
        %select_n3A_1523 = arith.select %lt3A_1519, %add3A_1522, %broadcast_in_dim3A_49 : vector<16xi1>, vector<16xi32>
        %broadcast_in_dim3A_1524 = vector.shape_cast %select_n3A_1523 : vector<16xi32> to vector<16x1xi32>
        %gather3A_1525 = vector.shape_cast %broadcast_in_dim3A_1524 : vector<16x1xi32> to vector<16xi32>
        %gather3A_1526 = tpu.dynamic_gather %get3A_297[%gather3A_1525] in [0] : vector<16xf32>, vector<16xi32> -> vector<16xf32>
        %mul3A_1527 = arith.constant 16 : i32
        %mul3A_1528 = arith.muli %scan3A_291, %mul3A_1527 : i32
        %add3A_1529 = arith.constant 13 : i32
        %add3A_1530 = arith.addi %mul3A_1528, %add3A_1529 : i32
        %get3A_1531 = arith.index_cast %add3A_1530 : i32 to index
        %get3A_1532 = arith.constant 0 : index
        %get3A_1533 = tpu.vector_load %arg15[%get3A_1531, %get3A_1532] {strides = array<i32>} : memref<128x128xf32, #tpu.memory_space<vmem>>, vector<1x16xf32>,
        %get3A_1534 = vector.shape_cast %get3A_1533 : vector<1x16xf32> to vector<16xf32>
        %mul3A_1535 = arith.mulf %get3A_1534, %gather3A_1526 : vector<16xf32>
        %swap3A_1536 = arith.index_cast %add3A_1530 : i32 to index
        %swap3A_1537 = arith.constant 0 : index
        %swap3A_1538 = tpu.vector_load %arg15[%swap3A_1536, %swap3A_1537] {strides = array<i32>} : memref<128x128xf32, #tpu.memory_space<vmem>>, vector<1x16xf32>,
        %swap3A_1539 = vector.shape_cast %swap3A_1538 : vector<1x16xf32> to vector<16xf32>
        %swap3A_1540 = vector.shape_cast %mul3A_1535 : vector<16xf32> to vector<1x16xf32>
        tpu.vector_store %arg15[%swap3A_1536, %swap3A_1537], %swap3A_1540 {strides = array<i32>} : memref<128x128xf32, #tpu.memory_space<vmem>>, vector<1x16xf32>,
        %get3A_1541 = arith.index_cast %add3A_1530 : i32 to index
        %get3A_1542 = arith.constant 16 : index
        %get3A_1543 = tpu.vector_load %arg15[%get3A_1541, %get3A_1542] {strides = array<i32>} : memref<128x128xf32, #tpu.memory_space<vmem>>, vector<1x16xf32>,
        %get3A_1544 = vector.shape_cast %get3A_1543 : vector<1x16xf32> to vector<16xf32>
        %mul3A_1545 = arith.mulf %get3A_1544, %gather3A_1526 : vector<16xf32>
        %swap3A_1546 = arith.index_cast %add3A_1530 : i32 to index
        %swap3A_1547 = arith.constant 16 : index
        %swap3A_1548 = tpu.vector_load %arg15[%swap3A_1546, %swap3A_1547] {strides = array<i32>} : memref<128x128xf32, #tpu.memory_space<vmem>>, vector<1x16xf32>,
        %swap3A_1549 = vector.shape_cast %swap3A_1548 : vector<1x16xf32> to vector<16xf32>
        %swap3A_1550 = vector.shape_cast %mul3A_1545 : vector<16xf32> to vector<1x16xf32>
        tpu.vector_store %arg15[%swap3A_1546, %swap3A_1547], %swap3A_1550 {strides = array<i32>} : memref<128x128xf32, #tpu.memory_space<vmem>>, vector<1x16xf32>,
        %get3A_1551 = arith.index_cast %add3A_1530 : i32 to index
        %get3A_1552 = arith.constant 32 : index
        %get3A_1553 = tpu.vector_load %arg15[%get3A_1551, %get3A_1552] {strides = array<i32>} : memref<128x128xf32, #tpu.memory_space<vmem>>, vector<1x16xf32>,
        %get3A_1554 = vector.shape_cast %get3A_1553 : vector<1x16xf32> to vector<16xf32>
        %mul3A_1555 = arith.mulf %get3A_1554, %gather3A_1526 : vector<16xf32>
        %swap3A_1556 = arith.index_cast %add3A_1530 : i32 to index
        %swap3A_1557 = arith.constant 32 : index
        %swap3A_1558 = tpu.vector_load %arg15[%swap3A_1556, %swap3A_1557] {strides = array<i32>} : memref<128x128xf32, #tpu.memory_space<vmem>>, vector<1x16xf32>,
        %swap3A_1559 = vector.shape_cast %swap3A_1558 : vector<1x16xf32> to vector<16xf32>
        %swap3A_1560 = vector.shape_cast %mul3A_1555 : vector<16xf32> to vector<1x16xf32>
        tpu.vector_store %arg15[%swap3A_1556, %swap3A_1557], %swap3A_1560 {strides = array<i32>} : memref<128x128xf32, #tpu.memory_space<vmem>>, vector<1x16xf32>,
        %get3A_1561 = arith.index_cast %add3A_1530 : i32 to index
        %get3A_1562 = arith.constant 48 : index
        %get3A_1563 = tpu.vector_load %arg15[%get3A_1561, %get3A_1562] {strides = array<i32>} : memref<128x128xf32, #tpu.memory_space<vmem>>, vector<1x16xf32>,
        %get3A_1564 = vector.shape_cast %get3A_1563 : vector<1x16xf32> to vector<16xf32>
        %mul3A_1565 = arith.mulf %get3A_1564, %gather3A_1526 : vector<16xf32>
        %swap3A_1566 = arith.index_cast %add3A_1530 : i32 to index
        %swap3A_1567 = arith.constant 48 : index
        %swap3A_1568 = tpu.vector_load %arg15[%swap3A_1566, %swap3A_1567] {strides = array<i32>} : memref<128x128xf32, #tpu.memory_space<vmem>>, vector<1x16xf32>,
        %swap3A_1569 = vector.shape_cast %swap3A_1568 : vector<1x16xf32> to vector<16xf32>
        %swap3A_1570 = vector.shape_cast %mul3A_1565 : vector<16xf32> to vector<1x16xf32>
        tpu.vector_store %arg15[%swap3A_1566, %swap3A_1567], %swap3A_1570 {strides = array<i32>} : memref<128x128xf32, #tpu.memory_space<vmem>>, vector<1x16xf32>,
        %get3A_1571 = arith.index_cast %add3A_1530 : i32 to index
        %get3A_1572 = arith.constant 64 : index
        %get3A_1573 = tpu.vector_load %arg15[%get3A_1571, %get3A_1572] {strides = array<i32>} : memref<128x128xf32, #tpu.memory_space<vmem>>, vector<1x16xf32>,
        %get3A_1574 = vector.shape_cast %get3A_1573 : vector<1x16xf32> to vector<16xf32>
        %mul3A_1575 = arith.mulf %get3A_1574, %gather3A_1526 : vector<16xf32>
        %swap3A_1576 = arith.index_cast %add3A_1530 : i32 to index
        %swap3A_1577 = arith.constant 64 : index
        %swap3A_1578 = tpu.vector_load %arg15[%swap3A_1576, %swap3A_1577] {strides = array<i32>} : memref<128x128xf32, #tpu.memory_space<vmem>>, vector<1x16xf32>,
        %swap3A_1579 = vector.shape_cast %swap3A_1578 : vector<1x16xf32> to vector<16xf32>
        %swap3A_1580 = vector.shape_cast %mul3A_1575 : vector<16xf32> to vector<1x16xf32>
        tpu.vector_store %arg15[%swap3A_1576, %swap3A_1577], %swap3A_1580 {strides = array<i32>} : memref<128x128xf32, #tpu.memory_space<vmem>>, vector<1x16xf32>,
        %get3A_1581 = arith.index_cast %add3A_1530 : i32 to index
        %get3A_1582 = arith.constant 80 : index
        %get3A_1583 = tpu.vector_load %arg15[%get3A_1581, %get3A_1582] {strides = array<i32>} : memref<128x128xf32, #tpu.memory_space<vmem>>, vector<1x16xf32>,
        %get3A_1584 = vector.shape_cast %get3A_1583 : vector<1x16xf32> to vector<16xf32>
        %mul3A_1585 = arith.mulf %get3A_1584, %gather3A_1526 : vector<16xf32>
        %swap3A_1586 = arith.index_cast %add3A_1530 : i32 to index
        %swap3A_1587 = arith.constant 80 : index
        %swap3A_1588 = tpu.vector_load %arg15[%swap3A_1586, %swap3A_1587] {strides = array<i32>} : memref<128x128xf32, #tpu.memory_space<vmem>>, vector<1x16xf32>,
        %swap3A_1589 = vector.shape_cast %swap3A_1588 : vector<1x16xf32> to vector<16xf32>
        %swap3A_1590 = vector.shape_cast %mul3A_1585 : vector<16xf32> to vector<1x16xf32>
        tpu.vector_store %arg15[%swap3A_1586, %swap3A_1587], %swap3A_1590 {strides = array<i32>} : memref<128x128xf32, #tpu.memory_space<vmem>>, vector<1x16xf32>,
        %get3A_1591 = arith.index_cast %add3A_1530 : i32 to index
        %get3A_1592 = arith.constant 96 : index
        %get3A_1593 = tpu.vector_load %arg15[%get3A_1591, %get3A_1592] {strides = array<i32>} : memref<128x128xf32, #tpu.memory_space<vmem>>, vector<1x16xf32>,
        %get3A_1594 = vector.shape_cast %get3A_1593 : vector<1x16xf32> to vector<16xf32>
        %mul3A_1595 = arith.mulf %get3A_1594, %gather3A_1526 : vector<16xf32>
        %swap3A_1596 = arith.index_cast %add3A_1530 : i32 to index
        %swap3A_1597 = arith.constant 96 : index
        %swap3A_1598 = tpu.vector_load %arg15[%swap3A_1596, %swap3A_1597] {strides = array<i32>} : memref<128x128xf32, #tpu.memory_space<vmem>>, vector<1x16xf32>,
        %swap3A_1599 = vector.shape_cast %swap3A_1598 : vector<1x16xf32> to vector<16xf32>
        %swap3A_1600 = vector.shape_cast %mul3A_1595 : vector<16xf32> to vector<1x16xf32>
        tpu.vector_store %arg15[%swap3A_1596, %swap3A_1597], %swap3A_1600 {strides = array<i32>} : memref<128x128xf32, #tpu.memory_space<vmem>>, vector<1x16xf32>,
        %get3A_1601 = arith.index_cast %add3A_1530 : i32 to index
        %get3A_1602 = arith.constant 112 : index
        %get3A_1603 = tpu.vector_load %arg15[%get3A_1601, %get3A_1602] {strides = array<i32>} : memref<128x128xf32, #tpu.memory_space<vmem>>, vector<1x16xf32>,
        %get3A_1604 = vector.shape_cast %get3A_1603 : vector<1x16xf32> to vector<16xf32>
        %mul3A_1605 = arith.mulf %get3A_1604, %gather3A_1526 : vector<16xf32>
        %swap3A_1606 = arith.index_cast %add3A_1530 : i32 to index
        %swap3A_1607 = arith.constant 112 : index
        %swap3A_1608 = tpu.vector_load %arg15[%swap3A_1606, %swap3A_1607] {strides = array<i32>} : memref<128x128xf32, #tpu.memory_space<vmem>>, vector<1x16xf32>,
        %swap3A_1609 = vector.shape_cast %swap3A_1608 : vector<1x16xf32> to vector<16xf32>
        %swap3A_1610 = vector.shape_cast %mul3A_1605 : vector<16xf32> to vector<1x16xf32>
        tpu.vector_store %arg15[%swap3A_1606, %swap3A_1607], %swap3A_1610 {strides = array<i32>} : memref<128x128xf32, #tpu.memory_space<vmem>>, vector<1x16xf32>,
        %lt3A_1611 = arith.constant 0 : i32
        %lt3A_1612 = vector.broadcast %lt3A_1611 : i32 to vector<16xi32>
        %lt3A_1613 = arith.cmpi slt, %broadcast_in_dim3A_51, %lt3A_1612 : vector<16xi32>
        %add3A_1614 = arith.constant 16 : i32
        %add3A_1615 = vector.broadcast %add3A_1614 : i32 to vector<16xi32>
        %add3A_1616 = arith.addi %broadcast_in_dim3A_51, %add3A_1615 : vector<16xi32>
        %select_n3A_1617 = arith.select %lt3A_1613, %add3A_1616, %broadcast_in_dim3A_51 : vector<16xi1>, vector<16xi32>
        %broadcast_in_dim3A_1618 = vector.shape_cast %select_n3A_1617 : vector<16xi32> to vector<16x1xi32>
        %gather3A_1619 = vector.shape_cast %broadcast_in_dim3A_1618 : vector<16x1xi32> to vector<16xi32>
        %gather3A_1620 = tpu.dynamic_gather %get3A_297[%gather3A_1619] in [0] : vector<16xf32>, vector<16xi32> -> vector<16xf32>
        %mul3A_1621 = arith.constant 16 : i32
        %mul3A_1622 = arith.muli %scan3A_291, %mul3A_1621 : i32
        %add3A_1623 = arith.constant 14 : i32
        %add3A_1624 = arith.addi %mul3A_1622, %add3A_1623 : i32
        %get3A_1625 = arith.index_cast %add3A_1624 : i32 to index
        %get3A_1626 = arith.constant 0 : index
        %get3A_1627 = tpu.vector_load %arg15[%get3A_1625, %get3A_1626] {strides = array<i32>} : memref<128x128xf32, #tpu.memory_space<vmem>>, vector<1x16xf32>,
        %get3A_1628 = vector.shape_cast %get3A_1627 : vector<1x16xf32> to vector<16xf32>
        %mul3A_1629 = arith.mulf %get3A_1628, %gather3A_1620 : vector<16xf32>
        %swap3A_1630 = arith.index_cast %add3A_1624 : i32 to index
        %swap3A_1631 = arith.constant 0 : index
        %swap3A_1632 = tpu.vector_load %arg15[%swap3A_1630, %swap3A_1631] {strides = array<i32>} : memref<128x128xf32, #tpu.memory_space<vmem>>, vector<1x16xf32>,
        %swap3A_1633 = vector.shape_cast %swap3A_1632 : vector<1x16xf32> to vector<16xf32>
        %swap3A_1634 = vector.shape_cast %mul3A_1629 : vector<16xf32> to vector<1x16xf32>
        tpu.vector_store %arg15[%swap3A_1630, %swap3A_1631], %swap3A_1634 {strides = array<i32>} : memref<128x128xf32, #tpu.memory_space<vmem>>, vector<1x16xf32>,
        %get3A_1635 = arith.index_cast %add3A_1624 : i32 to index
        %get3A_1636 = arith.constant 16 : index
        %get3A_1637 = tpu.vector_load %arg15[%get3A_1635, %get3A_1636] {strides = array<i32>} : memref<128x128xf32, #tpu.memory_space<vmem>>, vector<1x16xf32>,
        %get3A_1638 = vector.shape_cast %get3A_1637 : vector<1x16xf32> to vector<16xf32>
        %mul3A_1639 = arith.mulf %get3A_1638, %gather3A_1620 : vector<16xf32>
        %swap3A_1640 = arith.index_cast %add3A_1624 : i32 to index
        %swap3A_1641 = arith.constant 16 : index
        %swap3A_1642 = tpu.vector_load %arg15[%swap3A_1640, %swap3A_1641] {strides = array<i32>} : memref<128x128xf32, #tpu.memory_space<vmem>>, vector<1x16xf32>,
        %swap3A_1643 = vector.shape_cast %swap3A_1642 : vector<1x16xf32> to vector<16xf32>
        %swap3A_1644 = vector.shape_cast %mul3A_1639 : vector<16xf32> to vector<1x16xf32>
        tpu.vector_store %arg15[%swap3A_1640, %swap3A_1641], %swap3A_1644 {strides = array<i32>} : memref<128x128xf32, #tpu.memory_space<vmem>>, vector<1x16xf32>,
        %get3A_1645 = arith.index_cast %add3A_1624 : i32 to index
        %get3A_1646 = arith.constant 32 : index
        %get3A_1647 = tpu.vector_load %arg15[%get3A_1645, %get3A_1646] {strides = array<i32>} : memref<128x128xf32, #tpu.memory_space<vmem>>, vector<1x16xf32>,
        %get3A_1648 = vector.shape_cast %get3A_1647 : vector<1x16xf32> to vector<16xf32>
        %mul3A_1649 = arith.mulf %get3A_1648, %gather3A_1620 : vector<16xf32>
        %swap3A_1650 = arith.index_cast %add3A_1624 : i32 to index
        %swap3A_1651 = arith.constant 32 : index
        %swap3A_1652 = tpu.vector_load %arg15[%swap3A_1650, %swap3A_1651] {strides = array<i32>} : memref<128x128xf32, #tpu.memory_space<vmem>>, vector<1x16xf32>,
        %swap3A_1653 = vector.shape_cast %swap3A_1652 : vector<1x16xf32> to vector<16xf32>
        %swap3A_1654 = vector.shape_cast %mul3A_1649 : vector<16xf32> to vector<1x16xf32>
        tpu.vector_store %arg15[%swap3A_1650, %swap3A_1651], %swap3A_1654 {strides = array<i32>} : memref<128x128xf32, #tpu.memory_space<vmem>>, vector<1x16xf32>,
        %get3A_1655 = arith.index_cast %add3A_1624 : i32 to index
        %get3A_1656 = arith.constant 48 : index
        %get3A_1657 = tpu.vector_load %arg15[%get3A_1655, %get3A_1656] {strides = array<i32>} : memref<128x128xf32, #tpu.memory_space<vmem>>, vector<1x16xf32>,
        %get3A_1658 = vector.shape_cast %get3A_1657 : vector<1x16xf32> to vector<16xf32>
        %mul3A_1659 = arith.mulf %get3A_1658, %gather3A_1620 : vector<16xf32>
        %swap3A_1660 = arith.index_cast %add3A_1624 : i32 to index
        %swap3A_1661 = arith.constant 48 : index
        %swap3A_1662 = tpu.vector_load %arg15[%swap3A_1660, %swap3A_1661] {strides = array<i32>} : memref<128x128xf32, #tpu.memory_space<vmem>>, vector<1x16xf32>,
        %swap3A_1663 = vector.shape_cast %swap3A_1662 : vector<1x16xf32> to vector<16xf32>
        %swap3A_1664 = vector.shape_cast %mul3A_1659 : vector<16xf32> to vector<1x16xf32>
        tpu.vector_store %arg15[%swap3A_1660, %swap3A_1661], %swap3A_1664 {strides = array<i32>} : memref<128x128xf32, #tpu.memory_space<vmem>>, vector<1x16xf32>,
        %get3A_1665 = arith.index_cast %add3A_1624 : i32 to index
        %get3A_1666 = arith.constant 64 : index
        %get3A_1667 = tpu.vector_load %arg15[%get3A_1665, %get3A_1666] {strides = array<i32>} : memref<128x128xf32, #tpu.memory_space<vmem>>, vector<1x16xf32>,
        %get3A_1668 = vector.shape_cast %get3A_1667 : vector<1x16xf32> to vector<16xf32>
        %mul3A_1669 = arith.mulf %get3A_1668, %gather3A_1620 : vector<16xf32>
        %swap3A_1670 = arith.index_cast %add3A_1624 : i32 to index
        %swap3A_1671 = arith.constant 64 : index
        %swap3A_1672 = tpu.vector_load %arg15[%swap3A_1670, %swap3A_1671] {strides = array<i32>} : memref<128x128xf32, #tpu.memory_space<vmem>>, vector<1x16xf32>,
        %swap3A_1673 = vector.shape_cast %swap3A_1672 : vector<1x16xf32> to vector<16xf32>
        %swap3A_1674 = vector.shape_cast %mul3A_1669 : vector<16xf32> to vector<1x16xf32>
        tpu.vector_store %arg15[%swap3A_1670, %swap3A_1671], %swap3A_1674 {strides = array<i32>} : memref<128x128xf32, #tpu.memory_space<vmem>>, vector<1x16xf32>,
        %get3A_1675 = arith.index_cast %add3A_1624 : i32 to index
        %get3A_1676 = arith.constant 80 : index
        %get3A_1677 = tpu.vector_load %arg15[%get3A_1675, %get3A_1676] {strides = array<i32>} : memref<128x128xf32, #tpu.memory_space<vmem>>, vector<1x16xf32>,
        %get3A_1678 = vector.shape_cast %get3A_1677 : vector<1x16xf32> to vector<16xf32>
        %mul3A_1679 = arith.mulf %get3A_1678, %gather3A_1620 : vector<16xf32>
        %swap3A_1680 = arith.index_cast %add3A_1624 : i32 to index
        %swap3A_1681 = arith.constant 80 : index
        %swap3A_1682 = tpu.vector_load %arg15[%swap3A_1680, %swap3A_1681] {strides = array<i32>} : memref<128x128xf32, #tpu.memory_space<vmem>>, vector<1x16xf32>,
        %swap3A_1683 = vector.shape_cast %swap3A_1682 : vector<1x16xf32> to vector<16xf32>
        %swap3A_1684 = vector.shape_cast %mul3A_1679 : vector<16xf32> to vector<1x16xf32>
        tpu.vector_store %arg15[%swap3A_1680, %swap3A_1681], %swap3A_1684 {strides = array<i32>} : memref<128x128xf32, #tpu.memory_space<vmem>>, vector<1x16xf32>,
        %get3A_1685 = arith.index_cast %add3A_1624 : i32 to index
        %get3A_1686 = arith.constant 96 : index
        %get3A_1687 = tpu.vector_load %arg15[%get3A_1685, %get3A_1686] {strides = array<i32>} : memref<128x128xf32, #tpu.memory_space<vmem>>, vector<1x16xf32>,
        %get3A_1688 = vector.shape_cast %get3A_1687 : vector<1x16xf32> to vector<16xf32>
        %mul3A_1689 = arith.mulf %get3A_1688, %gather3A_1620 : vector<16xf32>
        %swap3A_1690 = arith.index_cast %add3A_1624 : i32 to index
        %swap3A_1691 = arith.constant 96 : index
        %swap3A_1692 = tpu.vector_load %arg15[%swap3A_1690, %swap3A_1691] {strides = array<i32>} : memref<128x128xf32, #tpu.memory_space<vmem>>, vector<1x16xf32>,
        %swap3A_1693 = vector.shape_cast %swap3A_1692 : vector<1x16xf32> to vector<16xf32>
        %swap3A_1694 = vector.shape_cast %mul3A_1689 : vector<16xf32> to vector<1x16xf32>
        tpu.vector_store %arg15[%swap3A_1690, %swap3A_1691], %swap3A_1694 {strides = array<i32>} : memref<128x128xf32, #tpu.memory_space<vmem>>, vector<1x16xf32>,
        %get3A_1695 = arith.index_cast %add3A_1624 : i32 to index
        %get3A_1696 = arith.constant 112 : index
        %get3A_1697 = tpu.vector_load %arg15[%get3A_1695, %get3A_1696] {strides = array<i32>} : memref<128x128xf32, #tpu.memory_space<vmem>>, vector<1x16xf32>,
        %get3A_1698 = vector.shape_cast %get3A_1697 : vector<1x16xf32> to vector<16xf32>
        %mul3A_1699 = arith.mulf %get3A_1698, %gather3A_1620 : vector<16xf32>
        %swap3A_1700 = arith.index_cast %add3A_1624 : i32 to index
        %swap3A_1701 = arith.constant 112 : index
        %swap3A_1702 = tpu.vector_load %arg15[%swap3A_1700, %swap3A_1701] {strides = array<i32>} : memref<128x128xf32, #tpu.memory_space<vmem>>, vector<1x16xf32>,
        %swap3A_1703 = vector.shape_cast %swap3A_1702 : vector<1x16xf32> to vector<16xf32>
        %swap3A_1704 = vector.shape_cast %mul3A_1699 : vector<16xf32> to vector<1x16xf32>
        tpu.vector_store %arg15[%swap3A_1700, %swap3A_1701], %swap3A_1704 {strides = array<i32>} : memref<128x128xf32, #tpu.memory_space<vmem>>, vector<1x16xf32>,
        %lt3A_1705 = arith.constant 0 : i32
        %lt3A_1706 = vector.broadcast %lt3A_1705 : i32 to vector<16xi32>
        %lt3A_1707 = arith.cmpi slt, %broadcast_in_dim3A_53, %lt3A_1706 : vector<16xi32>
        %add3A_1708 = arith.constant 16 : i32
        %add3A_1709 = vector.broadcast %add3A_1708 : i32 to vector<16xi32>
        %add3A_1710 = arith.addi %broadcast_in_dim3A_53, %add3A_1709 : vector<16xi32>
        %select_n3A_1711 = arith.select %lt3A_1707, %add3A_1710, %broadcast_in_dim3A_53 : vector<16xi1>, vector<16xi32>
        %broadcast_in_dim3A_1712 = vector.shape_cast %select_n3A_1711 : vector<16xi32> to vector<16x1xi32>
        %gather3A_1713 = vector.shape_cast %broadcast_in_dim3A_1712 : vector<16x1xi32> to vector<16xi32>
        %gather3A_1714 = tpu.dynamic_gather %get3A_297[%gather3A_1713] in [0] : vector<16xf32>, vector<16xi32> -> vector<16xf32>
        %mul3A_1715 = arith.constant 16 : i32
        %mul3A_1716 = arith.muli %scan3A_291, %mul3A_1715 : i32
        %add3A_1717 = arith.constant 15 : i32
        %add3A_1718 = arith.addi %mul3A_1716, %add3A_1717 : i32
        %get3A_1719 = arith.index_cast %add3A_1718 : i32 to index
        %get3A_1720 = arith.constant 0 : index
        %get3A_1721 = tpu.vector_load %arg15[%get3A_1719, %get3A_1720] {strides = array<i32>} : memref<128x128xf32, #tpu.memory_space<vmem>>, vector<1x16xf32>,
        %get3A_1722 = vector.shape_cast %get3A_1721 : vector<1x16xf32> to vector<16xf32>
        %mul3A_1723 = arith.mulf %get3A_1722, %gather3A_1714 : vector<16xf32>
        %swap3A_1724 = arith.index_cast %add3A_1718 : i32 to index
        %swap3A_1725 = arith.constant 0 : index
        %swap3A_1726 = tpu.vector_load %arg15[%swap3A_1724, %swap3A_1725] {strides = array<i32>} : memref<128x128xf32, #tpu.memory_space<vmem>>, vector<1x16xf32>,
        %swap3A_1727 = vector.shape_cast %swap3A_1726 : vector<1x16xf32> to vector<16xf32>
        %swap3A_1728 = vector.shape_cast %mul3A_1723 : vector<16xf32> to vector<1x16xf32>
        tpu.vector_store %arg15[%swap3A_1724, %swap3A_1725], %swap3A_1728 {strides = array<i32>} : memref<128x128xf32, #tpu.memory_space<vmem>>, vector<1x16xf32>,
        %get3A_1729 = arith.index_cast %add3A_1718 : i32 to index
        %get3A_1730 = arith.constant 16 : index
        %get3A_1731 = tpu.vector_load %arg15[%get3A_1729, %get3A_1730] {strides = array<i32>} : memref<128x128xf32, #tpu.memory_space<vmem>>, vector<1x16xf32>,
        %get3A_1732 = vector.shape_cast %get3A_1731 : vector<1x16xf32> to vector<16xf32>
        %mul3A_1733 = arith.mulf %get3A_1732, %gather3A_1714 : vector<16xf32>
        %swap3A_1734 = arith.index_cast %add3A_1718 : i32 to index
        %swap3A_1735 = arith.constant 16 : index
        %swap3A_1736 = tpu.vector_load %arg15[%swap3A_1734, %swap3A_1735] {strides = array<i32>} : memref<128x128xf32, #tpu.memory_space<vmem>>, vector<1x16xf32>,
        %swap3A_1737 = vector.shape_cast %swap3A_1736 : vector<1x16xf32> to vector<16xf32>
        %swap3A_1738 = vector.shape_cast %mul3A_1733 : vector<16xf32> to vector<1x16xf32>
        tpu.vector_store %arg15[%swap3A_1734, %swap3A_1735], %swap3A_1738 {strides = array<i32>} : memref<128x128xf32, #tpu.memory_space<vmem>>, vector<1x16xf32>,
        %get3A_1739 = arith.index_cast %add3A_1718 : i32 to index
        %get3A_1740 = arith.constant 32 : index
        %get3A_1741 = tpu.vector_load %arg15[%get3A_1739, %get3A_1740] {strides = array<i32>} : memref<128x128xf32, #tpu.memory_space<vmem>>, vector<1x16xf32>,
        %get3A_1742 = vector.shape_cast %get3A_1741 : vector<1x16xf32> to vector<16xf32>
        %mul3A_1743 = arith.mulf %get3A_1742, %gather3A_1714 : vector<16xf32>
        %swap3A_1744 = arith.index_cast %add3A_1718 : i32 to index
        %swap3A_1745 = arith.constant 32 : index
        %swap3A_1746 = tpu.vector_load %arg15[%swap3A_1744, %swap3A_1745] {strides = array<i32>} : memref<128x128xf32, #tpu.memory_space<vmem>>, vector<1x16xf32>,
        %swap3A_1747 = vector.shape_cast %swap3A_1746 : vector<1x16xf32> to vector<16xf32>
        %swap3A_1748 = vector.shape_cast %mul3A_1743 : vector<16xf32> to vector<1x16xf32>
        tpu.vector_store %arg15[%swap3A_1744, %swap3A_1745], %swap3A_1748 {strides = array<i32>} : memref<128x128xf32, #tpu.memory_space<vmem>>, vector<1x16xf32>,
        %get3A_1749 = arith.index_cast %add3A_1718 : i32 to index
        %get3A_1750 = arith.constant 48 : index
        %get3A_1751 = tpu.vector_load %arg15[%get3A_1749, %get3A_1750] {strides = array<i32>} : memref<128x128xf32, #tpu.memory_space<vmem>>, vector<1x16xf32>,
        %get3A_1752 = vector.shape_cast %get3A_1751 : vector<1x16xf32> to vector<16xf32>
        %mul3A_1753 = arith.mulf %get3A_1752, %gather3A_1714 : vector<16xf32>
        %swap3A_1754 = arith.index_cast %add3A_1718 : i32 to index
        %swap3A_1755 = arith.constant 48 : index
        %swap3A_1756 = tpu.vector_load %arg15[%swap3A_1754, %swap3A_1755] {strides = array<i32>} : memref<128x128xf32, #tpu.memory_space<vmem>>, vector<1x16xf32>,
        %swap3A_1757 = vector.shape_cast %swap3A_1756 : vector<1x16xf32> to vector<16xf32>
        %swap3A_1758 = vector.shape_cast %mul3A_1753 : vector<16xf32> to vector<1x16xf32>
        tpu.vector_store %arg15[%swap3A_1754, %swap3A_1755], %swap3A_1758 {strides = array<i32>} : memref<128x128xf32, #tpu.memory_space<vmem>>, vector<1x16xf32>,
        %get3A_1759 = arith.index_cast %add3A_1718 : i32 to index
        %get3A_1760 = arith.constant 64 : index
        %get3A_1761 = tpu.vector_load %arg15[%get3A_1759, %get3A_1760] {strides = array<i32>} : memref<128x128xf32, #tpu.memory_space<vmem>>, vector<1x16xf32>,
        %get3A_1762 = vector.shape_cast %get3A_1761 : vector<1x16xf32> to vector<16xf32>
        %mul3A_1763 = arith.mulf %get3A_1762, %gather3A_1714 : vector<16xf32>
        %swap3A_1764 = arith.index_cast %add3A_1718 : i32 to index
        %swap3A_1765 = arith.constant 64 : index
        %swap3A_1766 = tpu.vector_load %arg15[%swap3A_1764, %swap3A_1765] {strides = array<i32>} : memref<128x128xf32, #tpu.memory_space<vmem>>, vector<1x16xf32>,
        %swap3A_1767 = vector.shape_cast %swap3A_1766 : vector<1x16xf32> to vector<16xf32>
        %swap3A_1768 = vector.shape_cast %mul3A_1763 : vector<16xf32> to vector<1x16xf32>
        tpu.vector_store %arg15[%swap3A_1764, %swap3A_1765], %swap3A_1768 {strides = array<i32>} : memref<128x128xf32, #tpu.memory_space<vmem>>, vector<1x16xf32>,
        %get3A_1769 = arith.index_cast %add3A_1718 : i32 to index
        %get3A_1770 = arith.constant 80 : index
        %get3A_1771 = tpu.vector_load %arg15[%get3A_1769, %get3A_1770] {strides = array<i32>} : memref<128x128xf32, #tpu.memory_space<vmem>>, vector<1x16xf32>,
        %get3A_1772 = vector.shape_cast %get3A_1771 : vector<1x16xf32> to vector<16xf32>
        %mul3A_1773 = arith.mulf %get3A_1772, %gather3A_1714 : vector<16xf32>
        %swap3A_1774 = arith.index_cast %add3A_1718 : i32 to index
        %swap3A_1775 = arith.constant 80 : index
        %swap3A_1776 = tpu.vector_load %arg15[%swap3A_1774, %swap3A_1775] {strides = array<i32>} : memref<128x128xf32, #tpu.memory_space<vmem>>, vector<1x16xf32>,
        %swap3A_1777 = vector.shape_cast %swap3A_1776 : vector<1x16xf32> to vector<16xf32>
        %swap3A_1778 = vector.shape_cast %mul3A_1773 : vector<16xf32> to vector<1x16xf32>
        tpu.vector_store %arg15[%swap3A_1774, %swap3A_1775], %swap3A_1778 {strides = array<i32>} : memref<128x128xf32, #tpu.memory_space<vmem>>, vector<1x16xf32>,
        %get3A_1779 = arith.index_cast %add3A_1718 : i32 to index
        %get3A_1780 = arith.constant 96 : index
        %get3A_1781 = tpu.vector_load %arg15[%get3A_1779, %get3A_1780] {strides = array<i32>} : memref<128x128xf32, #tpu.memory_space<vmem>>, vector<1x16xf32>,
        %get3A_1782 = vector.shape_cast %get3A_1781 : vector<1x16xf32> to vector<16xf32>
        %mul3A_1783 = arith.mulf %get3A_1782, %gather3A_1714 : vector<16xf32>
        %swap3A_1784 = arith.index_cast %add3A_1718 : i32 to index
        %swap3A_1785 = arith.constant 96 : index
        %swap3A_1786 = tpu.vector_load %arg15[%swap3A_1784, %swap3A_1785] {strides = array<i32>} : memref<128x128xf32, #tpu.memory_space<vmem>>, vector<1x16xf32>,
        %swap3A_1787 = vector.shape_cast %swap3A_1786 : vector<1x16xf32> to vector<16xf32>
        %swap3A_1788 = vector.shape_cast %mul3A_1783 : vector<16xf32> to vector<1x16xf32>
        tpu.vector_store %arg15[%swap3A_1784, %swap3A_1785], %swap3A_1788 {strides = array<i32>} : memref<128x128xf32, #tpu.memory_space<vmem>>, vector<1x16xf32>,
        %get3A_1789 = arith.index_cast %add3A_1718 : i32 to index
        %get3A_1790 = arith.constant 112 : index
        %get3A_1791 = tpu.vector_load %arg15[%get3A_1789, %get3A_1790] {strides = array<i32>} : memref<128x128xf32, #tpu.memory_space<vmem>>, vector<1x16xf32>,
        %get3A_1792 = vector.shape_cast %get3A_1791 : vector<1x16xf32> to vector<16xf32>
        %mul3A_1793 = arith.mulf %get3A_1792, %gather3A_1714 : vector<16xf32>
        %swap3A_1794 = arith.index_cast %add3A_1718 : i32 to index
        %swap3A_1795 = arith.constant 112 : index
        %swap3A_1796 = tpu.vector_load %arg15[%swap3A_1794, %swap3A_1795] {strides = array<i32>} : memref<128x128xf32, #tpu.memory_space<vmem>>, vector<1x16xf32>,
        %swap3A_1797 = vector.shape_cast %swap3A_1796 : vector<1x16xf32> to vector<16xf32>
        %swap3A_1798 = vector.shape_cast %mul3A_1793 : vector<16xf32> to vector<1x16xf32>
        tpu.vector_store %arg15[%swap3A_1794, %swap3A_1795], %swap3A_1798 {strides = array<i32>} : memref<128x128xf32, #tpu.memory_space<vmem>>, vector<1x16xf32>,
        %scan3A_1799 = arith.constant 0 : i32
        scf.yield %scan3A_1799 : i32
      }
      %scan3A_277 = arith.constant 8 : i32
      %dma_start3A_278 = tpu.memref_slice %arg5[%add3A_191] : memref<327680xf32, #tpu.memory_space<hbm>> -> memref<128xf32, #tpu.memory_space<hbm>>
      %dma_start3A_279 = tpu.memref_slice %arg5[%add3A_191] : memref<327680xf32, #tpu.memory_space<hbm>> -> memref<128xf32, #tpu.memory_space<hbm>>
      tpu.enqueue_dma source(%dma_start3A_279 : memref<128xf32, #tpu.memory_space<hbm>>) target(%arg12 : memref<128xf32, #tpu.memory_space<vmem>>) target_semaphore(%arg20 : memref<!tpu.dma_semaphore, #tpu.memory_space<semaphore_mem>>)
      %run_scoped3A_280 = arith.constant 0 : i32
      "tpu.region"() ({
        %run_scoped3A_291 = tpu.sem_alloc : memref<!tpu.dma_semaphore, #tpu.memory_space<semaphore_mem>>
        %dma_start3A_292 = arith.constant 0 : i32
        %dma_start3A_293 = tpu.memref_slice %arg13[%run_scoped3A_280, %dma_start3A_292] : memref<1x128xi32, #tpu.memory_space<vmem>> -> memref<1x128xi32, #tpu.memory_space<vmem>>
        %dma_start3A_294 = tpu.memref_squeeze %dma_start3A_293 : memref<1x128xi32, #tpu.memory_space<vmem>> -> memref<128xi32, #tpu.memory_space<vmem>>
        %dma_start3A_295 = arith.constant 0 : i32
        %dma_start3A_296 = arith.constant 0 : i32
        %dma_start3A_297 = tpu.memref_slice %arg16[%dma_start3A_295, %dma_start3A_296] : memref<10240x128xf32, #tpu.memory_space<vmem_shared>> -> memref<10240x128xf32, #tpu.memory_space<vmem_shared>>
        tpu.enqueue_indirect_dma source(%arg15 : memref<128x128xf32, #tpu.memory_space<vmem>>) target(%dma_start3A_297 : memref<10240x128xf32, #tpu.memory_space<vmem_shared>>) offsets(%dma_start3A_294 : memref<128xi32, #tpu.memory_space<vmem>>) semaphore(%run_scoped3A_291 : memref<!tpu.dma_semaphore, #tpu.memory_space<semaphore_mem>>) {add = true}
        %dma_wait3A_298 = arith.constant 0 : i32
        %dma_wait3A_299 = tpu.memref_slice %arg13[%run_scoped3A_280, %dma_wait3A_298] : memref<1x128xi32, #tpu.memory_space<vmem>> -> memref<1x128xi32, #tpu.memory_space<vmem>>
        %dma_wait3A_300 = tpu.memref_squeeze %dma_wait3A_299 : memref<1x128xi32, #tpu.memory_space<vmem>> -> memref<128xi32, #tpu.memory_space<vmem>>
        %dma_wait3A_301 = arith.constant 0 : i32
        %dma_wait3A_302 = arith.constant 0 : i32
        %dma_wait3A_303 = tpu.memref_slice %arg16[%dma_wait3A_301, %dma_wait3A_302] : memref<10240x128xf32, #tpu.memory_space<vmem_shared>> -> memref<10240x128xf32, #tpu.memory_space<vmem_shared>>
        tpu.wait_indirect_dma semaphore(%run_scoped3A_291 : memref<!tpu.dma_semaphore, #tpu.memory_space<semaphore_mem>>) src(%arg15 : memref<128x128xf32, #tpu.memory_space<vmem>>) dst(%dma_wait3A_303 : memref<10240x128xf32, #tpu.memory_space<vmem_shared>>)
        tpu.yield
      }) : () -> ()
      %dma_wait3A_281 = tpu.memref_slice %arg4[%add3A_191] : memref<327680xi32, #tpu.memory_space<hbm>> -> memref<128xi32, #tpu.memory_space<hbm>>
      %dma_wait3A_282 = tpu.memref_slice %arg4[%add3A_191] : memref<327680xi32, #tpu.memory_space<hbm>> -> memref<128xi32, #tpu.memory_space<hbm>>
      tpu.wait_dma2 semaphore(%arg20 : memref<!tpu.dma_semaphore, #tpu.memory_space<semaphore_mem>>) src(%dma_wait3A_282 : memref<128xi32, #tpu.memory_space<hbm>>) dst(%arg10 : memref<128xi32, #tpu.memory_space<vmem>>)
      %dma_wait3A_283 = tpu.memref_slice %arg3[%add3A_191] : memref<327680xi32, #tpu.memory_space<hbm>> -> memref<128xi32, #tpu.memory_space<hbm>>
      %dma_wait3A_284 = tpu.memref_slice %arg3[%add3A_191] : memref<327680xi32, #tpu.memory_space<hbm>> -> memref<128xi32, #tpu.memory_space<hbm>>
      tpu.wait_dma2 semaphore(%arg20 : memref<!tpu.dma_semaphore, #tpu.memory_space<semaphore_mem>>) src(%dma_wait3A_284 : memref<128xi32, #tpu.memory_space<hbm>>) dst(%arg8 : memref<128xi32, #tpu.memory_space<vmem>>)
      %dma_wait3A_285 = tpu.memref_slice %arg5[%add3A_191] : memref<327680xf32, #tpu.memory_space<hbm>> -> memref<128xf32, #tpu.memory_space<hbm>>
      %dma_wait3A_286 = tpu.memref_slice %arg5[%add3A_191] : memref<327680xf32, #tpu.memory_space<hbm>> -> memref<128xf32, #tpu.memory_space<hbm>>
      tpu.wait_dma2 semaphore(%arg20 : memref<!tpu.dma_semaphore, #tpu.memory_space<semaphore_mem>>) src(%dma_wait3A_286 : memref<128xf32, #tpu.memory_space<hbm>>) dst(%arg12 : memref<128xf32, #tpu.memory_space<vmem>>)
      %dma_start3A_287 = arith.constant 0 : i32
      %dma_start3A_288 = arith.constant 0 : i32
      %dma_start3A_289 = tpu.memref_slice %arg2[%dma_start3A_287, %dma_start3A_288] : memref<10000x128xf32, #tpu.memory_space<hbm>> -> memref<10000x128xf32, #tpu.memory_space<hbm>>
      tpu.enqueue_indirect_dma source(%dma_start3A_289 : memref<10000x128xf32, #tpu.memory_space<hbm>>) target(%arg15 : memref<128x128xf32, #tpu.memory_space<vmem>>) offsets(%arg8 : memref<128xi32, #tpu.memory_space<vmem>>) semaphore(%arg18 : memref<!tpu.dma_semaphore, #tpu.memory_space<semaphore_mem>>)
      %scan3A_290 = arith.constant 0 : i32
      scf.yield %scan3A_290 : i32
    }
    %scan3A_69 = arith.constant 40 : i32
    %dma_wait3A = arith.constant 0 : i32
    %dma_wait3A_70 = arith.constant 0 : i32
    %dma_wait3A_71 = tpu.memref_slice %arg2[%dma_wait3A, %dma_wait3A_70] : memref<10000x128xf32, #tpu.memory_space<hbm>> -> memref<10000x128xf32, #tpu.memory_space<hbm>>
    tpu.wait_indirect_dma semaphore(%arg17 : memref<!tpu.dma_semaphore, #tpu.memory_space<semaphore_mem>>) src(%dma_wait3A_71 : memref<10000x128xf32, #tpu.memory_space<hbm>>) dst(%arg14 : memref<128x128xf32, #tpu.memory_space<vmem>>)
    %dma_wait3A_72 = arith.constant 0 : i32
    %dma_wait3A_73 = arith.constant 0 : i32
    %dma_wait3A_74 = tpu.memref_slice %arg2[%dma_wait3A_72, %dma_wait3A_73] : memref<10000x128xf32, #tpu.memory_space<hbm>> -> memref<10000x128xf32, #tpu.memory_space<hbm>>
    tpu.wait_indirect_dma semaphore(%arg18 : memref<!tpu.dma_semaphore, #tpu.memory_space<semaphore_mem>>) src(%dma_wait3A_74 : memref<10000x128xf32, #tpu.memory_space<hbm>>) dst(%arg15 : memref<128x128xf32, #tpu.memory_space<vmem>>)
    %barrier3A_75 = arith.constant 0 : index
    tpu.barrier barrier_id(%barrier3A_75)
    "tpu.region"() ({
      %run_scoped3A = tpu.sem_alloc : memref<!tpu.dma_semaphore, #tpu.memory_space<semaphore_mem>>
      %dma_start3A_76 = arith.constant 0 : i32
      %dma_start3A_77 = tpu.memref_slice %arg6[%arg0, %mul3A_11, %dma_start3A_76] : memref<2x10240x128xf32, #tpu.memory_space<hbm>> -> memref<1x640x128xf32, #tpu.memory_space<hbm>>
      %dma_start3A_78 = tpu.memref_squeeze %dma_start3A_77 : memref<1x640x128xf32, #tpu.memory_space<hbm>> -> memref<640x128xf32, #tpu.memory_space<hbm>>
      %dma_start3A_79 = arith.constant 0 : i32
      %dma_start3A_80 = tpu.memref_slice %arg16[%mul3A_11, %dma_start3A_79] : memref<10240x128xf32, #tpu.memory_space<vmem_shared>> -> memref<640x128xf32, #tpu.memory_space<vmem_shared>>
      tpu.enqueue_dma source(%dma_start3A_80 : memref<640x128xf32, #tpu.memory_space<vmem_shared>>) target(%dma_start3A_78 : memref<640x128xf32, #tpu.memory_space<hbm>>) target_semaphore(%run_scoped3A : memref<!tpu.dma_semaphore, #tpu.memory_space<semaphore_mem>>)
      %dma_wait3A_81 = arith.constant 0 : i32
      %dma_wait3A_82 = tpu.memref_slice %arg6[%arg0, %mul3A_11, %dma_wait3A_81] : memref<2x10240x128xf32, #tpu.memory_space<hbm>> -> memref<1x640x128xf32, #tpu.memory_space<hbm>>
      %dma_wait3A_83 = tpu.memref_squeeze %dma_wait3A_82 : memref<1x640x128xf32, #tpu.memory_space<hbm>> -> memref<640x128xf32, #tpu.memory_space<hbm>>
      %dma_wait3A_84 = arith.constant 0 : i32
      %dma_wait3A_85 = tpu.memref_slice %arg16[%mul3A_11, %dma_wait3A_84] : memref<10240x128xf32, #tpu.memory_space<vmem_shared>> -> memref<640x128xf32, #tpu.memory_space<vmem_shared>>
      tpu.wait_dma2 semaphore(%run_scoped3A : memref<!tpu.dma_semaphore, #tpu.memory_space<semaphore_mem>>) src(%dma_wait3A_85 : memref<640x128xf32, #tpu.memory_space<vmem_shared>>) dst(%dma_wait3A_83 : memref<640x128xf32, #tpu.memory_space<hbm>>)
      tpu.yield
    }) : () -> ()
    return
  }
}

module attributes {stable_mosaic.version = 14 : i64} {
  func.func @body(%arg0: i32, %arg1: memref<2x1000x128xf32, #tpu.memory_space<vmem>>, %arg2: memref<128x128xf32, #tpu.memory_space<vmem>>, %arg3: memref<1x128xf32, #tpu.memory_space<vmem>>, %arg4: memref<1000x128xf32, #tpu.memory_space<vmem>>) attributes {dimension_semantics = [#tpu.dimension_semantics<arbitrary>], iteration_bounds = array<i64: 10>, scalar_prefetch = 0 : i64, scratch_operands = 0 : i64, tpu.core_type = #tpu.core_type<tc>, window_params = [{transform_indices = @transform_0, window_bounds = array<i64: 2, 1000, 128>}, {pipeline_mode = #tpu.pipeline_mode<synchronous>, transform_indices = @transform_1, window_bounds = array<i64: 128, 128>}, {pipeline_mode = #tpu.pipeline_mode<synchronous>, transform_indices = @transform_2, window_bounds = array<i64: 1, 128>}, {transform_indices = @transform_3, window_bounds = array<i64: 1000, 128>}]} {
    %get3A = arith.constant 0 : index
    %get3A_0 = arith.constant 0 : index
    %get3A_1 = arith.constant 0 : index
    %get3A_2 = vector.load %arg1[%get3A, %get3A_0, %get3A_1] : memref<2x1000x128xf32, #tpu.memory_space<vmem>>, vector<1x1000x128xf32>
    %get3A_3 = vector.shape_cast %get3A_2 : vector<1x1000x128xf32> to vector<1000x128xf32>
    %get3A_4 = arith.constant 1 : index
    %get3A_5 = arith.constant 0 : index
    %get3A_6 = arith.constant 0 : index
    %get3A_7 = vector.load %arg1[%get3A_4, %get3A_5, %get3A_6] : memref<2x1000x128xf32, #tpu.memory_space<vmem>>, vector<1x1000x128xf32>
    %get3A_8 = vector.shape_cast %get3A_7 : vector<1x1000x128xf32> to vector<1000x128xf32>
    %add3A = arith.addf %get3A_3, %get3A_8 : vector<1000x128xf32>
    %get3A_9 = arith.constant 0 : index
    %get3A_10 = arith.constant 0 : index
    %get3A_11 = vector.load %arg2[%get3A_9, %get3A_10] : memref<128x128xf32, #tpu.memory_space<vmem>>, vector<128x128xf32>
    %dot_general3A = arith.constant dense<0.000000e+00> : vector<1000x128xf32>
    %dot_general3A_12 = tpu.matmul %add3A, %get3A_11, %dot_general3A {dimension_numbers = #tpu.dot_dimension_numbers<[1], [0], [0], [1], [0, 0, 1, 1], [], []>, transpose_lhs_hint = false} : vector<1000x128xf32>, vector<128x128xf32>, vector<1000x128xf32> -> vector<1000x128xf32>
    %get3A_13 = arith.constant 0 : index
    %get3A_14 = arith.constant 0 : index
    %get3A_15 = vector.load %arg3[%get3A_13, %get3A_14] : memref<1x128xf32, #tpu.memory_space<vmem>>, vector<1x128xf32>
    %add3A_16 = vector.broadcast %get3A_15 : vector<1x128xf32> to vector<1000x128xf32>
    %add3A_17 = arith.addf %dot_general3A_12, %add3A_16 : vector<1000x128xf32>
    %swap3A = arith.constant 0 : index
    %swap3A_18 = arith.constant 0 : index
    %swap3A_19 = vector.load %arg4[%swap3A, %swap3A_18] : memref<1000x128xf32, #tpu.memory_space<vmem>>, vector<1000x128xf32>
    tpu.vector_store %arg4[%swap3A, %swap3A_18], %add3A_17 {strides = array<i32>} : memref<1000x128xf32, #tpu.memory_space<vmem>>, vector<1000x128xf32>,
    return
  }
  func.func @transform_0(%arg0: i32) -> (i32, i32, i32) {
    %c0_i32 = arith.constant 0 : i32
    %c0_i32_0 = arith.constant 0 : i32
    %c0_i32_1 = arith.constant 0 : i32
    return %c0_i32, %arg0, %c0_i32_0 : i32, i32, i32
  }
  func.func @transform_1(%arg0: i32) -> (i32, i32) {
    %c0_i32 = arith.constant 0 : i32
    %c0_i32_0 = arith.constant 0 : i32
    %c0_i32_1 = arith.constant 0 : i32
    return %c0_i32, %c0_i32_0 : i32, i32
  }
  func.func @transform_2(%arg0: i32) -> (i32, i32) {
    %c0_i32 = arith.constant 0 : i32
    %c0_i32_0 = arith.constant 0 : i32
    %c0_i32_1 = arith.constant 0 : i32
    return %c0_i32, %c0_i32_0 : i32, i32
  }
  func.func @transform_3(%arg0: i32) -> (i32, i32) {
    %c0_i32 = arith.constant 0 : i32
    %c0_i32_0 = arith.constant 0 : i32
    return %arg0, %c0_i32 : i32, i32
  }
}

</mosaic_0001>

<sc_bundles>
// kernel: kernel.4.cloned.1.call-start
scs
__scs_entry_jumppad:
0x0: {  	(pc) =	sbr.rel $0x88, $3  }
0x1: {  	(tag) =	ssettag $0x0;
	lr =	simm.s32 $0x1  }
0x2: {  	[smem:$0x3F9C] =	sst lr;
	_ =	strace $0xD0000000  }
0x3: {  	_ = 	snop  }
0x4: {  	_ = 	snop  }
0x5: {  	_ = 	snop  }
0x6: {  	_ = 	snop  }
0x7: {  	_ = 	snop  }
__scs_overlays_trampoline_lowered:
0x8: {  	[smem:$0x3FAB] =	sst s0  }
0x9: {  	[smem:$0x3FAC] =	sst s1  }
0xa: {  	[smem:$0x3FAD] =	sst s2  }
0xb: {  	[smem:$0x3FAE] =	sst s3  }
0xc: {  	[smem:$0x3FAF] =	sst s4  }
0xd: {  	[smem:$0x3FB0] =	sst s5  }
0xe: {  	[smem:$0x3FB1] =	sst s6  }
0xf: {  	[smem:$0x3FB2] =	sst s7  }
0x10: {  	[smem:$0x3FB3] =	sst s8  }
0x11: {  	[smem:$0x3FB4] =	sst s9;
	s0 =	simm.s32 @!p0 $0x0  }
0x12: {  	s1 =	sld [smem:$0x3F9A];
	s0 =	simm.s32 @p0 $0x1  }
0x13: {  	[smem:$0x3FB5] =	sst s0;
	s0 =	simm.s32 @!p1 $0x0  }
0x14: {  	s2 =	sld [smem:$0x3F99];
	s0 =	simm.s32 @p1 $0x1  }
0x15: {  	[smem:$0x3FB6] =	sst s0;
	s0 =	simm.s32 @!p2 $0x0  }
0x16: {  	s3 =	sld [smem:$0x3FDB];
	s0 =	simm.s32 @p2 $0x1  }
0x17: {  	s4 =	simm.s32 $0x1BF5;
	[smem:$0x3FB8] =	sst s0  }
0x18: {  	s0 =	sld [smem:$0x3F9B];
	_ =	swait.ge [sflag:s4], $0x0  }
0x19: {  	s7 =	sld [smem:$0x3F9C]  }
0x1a: {  	s8 =	sadd.s32 $0xFFFFE003, lr  }
0x1b: {  	s9 =	sadd.s32 $0xFFFFFEF7, lr;
	s5 =	simm.s32 $0xFFFFFFFF;
	p2 =	slt.u32 s8, $0xFFFFF086  }
0x1c: {  	p1 =	slt.u32 s9, $0xF7A;
	s5 =	simm.s32 @!p2 $0x0  }
0x1d: {  	s5 =	simm.s32 @p1 $0x1;
	p0 =	seq.s32 s7, s2  }
0x1e: {  	s7 =	smul.u32 @!p0 $0xF7A, s2;
	p2 =	seq.s32 @!p0 s5, $0x0  }
0x1f: {  	s9 =	smul.u32 $0xF7A, s1;
	s8 =	simm.s32 @!p0 $0x1BF5;
	p2 =	por !p2, p0  }
0x20: {  	[sflag:s8] =	ssyncset.s32 @!p0 $0xFFFFF086;
	s6 =	sadd.s32 @!p0 s3, s7;
	s7 =	simm.s32 @!p0 $0x108  }
0x21: {  	s3 =	sadd.s32 s3, s9;
	s6 =	sadd.s32 @!p0 $0x88, s6;
	s7 =	simm.s32 @p2 $0x1082  }
0x22: {  	[simem:s7], [sflag:s8] =	dma.local @!p0 [hbm:s6], $0xF7A  }
0x23: {  	s9 =	sor.u32 $0xD0000000, s2;
	s6 =	simm.s32 $0x108;
	_ =	swait.ge @!p0 [sflag:s8], $0x0  }
0x24: {  	s3 =	sadd.s32 $0x88, s3;
	s6 =	simm.s32 @!p1 $0x1082;
	[sflag:s4] =	ssyncset.s32 $0xFFFFF086  }
0x25: {  	[simem:s6], [sflag:s4] =	dma.local [hbm:s3], $0xF7A  }
0x26: {  	[smem:$0x3F9C] =	sst s1;
	(tag) =	ssettag s2;
	_ =	strace s9  }
0x27: {  	s1 =	sld [smem:$0x3FAC]  }
0x28: {  	s2 =	sld [smem:$0x3FAD]  }
0x29: {  	s4 =	sld [smem:$0x3FAF]  }
0x2a: {  	p0 =	seq.s32 s5, $0x0;
	s5 =	sld [smem:$0x3FB0]  }
0x2b: {  	s6 =	sld [smem:$0x3FB1]  }
0x2c: {  	s7 =	sld [smem:$0x3FB2]  }
0x2d: {  	s3 =	simm.s32 $0x108;
	s8 =	sld [smem:$0x3FB3]  }
0x2e: {  	s3 =	simm.s32 @!p0 $0x1082;
	s9 =	sld [smem:$0x3FB4]  }
0x2f: {  	lr =	sadd.s32 s0, s3;
	s0 =	sld [smem:$0x3FAB]  }
0x30: {  	s3 =	sld [smem:$0x3FAE]  }
0x31: {  	[smem:$0x3FB7] =	sst s10  }
0x32: {  	s10 =	sld [smem:$0x3FB5];
	_ =	sdelay $0x3  }
0x33: {  	p0 =	seq.s32 s10, $0x1;
	s10 =	sld [smem:$0x3FB7];
	_ =	sdelay $0x3  }
0x34: {  	[smem:$0x3FB7] =	sst s10  }
0x35: {  	s10 =	sld [smem:$0x3FB6];
	_ =	sdelay $0x3  }
0x36: {  	p1 =	seq.s32 s10, $0x1;
	s10 =	sld [smem:$0x3FB7];
	_ =	sdelay $0x3  }
0x37: {  	[smem:$0x3FB7] =	sst s10  }
0x38: {  	s10 =	sld [smem:$0x3FB8]  }
0x39: {  	_ = 	snop;
	(pc) =	sbr.ind lr, $3  }
0x3a: {  	_ = 	snop  }
0x3b: {  	_ = 	snop  }
0x3c: {  	p2 =	seq.s32 s10, $0x1;
	s10 =	sld [smem:$0x3FB7]  }
0x3d: {  	_ =	shalt  }
0x3e: {  	_ =	shalt  }
0x3f: {  	_ =	shalt  }
0x40: {  	_ =	shalt  }
0x41: {  	_ =	shalt  }
0x42: {  	_ =	shalt  }
0x43: {  	_ =	shalt  }
0x44: {  	_ =	shalt  }
0x45: {  	_ =	shalt  }
0x46: {  	_ =	shalt  }
0x47: {  	_ =	shalt  }
0x48: {  	_ =	shalt  }
0x49: {  	_ =	shalt  }
0x4a: {  	_ =	shalt  }
0x4b: {  	_ =	shalt  }
0x4c: {  	_ =	shalt  }
0x4d: {  	_ =	shalt  }
0x4e: {  	_ =	shalt  }
0x4f: {  	_ =	shalt  }
0x50: {  	_ =	shalt  }
0x51: {  	_ =	shalt  }
0x52: {  	_ =	shalt  }
0x53: {  	_ =	shalt  }
0x54: {  	_ =	shalt  }
0x55: {  	_ =	shalt  }
0x56: {  	_ =	shalt  }
0x57: {  	_ =	shalt  }
0x58: {  	_ =	shalt  }
0x59: {  	_ =	shalt  }
0x5a: {  	_ =	shalt  }
0x5b: {  	_ =	shalt  }
0x5c: {  	_ =	shalt  }
0x5d: {  	_ =	shalt  }
0x5e: {  	_ =	shalt  }
0x5f: {  	_ =	shalt  }
0x60: {  	_ =	shalt  }
0x61: {  	_ =	shalt  }
0x62: {  	_ =	shalt  }
0x63: {  	_ =	shalt  }
0x64: {  	_ =	shalt  }
0x65: {  	_ =	shalt  }
0x66: {  	_ =	shalt  }
0x67: {  	_ =	shalt  }
0x68: {  	_ =	shalt  }
0x69: {  	_ =	shalt  }
0x6a: {  	_ =	shalt  }
0x6b: {  	_ =	shalt  }
0x6c: {  	_ =	shalt  }
0x6d: {  	_ =	shalt  }
0x6e: {  	_ =	shalt  }
0x6f: {  	_ =	shalt  }
0x70: {  	_ =	shalt  }
0x71: {  	_ =	shalt  }
0x72: {  	_ =	shalt  }
0x73: {  	_ =	shalt  }
0x74: {  	_ =	shalt  }
0x75: {  	_ =	shalt  }
0x76: {  	_ =	shalt  }
0x77: {  	_ =	shalt  }
0x78: {  	_ =	shalt  }
0x79: {  	_ =	shalt  }
0x7a: {  	_ =	shalt  }
0x7b: {  	_ =	shalt  }
0x7c: {  	_ =	shalt  }
0x7d: {  	_ =	shalt  }
0x7e: {  	_ =	shalt  }
0x7f: {  	_ =	shalt  }
0x80: {  	_ =	shalt  }
0x81: {  	_ =	shalt  }
0x82: {  	_ =	shalt  }
0x83: {  	_ =	shalt  }
0x84: {  	_ =	shalt  }
0x85: {  	_ =	shalt  }
0x86: {  	_ =	shalt  }
0x87: {  	_ =	shalt  }
.Lfunc_end0:
.L_simem_size_0:
called_computation_lowered:
.L_overlay_start_0:
0x88: {  	s2 =	sld [smem:$0x3FD9]  }
0x89: {  	s3 =	sld [smem:$0x3FFE];
	_ =	sdelay $0x1  }
0x8a: {  	s1 =	srdreg.scid  }
0x8b: {  	s0 =	sand.u32 $0x1, s1  }
0x8c: {  	s17 =	sshll.u32 s0, $0xA;
	s2 =	sadd.s32 s3, s2  }
0x8d: {  	s2 =	sadd.s32 s2, s17  }
0x8e: {  	[smem:$0x3FC3] =	sst s2  }
0x8f: {  	_ = 	snop  }
0x90: {  	s2 =	sld [smem:$0x3FC9]  }
0x91: {  	s18 =	sld [smem:$0x3FD0];
	(tm) =	ssettm $0x1  }
0x92: {  	s4 =	sld [smem:$0x3FFB];
	_ =	sdelay $0x3  }
0x93: {  	_ =	strace s4  }
0x94: {  	s4 =	sld [smem:$0x3FFC];
	_ =	sdelay $0x3  }
0x95: {  	_ =	strace s4  }
0x96: {  	s4 =	sld [smem:$0x3FFD];
	_ =	sdelay $0x3  }
0x97: {  	_ =	strace s4  }
0x98: {  	_ =	strace $0x8FFFFFFF  }
0x99: {  	s19 =	sld [smem:$0x3FDB];
	_ =	sdelay $0x1  }
0x9a: {  	s5 =	simm.s32 $_scs_section_size  }
0x9b: {  	s6 =	simm.s32 $_size__tile_overlayer_lowered;
	s7 =	simm.s32 $_tile_overlayer_lowered  }
0x9c: {  	s22 =	simm.s32 $0x1BFF;
	s21 =	sshll.u32 s7, $0x1;
	s4 =	sadd.s32 s5, s19  }
0x9d: {  	s8 =	simm.s32 $0x0;
	s20 =	sshll.u32 s6, $0x1;
	s6 =	sadd.s32 s21, s4  }
0x9e: {  	[timem:s8], [sflag:s22] =	dma.local [hbm:s6], s20  }
0x9f: {  	_ =	swait.ge [sflag:s22], s20  }
0xa0: {  	s5 =	ssub.s32 $0x0, s20;
	[sflag:s22] =	ssyncset.done $0x0  }
0xa1: {  	[sflag:s22] =	ssyncadd.s32 s5;
	_ =	sdelay $0x1  }
0xa2: {  	s23 =	simm.s32 $0x1B8B  }
0xa3: {  	_ =	swait.ge [sflag:s23], $0x1  }
0xa4: {  	[sflag:s23] =	ssyncset.done $0x0  }
0xa5: {  	s25 =	simm.s32 $0x1B8E;
	s24 =	sld [smem:$0x3FFE];
	[sflag:s23] =	ssyncadd.s32 $0xFFFFFFFF  }
0xa6: {  	s26 =	simm.s32 $execute0_lowered;
	[smem:$0x3FD2] =	sst s25  }
0xa7: {  	s6 =	sshll.u32 s26, $0x1;
	_ =	strace $0x80000046;
	[dreg:$0x1] =	wrdreg $0xFFFFFFFF  }
0xa8: {  	s28 =	simm.s32 $_size_execute0_lowered;
	s4 =	sadd.s32 s4, s6;
	[dreg:$0x0] =	wrdreg $0x0  }
0xa9: {  	s6 =	sshll.u32 s28, $0x1;
	[dreg:$0x2] =	wrdreg s4  }
0xaa: {  	[dreg:$0x3] =	wrdreg s6  }
0xab: {  	[dreg:$0x4] =	wrdreg $0xC0  }
0xac: {  	_ =	task [dreg:s8], $0x5FFFF  }
0xad: {  	[dreg:$0x1] =	wrdreg $0xFFFFFFFF  }
0xae: {  	[dreg:$0x0] =	wrdreg $0x60  }
0xaf: {  	[dreg:$0x2] =	wrdreg s2  }
0xb0: {  	[dreg:$0x3] =	wrdreg s18  }
0xb1: {  	[dreg:$0x4] =	wrdreg s24  }
0xb2: {  	[dreg:$0x5] =	wrdreg $0x83800  }
0xb3: {  	[dreg:$0x6] =	wrdreg $0x9  }
0xb4: {  	_ =	task.clear_ibuf [dreg:s8], $0x7FFFF;
	_ =	strace $0x90000046  }
0xb5: {  	s29 =	simm.s32 $0x9;
	_ =	strace $0x80000048  }
0xb6: {  	_ =	swait.ge [sflag:s29], $0x1  }
0xb7: {  	[sflag:s29] =	ssyncadd.s32 $0xFFFFFFFF  }
0xb8: {  	_ =	strace $0x90000048  }
0xb9: {  	_ =	sfence  }
0xba: {  	s30 =	sld [smem:$0x0];
	_ =	sdelay $0x2  }
0xbb: {  	s31 =	sshll.u32 s1, $0xD;
	s1 =	sshrl.u32 s1, $0x2  }
0xbc: {  	s3 =	sand.u32 $0x4000, s31;
	s1 =	sadd.s32 s1, s30  }
0xbd: {  	s0 =	sor.u32 s3, s0;
	s1 =	sshll.u32 s1, $0x11  }
0xbe: {  	s0 =	sor.u32 s1, s0  }
0xbf: {  	s0 =	sadd.s32 $0x8F2B, s0  }
0xc0: {  	[sflag:s0] =	ssyncadd.remote.s32 $0x1  }
0xc1: {  	_ =	sfence.sel $0xFFFF  }
0xc2: {  	[dreg:$0x0] =	wrdreg $0xFFFFFFFF;
	(pc) =	sbr.abs _section_cstart, $3  }
0xc3: {  	[dreg:$0x1] =	wrdreg $0xFFFFFFFF  }
0xc4: {  	_ =	task.clear_ibuf [dreg:s8], $0x2FFFF;
	_ =	strace $0x9FFFFFFF  }
0xc5: {  	(tm) =	ssettm $0x7FFFFFFF  }
tec
execute0_lowered:
.L_overlay_start_1:
0x0: {  	(tag) =	ssettag $0x1  }
0x1: {  	s1 =	rddreg [dreg:$0x0]  }
0x2: {  	s2 =	rddreg [dreg:$0x1]  }
0x3: {  	s0 =	rddreg [dreg:$0x2]  }
0x4: {  	s3 =	rddreg [dreg:$0x3];
	s4 =	srdreg.scid;
	s5 =	simm.s32 $0x0  }
0x5: {  	s10 =	stileid.u32;
	s28 =	simm.s32 $0x80;
	s29 =	simm.s32 $0x180  }
0x6: {  	s30 =	simm.s32 $0x280;
	s31 =	simm.s32 $0x4380;
	s12 =	simm.s32 $0x0  }
0x7: {  	s4 =	sand.u32 $0x1, s4;
	[smem:$0x7FF] =	sst s5;
	s9 =	smul.u32 $0x14000, s10  }
0x8: {  	s6 =	sadd.s32 $0x400, s0;
	s16 =	sshll.u32 s10, $0x1;
	s10 =	smul.u32 $0x50000, s10  }
0x9: {  	s8 =	smul.u32 $0x140000, s4;
	s11 =	ssub.s32 $0x2, s4;
	s4 =	sor.u32 s4, s16  }
0xa: {  	s7 =	sadd.s32 $0xA400, s0;
	_ =	strace $0x80000047;
	s4 =	smul.u32 $0x2800, s4  }
0xb: {  	s17 =	sshrl.u32 s11, $0x1;
	s10 =	sshrl.u32 s10, $0x2;
	s8 =	sadd.s32 s9, s8  }
0xc: {  	s9 =	ssub.s32 s11, s17;
	s8 =	sshrl.u32 s8, $0x3;
	s19 =	sshrl.u32 s4, $0x3  }
0xd: {  	s11 =	simm.s32 $0x4;
	s0 =	sadd.s32 s8, s0;
	s22 =	sadd.s32 s2, s19  }
0xe: {  	s8 =	sadd.s32 s10, s3;
	s23 =	sadd.s32 s6, s19;
	[dreg:$0x9] =	wrdreg s22  }
0xf: {  	s24 =	sadd.s32 s7, s19;
	s10 =	sadd.s32 $0x4000, s8;
	[dreg:$0xa] =	wrdreg s23  }
0x10: {  	s18 =	sadd.s32 $0x8000, s8;
	s20 =	sadd.s32 $0xC000, s8;
	[dreg:$0xb] =	wrdreg s24  }
0x11: {  	s21 =	sadd.s32 $0x10000, s8;
	s22 =	smax.u32 s9, $0x1;
	[dreg:$0x5] =	wrdreg s10  }
0x12: {  	s23 =	simm.s32 $0x380;
	s24 =	simm.s32 $0x5;
	[dreg:$0x6] =	wrdreg s18  }
0x13: {  	v0 =	vimm.f32 $0.0e+00;
	v1 =	vimm.s32 $0x0;
	s9 =	simm.s32 $0x3;
	[dreg:$0x7] =	wrdreg s20;
	s10 =	sor.u32 $0x10, s19  }
0x14: {  	v2 =	vimm.s32 $0x1;
	v3 =	vimm.s32 $0x2;
	v4 =	vimm.s32 $0x3;
	[dreg:$0x8] =	wrdreg s21;
	s19 =	sor.u32 $0x100, s4;
	s25 =	sadd.s32 s2, s10  }
0x15: {  	v5 =	vimm.s32 $0x4;
	v6 =	vimm.s32 $0x5;
	v7 =	vimm.s32 $0x6;
	s20 =	sor.u32 $0x180, s4;
	s26 =	sadd.s32 s6, s10;
	[dreg:$0xc] =	wrdreg s25  }
0x16: {  	v8 =	vimm.s32 $0x7;
	v9 =	vimm.s32 $0x8;
	v10 =	vimm.s32 $0x9;
	s21 =	sadd.s32 $0x14400, s0;
	s10 =	sadd.s32 s7, s10;
	[dreg:$0xd] =	wrdreg s26  }
0x17: {  	v11 =	vimm.s32 $0xA;
	v12 =	vimm.s32 $0xB;
	v13 =	vimm.s32 $0xC;
	s0 =	simm.s32 $0x1;
	s4 =	simm.s32 $0x300;
	[dreg:$0xe] =	wrdreg s10  }
0x18: {  	v14 =	vimm.s32 $0xD;
	v15 =	vimm.s32 $0xE;
	v16 =	vimm.s32 $0xF;
	s25 =	simm.s32 $0x100;
	s26 =	simm.s32 $0x200;
	s10 =	simm.s32 $0x2  }
.LBB2_1:
0x19: {  	s13 =	simm.s32 $0x0;
	s14 =	simm.s32 $0x200  }
.LBB2_2:
0x1a: {  	p0 =	sne.s32 s14, $0xFE00;
	[tilespmem:s13+$0x3F0] =	vst v0  }
0x1b: {  	[tilespmem:s13+$0x380] =	vst v0  }
0x1c: {  	[tilespmem:s13+$0x390] =	vst v0  }
.Ltmp0:
0x1d: {  	[tilespmem:s13+$0x3A0] =	vst v0;
	(pc) =	sbr.rel @p0 .LBB2_2-.Ltmp0, $4  }
0x1e: {  	[tilespmem:s13+$0x3B0] =	vst v0  }
0x1f: {  	[tilespmem:s13+$0x3C0] =	vst v0  }
0x20: {  	[tilespmem:s13+$0x3D0] =	vst v0  }
0x21: {  	[tilespmem:s13+$0x3E0] =	vst v0;
	s13 =	sshra.s32 s14, $0x2;
	s14 =	sadd.s32 $0x200, s14  }
0x22: {  	[tilespmem:s13+$0x3F0] =	vst v0  }
0x23: {  	[tilespmem:s13+$0x380] =	vst v0  }
0x24: {  	[tilespmem:s13+$0x390] =	vst v0  }
0x25: {  	[tilespmem:s13+$0x3A0] =	vst v0  }
0x26: {  	[tilespmem:s13+$0x3B0] =	vst v0  }
0x27: {  	[tilespmem:s13+$0x3C0] =	vst v0  }
0x28: {  	[tilespmem:s13+$0x3D0] =	vst v0  }
0x29: {  	[tilespmem:s13+$0x3E0] =	vst v0  }
0x2a: {  	[spmem:s8] =	stream.linear.scatter [tilespmem:s23], [sflag:$0x5], $0x4000, $0x38;
	[tilespmem:$0x1C380] =	vst v63  }
0x2b: {  	_ =	swait.ge [sflag:s24], $0x4000  }
0x2c: {  	[sflag:s24] =	ssyncset.done $0x0  }
0x2d: {  	s14 =	rddreg [dreg:$0x5];
	[sflag:s24] =	ssyncadd.s32 $0xFFFFC000  }
0x2e: {  	[spmem:s14] =	stream.linear.scatter [tilespmem:s23], [sflag:$0x5], $0x4000, $0x38;
	[tilespmem:$0x1C380] =	vst v63  }
0x2f: {  	_ =	swait.ge [sflag:s24], $0x4000  }
0x30: {  	[sflag:s24] =	ssyncset.done $0x0  }
0x31: {  	s15 =	rddreg [dreg:$0x6];
	[sflag:s24] =	ssyncadd.s32 $0xFFFFC000  }
0x32: {  	[spmem:s15] =	stream.linear.scatter [tilespmem:s23], [sflag:$0x5], $0x4000, $0x38;
	[tilespmem:$0x1C380] =	vst v63  }
0x33: {  	_ =	swait.ge [sflag:s24], $0x4000  }
0x34: {  	[sflag:s24] =	ssyncset.done $0x0  }
0x35: {  	s16 =	rddreg [dreg:$0x7];
	[sflag:s24] =	ssyncadd.s32 $0xFFFFC000  }
0x36: {  	[spmem:s16] =	stream.linear.scatter [tilespmem:s23], [sflag:$0x5], $0x4000, $0x38;
	[tilespmem:$0x1C380] =	vst v63  }
0x37: {  	_ =	swait.ge [sflag:s24], $0x4000  }
0x38: {  	[sflag:s24] =	ssyncset.done $0x0  }
0x39: {  	s17 =	rddreg [dreg:$0x8];
	[sflag:s24] =	ssyncadd.s32 $0xFFFFC000  }
0x3a: {  	[spmem:s17] =	stream.linear.scatter [tilespmem:s23], [sflag:$0x5], $0x4000, $0x38;
	[tilespmem:$0x1C380] =	vst v63  }
0x3b: {  	_ =	swait.ge [sflag:s24], $0x4000  }
0x3c: {  	[sflag:s24] =	ssyncset.done $0x0  }
0x3d: {  	[sflag:s24] =	ssyncadd.s32 $0xFFFFC000  }
0x3e: {  	[bflag:$0x0] =	sbarrier.arrive $0xFFFF  }
0x3f: {  	s13 =	simm.s32 $0x0;
	s14 =	rddreg [dreg:$0x9]  }
0x40: {  	[tilespmem:s13], [sflag:$0x5] =	stream.linear.gather [hbm4b:s14+s13], $0x80, $0x38;
	[tilespmem:$0x1C380] =	vst v63  }
0x41: {  	_ =	swait.ge [sflag:s24], $0x80  }
0x42: {  	[sflag:s24] =	ssyncset.done $0x0  }
0x43: {  	s18 =	rddreg [dreg:$0xa];
	[sflag:s24] =	ssyncadd.s32 $0xFFFFFF80  }
0x44: {  	[tilespmem:s25], [sflag:$0x5] =	stream.linear.gather [hbm4b:s18+s13], $0x80, $0x38;
	[tilespmem:$0x1C380] =	vst v63  }
0x45: {  	_ =	swait.ge [sflag:s24], $0x80  }
0x46: {  	[sflag:s24] =	ssyncset.done $0x0  }
0x47: {  	s15 =	rddreg [dreg:$0xb];
	[sflag:s24] =	ssyncadd.s32 $0xFFFFFF80  }
0x48: {  	[tilespmem:s26], [sflag:$0x5] =	stream.linear.gather [hbm4b:s15+s13], $0x80, $0x38;
	[tilespmem:$0x1C380] =	vst v63  }
0x49: {  	_ =	swait.ge [sflag:s24], $0x80  }
0x4a: {  	[sflag:s24] =	ssyncset.done $0x0  }
0x4b: {  	[sflag:s24] =	ssyncadd.s32 $0xFFFFFF80  }
0x4c: {  	[tilespmem:s23], [sflag:$0x1] =	stream.indirect.gather [hbm4b:s1+s28], $0x80, s13, s28, $0xb8;
	[tilespmem:$0x1C380] =	vst v63  }
0x4d: {  	s16 =	rddreg [dreg:$0xc]  }
0x4e: {  	[tilespmem:s28], [sflag:$0x5] =	stream.linear.gather [hbm4b:s16+s13], $0x80, $0x38;
	[tilespmem:$0x1C380] =	vst v63  }
0x4f: {  	_ =	swait.ge [sflag:s24], $0x80  }
0x50: {  	[sflag:s24] =	ssyncset.done $0x0  }
0x51: {  	s17 =	rddreg [dreg:$0xd];
	[sflag:s24] =	ssyncadd.s32 $0xFFFFFF80  }
0x52: {  	[tilespmem:s29], [sflag:$0x5] =	stream.linear.gather [hbm4b:s17+s13], $0x80, $0x38;
	[tilespmem:$0x1C380] =	vst v63  }
0x53: {  	_ =	swait.ge [sflag:s24], $0x80  }
0x54: {  	[sflag:s24] =	ssyncset.done $0x0  }
0x55: {  	s18 =	rddreg [dreg:$0xe];
	[sflag:s24] =	ssyncadd.s32 $0xFFFFFF80  }
0x56: {  	[tilespmem:s30], [sflag:$0x5] =	stream.linear.gather [hbm4b:s18+s13], $0x80, $0x38;
	[tilespmem:$0x1C380] =	vst v63  }
0x57: {  	_ =	swait.ge [sflag:s24], $0x80  }
0x58: {  	[sflag:s24] =	ssyncset.done $0x0  }
0x59: {  	s14 =	simm.s32 $0x0;
	[sflag:s24] =	ssyncadd.s32 $0xFFFFFF80  }
0x5a: {  	[tilespmem:s31], [sflag:$0x2] =	stream.indirect.gather [hbm4b:s1+s28], $0x80, s28, s28, $0xb8;
	[tilespmem:$0x1C380] =	vst v63  }
.LBB2_4:
0x5b: {  	v17 =	vld [tilespmem:$0x100]  }
0x5c: {  	v18 =	vld [tilespmem:$0x110]  }
0x5d: {  	v19 =	vld [tilespmem:$0x120]  }
0x5e: {  	v20 =	vld [tilespmem:$0x130]  }
0x5f: {  	v21 =	vld [tilespmem:$0x140]  }
0x60: {  	[tilespmem:$0x300] =	vst v17;
	v17 =	vld [tilespmem:$0x150]  }
0x61: {  	[tilespmem:$0x310] =	vst v18;
	v18 =	vld [tilespmem:$0x160]  }
0x62: {  	s15 =	sshll.u32 s14, $0x1;
	[tilespmem:$0x320] =	vst v19;
	v19 =	vld [tilespmem:$0x170]  }
0x63: {  	s16 =	smin.u32 s15, $0x4D;
	[tilespmem:$0x330] =	vst v20  }
0x64: {  	s16 =	sshll.u32 s16, $0x7;
	[tilespmem:$0x340] =	vst v21  }
0x65: {  	s16 =	sadd.s32 s16, s19;
	[tilespmem:$0x350] =	vst v17  }
0x66: {  	s16 =	sshrl.u32 s16, $0x3;
	[tilespmem:$0x360] =	vst v18  }
0x67: {  	s17 =	sadd.s32 s6, s16;
	[tilespmem:$0x370] =	vst v19  }
0x68: {  	[tilespmem:s25], [sflag:$0x3] =	stream.linear.gather [hbm4b:s17+s13], $0x80, $0x38;
	[tilespmem:$0x1C380] =	vst v63  }
0x69: {  	_ =	swait.ge [sflag:s0], $0x4000  }
0x6a: {  	[sflag:s0] =	ssyncset.done $0x0  }
0x6b: {  	s18 =	sadd.s32 s2, s16;
	s17 =	simm.s32 $0x0;
	[sflag:s0] =	ssyncadd.s32 $0xFFFFC000  }
0x6c: {  	[tilespmem:s13], [sflag:$0x3] =	stream.linear.gather [hbm4b:s18+s13], $0x80, $0x38;
	[tilespmem:$0x1C380] =	vst v63  }
.LBB2_5:
0x6d: {  	s18 =	sshll.u32 s17, $0x4  }
0x6e: {  	s18 =	sand.u32 $0x3FFFFFF0, s18  }
0x6f: {  	v17 =	vld [tilespmem:s18+$0x200];
	s18 =	sshll.u32 s17, $0xB  }
0x70: {  	s18 =	sand.u32 $0x3FFFF800, s18  }
0x71: {  	v18 =	vld [tilespmem:s18+$0x380]  }
0x72: {  	v19 =	vld [tilespmem:s18+$0x390]  }
0x73: {  	v20 =	vld [tilespmem:s18+$0x3A0]  }
0x74: {  	v22 =	vld [tilespmem:s18+$0x3B0];
	v21 =	vperm.xlane v17, v1  }
0x75: {  	v23 =	vld [tilespmem:s18+$0x3C0]  }
0x76: {  	v24 =	vld [tilespmem:s18+$0x3D0];
	v18 =	vmul.f32 v18, v21  }
0x77: {  	v25 =	vld [tilespmem:s18+$0x3E0];
	v19 =	vmul.f32 v19, v21  }
0x78: {  	v38 =	vld [tilespmem:s18+$0x3F0];
	[tilespmem:s18+$0x380] =	vst v18;
	v18 =	vmul.f32 v20, v21  }
0x79: {  	v39 =	vld [tilespmem:s18+$0x400];
	[tilespmem:s18+$0x390] =	vst v19;
	v19 =	vmul.f32 v22, v21  }
0x7a: {  	v40 =	vld [tilespmem:s18+$0x410];
	[tilespmem:s18+$0x3A0] =	vst v18;
	v18 =	vmul.f32 v23, v21  }
0x7b: {  	v41 =	vld [tilespmem:s18+$0x420];
	[tilespmem:s18+$0x3B0] =	vst v19;
	v19 =	vmul.f32 v24, v21  }
0x7c: {  	v26 =	vld [tilespmem:s18+$0x430];
	v42 =	vperm.xlane v17, v2;
	[tilespmem:s18+$0x3C0] =	vst v18;
	v18 =	vmul.f32 v25, v21  }
0x7d: {  	v43 =	vld [tilespmem:s18+$0x440];
	[tilespmem:s18+$0x3D0] =	vst v19;
	v19 =	vmul.f32 v38, v21  }
0x7e: {  	v44 =	vld [tilespmem:s18+$0x450];
	[tilespmem:s18+$0x3E0] =	vst v18;
	v18 =	vmul.f32 v39, v42  }
0x7f: {  	v45 =	vld [tilespmem:s18+$0x460];
	[tilespmem:s18+$0x3F0] =	vst v19;
	v19 =	vmul.f32 v40, v42  }
0x80: {  	v46 =	vld [tilespmem:s18+$0x470];
	[tilespmem:s18+$0x400] =	vst v18;
	v18 =	vmul.f32 v41, v42  }
0x81: {  	v47 =	vld [tilespmem:s18+$0x480];
	[tilespmem:s18+$0x410] =	vst v19;
	v19 =	vmul.f32 v26, v42  }
0x82: {  	v48 =	vld [tilespmem:s18+$0x490];
	[tilespmem:s18+$0x420] =	vst v18;
	v18 =	vmul.f32 v43, v42  }
0x83: {  	v49 =	vld [tilespmem:s18+$0x4A0];
	[tilespmem:s18+$0x430] =	vst v19;
	v19 =	vmul.f32 v44, v42  }
0x84: {  	v51 =	vld [tilespmem:s18+$0x4B0];
	v50 =	vperm.xlane v17, v3;
	[tilespmem:s18+$0x440] =	vst v18;
	v18 =	vmul.f32 v45, v42  }
0x85: {  	v52 =	vld [tilespmem:s18+$0x4C0];
	[tilespmem:s18+$0x450] =	vst v19;
	v19 =	vmul.f32 v46, v42  }
0x86: {  	v53 =	vld [tilespmem:s18+$0x4D0];
	[tilespmem:s18+$0x460] =	vst v18;
	v18 =	vmul.f32 v47, v50  }
0x87: {  	v54 =	vld [tilespmem:s18+$0x4E0];
	[tilespmem:s18+$0x470] =	vst v19;
	v19 =	vmul.f32 v48, v50  }
0x88: {  	v55 =	vld [tilespmem:s18+$0x4F0];
	[tilespmem:s18+$0x480] =	vst v18;
	v18 =	vmul.f32 v49, v50  }
0x89: {  	v56 =	vld [tilespmem:s18+$0x500];
	[tilespmem:s18+$0x490] =	vst v19;
	v19 =	vmul.f32 v51, v50  }
0x8a: {  	v57 =	vld [tilespmem:s18+$0x510];
	[tilespmem:s18+$0x4A0] =	vst v18;
	v18 =	vmul.f32 v52, v50  }
0x8b: {  	v58 =	vld [tilespmem:s18+$0x520];
	[tilespmem:s18+$0x4B0] =	vst v19;
	v19 =	vmul.f32 v53, v50  }
0x8c: {  	v60 =	vld [tilespmem:s18+$0x530];
	v59 =	vperm.xlane v17, v4;
	[tilespmem:s18+$0x4C0] =	vst v18;
	v18 =	vmul.f32 v54, v50  }
0x8d: {  	v61 =	vld [tilespmem:s18+$0x540];
	[tilespmem:s18+$0x4D0] =	vst v19;
	v19 =	vmul.f32 v55, v50  }
0x8e: {  	v62 =	vld [tilespmem:s18+$0x550];
	[tilespmem:s18+$0x4E0] =	vst v18;
	v18 =	vmul.f32 v56, v59  }
0x8f: {  	v63 =	vld [tilespmem:s18+$0x560];
	[tilespmem:s18+$0x4F0] =	vst v19;
	v19 =	vmul.f32 v57, v59  }
0x90: {  	v28 =	vld [tilespmem:s18+$0x570];
	[tilespmem:s18+$0x500] =	vst v18;
	v18 =	vmul.f32 v58, v59  }
0x91: {  	v29 =	vld [tilespmem:s18+$0x580];
	[tilespmem:s18+$0x510] =	vst v19;
	v19 =	vmul.f32 v60, v59  }
0x92: {  	v30 =	vld [tilespmem:s18+$0x590];
	[tilespmem:s18+$0x520] =	vst v18;
	v18 =	vmul.f32 v61, v59  }
0x93: {  	v31 =	vld [tilespmem:s18+$0x5A0];
	[tilespmem:s18+$0x530] =	vst v19;
	v19 =	vmul.f32 v62, v59  }
0x94: {  	v33 =	vld [tilespmem:s18+$0x5B0];
	v32 =	vperm.xlane v17, v5;
	[tilespmem:s18+$0x540] =	vst v18;
	v18 =	vmul.f32 v63, v59  }
0x95: {  	v34 =	vld [tilespmem:s18+$0x5C0];
	[tilespmem:s18+$0x550] =	vst v19;
	v19 =	vmul.f32 v28, v59  }
0x96: {  	v35 =	vld [tilespmem:s18+$0x5D0];
	[tilespmem:s18+$0x560] =	vst v18;
	v18 =	vmul.f32 v29, v32  }
0x97: {  	v36 =	vld [tilespmem:s18+$0x5E0];
	[tilespmem:s18+$0x570] =	vst v19;
	v19 =	vmul.f32 v30, v32  }
0x98: {  	v37 =	vld [tilespmem:s18+$0x5F0];
	[tilespmem:s18+$0x580] =	vst v18;
	v18 =	vmul.f32 v31, v32  }
0x99: {  	v38 =	vld [tilespmem:s18+$0x600];
	[tilespmem:s18+$0x590] =	vst v19;
	v19 =	vmul.f32 v33, v32  }
0x9a: {  	v39 =	vld [tilespmem:s18+$0x610];
	[tilespmem:s18+$0x5A0] =	vst v18;
	v18 =	vmul.f32 v34, v32  }
0x9b: {  	v40 =	vld [tilespmem:s18+$0x620];
	[tilespmem:s18+$0x5B0] =	vst v19;
	v19 =	vmul.f32 v35, v32  }
0x9c: {  	v41 =	vperm.xlane v17, v6;
	v42 =	vld [tilespmem:s18+$0x630];
	[tilespmem:s18+$0x5C0] =	vst v18;
	v18 =	vmul.f32 v36, v32  }
0x9d: {  	v43 =	vld [tilespmem:s18+$0x640];
	[tilespmem:s18+$0x5D0] =	vst v19;
	v19 =	vmul.f32 v37, v32  }
0x9e: {  	v44 =	vld [tilespmem:s18+$0x650];
	[tilespmem:s18+$0x5E0] =	vst v18;
	v18 =	vmul.f32 v38, v41  }
0x9f: {  	v45 =	vld [tilespmem:s18+$0x660];
	[tilespmem:s18+$0x5F0] =	vst v19;
	v19 =	vmul.f32 v39, v41  }
0xa0: {  	v46 =	vld [tilespmem:s18+$0x670];
	[tilespmem:s18+$0x600] =	vst v18;
	v18 =	vmul.f32 v40, v41  }
0xa1: {  	v47 =	vld [tilespmem:s18+$0x680];
	[tilespmem:s18+$0x610] =	vst v19;
	v19 =	vmul.f32 v42, v41  }
0xa2: {  	v48 =	vld [tilespmem:s18+$0x690];
	[tilespmem:s18+$0x620] =	vst v18;
	v18 =	vmul.f32 v43, v41  }
0xa3: {  	v49 =	vld [tilespmem:s18+$0x6A0];
	[tilespmem:s18+$0x630] =	vst v19;
	v19 =	vmul.f32 v44, v41  }
0xa4: {  	v51 =	vld [tilespmem:s18+$0x6B0];
	v50 =	vperm.xlane v17, v7;
	[tilespmem:s18+$0x640] =	vst v18;
	v18 =	vmul.f32 v45, v41  }
0xa5: {  	v52 =	vld [tilespmem:s18+$0x6C0];
	[tilespmem:s18+$0x650] =	vst v19;
	v19 =	vmul.f32 v46, v41  }
0xa6: {  	v53 =	vld [tilespmem:s18+$0x6D0];
	[tilespmem:s18+$0x660] =	vst v18;
	v18 =	vmul.f32 v47, v50  }
0xa7: {  	v54 =	vld [tilespmem:s18+$0x6E0];
	[tilespmem:s18+$0x670] =	vst v19;
	v19 =	vmul.f32 v48, v50  }
0xa8: {  	v55 =	vld [tilespmem:s18+$0x6F0];
	[tilespmem:s18+$0x680] =	vst v18;
	v18 =	vmul.f32 v49, v50  }
0xa9: {  	v56 =	vld [tilespmem:s18+$0x700];
	[tilespmem:s18+$0x690] =	vst v19;
	v19 =	vmul.f32 v51, v50  }
0xaa: {  	v57 =	vld [tilespmem:s18+$0x710];
	[tilespmem:s18+$0x6A0] =	vst v18;
	v18 =	vmul.f32 v52, v50  }
0xab: {  	v58 =	vld [tilespmem:s18+$0x720];
	[tilespmem:s18+$0x6B0] =	vst v19;
	v19 =	vmul.f32 v53, v50  }
0xac: {  	v60 =	vld [tilespmem:s18+$0x730];
	v59 =	vperm.xlane v17, v8;
	[tilespmem:s18+$0x6C0] =	vst v18;
	v18 =	vmul.f32 v54, v50  }
0xad: {  	v61 =	vld [tilespmem:s18+$0x740];
	[tilespmem:s18+$0x6D0] =	vst v19;
	v19 =	vmul.f32 v55, v50  }
0xae: {  	v62 =	vld [tilespmem:s18+$0x750];
	[tilespmem:s18+$0x6E0] =	vst v18;
	v18 =	vmul.f32 v56, v59  }
0xaf: {  	v63 =	vld [tilespmem:s18+$0x760];
	[tilespmem:s18+$0x6F0] =	vst v19;
	v19 =	vmul.f32 v57, v59  }
0xb0: {  	v28 =	vld [tilespmem:s18+$0x770];
	[tilespmem:s18+$0x700] =	vst v18;
	v18 =	vmul.f32 v58, v59  }
0xb1: {  	v29 =	vld [tilespmem:s18+$0x780];
	[tilespmem:s18+$0x710] =	vst v19;
	v19 =	vmul.f32 v60, v59  }
0xb2: {  	v30 =	vld [tilespmem:s18+$0x790];
	[tilespmem:s18+$0x720] =	vst v18;
	v18 =	vmul.f32 v61, v59  }
0xb3: {  	v31 =	vld [tilespmem:s18+$0x7A0];
	[tilespmem:s18+$0x730] =	vst v19;
	v19 =	vmul.f32 v62, v59  }
0xb4: {  	v33 =	vld [tilespmem:s18+$0x7B0];
	v32 =	vperm.xlane v17, v9;
	[tilespmem:s18+$0x740] =	vst v18;
	v18 =	vmul.f32 v63, v59  }
0xb5: {  	v34 =	vld [tilespmem:s18+$0x7C0];
	[tilespmem:s18+$0x750] =	vst v19;
	v19 =	vmul.f32 v28, v59  }
0xb6: {  	v35 =	vld [tilespmem:s18+$0x7D0];
	[tilespmem:s18+$0x760] =	vst v18;
	v18 =	vmul.f32 v29, v32  }
0xb7: {  	v36 =	vld [tilespmem:s18+$0x7E0];
	[tilespmem:s18+$0x770] =	vst v19;
	v19 =	vmul.f32 v30, v32  }
0xb8: {  	v37 =	vld [tilespmem:s18+$0x7F0];
	[tilespmem:s18+$0x780] =	vst v18;
	v18 =	vmul.f32 v31, v32  }
0xb9: {  	v38 =	vld [tilespmem:s18+$0x800];
	[tilespmem:s18+$0x790] =	vst v19;
	v19 =	vmul.f32 v33, v32  }
0xba: {  	v39 =	vld [tilespmem:s18+$0x810];
	[tilespmem:s18+$0x7A0] =	vst v18;
	v18 =	vmul.f32 v34, v32  }
0xbb: {  	v40 =	vld [tilespmem:s18+$0x820];
	[tilespmem:s18+$0x7B0] =	vst v19;
	v19 =	vmul.f32 v35, v32  }
0xbc: {  	v42 =	vld [tilespmem:s18+$0x830];
	v41 =	vperm.xlane v17, v10;
	[tilespmem:s18+$0x7C0] =	vst v18;
	v18 =	vmul.f32 v36, v32  }
0xbd: {  	v43 =	vld [tilespmem:s18+$0x840];
	[tilespmem:s18+$0x7D0] =	vst v19;
	v19 =	vmul.f32 v37, v32  }
0xbe: {  	v44 =	vld [tilespmem:s18+$0x850];
	[tilespmem:s18+$0x7E0] =	vst v18;
	v18 =	vmul.f32 v38, v41  }
0xbf: {  	v45 =	vld [tilespmem:s18+$0x860];
	[tilespmem:s18+$0x7F0] =	vst v19;
	v19 =	vmul.f32 v39, v41  }
0xc0: {  	v46 =	vld [tilespmem:s18+$0x870];
	[tilespmem:s18+$0x800] =	vst v18;
	v18 =	vmul.f32 v40, v41  }
0xc1: {  	v47 =	vld [tilespmem:s18+$0x880];
	[tilespmem:s18+$0x810] =	vst v19;
	v19 =	vmul.f32 v42, v41  }
0xc2: {  	v48 =	vld [tilespmem:s18+$0x890];
	[tilespmem:s18+$0x820] =	vst v18;
	v18 =	vmul.f32 v43, v41  }
0xc3: {  	v49 =	vld [tilespmem:s18+$0x8A0];
	[tilespmem:s18+$0x830] =	vst v19;
	v19 =	vmul.f32 v44, v41  }
0xc4: {  	v51 =	vld [tilespmem:s18+$0x8B0];
	v50 =	vperm.xlane v17, v11;
	[tilespmem:s18+$0x840] =	vst v18;
	v18 =	vmul.f32 v45, v41  }
0xc5: {  	v52 =	vld [tilespmem:s18+$0x8C0];
	[tilespmem:s18+$0x850] =	vst v19;
	v19 =	vmul.f32 v46, v41  }
0xc6: {  	v53 =	vld [tilespmem:s18+$0x8D0];
	[tilespmem:s18+$0x860] =	vst v18;
	v18 =	vmul.f32 v47, v50  }
0xc7: {  	v54 =	vld [tilespmem:s18+$0x8E0];
	[tilespmem:s18+$0x870] =	vst v19;
	v19 =	vmul.f32 v48, v50  }
0xc8: {  	v55 =	vld [tilespmem:s18+$0x8F0];
	[tilespmem:s18+$0x880] =	vst v18;
	v18 =	vmul.f32 v49, v50  }
0xc9: {  	v56 =	vld [tilespmem:s18+$0x900];
	[tilespmem:s18+$0x890] =	vst v19;
	v19 =	vmul.f32 v51, v50  }
0xca: {  	v57 =	vld [tilespmem:s18+$0x910];
	[tilespmem:s18+$0x8A0] =	vst v18;
	v18 =	vmul.f32 v52, v50  }
0xcb: {  	v58 =	vld [tilespmem:s18+$0x920];
	[tilespmem:s18+$0x8B0] =	vst v19;
	v19 =	vmul.f32 v53, v50  }
0xcc: {  	v60 =	vld [tilespmem:s18+$0x930];
	v59 =	vperm.xlane v17, v12;
	[tilespmem:s18+$0x8C0] =	vst v18;
	v18 =	vmul.f32 v54, v50  }
0xcd: {  	v61 =	vld [tilespmem:s18+$0x940];
	[tilespmem:s18+$0x8D0] =	vst v19;
	v19 =	vmul.f32 v55, v50  }
0xce: {  	v62 =	vld [tilespmem:s18+$0x950];
	[tilespmem:s18+$0x8E0] =	vst v18;
	v18 =	vmul.f32 v56, v59  }
0xcf: {  	v63 =	vld [tilespmem:s18+$0x960];
	[tilespmem:s18+$0x8F0] =	vst v19;
	v19 =	vmul.f32 v57, v59  }
0xd0: {  	v28 =	vld [tilespmem:s18+$0x970];
	[tilespmem:s18+$0x900] =	vst v18;
	v18 =	vmul.f32 v58, v59  }
0xd1: {  	v29 =	vld [tilespmem:s18+$0x980];
	[tilespmem:s18+$0x910] =	vst v19;
	v19 =	vmul.f32 v60, v59  }
0xd2: {  	v30 =	vld [tilespmem:s18+$0x990];
	[tilespmem:s18+$0x920] =	vst v18;
	v18 =	vmul.f32 v61, v59  }
0xd3: {  	v31 =	vld [tilespmem:s18+$0x9A0];
	[tilespmem:s18+$0x930] =	vst v19;
	v19 =	vmul.f32 v62, v59  }
0xd4: {  	v33 =	vld [tilespmem:s18+$0x9B0];
	v32 =	vperm.xlane v17, v13;
	[tilespmem:s18+$0x940] =	vst v18;
	v18 =	vmul.f32 v63, v59  }
0xd5: {  	v34 =	vld [tilespmem:s18+$0x9C0];
	[tilespmem:s18+$0x950] =	vst v19;
	v19 =	vmul.f32 v28, v59  }
0xd6: {  	v35 =	vld [tilespmem:s18+$0x9D0];
	[tilespmem:s18+$0x960] =	vst v18;
	v18 =	vmul.f32 v29, v32  }
0xd7: {  	v36 =	vld [tilespmem:s18+$0x9E0];
	[tilespmem:s18+$0x970] =	vst v19;
	v19 =	vmul.f32 v30, v32  }
0xd8: {  	v37 =	vld [tilespmem:s18+$0x9F0];
	[tilespmem:s18+$0x980] =	vst v18;
	v18 =	vmul.f32 v31, v32  }
0xd9: {  	v38 =	vld [tilespmem:s18+$0xA00];
	[tilespmem:s18+$0x990] =	vst v19;
	v19 =	vmul.f32 v33, v32  }
0xda: {  	v39 =	vld [tilespmem:s18+$0xA10];
	[tilespmem:s18+$0x9A0] =	vst v18;
	v18 =	vmul.f32 v34, v32  }
0xdb: {  	v40 =	vld [tilespmem:s18+$0xA20];
	[tilespmem:s18+$0x9B0] =	vst v19;
	v19 =	vmul.f32 v35, v32  }
0xdc: {  	v42 =	vld [tilespmem:s18+$0xA30];
	v41 =	vperm.xlane v17, v14;
	[tilespmem:s18+$0x9C0] =	vst v18;
	v18 =	vmul.f32 v36, v32  }
0xdd: {  	v43 =	vld [tilespmem:s18+$0xA40];
	[tilespmem:s18+$0x9D0] =	vst v19;
	v19 =	vmul.f32 v37, v32  }
0xde: {  	v44 =	vld [tilespmem:s18+$0xA50];
	[tilespmem:s18+$0x9E0] =	vst v18;
	v18 =	vmul.f32 v38, v41  }
0xdf: {  	v45 =	vld [tilespmem:s18+$0xA60];
	[tilespmem:s18+$0x9F0] =	vst v19;
	v19 =	vmul.f32 v39, v41  }
0xe0: {  	v46 =	vld [tilespmem:s18+$0xA70];
	[tilespmem:s18+$0xA00] =	vst v18;
	v18 =	vmul.f32 v40, v41  }
0xe1: {  	v47 =	vld [tilespmem:s18+$0xA80];
	[tilespmem:s18+$0xA10] =	vst v19;
	v19 =	vmul.f32 v42, v41  }
0xe2: {  	v48 =	vld [tilespmem:s18+$0xA90];
	[tilespmem:s18+$0xA20] =	vst v18;
	v18 =	vmul.f32 v43, v41  }
0xe3: {  	v49 =	vld [tilespmem:s18+$0xAA0];
	[tilespmem:s18+$0xA30] =	vst v19;
	v19 =	vmul.f32 v44, v41  }
0xe4: {  	v51 =	vld [tilespmem:s18+$0xAB0];
	v50 =	vperm.xlane v17, v15;
	[tilespmem:s18+$0xA40] =	vst v18;
	v18 =	vmul.f32 v45, v41  }
0xe5: {  	v52 =	vld [tilespmem:s18+$0xAC0];
	[tilespmem:s18+$0xA50] =	vst v19;
	v19 =	vmul.f32 v46, v41  }
0xe6: {  	v53 =	vld [tilespmem:s18+$0xAD0];
	[tilespmem:s18+$0xA60] =	vst v18;
	v18 =	vmul.f32 v47, v50  }
0xe7: {  	v54 =	vld [tilespmem:s18+$0xAE0];
	[tilespmem:s18+$0xA70] =	vst v19;
	v19 =	vmul.f32 v48, v50  }
0xe8: {  	v55 =	vld [tilespmem:s18+$0xAF0];
	[tilespmem:s18+$0xA80] =	vst v18;
	v18 =	vmul.f32 v49, v50  }
0xe9: {  	v56 =	vld [tilespmem:s18+$0xB00];
	[tilespmem:s18+$0xA90] =	vst v19;
	v19 =	vmul.f32 v51, v50  }
0xea: {  	v57 =	vld [tilespmem:s18+$0xB10];
	[tilespmem:s18+$0xAA0] =	vst v18;
	v18 =	vmul.f32 v52, v50  }
0xeb: {  	v58 =	vld [tilespmem:s18+$0xB20];
	[tilespmem:s18+$0xAB0] =	vst v19;
	v19 =	vmul.f32 v53, v50  }
0xec: {  	v17 =	vperm.xlane v17, v16;
	v59 =	vld [tilespmem:s18+$0xB30];
	[tilespmem:s18+$0xAC0] =	vst v18;
	v18 =	vmul.f32 v54, v50  }
0xed: {  	v60 =	vld [tilespmem:s18+$0xB40];
	[tilespmem:s18+$0xAD0] =	vst v19;
	v19 =	vmul.f32 v55, v50  }
0xee: {  	v61 =	vld [tilespmem:s18+$0xB50];
	[tilespmem:s18+$0xAE0] =	vst v18;
	v18 =	vmul.f32 v56, v17  }
0xef: {  	v62 =	vld [tilespmem:s18+$0xB60];
	[tilespmem:s18+$0xAF0] =	vst v19;
	v19 =	vmul.f32 v57, v17  }
0xf0: {  	v63 =	vld [tilespmem:s18+$0xB70];
	[tilespmem:s18+$0xB00] =	vst v18;
	v18 =	vmul.f32 v58, v17  }
0xf1: {  	[tilespmem:s18+$0xB10] =	vst v19;
	v19 =	vmul.f32 v59, v17  }
0xf2: {  	p0 =	sne.s32 s17, $0x7;
	[tilespmem:s18+$0xB20] =	vst v18;
	v18 =	vmul.f32 v60, v17  }
.Ltmp1:
0xf3: {  	[tilespmem:s18+$0xB30] =	vst v19;
	v19 =	vmul.f32 v61, v17;
	(pc) =	sbr.rel @p0 .LBB2_5-.Ltmp1, $4  }
0xf4: {  	[tilespmem:s18+$0xB40] =	vst v18;
	v18 =	vmul.f32 v62, v17  }
0xf5: {  	[tilespmem:s18+$0xB50] =	vst v19;
	v17 =	vmul.f32 v63, v17  }
0xf6: {  	[tilespmem:s18+$0xB60] =	vst v18  }
0xf7: {  	s17 =	sadd.s32 $0x1, s17;
	[tilespmem:s18+$0xB70] =	vst v17  }
0xf8: {  	s17 =	sadd.s32 s7, s16;
	s16 =	simm.s32 $0x0  }
0xf9: {  	[tilespmem:s26], [sflag:$0x3] =	stream.linear.gather [hbm4b:s17+s16], $0x80, $0x38;
	[tilespmem:$0x1C380] =	vst v63  }
0xfa: {  	_ = 	snop  }
0xfb: {  	[spmem:s3] =	stream.indirect.scatter.add.f32 [tilespmem:s23], [sflag:$0x5], $0x80, s4, s28, $0xb8;
	[tilespmem:$0x1C380] =	vst v63  }
0xfc: {  	_ =	swait.ge [sflag:s24], $0x4000  }
0xfd: {  	[sflag:s24] =	ssyncset.done $0x0  }
0xfe: {  	[sflag:s24] =	ssyncadd.s32 $0xFFFFC000  }
0xff: {  	_ =	swait.ge [sflag:s9], $0x80  }
0x100: {  	[sflag:s9] =	ssyncset.done $0x0  }
0x101: {  	[sflag:s9] =	ssyncadd.s32 $0xFFFFFF80  }
0x102: {  	_ =	swait.ge [sflag:s9], $0x80  }
0x103: {  	[sflag:s9] =	ssyncset.done $0x0  }
0x104: {  	[sflag:s9] =	ssyncadd.s32 $0xFFFFFF80  }
0x105: {  	_ =	swait.ge [sflag:s9], $0x80  }
0x106: {  	[sflag:s9] =	ssyncset.done $0x0  }
0x107: {  	[sflag:s9] =	ssyncadd.s32 $0xFFFFFF80  }
0x108: {  	[tilespmem:s23], [sflag:$0x1] =	stream.indirect.gather [hbm4b:s1+s28], $0x80, s16, s28, $0xb8;
	[tilespmem:$0x1C380] =	vst v63  }
0x109: {  	v17 =	vld [tilespmem:$0x180]  }
0x10a: {  	v18 =	vld [tilespmem:$0x190]  }
0x10b: {  	v19 =	vld [tilespmem:$0x1A0]  }
0x10c: {  	v20 =	vld [tilespmem:$0x1B0]  }
0x10d: {  	v21 =	vld [tilespmem:$0x1C0]  }
0x10e: {  	[tilespmem:$0x300] =	vst v17;
	v17 =	vld [tilespmem:$0x1D0]  }
0x10f: {  	[tilespmem:$0x310] =	vst v18;
	v18 =	vld [tilespmem:$0x1E0]  }
0x110: {  	[tilespmem:$0x320] =	vst v19;
	v19 =	vld [tilespmem:$0x1F0]  }
0x111: {  	s15 =	smin.u32 s15, $0x4C;
	[tilespmem:$0x330] =	vst v20  }
0x112: {  	s15 =	sshll.u32 s15, $0x7;
	[tilespmem:$0x340] =	vst v21  }
0x113: {  	s15 =	sadd.s32 s15, s20;
	[tilespmem:$0x350] =	vst v17  }
0x114: {  	s15 =	sshrl.u32 s15, $0x3;
	[tilespmem:$0x360] =	vst v18  }
0x115: {  	s18 =	sadd.s32 s6, s15;
	[tilespmem:$0x370] =	vst v19  }
0x116: {  	[tilespmem:s29], [sflag:$0x4] =	stream.linear.gather [hbm4b:s18+s16], $0x80, $0x38;
	[tilespmem:$0x1C380] =	vst v63  }
0x117: {  	_ =	swait.ge [sflag:s10], $0x4000  }
0x118: {  	[sflag:s10] =	ssyncset.done $0x0  }
0x119: {  	s18 =	sadd.s32 s2, s15;
	[sflag:s10] =	ssyncadd.s32 $0xFFFFC000  }
0x11a: {  	[tilespmem:s28], [sflag:$0x4] =	stream.linear.gather [hbm4b:s18+s16], $0x80, $0x38;
	[tilespmem:$0x1C380] =	vst v63  }
.LBB2_7:
0x11b: {  	s17 =	sshll.u32 s16, $0x4  }
0x11c: {  	s17 =	sand.u32 $0x3FFFFFF0, s17  }
0x11d: {  	s18 =	sshll.u32 s16, $0xB;
	v17 =	vld [tilespmem:s17+$0x280]  }
0x11e: {  	s17 =	sand.u32 $0x3FFFF800, s18  }
0x11f: {  	v18 =	vld [tilespmem:s17+$0x4380]  }
0x120: {  	v19 =	vld [tilespmem:s17+$0x4390]  }
0x121: {  	v20 =	vld [tilespmem:s17+$0x43A0]  }
0x122: {  	v22 =	vld [tilespmem:s17+$0x43B0];
	v21 =	vperm.xlane v17, v1  }
0x123: {  	v23 =	vld [tilespmem:s17+$0x43C0]  }
0x124: {  	v24 =	vld [tilespmem:s17+$0x43D0];
	v18 =	vmul.f32 v18, v21  }
0x125: {  	v25 =	vld [tilespmem:s17+$0x43E0];
	v19 =	vmul.f32 v19, v21  }
0x126: {  	v38 =	vld [tilespmem:s17+$0x43F0];
	[tilespmem:s17+$0x4380] =	vst v18;
	v18 =	vmul.f32 v20, v21  }
0x127: {  	v39 =	vld [tilespmem:s17+$0x4400];
	[tilespmem:s17+$0x4390] =	vst v19;
	v19 =	vmul.f32 v22, v21  }
0x128: {  	v40 =	vld [tilespmem:s17+$0x4410];
	[tilespmem:s17+$0x43A0] =	vst v18;
	v18 =	vmul.f32 v23, v21  }
0x129: {  	v41 =	vld [tilespmem:s17+$0x4420];
	[tilespmem:s17+$0x43B0] =	vst v19;
	v19 =	vmul.f32 v24, v21  }
0x12a: {  	v26 =	vld [tilespmem:s17+$0x4430];
	v42 =	vperm.xlane v17, v2;
	[tilespmem:s17+$0x43C0] =	vst v18;
	v18 =	vmul.f32 v25, v21  }
0x12b: {  	v43 =	vld [tilespmem:s17+$0x4440];
	[tilespmem:s17+$0x43D0] =	vst v19;
	v19 =	vmul.f32 v38, v21  }
0x12c: {  	v44 =	vld [tilespmem:s17+$0x4450];
	[tilespmem:s17+$0x43E0] =	vst v18;
	v18 =	vmul.f32 v39, v42  }
0x12d: {  	v45 =	vld [tilespmem:s17+$0x4460];
	[tilespmem:s17+$0x43F0] =	vst v19;
	v19 =	vmul.f32 v40, v42  }
0x12e: {  	v46 =	vld [tilespmem:s17+$0x4470];
	[tilespmem:s17+$0x4400] =	vst v18;
	v18 =	vmul.f32 v41, v42  }
0x12f: {  	v47 =	vld [tilespmem:s17+$0x4480];
	[tilespmem:s17+$0x4410] =	vst v19;
	v19 =	vmul.f32 v26, v42  }
0x130: {  	v48 =	vld [tilespmem:s17+$0x4490];
	[tilespmem:s17+$0x4420] =	vst v18;
	v18 =	vmul.f32 v43, v42  }
0x131: {  	v49 =	vld [tilespmem:s17+$0x44A0];
	[tilespmem:s17+$0x4430] =	vst v19;
	v19 =	vmul.f32 v44, v42  }
0x132: {  	v51 =	vld [tilespmem:s17+$0x44B0];
	v50 =	vperm.xlane v17, v3;
	[tilespmem:s17+$0x4440] =	vst v18;
	v18 =	vmul.f32 v45, v42  }
0x133: {  	v52 =	vld [tilespmem:s17+$0x44C0];
	[tilespmem:s17+$0x4450] =	vst v19;
	v19 =	vmul.f32 v46, v42  }
0x134: {  	v53 =	vld [tilespmem:s17+$0x44D0];
	[tilespmem:s17+$0x4460] =	vst v18;
	v18 =	vmul.f32 v47, v50  }
0x135: {  	v54 =	vld [tilespmem:s17+$0x44E0];
	[tilespmem:s17+$0x4470] =	vst v19;
	v19 =	vmul.f32 v48, v50  }
0x136: {  	v55 =	vld [tilespmem:s17+$0x44F0];
	[tilespmem:s17+$0x4480] =	vst v18;
	v18 =	vmul.f32 v49, v50  }
0x137: {  	v56 =	vld [tilespmem:s17+$0x4500];
	[tilespmem:s17+$0x4490] =	vst v19;
	v19 =	vmul.f32 v51, v50  }
0x138: {  	v57 =	vld [tilespmem:s17+$0x4510];
	[tilespmem:s17+$0x44A0] =	vst v18;
	v18 =	vmul.f32 v52, v50  }
0x139: {  	v58 =	vld [tilespmem:s17+$0x4520];
	[tilespmem:s17+$0x44B0] =	vst v19;
	v19 =	vmul.f32 v53, v50  }
0x13a: {  	v60 =	vld [tilespmem:s17+$0x4530];
	v59 =	vperm.xlane v17, v4;
	[tilespmem:s17+$0x44C0] =	vst v18;
	v18 =	vmul.f32 v54, v50  }
0x13b: {  	v61 =	vld [tilespmem:s17+$0x4540];
	[tilespmem:s17+$0x44D0] =	vst v19;
	v19 =	vmul.f32 v55, v50  }
0x13c: {  	v62 =	vld [tilespmem:s17+$0x4550];
	[tilespmem:s17+$0x44E0] =	vst v18;
	v18 =	vmul.f32 v56, v59  }
0x13d: {  	v63 =	vld [tilespmem:s17+$0x4560];
	[tilespmem:s17+$0x44F0] =	vst v19;
	v19 =	vmul.f32 v57, v59  }
0x13e: {  	v28 =	vld [tilespmem:s17+$0x4570];
	[tilespmem:s17+$0x4500] =	vst v18;
	v18 =	vmul.f32 v58, v59  }
0x13f: {  	v29 =	vld [tilespmem:s17+$0x4580];
	[tilespmem:s17+$0x4510] =	vst v19;
	v19 =	vmul.f32 v60, v59  }
0x140: {  	v30 =	vld [tilespmem:s17+$0x4590];
	[tilespmem:s17+$0x4520] =	vst v18;
	v18 =	vmul.f32 v61, v59  }
0x141: {  	v31 =	vld [tilespmem:s17+$0x45A0];
	[tilespmem:s17+$0x4530] =	vst v19;
	v19 =	vmul.f32 v62, v59  }
0x142: {  	v33 =	vld [tilespmem:s17+$0x45B0];
	v32 =	vperm.xlane v17, v5;
	[tilespmem:s17+$0x4540] =	vst v18;
	v18 =	vmul.f32 v63, v59  }
0x143: {  	v34 =	vld [tilespmem:s17+$0x45C0];
	[tilespmem:s17+$0x4550] =	vst v19;
	v19 =	vmul.f32 v28, v59  }
0x144: {  	v35 =	vld [tilespmem:s17+$0x45D0];
	[tilespmem:s17+$0x4560] =	vst v18;
	v18 =	vmul.f32 v29, v32  }
0x145: {  	v36 =	vld [tilespmem:s17+$0x45E0];
	[tilespmem:s17+$0x4570] =	vst v19;
	v19 =	vmul.f32 v30, v32  }
0x146: {  	v37 =	vld [tilespmem:s17+$0x45F0];
	[tilespmem:s17+$0x4580] =	vst v18;
	v18 =	vmul.f32 v31, v32  }
0x147: {  	v38 =	vld [tilespmem:s17+$0x4600];
	[tilespmem:s17+$0x4590] =	vst v19;
	v19 =	vmul.f32 v33, v32  }
0x148: {  	v39 =	vld [tilespmem:s17+$0x4610];
	[tilespmem:s17+$0x45A0] =	vst v18;
	v18 =	vmul.f32 v34, v32  }
0x149: {  	v40 =	vld [tilespmem:s17+$0x4620];
	[tilespmem:s17+$0x45B0] =	vst v19;
	v19 =	vmul.f32 v35, v32  }
0x14a: {  	v41 =	vperm.xlane v17, v6;
	v42 =	vld [tilespmem:s17+$0x4630];
	[tilespmem:s17+$0x45C0] =	vst v18;
	v18 =	vmul.f32 v36, v32  }
0x14b: {  	v43 =	vld [tilespmem:s17+$0x4640];
	[tilespmem:s17+$0x45D0] =	vst v19;
	v19 =	vmul.f32 v37, v32  }
0x14c: {  	v44 =	vld [tilespmem:s17+$0x4650];
	[tilespmem:s17+$0x45E0] =	vst v18;
	v18 =	vmul.f32 v38, v41  }
0x14d: {  	v45 =	vld [tilespmem:s17+$0x4660];
	[tilespmem:s17+$0x45F0] =	vst v19;
	v19 =	vmul.f32 v39, v41  }
0x14e: {  	v46 =	vld [tilespmem:s17+$0x4670];
	[tilespmem:s17+$0x4600] =	vst v18;
	v18 =	vmul.f32 v40, v41  }
0x14f: {  	v47 =	vld [tilespmem:s17+$0x4680];
	[tilespmem:s17+$0x4610] =	vst v19;
	v19 =	vmul.f32 v42, v41  }
0x150: {  	v48 =	vld [tilespmem:s17+$0x4690];
	[tilespmem:s17+$0x4620] =	vst v18;
	v18 =	vmul.f32 v43, v41  }
0x151: {  	v49 =	vld [tilespmem:s17+$0x46A0];
	[tilespmem:s17+$0x4630] =	vst v19;
	v19 =	vmul.f32 v44, v41  }
0x152: {  	v51 =	vld [tilespmem:s17+$0x46B0];
	v50 =	vperm.xlane v17, v7;
	[tilespmem:s17+$0x4640] =	vst v18;
	v18 =	vmul.f32 v45, v41  }
0x153: {  	v52 =	vld [tilespmem:s17+$0x46C0];
	[tilespmem:s17+$0x4650] =	vst v19;
	v19 =	vmul.f32 v46, v41  }
0x154: {  	v53 =	vld [tilespmem:s17+$0x46D0];
	[tilespmem:s17+$0x4660] =	vst v18;
	v18 =	vmul.f32 v47, v50  }
0x155: {  	v54 =	vld [tilespmem:s17+$0x46E0];
	[tilespmem:s17+$0x4670] =	vst v19;
	v19 =	vmul.f32 v48, v50  }
0x156: {  	v55 =	vld [tilespmem:s17+$0x46F0];
	[tilespmem:s17+$0x4680] =	vst v18;
	v18 =	vmul.f32 v49, v50  }
0x157: {  	v56 =	vld [tilespmem:s17+$0x4700];
	[tilespmem:s17+$0x4690] =	vst v19;
	v19 =	vmul.f32 v51, v50  }
0x158: {  	v57 =	vld [tilespmem:s17+$0x4710];
	[tilespmem:s17+$0x46A0] =	vst v18;
	v18 =	vmul.f32 v52, v50  }
0x159: {  	v58 =	vld [tilespmem:s17+$0x4720];
	[tilespmem:s17+$0x46B0] =	vst v19;
	v19 =	vmul.f32 v53, v50  }
0x15a: {  	v60 =	vld [tilespmem:s17+$0x4730];
	v59 =	vperm.xlane v17, v8;
	[tilespmem:s17+$0x46C0] =	vst v18;
	v18 =	vmul.f32 v54, v50  }
0x15b: {  	v61 =	vld [tilespmem:s17+$0x4740];
	[tilespmem:s17+$0x46D0] =	vst v19;
	v19 =	vmul.f32 v55, v50  }
0x15c: {  	v62 =	vld [tilespmem:s17+$0x4750];
	[tilespmem:s17+$0x46E0] =	vst v18;
	v18 =	vmul.f32 v56, v59  }
0x15d: {  	v63 =	vld [tilespmem:s17+$0x4760];
	[tilespmem:s17+$0x46F0] =	vst v19;
	v19 =	vmul.f32 v57, v59  }
0x15e: {  	v28 =	vld [tilespmem:s17+$0x4770];
	[tilespmem:s17+$0x4700] =	vst v18;
	v18 =	vmul.f32 v58, v59  }
0x15f: {  	v29 =	vld [tilespmem:s17+$0x4780];
	[tilespmem:s17+$0x4710] =	vst v19;
	v19 =	vmul.f32 v60, v59  }
0x160: {  	v30 =	vld [tilespmem:s17+$0x4790];
	[tilespmem:s17+$0x4720] =	vst v18;
	v18 =	vmul.f32 v61, v59  }
0x161: {  	v31 =	vld [tilespmem:s17+$0x47A0];
	[tilespmem:s17+$0x4730] =	vst v19;
	v19 =	vmul.f32 v62, v59  }
0x162: {  	v33 =	vld [tilespmem:s17+$0x47B0];
	v32 =	vperm.xlane v17, v9;
	[tilespmem:s17+$0x4740] =	vst v18;
	v18 =	vmul.f32 v63, v59  }
0x163: {  	v34 =	vld [tilespmem:s17+$0x47C0];
	[tilespmem:s17+$0x4750] =	vst v19;
	v19 =	vmul.f32 v28, v59  }
0x164: {  	v35 =	vld [tilespmem:s17+$0x47D0];
	[tilespmem:s17+$0x4760] =	vst v18;
	v18 =	vmul.f32 v29, v32  }
0x165: {  	v36 =	vld [tilespmem:s17+$0x47E0];
	[tilespmem:s17+$0x4770] =	vst v19;
	v19 =	vmul.f32 v30, v32  }
0x166: {  	v37 =	vld [tilespmem:s17+$0x47F0];
	[tilespmem:s17+$0x4780] =	vst v18;
	v18 =	vmul.f32 v31, v32  }
0x167: {  	v38 =	vld [tilespmem:s17+$0x4800];
	[tilespmem:s17+$0x4790] =	vst v19;
	v19 =	vmul.f32 v33, v32  }
0x168: {  	v39 =	vld [tilespmem:s17+$0x4810];
	[tilespmem:s17+$0x47A0] =	vst v18;
	v18 =	vmul.f32 v34, v32  }
0x169: {  	v40 =	vld [tilespmem:s17+$0x4820];
	[tilespmem:s17+$0x47B0] =	vst v19;
	v19 =	vmul.f32 v35, v32  }
0x16a: {  	v42 =	vld [tilespmem:s17+$0x4830];
	v41 =	vperm.xlane v17, v10;
	[tilespmem:s17+$0x47C0] =	vst v18;
	v18 =	vmul.f32 v36, v32  }
0x16b: {  	v43 =	vld [tilespmem:s17+$0x4840];
	[tilespmem:s17+$0x47D0] =	vst v19;
	v19 =	vmul.f32 v37, v32  }
0x16c: {  	v44 =	vld [tilespmem:s17+$0x4850];
	[tilespmem:s17+$0x47E0] =	vst v18;
	v18 =	vmul.f32 v38, v41  }
0x16d: {  	v45 =	vld [tilespmem:s17+$0x4860];
	[tilespmem:s17+$0x47F0] =	vst v19;
	v19 =	vmul.f32 v39, v41  }
0x16e: {  	v46 =	vld [tilespmem:s17+$0x4870];
	[tilespmem:s17+$0x4800] =	vst v18;
	v18 =	vmul.f32 v40, v41  }
0x16f: {  	v47 =	vld [tilespmem:s17+$0x4880];
	[tilespmem:s17+$0x4810] =	vst v19;
	v19 =	vmul.f32 v42, v41  }
0x170: {  	v48 =	vld [tilespmem:s17+$0x4890];
	[tilespmem:s17+$0x4820] =	vst v18;
	v18 =	vmul.f32 v43, v41  }
0x171: {  	v49 =	vld [tilespmem:s17+$0x48A0];
	[tilespmem:s17+$0x4830] =	vst v19;
	v19 =	vmul.f32 v44, v41  }
0x172: {  	v51 =	vld [tilespmem:s17+$0x48B0];
	v50 =	vperm.xlane v17, v11;
	[tilespmem:s17+$0x4840] =	vst v18;
	v18 =	vmul.f32 v45, v41  }
0x173: {  	v52 =	vld [tilespmem:s17+$0x48C0];
	[tilespmem:s17+$0x4850] =	vst v19;
	v19 =	vmul.f32 v46, v41  }
0x174: {  	v53 =	vld [tilespmem:s17+$0x48D0];
	[tilespmem:s17+$0x4860] =	vst v18;
	v18 =	vmul.f32 v47, v50  }
0x175: {  	v54 =	vld [tilespmem:s17+$0x48E0];
	[tilespmem:s17+$0x4870] =	vst v19;
	v19 =	vmul.f32 v48, v50  }
0x176: {  	v55 =	vld [tilespmem:s17+$0x48F0];
	[tilespmem:s17+$0x4880] =	vst v18;
	v18 =	vmul.f32 v49, v50  }
0x177: {  	v56 =	vld [tilespmem:s17+$0x4900];
	[tilespmem:s17+$0x4890] =	vst v19;
	v19 =	vmul.f32 v51, v50  }
0x178: {  	v57 =	vld [tilespmem:s17+$0x4910];
	[tilespmem:s17+$0x48A0] =	vst v18;
	v18 =	vmul.f32 v52, v50  }
0x179: {  	v58 =	vld [tilespmem:s17+$0x4920];
	[tilespmem:s17+$0x48B0] =	vst v19;
	v19 =	vmul.f32 v53, v50  }
0x17a: {  	v60 =	vld [tilespmem:s17+$0x4930];
	v59 =	vperm.xlane v17, v12;
	[tilespmem:s17+$0x48C0] =	vst v18;
	v18 =	vmul.f32 v54, v50  }
0x17b: {  	v61 =	vld [tilespmem:s17+$0x4940];
	[tilespmem:s17+$0x48D0] =	vst v19;
	v19 =	vmul.f32 v55, v50  }
0x17c: {  	v62 =	vld [tilespmem:s17+$0x4950];
	[tilespmem:s17+$0x48E0] =	vst v18;
	v18 =	vmul.f32 v56, v59  }
0x17d: {  	v63 =	vld [tilespmem:s17+$0x4960];
	[tilespmem:s17+$0x48F0] =	vst v19;
	v19 =	vmul.f32 v57, v59  }
0x17e: {  	v28 =	vld [tilespmem:s17+$0x4970];
	[tilespmem:s17+$0x4900] =	vst v18;
	v18 =	vmul.f32 v58, v59  }
0x17f: {  	v29 =	vld [tilespmem:s17+$0x4980];
	[tilespmem:s17+$0x4910] =	vst v19;
	v19 =	vmul.f32 v60, v59  }
0x180: {  	v30 =	vld [tilespmem:s17+$0x4990];
	[tilespmem:s17+$0x4920] =	vst v18;
	v18 =	vmul.f32 v61, v59  }
0x181: {  	v31 =	vld [tilespmem:s17+$0x49A0];
	[tilespmem:s17+$0x4930] =	vst v19;
	v19 =	vmul.f32 v62, v59  }
0x182: {  	v33 =	vld [tilespmem:s17+$0x49B0];
	v32 =	vperm.xlane v17, v13;
	[tilespmem:s17+$0x4940] =	vst v18;
	v18 =	vmul.f32 v63, v59  }
0x183: {  	v34 =	vld [tilespmem:s17+$0x49C0];
	[tilespmem:s17+$0x4950] =	vst v19;
	v19 =	vmul.f32 v28, v59  }
0x184: {  	v35 =	vld [tilespmem:s17+$0x49D0];
	[tilespmem:s17+$0x4960] =	vst v18;
	v18 =	vmul.f32 v29, v32  }
0x185: {  	v36 =	vld [tilespmem:s17+$0x49E0];
	[tilespmem:s17+$0x4970] =	vst v19;
	v19 =	vmul.f32 v30, v32  }
0x186: {  	v37 =	vld [tilespmem:s17+$0x49F0];
	[tilespmem:s17+$0x4980] =	vst v18;
	v18 =	vmul.f32 v31, v32  }
0x187: {  	v38 =	vld [tilespmem:s17+$0x4A00];
	[tilespmem:s17+$0x4990] =	vst v19;
	v19 =	vmul.f32 v33, v32  }
0x188: {  	v39 =	vld [tilespmem:s17+$0x4A10];
	[tilespmem:s17+$0x49A0] =	vst v18;
	v18 =	vmul.f32 v34, v32  }
0x189: {  	v40 =	vld [tilespmem:s17+$0x4A20];
	[tilespmem:s17+$0x49B0] =	vst v19;
	v19 =	vmul.f32 v35, v32  }
0x18a: {  	v42 =	vld [tilespmem:s17+$0x4A30];
	v41 =	vperm.xlane v17, v14;
	[tilespmem:s17+$0x49C0] =	vst v18;
	v18 =	vmul.f32 v36, v32  }
0x18b: {  	v43 =	vld [tilespmem:s17+$0x4A40];
	[tilespmem:s17+$0x49D0] =	vst v19;
	v19 =	vmul.f32 v37, v32  }
0x18c: {  	v44 =	vld [tilespmem:s17+$0x4A50];
	[tilespmem:s17+$0x49E0] =	vst v18;
	v18 =	vmul.f32 v38, v41  }
0x18d: {  	v45 =	vld [tilespmem:s17+$0x4A60];
	[tilespmem:s17+$0x49F0] =	vst v19;
	v19 =	vmul.f32 v39, v41  }
0x18e: {  	v46 =	vld [tilespmem:s17+$0x4A70];
	[tilespmem:s17+$0x4A00] =	vst v18;
	v18 =	vmul.f32 v40, v41  }
0x18f: {  	v47 =	vld [tilespmem:s17+$0x4A80];
	[tilespmem:s17+$0x4A10] =	vst v19;
	v19 =	vmul.f32 v42, v41  }
0x190: {  	v48 =	vld [tilespmem:s17+$0x4A90];
	[tilespmem:s17+$0x4A20] =	vst v18;
	v18 =	vmul.f32 v43, v41  }
0x191: {  	v49 =	vld [tilespmem:s17+$0x4AA0];
	[tilespmem:s17+$0x4A30] =	vst v19;
	v19 =	vmul.f32 v44, v41  }
0x192: {  	v51 =	vld [tilespmem:s17+$0x4AB0];
	v50 =	vperm.xlane v17, v15;
	[tilespmem:s17+$0x4A40] =	vst v18;
	v18 =	vmul.f32 v45, v41  }
0x193: {  	v52 =	vld [tilespmem:s17+$0x4AC0];
	[tilespmem:s17+$0x4A50] =	vst v19;
	v19 =	vmul.f32 v46, v41  }
0x194: {  	v53 =	vld [tilespmem:s17+$0x4AD0];
	[tilespmem:s17+$0x4A60] =	vst v18;
	v18 =	vmul.f32 v47, v50  }
0x195: {  	v54 =	vld [tilespmem:s17+$0x4AE0];
	[tilespmem:s17+$0x4A70] =	vst v19;
	v19 =	vmul.f32 v48, v50  }
0x196: {  	v55 =	vld [tilespmem:s17+$0x4AF0];
	[tilespmem:s17+$0x4A80] =	vst v18;
	v18 =	vmul.f32 v49, v50  }
0x197: {  	v56 =	vld [tilespmem:s17+$0x4B00];
	[tilespmem:s17+$0x4A90] =	vst v19;
	v19 =	vmul.f32 v51, v50  }
0x198: {  	v57 =	vld [tilespmem:s17+$0x4B10];
	[tilespmem:s17+$0x4AA0] =	vst v18;
	v18 =	vmul.f32 v52, v50  }
0x199: {  	v58 =	vld [tilespmem:s17+$0x4B20];
	[tilespmem:s17+$0x4AB0] =	vst v19;
	v19 =	vmul.f32 v53, v50  }
0x19a: {  	v17 =	vperm.xlane v17, v16;
	v59 =	vld [tilespmem:s17+$0x4B30];
	[tilespmem:s17+$0x4AC0] =	vst v18;
	v18 =	vmul.f32 v54, v50  }
0x19b: {  	v60 =	vld [tilespmem:s17+$0x4B40];
	[tilespmem:s17+$0x4AD0] =	vst v19;
	v19 =	vmul.f32 v55, v50  }
0x19c: {  	v61 =	vld [tilespmem:s17+$0x4B50];
	[tilespmem:s17+$0x4AE0] =	vst v18;
	v18 =	vmul.f32 v56, v17  }
0x19d: {  	v62 =	vld [tilespmem:s17+$0x4B60];
	[tilespmem:s17+$0x4AF0] =	vst v19;
	v19 =	vmul.f32 v57, v17  }
0x19e: {  	v63 =	vld [tilespmem:s17+$0x4B70];
	[tilespmem:s17+$0x4B00] =	vst v18;
	v18 =	vmul.f32 v58, v17  }
0x19f: {  	[tilespmem:s17+$0x4B10] =	vst v19;
	v19 =	vmul.f32 v59, v17  }
0x1a0: {  	p0 =	sne.s32 s16, $0x7;
	[tilespmem:s17+$0x4B20] =	vst v18;
	v18 =	vmul.f32 v60, v17  }
.Ltmp2:
0x1a1: {  	[tilespmem:s17+$0x4B30] =	vst v19;
	v19 =	vmul.f32 v61, v17;
	(pc) =	sbr.rel @p0 .LBB2_7-.Ltmp2, $4  }
0x1a2: {  	[tilespmem:s17+$0x4B40] =	vst v18;
	v18 =	vmul.f32 v62, v17  }
0x1a3: {  	[tilespmem:s17+$0x4B50] =	vst v19;
	v17 =	vmul.f32 v63, v17  }
0x1a4: {  	[tilespmem:s17+$0x4B60] =	vst v18  }
0x1a5: {  	s16 =	sadd.s32 $0x1, s16;
	[tilespmem:s17+$0x4B70] =	vst v17  }
0x1a6: {  	s15 =	sadd.s32 s7, s15  }
0x1a7: {  	[tilespmem:s30], [sflag:$0x4] =	stream.linear.gather [hbm4b:s15+s5], $0x80, $0x38;
	[tilespmem:$0x1C380] =	vst v63  }
0x1a8: {  	_ = 	snop  }
0x1a9: {  	[spmem:s3] =	stream.indirect.scatter.add.f32 [tilespmem:s31], [sflag:$0x5], $0x80, s4, s28, $0xb8;
	[tilespmem:$0x1C380] =	vst v63  }
0x1aa: {  	_ =	swait.ge [sflag:s24], $0x4000  }
0x1ab: {  	[sflag:s24] =	ssyncset.done $0x0  }
0x1ac: {  	[sflag:s24] =	ssyncadd.s32 $0xFFFFC000  }
0x1ad: {  	_ =	swait.ge [sflag:s11], $0x80  }
0x1ae: {  	[sflag:s11] =	ssyncset.done $0x0  }
0x1af: {  	[sflag:s11] =	ssyncadd.s32 $0xFFFFFF80  }
0x1b0: {  	s14 =	sadd.s32 $0x1, s14;
	_ =	swait.ge [sflag:s11], $0x80  }
0x1b1: {  	p0 =	sne.s32 s14, $0x28;
	[sflag:s11] =	ssyncset.done $0x0  }
.Ltmp3:
0x1b2: {  	[sflag:s11] =	ssyncadd.s32 $0xFFFFFF80;
	(pc) =	sbr.rel @p0 .LBB2_4-.Ltmp3, $4  }
0x1b3: {  	_ =	swait.ge [sflag:s11], $0x80  }
0x1b4: {  	[sflag:s11] =	ssyncset.done $0x0  }
0x1b5: {  	[sflag:s11] =	ssyncadd.s32 $0xFFFFFF80  }
0x1b6: {  	[tilespmem:s31], [sflag:$0x2] =	stream.indirect.gather [hbm4b:s1+s28], $0x80, s28, s28, $0xb8;
	[tilespmem:$0x1C380] =	vst v63  }
0x1b7: {  	_ =	swait.ge [sflag:s0], $0x4000  }
0x1b8: {  	[sflag:s0] =	ssyncset.done $0x0  }
0x1b9: {  	[sflag:s0] =	ssyncadd.s32 $0xFFFFC000  }
0x1ba: {  	s13 =	stileid.u32;
	_ =	swait.ge [sflag:s10], $0x4000  }
0x1bb: {  	s14 =	sshrl.u32 s8, $0x3;
	s12 =	sadd.s32 $0x1, s12;
	[sflag:s10] =	ssyncset.done $0x0  }
0x1bc: {  	s13 =	sshll.u32 s13, $0x6;
	p0 =	sne.s32 s12, s22;
	[sflag:s10] =	ssyncadd.s32 $0xFFFFC000  }
.Ltmp4:
0x1bd: {  	s13 =	sor.u32 $0x1C05, s13;
	[bflag:$0x0] =	sbarrier.arrive $0xFFFF;
	(pc) =	sbr.rel @p0 .LBB2_1-.Ltmp4, $4  }
0x1be: {  	[hbm:s21], [sflag:s13] =	dma.local [spmem:s14], $0x2800  }
0x1bf: {  	_ =	swait.ge [sflag:s24], $0x2800  }
0x1c0: {  	[sflag:s24] =	ssyncset.done $0x0  }
0x1c1: {  	[sflag:s24] =	ssyncadd.s32 $0xFFFFD800  }
0x1c2: {  	_ =	sfence.sel $0x180000  }
0x1c3: {  	[bflag:$0x0] =	sbarrier.arrive $0xFFFF  }
0x1c4: {  	_ =	strace $0x90000047  }
0x1c5: {  	s0 =	stileid.u32;
	[bflag:$0x2] =	sbarrier.arrive $0xFFFF  }
0x1c6: {  	p0 =	sne.s32 s0, $0x0;
	s0 =	rddreg [dreg:$0x4]  }
0x1c7: {  	s0 =	sadd.s32 @!p0 $0x100000, s0  }
0x1c8: {  	[sflag:s0] =	ssyncadd.tile.s32 @!p0 $0x1;
	_ =	shalt  }
.Lfunc_end2:
_tile_overlayer_lowered:
.L_overlay_start_2:
0x1c9: {  	(tag) =	ssettag $0x2  }
0x1ca: {  	s0 =	rddreg [dreg:$0x0];
	s2 =	stileid.u32  }
0x1cb: {  	s1 =	rddreg [dreg:$0x1];
	p0 =	sne.s32 s2, $0x0  }
0x1cc: {  	s3 =	rddreg [dreg:$0x2];
	[bflag:$0x3] =	sbarrier.arrive $0xFFFF;
	s2 =	simm.s32 @!p0 $0x1C05  }
0x1cd: {  	[timem:s3], [sflag:s2] =	dma.local @!p0 [hbm:s0], s1  }
0x1ce: {  	s0 =	simm.s32 @!p0 $0x5  }
0x1cf: {  	_ =	swait.ge @!p0 [sflag:s0], s1  }
0x1d0: {  	s1 =	ssub.s32 @!p0 $0x0, s1;
	[sflag:s0] =	ssyncset.done @!p0 $0x0  }
0x1d1: {  	[sflag:s0] =	ssyncadd.s32 @!p0 s1  }
0x1d2: {  	[bflag:$0x3] =	sbarrier.arrive $0xFFFF  }
0x1d3: {  	_ =	shalt  }

</sc_bundles>
